<compile_context>
chip_gen: v7x
topology: tpu7x:2x2x1
jax: 0.10.2.dev20260603
libtpu: 0.0.44.dev20260713+nightly
codegen_flags: <defaults>
</compile_context>

<pallas_src>
import jax
import jax.numpy as jnp
from jax import lax
from jax.experimental import pallas as pl
from jax.experimental.pallas import tpu as pltpu
from jax.experimental.pallas import tpu_sc as plsc

_DIM = 33
_B, _N = 4, 512
_NK = _N * _DIM
_NW = 32
_RPW = (_B * _N) // _NW
_CH = _N // 16


def _scatter_row(row_v, buf, i_local, val):
    ivec = jnp.zeros((16,), jnp.int32) + i_local
    r = plsc.load_gather(row_v, [ivec])
    lane = lax.iota(jnp.int32, 16) * _DIM
    vals = jnp.zeros((16,), jnp.float32) + val
    for c in range(_CH):
        seg = row_v[pl.ds(c * 16, 16)]
        t = (r - seg) + jnp.float32(_DIM / 2.0 - 1.0)
        t = jnp.minimum(jnp.maximum(t, jnp.float32(0.0)), jnp.float32(_DIM - 1.0))
        u = t.astype(jnp.int32)
        bin_i = u + (t > u.astype(jnp.float32)).astype(jnp.int32)
        idx = (lane + jnp.int32(c * 16 * _DIM)) + bin_i
        plsc.store_scatter(buf, [idx], vals)


def _sc_body(inds_hbm, out_hbm, row_v, buf0, buf1, sem0, sem1):
    wid = lax.axis_index("s") * 2 + lax.axis_index("c")
    base_row = wid * _RPW
    b = base_row // _N

    pltpu.sync_copy(inds_hbm.at[pl.ds(b * _N, _N)], row_v)

    zeros16 = jnp.zeros((16,), jnp.float32)

    def memset(k, carry):
        buf0[pl.ds(k * 16, 16)] = zeros16
        buf1[pl.ds(k * 16, 16)] = zeros16
        return carry

    lax.fori_loop(0, _NK // 16, memset, 0)

    i_base = base_row - b * _N

    def pair(q, carry):
        i0 = i_base + 2 * q
        row0 = base_row + 2 * q

        @pl.when(q >= 1)
        def _():
            pltpu.make_async_copy(buf0, out_hbm.at[row0], sem0).wait()
            _scatter_row(row_v, buf0, i0 - 2, jnp.float32(0.0))

        _scatter_row(row_v, buf0, i0, jnp.float32(1.0))
        pltpu.async_copy(buf0, out_hbm.at[row0], sem0)

        @pl.when(q >= 1)
        def _():
            pltpu.make_async_copy(buf1, out_hbm.at[row0 + 1], sem1).wait()
            _scatter_row(row_v, buf1, i0 - 1, jnp.float32(0.0))

        _scatter_row(row_v, buf1, i0 + 1, jnp.float32(1.0))
        pltpu.async_copy(buf1, out_hbm.at[row0 + 1], sem1)
        return carry

    lax.fori_loop(0, _RPW // 2, pair, 0)

    last0 = base_row + _RPW - 2
    pltpu.make_async_copy(buf0, out_hbm.at[last0], sem0).wait()
    pltpu.make_async_copy(buf1, out_hbm.at[last0 + 1], sem1).wait()


def kernel(residue_pdb_idx):
    inds = residue_pdb_idx.astype(jnp.float32).reshape(-1)
    mesh = plsc.VectorSubcoreMesh(core_axis_name="c", subcore_axis_name="s")
    run = pl.kernel(
        _sc_body,
        out_type=jax.ShapeDtypeStruct((_B * _N, _NK), jnp.float32),
        mesh=mesh,
        compiler_params=pltpu.CompilerParams(needs_layout_passes=False),
        scratch_types=[
            pltpu.VMEM((_N,), jnp.float32),
            pltpu.VMEM((_NK,), jnp.float32),
            pltpu.VMEM((_NK,), jnp.float32),
            pltpu.SemaphoreType.DMA,
            pltpu.SemaphoreType.DMA,
        ],
    )
    out = run(inds)
    return out.reshape(_B, _N, _N, _DIM)

# --- scband reference (transcript-rebuilt; emitter-appended) ---
"""Pipeline reference for scband-sequence-separation-pair-feat-21045339750435 (READ-ONLY COPY).

The authoritative reference and input builder live on the scoring server;
editing this copy changes nothing except your own understanding.
"""

import jax, jax.numpy as jnp
import numpy as np

SEQ_SEP_DIM = 33
B, N = 4, 512


def setup_inputs() -> dict:
    # residue_pdb_idx: per-residue sequence indices; arange mimics contiguous PDB numbering
    inds = jnp.arange(B * N, dtype=jnp.float32).reshape(B, N)
    return {"residue_pdb_idx": inds}


def reference(residue_pdb_idx):
    inds = residue_pdb_idx
    dim = SEQ_SEP_DIM
    # seq_sep[b, i, j] = inds[b, i] - inds[b, j]
    seq_sep = inds[:, :, None] - inds[:, None, :]
    low = -(dim / 2.0 - 1)
    high = dim / 2.0 - 1
    bin_limits = jnp.linspace(low, high, dim - 1, dtype=jnp.float32)
    # torch.bucketize(x, boundaries) with right=False == searchsorted side='left'
    bin_indices = jnp.searchsorted(bin_limits, seq_sep, side="left")
    # F.one_hot(...) * 1.0 -> float one-hot with dim classes
    return jax.nn.one_hot(bin_indices, dim, dtype=jnp.float32)

if __name__ == "__main__":
    import jax
    _d = setup_inputs()
    print(jax.jit(kernel)(*tuple(_d.values())))

</pallas_src>

<mosaic_0001>
#map = affine_map<(d0, d1) -> (0)>
#map1 = affine_map<(d0, d1) -> (0, 0)>
module attributes {stable_mosaic.version = 14 : i64} {
  func.func @_sc_body(%arg0: i32, %arg1: i32, %arg2: memref<2048xf32, #tpu.memory_space<hbm>>, %arg3: memref<2048x16896xf32, #tpu.memory_space<hbm>>, %arg4: memref<512xf32, #tpu.memory_space<vmem>>, %arg5: memref<16896xf32, #tpu.memory_space<vmem>>, %arg6: memref<16896xf32, #tpu.memory_space<vmem>>, %arg7: memref<!tpu.dma_semaphore, #tpu.memory_space<semaphore_mem>>, %arg8: memref<!tpu.dma_semaphore, #tpu.memory_space<semaphore_mem>>) attributes {dimension_semantics = [#tpu.dimension_semantics<core_parallel>, #tpu.dimension_semantics<subcore_parallel>], iteration_bounds = array<i64: 2, 16>, scalar_prefetch = 0 : i64, scratch_operands = 5 : i64, tpu.core_type = #tpu.core_type<sc_vector_subcore>, window_params = [{transform_indices = #map}, {transform_indices = #map1}]} {
    %mul3A = arith.constant 2 : i32
    %mul3A_0 = arith.muli %arg1, %mul3A : i32
    %add3A = arith.addi %mul3A_0, %arg0 : i32
    %mul3A_1 = arith.constant 64 : i32
    %mul3A_2 = arith.muli %add3A, %mul3A_1 : i32
    %jit3A = arith.constant 512 : i32
    %div3A = arith.divsi %mul3A_2, %jit3A : i32
    %sign3A = arith.constant 0 : i32
    %sign3A_3 = arith.cmpi sgt, %mul3A_2, %sign3A : i32
    %sign3A_4 = arith.extui %sign3A_3 : i1 to i32
    %sign3A_5 = arith.constant 0 : i32
    %sign3A_6 = arith.cmpi slt, %mul3A_2, %sign3A_5 : i32
    %sign3A_7 = arith.extui %sign3A_6 : i1 to i32
    %sign3A_8 = arith.subi %sign3A_4, %sign3A_7 : i32
    %sign3A_9 = arith.constant 0 : i32
    %sign3A_10 = arith.cmpi sgt, %jit3A, %sign3A_9 : i32
    %sign3A_11 = arith.extui %sign3A_10 : i1 to i32
    %sign3A_12 = arith.constant 0 : i32
    %sign3A_13 = arith.cmpi slt, %jit3A, %sign3A_12 : i32
    %sign3A_14 = arith.extui %sign3A_13 : i1 to i32
    %sign3A_15 = arith.subi %sign3A_11, %sign3A_14 : i32
    %ne3A = arith.cmpi ne, %sign3A_8, %sign3A_15 : i32
    %rem3A = arith.remsi %mul3A_2, %jit3A : i32
    %ne3A_16 = arith.constant 0 : i32
    %ne3A_17 = arith.cmpi ne, %rem3A, %ne3A_16 : i32
    %and3A = arith.andi %ne3A, %ne3A_17 : i1
    %sub3A = arith.constant 1 : i32
    %sub3A_18 = arith.subi %div3A, %sub3A : i32
    %select_n3A = arith.select %and3A, %sub3A_18, %div3A : i32
    %mul3A_19 = arith.constant 512 : i32
    %mul3A_20 = arith.muli %select_n3A, %mul3A_19 : i32
    "tpu.region"() ({
      %run_scoped3A = tpu.sem_alloc : memref<!tpu.dma_semaphore, #tpu.memory_space<semaphore_mem>>
      %dma_start3A = tpu.memref_slice %arg2[%mul3A_20] : memref<2048xf32, #tpu.memory_space<hbm>> -> memref<512xf32, #tpu.memory_space<hbm>>
      %dma_start3A_53 = tpu.memref_slice %arg2[%mul3A_20] : memref<2048xf32, #tpu.memory_space<hbm>> -> memref<512xf32, #tpu.memory_space<hbm>>
      tpu.enqueue_dma source(%dma_start3A_53 : memref<512xf32, #tpu.memory_space<hbm>>) target(%arg4 : memref<512xf32, #tpu.memory_space<vmem>>) target_semaphore(%run_scoped3A : memref<!tpu.dma_semaphore, #tpu.memory_space<semaphore_mem>>)
      %dma_wait3A_54 = tpu.memref_slice %arg2[%mul3A_20] : memref<2048xf32, #tpu.memory_space<hbm>> -> memref<512xf32, #tpu.memory_space<hbm>>
      %dma_wait3A_55 = tpu.memref_slice %arg2[%mul3A_20] : memref<2048xf32, #tpu.memory_space<hbm>> -> memref<512xf32, #tpu.memory_space<hbm>>
      tpu.wait_dma2 semaphore(%run_scoped3A : memref<!tpu.dma_semaphore, #tpu.memory_space<semaphore_mem>>) src(%dma_wait3A_55 : memref<512xf32, #tpu.memory_space<hbm>>) dst(%arg4 : memref<512xf32, #tpu.memory_space<vmem>>)
      tpu.yield
    }) : () -> ()
    %broadcast_in_dim3A = arith.constant 0.000000e+00 : f32
    %broadcast_in_dim3A_21 = vector.broadcast %broadcast_in_dim3A : f32 to vector<16xf32>
    %scan3A = arith.constant 0 : i32
    %scan3A_22 = arith.constant 0 : i32
    %scan3A_23 = arith.constant 1056 : i32
    %scan3A_24 = arith.addi %scan3A_22, %scan3A_23 : i32
    %scan3A_25 = arith.constant 1 : i32
    scf.for %scan3A_53 = %scan3A_22 to %scan3A_24 step %scan3A_25  : i32 {
      %mul3A_54 = arith.constant 16 : i32
      %mul3A_55 = arith.muli %scan3A_53, %mul3A_54 : i32
      %swap3A = arith.index_cast %mul3A_55 : i32 to index
      %swap3A_56 = tpu.vector_load %arg5[%swap3A] {strides = array<i32>} : memref<16896xf32, #tpu.memory_space<vmem>>, vector<16xf32>,
      tpu.vector_store %arg5[%swap3A], %broadcast_in_dim3A_21 {strides = array<i32>} : memref<16896xf32, #tpu.memory_space<vmem>>, vector<16xf32>,
      %mul3A_57 = arith.constant 16 : i32
      %mul3A_58 = arith.muli %scan3A_53, %mul3A_57 : i32
      %swap3A_59 = arith.index_cast %mul3A_58 : i32 to index
      %swap3A_60 = tpu.vector_load %arg6[%swap3A_59] {strides = array<i32>} : memref<16896xf32, #tpu.memory_space<vmem>>, vector<16xf32>,
      tpu.vector_store %arg6[%swap3A_59], %broadcast_in_dim3A_21 {strides = array<i32>} : memref<16896xf32, #tpu.memory_space<vmem>>, vector<16xf32>,
    }
    %scan3A_26 = arith.constant 1056 : i32
    %mul3A_27 = arith.constant 512 : i32
    %mul3A_28 = arith.muli %select_n3A, %mul3A_27 : i32
    %sub3A_29 = arith.subi %mul3A_2, %mul3A_28 : i32
    %scan3A_30 = arith.constant 0 : i32
    %scan3A_31 = arith.constant 0 : i32
    %scan3A_32 = arith.constant 32 : i32
    %scan3A_33 = arith.addi %scan3A_31, %scan3A_32 : i32
    %scan3A_34 = arith.constant 1 : i32
    scf.for %scan3A_53 = %scan3A_31 to %scan3A_33 step %scan3A_34  : i32 {
      %mul3A_54 = arith.constant 2 : i32
      %mul3A_55 = arith.muli %mul3A_54, %scan3A_53 : i32
      %add3A_56 = arith.addi %sub3A_29, %mul3A_55 : i32
      %mul3A_57 = arith.constant 2 : i32
      %mul3A_58 = arith.muli %mul3A_57, %scan3A_53 : i32
      %add3A_59 = arith.addi %mul3A_2, %mul3A_58 : i32
      %ge3A = arith.constant 1 : i32
      %ge3A_60 = arith.cmpi sge, %scan3A_53, %ge3A : i32
      %convert_element_type3A = arith.extui %ge3A_60 : i1 to i32
      %cond3A = arith.constant 0 : i32
      %cond3A_61 = arith.cmpi ne, %convert_element_type3A, %cond3A : i32
      scf.if %cond3A_61 {
        %dma_wait3A_1448 = arith.constant 0 : i32
        %dma_wait3A_1449 = tpu.memref_slice %arg3[%add3A_59, %dma_wait3A_1448] : memref<2048x16896xf32, #tpu.memory_space<hbm>> -> memref<1x16896xf32, #tpu.memory_space<hbm>>
        %dma_wait3A_1450 = tpu.memref_squeeze %dma_wait3A_1449 : memref<1x16896xf32, #tpu.memory_space<hbm>> -> memref<16896xf32, #tpu.memory_space<hbm>>
        %dma_wait3A_1451 = arith.constant 0 : i32
        %dma_wait3A_1452 = tpu.memref_slice %arg3[%add3A_59, %dma_wait3A_1451] : memref<2048x16896xf32, #tpu.memory_space<hbm>> -> memref<1x16896xf32, #tpu.memory_space<hbm>>
        %dma_wait3A_1453 = tpu.memref_squeeze %dma_wait3A_1452 : memref<1x16896xf32, #tpu.memory_space<hbm>> -> memref<16896xf32, #tpu.memory_space<hbm>>
        tpu.wait_dma2 semaphore(%arg7 : memref<!tpu.dma_semaphore, #tpu.memory_space<semaphore_mem>>) src(%arg5 : memref<16896xf32, #tpu.memory_space<vmem>>) dst(%dma_wait3A_1453 : memref<16896xf32, #tpu.memory_space<hbm>>)
        %sub3A_1454 = arith.constant 2 : i32
        %sub3A_1455 = arith.subi %add3A_56, %sub3A_1454 : i32
        %broadcast_in_dim3A_1456 = arith.constant 0 : i32
        %broadcast_in_dim3A_1457 = vector.broadcast %broadcast_in_dim3A_1456 : i32 to vector<16xi32>
        %add3A_1458 = vector.broadcast %sub3A_1455 : i32 to vector<16xi32>
        %add3A_1459 = arith.addi %broadcast_in_dim3A_1457, %add3A_1458 : vector<16xi32>
        %gather3A_1460 = tpu.vector_load_idx %arg4[%add3A_1459] : memref<512xf32, #tpu.memory_space<vmem>>[vector<16xi32>], vector<16xf32>,
        %iota3A_1461 = tpu.iota {dimensions = array<i32: 0>} : vector<16xi32>
        %mul3A_1462 = arith.constant 33 : i32
        %mul3A_1463 = vector.broadcast %mul3A_1462 : i32 to vector<16xi32>
        %mul3A_1464 = arith.muli %iota3A_1461, %mul3A_1463 : vector<16xi32>
        %broadcast_in_dim3A_1465 = arith.constant 0.000000e+00 : f32
        %broadcast_in_dim3A_1466 = vector.broadcast %broadcast_in_dim3A_1465 : f32 to vector<16xf32>
        %add3A_1467 = arith.constant 0.000000e+00 : f32
        %add3A_1468 = vector.broadcast %add3A_1467 : f32 to vector<16xf32>
        %add3A_1469 = arith.addf %broadcast_in_dim3A_1466, %add3A_1468 : vector<16xf32>
        %get3A_1470 = arith.constant 0 : index
        %get3A_1471 = tpu.vector_load %arg4[%get3A_1470] {strides = array<i32>} : memref<512xf32, #tpu.memory_space<vmem>>, vector<16xf32>,
        %sub3A_1472 = arith.subf %gather3A_1460, %get3A_1471 : vector<16xf32>
        %add3A_1473 = arith.constant 1.550000e+01 : f32
        %add3A_1474 = vector.broadcast %add3A_1473 : f32 to vector<16xf32>
        %add3A_1475 = arith.addf %sub3A_1472, %add3A_1474 : vector<16xf32>
        %max3A_1476 = arith.constant 0.000000e+00 : f32
        %max3A_1477 = vector.broadcast %max3A_1476 : f32 to vector<16xf32>
        %max3A_1478 = arith.maximumf %add3A_1475, %max3A_1477 : vector<16xf32>
        %min3A_1479 = arith.constant 3.200000e+01 : f32
        %min3A_1480 = vector.broadcast %min3A_1479 : f32 to vector<16xf32>
        %min3A_1481 = arith.minimumf %max3A_1478, %min3A_1480 : vector<16xf32>
        %convert_element_type3A_1482 = arith.fptosi %min3A_1481 : vector<16xf32> to vector<16xi32>
        %convert_element_type3A_1483 = arith.sitofp %convert_element_type3A_1482 : vector<16xi32> to vector<16xf32>
        %gt3A_1484 = arith.cmpf ogt, %min3A_1481, %convert_element_type3A_1483 : vector<16xf32>
        %convert_element_type3A_1485 = arith.extui %gt3A_1484 : vector<16xi1> to vector<16xi32>
        %add3A_1486 = arith.addi %convert_element_type3A_1482, %convert_element_type3A_1485 : vector<16xi32>
        %add3A_1487 = arith.constant 0 : i32
        %add3A_1488 = vector.broadcast %add3A_1487 : i32 to vector<16xi32>
        %add3A_1489 = arith.addi %mul3A_1464, %add3A_1488 : vector<16xi32>
        %add3A_1490 = arith.addi %add3A_1489, %add3A_1486 : vector<16xi32>
        tpu.vector_store_idx %arg5[%add3A_1490], %add3A_1469 : memref<16896xf32, #tpu.memory_space<vmem>>[vector<16xi32>], vector<16xf32>,
        %get3A_1491 = arith.constant 16 : index
        %get3A_1492 = tpu.vector_load %arg4[%get3A_1491] {strides = array<i32>} : memref<512xf32, #tpu.memory_space<vmem>>, vector<16xf32>,
        %sub3A_1493 = arith.subf %gather3A_1460, %get3A_1492 : vector<16xf32>
        %add3A_1494 = arith.constant 1.550000e+01 : f32
        %add3A_1495 = vector.broadcast %add3A_1494 : f32 to vector<16xf32>
        %add3A_1496 = arith.addf %sub3A_1493, %add3A_1495 : vector<16xf32>
        %max3A_1497 = arith.constant 0.000000e+00 : f32
        %max3A_1498 = vector.broadcast %max3A_1497 : f32 to vector<16xf32>
        %max3A_1499 = arith.maximumf %add3A_1496, %max3A_1498 : vector<16xf32>
        %min3A_1500 = arith.constant 3.200000e+01 : f32
        %min3A_1501 = vector.broadcast %min3A_1500 : f32 to vector<16xf32>
        %min3A_1502 = arith.minimumf %max3A_1499, %min3A_1501 : vector<16xf32>
        %convert_element_type3A_1503 = arith.fptosi %min3A_1502 : vector<16xf32> to vector<16xi32>
        %convert_element_type3A_1504 = arith.sitofp %convert_element_type3A_1503 : vector<16xi32> to vector<16xf32>
        %gt3A_1505 = arith.cmpf ogt, %min3A_1502, %convert_element_type3A_1504 : vector<16xf32>
        %convert_element_type3A_1506 = arith.extui %gt3A_1505 : vector<16xi1> to vector<16xi32>
        %add3A_1507 = arith.addi %convert_element_type3A_1503, %convert_element_type3A_1506 : vector<16xi32>
        %add3A_1508 = arith.constant 528 : i32
        %add3A_1509 = vector.broadcast %add3A_1508 : i32 to vector<16xi32>
        %add3A_1510 = arith.addi %mul3A_1464, %add3A_1509 : vector<16xi32>
        %add3A_1511 = arith.addi %add3A_1510, %add3A_1507 : vector<16xi32>
        tpu.vector_store_idx %arg5[%add3A_1511], %add3A_1469 : memref<16896xf32, #tpu.memory_space<vmem>>[vector<16xi32>], vector<16xf32>,
        %get3A_1512 = arith.constant 32 : index
        %get3A_1513 = tpu.vector_load %arg4[%get3A_1512] {strides = array<i32>} : memref<512xf32, #tpu.memory_space<vmem>>, vector<16xf32>,
        %sub3A_1514 = arith.subf %gather3A_1460, %get3A_1513 : vector<16xf32>
        %add3A_1515 = arith.constant 1.550000e+01 : f32
        %add3A_1516 = vector.broadcast %add3A_1515 : f32 to vector<16xf32>
        %add3A_1517 = arith.addf %sub3A_1514, %add3A_1516 : vector<16xf32>
        %max3A_1518 = arith.constant 0.000000e+00 : f32
        %max3A_1519 = vector.broadcast %max3A_1518 : f32 to vector<16xf32>
        %max3A_1520 = arith.maximumf %add3A_1517, %max3A_1519 : vector<16xf32>
        %min3A_1521 = arith.constant 3.200000e+01 : f32
        %min3A_1522 = vector.broadcast %min3A_1521 : f32 to vector<16xf32>
        %min3A_1523 = arith.minimumf %max3A_1520, %min3A_1522 : vector<16xf32>
        %convert_element_type3A_1524 = arith.fptosi %min3A_1523 : vector<16xf32> to vector<16xi32>
        %convert_element_type3A_1525 = arith.sitofp %convert_element_type3A_1524 : vector<16xi32> to vector<16xf32>
        %gt3A_1526 = arith.cmpf ogt, %min3A_1523, %convert_element_type3A_1525 : vector<16xf32>
        %convert_element_type3A_1527 = arith.extui %gt3A_1526 : vector<16xi1> to vector<16xi32>
        %add3A_1528 = arith.addi %convert_element_type3A_1524, %convert_element_type3A_1527 : vector<16xi32>
        %add3A_1529 = arith.constant 1056 : i32
        %add3A_1530 = vector.broadcast %add3A_1529 : i32 to vector<16xi32>
        %add3A_1531 = arith.addi %mul3A_1464, %add3A_1530 : vector<16xi32>
        %add3A_1532 = arith.addi %add3A_1531, %add3A_1528 : vector<16xi32>
        tpu.vector_store_idx %arg5[%add3A_1532], %add3A_1469 : memref<16896xf32, #tpu.memory_space<vmem>>[vector<16xi32>], vector<16xf32>,
        %get3A_1533 = arith.constant 48 : index
        %get3A_1534 = tpu.vector_load %arg4[%get3A_1533] {strides = array<i32>} : memref<512xf32, #tpu.memory_space<vmem>>, vector<16xf32>,
        %sub3A_1535 = arith.subf %gather3A_1460, %get3A_1534 : vector<16xf32>
        %add3A_1536 = arith.constant 1.550000e+01 : f32
        %add3A_1537 = vector.broadcast %add3A_1536 : f32 to vector<16xf32>
        %add3A_1538 = arith.addf %sub3A_1535, %add3A_1537 : vector<16xf32>
        %max3A_1539 = arith.constant 0.000000e+00 : f32
        %max3A_1540 = vector.broadcast %max3A_1539 : f32 to vector<16xf32>
        %max3A_1541 = arith.maximumf %add3A_1538, %max3A_1540 : vector<16xf32>
        %min3A_1542 = arith.constant 3.200000e+01 : f32
        %min3A_1543 = vector.broadcast %min3A_1542 : f32 to vector<16xf32>
        %min3A_1544 = arith.minimumf %max3A_1541, %min3A_1543 : vector<16xf32>
        %convert_element_type3A_1545 = arith.fptosi %min3A_1544 : vector<16xf32> to vector<16xi32>
        %convert_element_type3A_1546 = arith.sitofp %convert_element_type3A_1545 : vector<16xi32> to vector<16xf32>
        %gt3A_1547 = arith.cmpf ogt, %min3A_1544, %convert_element_type3A_1546 : vector<16xf32>
        %convert_element_type3A_1548 = arith.extui %gt3A_1547 : vector<16xi1> to vector<16xi32>
        %add3A_1549 = arith.addi %convert_element_type3A_1545, %convert_element_type3A_1548 : vector<16xi32>
        %add3A_1550 = arith.constant 1584 : i32
        %add3A_1551 = vector.broadcast %add3A_1550 : i32 to vector<16xi32>
        %add3A_1552 = arith.addi %mul3A_1464, %add3A_1551 : vector<16xi32>
        %add3A_1553 = arith.addi %add3A_1552, %add3A_1549 : vector<16xi32>
        tpu.vector_store_idx %arg5[%add3A_1553], %add3A_1469 : memref<16896xf32, #tpu.memory_space<vmem>>[vector<16xi32>], vector<16xf32>,
        %get3A_1554 = arith.constant 64 : index
        %get3A_1555 = tpu.vector_load %arg4[%get3A_1554] {strides = array<i32>} : memref<512xf32, #tpu.memory_space<vmem>>, vector<16xf32>,
        %sub3A_1556 = arith.subf %gather3A_1460, %get3A_1555 : vector<16xf32>
        %add3A_1557 = arith.constant 1.550000e+01 : f32
        %add3A_1558 = vector.broadcast %add3A_1557 : f32 to vector<16xf32>
        %add3A_1559 = arith.addf %sub3A_1556, %add3A_1558 : vector<16xf32>
        %max3A_1560 = arith.constant 0.000000e+00 : f32
        %max3A_1561 = vector.broadcast %max3A_1560 : f32 to vector<16xf32>
        %max3A_1562 = arith.maximumf %add3A_1559, %max3A_1561 : vector<16xf32>
        %min3A_1563 = arith.constant 3.200000e+01 : f32
        %min3A_1564 = vector.broadcast %min3A_1563 : f32 to vector<16xf32>
        %min3A_1565 = arith.minimumf %max3A_1562, %min3A_1564 : vector<16xf32>
        %convert_element_type3A_1566 = arith.fptosi %min3A_1565 : vector<16xf32> to vector<16xi32>
        %convert_element_type3A_1567 = arith.sitofp %convert_element_type3A_1566 : vector<16xi32> to vector<16xf32>
        %gt3A_1568 = arith.cmpf ogt, %min3A_1565, %convert_element_type3A_1567 : vector<16xf32>
        %convert_element_type3A_1569 = arith.extui %gt3A_1568 : vector<16xi1> to vector<16xi32>
        %add3A_1570 = arith.addi %convert_element_type3A_1566, %convert_element_type3A_1569 : vector<16xi32>
        %add3A_1571 = arith.constant 2112 : i32
        %add3A_1572 = vector.broadcast %add3A_1571 : i32 to vector<16xi32>
        %add3A_1573 = arith.addi %mul3A_1464, %add3A_1572 : vector<16xi32>
        %add3A_1574 = arith.addi %add3A_1573, %add3A_1570 : vector<16xi32>
        tpu.vector_store_idx %arg5[%add3A_1574], %add3A_1469 : memref<16896xf32, #tpu.memory_space<vmem>>[vector<16xi32>], vector<16xf32>,
        %get3A_1575 = arith.constant 80 : index
        %get3A_1576 = tpu.vector_load %arg4[%get3A_1575] {strides = array<i32>} : memref<512xf32, #tpu.memory_space<vmem>>, vector<16xf32>,
        %sub3A_1577 = arith.subf %gather3A_1460, %get3A_1576 : vector<16xf32>
        %add3A_1578 = arith.constant 1.550000e+01 : f32
        %add3A_1579 = vector.broadcast %add3A_1578 : f32 to vector<16xf32>
        %add3A_1580 = arith.addf %sub3A_1577, %add3A_1579 : vector<16xf32>
        %max3A_1581 = arith.constant 0.000000e+00 : f32
        %max3A_1582 = vector.broadcast %max3A_1581 : f32 to vector<16xf32>
        %max3A_1583 = arith.maximumf %add3A_1580, %max3A_1582 : vector<16xf32>
        %min3A_1584 = arith.constant 3.200000e+01 : f32
        %min3A_1585 = vector.broadcast %min3A_1584 : f32 to vector<16xf32>
        %min3A_1586 = arith.minimumf %max3A_1583, %min3A_1585 : vector<16xf32>
        %convert_element_type3A_1587 = arith.fptosi %min3A_1586 : vector<16xf32> to vector<16xi32>
        %convert_element_type3A_1588 = arith.sitofp %convert_element_type3A_1587 : vector<16xi32> to vector<16xf32>
        %gt3A_1589 = arith.cmpf ogt, %min3A_1586, %convert_element_type3A_1588 : vector<16xf32>
        %convert_element_type3A_1590 = arith.extui %gt3A_1589 : vector<16xi1> to vector<16xi32>
        %add3A_1591 = arith.addi %convert_element_type3A_1587, %convert_element_type3A_1590 : vector<16xi32>
        %add3A_1592 = arith.constant 2640 : i32
        %add3A_1593 = vector.broadcast %add3A_1592 : i32 to vector<16xi32>
        %add3A_1594 = arith.addi %mul3A_1464, %add3A_1593 : vector<16xi32>
        %add3A_1595 = arith.addi %add3A_1594, %add3A_1591 : vector<16xi32>
        tpu.vector_store_idx %arg5[%add3A_1595], %add3A_1469 : memref<16896xf32, #tpu.memory_space<vmem>>[vector<16xi32>], vector<16xf32>,
        %get3A_1596 = arith.constant 96 : index
        %get3A_1597 = tpu.vector_load %arg4[%get3A_1596] {strides = array<i32>} : memref<512xf32, #tpu.memory_space<vmem>>, vector<16xf32>,
        %sub3A_1598 = arith.subf %gather3A_1460, %get3A_1597 : vector<16xf32>
        %add3A_1599 = arith.constant 1.550000e+01 : f32
        %add3A_1600 = vector.broadcast %add3A_1599 : f32 to vector<16xf32>
        %add3A_1601 = arith.addf %sub3A_1598, %add3A_1600 : vector<16xf32>
        %max3A_1602 = arith.constant 0.000000e+00 : f32
        %max3A_1603 = vector.broadcast %max3A_1602 : f32 to vector<16xf32>
        %max3A_1604 = arith.maximumf %add3A_1601, %max3A_1603 : vector<16xf32>
        %min3A_1605 = arith.constant 3.200000e+01 : f32
        %min3A_1606 = vector.broadcast %min3A_1605 : f32 to vector<16xf32>
        %min3A_1607 = arith.minimumf %max3A_1604, %min3A_1606 : vector<16xf32>
        %convert_element_type3A_1608 = arith.fptosi %min3A_1607 : vector<16xf32> to vector<16xi32>
        %convert_element_type3A_1609 = arith.sitofp %convert_element_type3A_1608 : vector<16xi32> to vector<16xf32>
        %gt3A_1610 = arith.cmpf ogt, %min3A_1607, %convert_element_type3A_1609 : vector<16xf32>
        %convert_element_type3A_1611 = arith.extui %gt3A_1610 : vector<16xi1> to vector<16xi32>
        %add3A_1612 = arith.addi %convert_element_type3A_1608, %convert_element_type3A_1611 : vector<16xi32>
        %add3A_1613 = arith.constant 3168 : i32
        %add3A_1614 = vector.broadcast %add3A_1613 : i32 to vector<16xi32>
        %add3A_1615 = arith.addi %mul3A_1464, %add3A_1614 : vector<16xi32>
        %add3A_1616 = arith.addi %add3A_1615, %add3A_1612 : vector<16xi32>
        tpu.vector_store_idx %arg5[%add3A_1616], %add3A_1469 : memref<16896xf32, #tpu.memory_space<vmem>>[vector<16xi32>], vector<16xf32>,
        %get3A_1617 = arith.constant 112 : index
        %get3A_1618 = tpu.vector_load %arg4[%get3A_1617] {strides = array<i32>} : memref<512xf32, #tpu.memory_space<vmem>>, vector<16xf32>,
        %sub3A_1619 = arith.subf %gather3A_1460, %get3A_1618 : vector<16xf32>
        %add3A_1620 = arith.constant 1.550000e+01 : f32
        %add3A_1621 = vector.broadcast %add3A_1620 : f32 to vector<16xf32>
        %add3A_1622 = arith.addf %sub3A_1619, %add3A_1621 : vector<16xf32>
        %max3A_1623 = arith.constant 0.000000e+00 : f32
        %max3A_1624 = vector.broadcast %max3A_1623 : f32 to vector<16xf32>
        %max3A_1625 = arith.maximumf %add3A_1622, %max3A_1624 : vector<16xf32>
        %min3A_1626 = arith.constant 3.200000e+01 : f32
        %min3A_1627 = vector.broadcast %min3A_1626 : f32 to vector<16xf32>
        %min3A_1628 = arith.minimumf %max3A_1625, %min3A_1627 : vector<16xf32>
        %convert_element_type3A_1629 = arith.fptosi %min3A_1628 : vector<16xf32> to vector<16xi32>
        %convert_element_type3A_1630 = arith.sitofp %convert_element_type3A_1629 : vector<16xi32> to vector<16xf32>
        %gt3A_1631 = arith.cmpf ogt, %min3A_1628, %convert_element_type3A_1630 : vector<16xf32>
        %convert_element_type3A_1632 = arith.extui %gt3A_1631 : vector<16xi1> to vector<16xi32>
        %add3A_1633 = arith.addi %convert_element_type3A_1629, %convert_element_type3A_1632 : vector<16xi32>
        %add3A_1634 = arith.constant 3696 : i32
        %add3A_1635 = vector.broadcast %add3A_1634 : i32 to vector<16xi32>
        %add3A_1636 = arith.addi %mul3A_1464, %add3A_1635 : vector<16xi32>
        %add3A_1637 = arith.addi %add3A_1636, %add3A_1633 : vector<16xi32>
        tpu.vector_store_idx %arg5[%add3A_1637], %add3A_1469 : memref<16896xf32, #tpu.memory_space<vmem>>[vector<16xi32>], vector<16xf32>,
        %get3A_1638 = arith.constant 128 : index
        %get3A_1639 = tpu.vector_load %arg4[%get3A_1638] {strides = array<i32>} : memref<512xf32, #tpu.memory_space<vmem>>, vector<16xf32>,
        %sub3A_1640 = arith.subf %gather3A_1460, %get3A_1639 : vector<16xf32>
        %add3A_1641 = arith.constant 1.550000e+01 : f32
        %add3A_1642 = vector.broadcast %add3A_1641 : f32 to vector<16xf32>
        %add3A_1643 = arith.addf %sub3A_1640, %add3A_1642 : vector<16xf32>
        %max3A_1644 = arith.constant 0.000000e+00 : f32
        %max3A_1645 = vector.broadcast %max3A_1644 : f32 to vector<16xf32>
        %max3A_1646 = arith.maximumf %add3A_1643, %max3A_1645 : vector<16xf32>
        %min3A_1647 = arith.constant 3.200000e+01 : f32
        %min3A_1648 = vector.broadcast %min3A_1647 : f32 to vector<16xf32>
        %min3A_1649 = arith.minimumf %max3A_1646, %min3A_1648 : vector<16xf32>
        %convert_element_type3A_1650 = arith.fptosi %min3A_1649 : vector<16xf32> to vector<16xi32>
        %convert_element_type3A_1651 = arith.sitofp %convert_element_type3A_1650 : vector<16xi32> to vector<16xf32>
        %gt3A_1652 = arith.cmpf ogt, %min3A_1649, %convert_element_type3A_1651 : vector<16xf32>
        %convert_element_type3A_1653 = arith.extui %gt3A_1652 : vector<16xi1> to vector<16xi32>
        %add3A_1654 = arith.addi %convert_element_type3A_1650, %convert_element_type3A_1653 : vector<16xi32>
        %add3A_1655 = arith.constant 4224 : i32
        %add3A_1656 = vector.broadcast %add3A_1655 : i32 to vector<16xi32>
        %add3A_1657 = arith.addi %mul3A_1464, %add3A_1656 : vector<16xi32>
        %add3A_1658 = arith.addi %add3A_1657, %add3A_1654 : vector<16xi32>
        tpu.vector_store_idx %arg5[%add3A_1658], %add3A_1469 : memref<16896xf32, #tpu.memory_space<vmem>>[vector<16xi32>], vector<16xf32>,
        %get3A_1659 = arith.constant 144 : index
        %get3A_1660 = tpu.vector_load %arg4[%get3A_1659] {strides = array<i32>} : memref<512xf32, #tpu.memory_space<vmem>>, vector<16xf32>,
        %sub3A_1661 = arith.subf %gather3A_1460, %get3A_1660 : vector<16xf32>
        %add3A_1662 = arith.constant 1.550000e+01 : f32
        %add3A_1663 = vector.broadcast %add3A_1662 : f32 to vector<16xf32>
        %add3A_1664 = arith.addf %sub3A_1661, %add3A_1663 : vector<16xf32>
        %max3A_1665 = arith.constant 0.000000e+00 : f32
        %max3A_1666 = vector.broadcast %max3A_1665 : f32 to vector<16xf32>
        %max3A_1667 = arith.maximumf %add3A_1664, %max3A_1666 : vector<16xf32>
        %min3A_1668 = arith.constant 3.200000e+01 : f32
        %min3A_1669 = vector.broadcast %min3A_1668 : f32 to vector<16xf32>
        %min3A_1670 = arith.minimumf %max3A_1667, %min3A_1669 : vector<16xf32>
        %convert_element_type3A_1671 = arith.fptosi %min3A_1670 : vector<16xf32> to vector<16xi32>
        %convert_element_type3A_1672 = arith.sitofp %convert_element_type3A_1671 : vector<16xi32> to vector<16xf32>
        %gt3A_1673 = arith.cmpf ogt, %min3A_1670, %convert_element_type3A_1672 : vector<16xf32>
        %convert_element_type3A_1674 = arith.extui %gt3A_1673 : vector<16xi1> to vector<16xi32>
        %add3A_1675 = arith.addi %convert_element_type3A_1671, %convert_element_type3A_1674 : vector<16xi32>
        %add3A_1676 = arith.constant 4752 : i32
        %add3A_1677 = vector.broadcast %add3A_1676 : i32 to vector<16xi32>
        %add3A_1678 = arith.addi %mul3A_1464, %add3A_1677 : vector<16xi32>
        %add3A_1679 = arith.addi %add3A_1678, %add3A_1675 : vector<16xi32>
        tpu.vector_store_idx %arg5[%add3A_1679], %add3A_1469 : memref<16896xf32, #tpu.memory_space<vmem>>[vector<16xi32>], vector<16xf32>,
        %get3A_1680 = arith.constant 160 : index
        %get3A_1681 = tpu.vector_load %arg4[%get3A_1680] {strides = array<i32>} : memref<512xf32, #tpu.memory_space<vmem>>, vector<16xf32>,
        %sub3A_1682 = arith.subf %gather3A_1460, %get3A_1681 : vector<16xf32>
        %add3A_1683 = arith.constant 1.550000e+01 : f32
        %add3A_1684 = vector.broadcast %add3A_1683 : f32 to vector<16xf32>
        %add3A_1685 = arith.addf %sub3A_1682, %add3A_1684 : vector<16xf32>
        %max3A_1686 = arith.constant 0.000000e+00 : f32
        %max3A_1687 = vector.broadcast %max3A_1686 : f32 to vector<16xf32>
        %max3A_1688 = arith.maximumf %add3A_1685, %max3A_1687 : vector<16xf32>
        %min3A_1689 = arith.constant 3.200000e+01 : f32
        %min3A_1690 = vector.broadcast %min3A_1689 : f32 to vector<16xf32>
        %min3A_1691 = arith.minimumf %max3A_1688, %min3A_1690 : vector<16xf32>
        %convert_element_type3A_1692 = arith.fptosi %min3A_1691 : vector<16xf32> to vector<16xi32>
        %convert_element_type3A_1693 = arith.sitofp %convert_element_type3A_1692 : vector<16xi32> to vector<16xf32>
        %gt3A_1694 = arith.cmpf ogt, %min3A_1691, %convert_element_type3A_1693 : vector<16xf32>
        %convert_element_type3A_1695 = arith.extui %gt3A_1694 : vector<16xi1> to vector<16xi32>
        %add3A_1696 = arith.addi %convert_element_type3A_1692, %convert_element_type3A_1695 : vector<16xi32>
        %add3A_1697 = arith.constant 5280 : i32
        %add3A_1698 = vector.broadcast %add3A_1697 : i32 to vector<16xi32>
        %add3A_1699 = arith.addi %mul3A_1464, %add3A_1698 : vector<16xi32>
        %add3A_1700 = arith.addi %add3A_1699, %add3A_1696 : vector<16xi32>
        tpu.vector_store_idx %arg5[%add3A_1700], %add3A_1469 : memref<16896xf32, #tpu.memory_space<vmem>>[vector<16xi32>], vector<16xf32>,
        %get3A_1701 = arith.constant 176 : index
        %get3A_1702 = tpu.vector_load %arg4[%get3A_1701] {strides = array<i32>} : memref<512xf32, #tpu.memory_space<vmem>>, vector<16xf32>,
        %sub3A_1703 = arith.subf %gather3A_1460, %get3A_1702 : vector<16xf32>
        %add3A_1704 = arith.constant 1.550000e+01 : f32
        %add3A_1705 = vector.broadcast %add3A_1704 : f32 to vector<16xf32>
        %add3A_1706 = arith.addf %sub3A_1703, %add3A_1705 : vector<16xf32>
        %max3A_1707 = arith.constant 0.000000e+00 : f32
        %max3A_1708 = vector.broadcast %max3A_1707 : f32 to vector<16xf32>
        %max3A_1709 = arith.maximumf %add3A_1706, %max3A_1708 : vector<16xf32>
        %min3A_1710 = arith.constant 3.200000e+01 : f32
        %min3A_1711 = vector.broadcast %min3A_1710 : f32 to vector<16xf32>
        %min3A_1712 = arith.minimumf %max3A_1709, %min3A_1711 : vector<16xf32>
        %convert_element_type3A_1713 = arith.fptosi %min3A_1712 : vector<16xf32> to vector<16xi32>
        %convert_element_type3A_1714 = arith.sitofp %convert_element_type3A_1713 : vector<16xi32> to vector<16xf32>
        %gt3A_1715 = arith.cmpf ogt, %min3A_1712, %convert_element_type3A_1714 : vector<16xf32>
        %convert_element_type3A_1716 = arith.extui %gt3A_1715 : vector<16xi1> to vector<16xi32>
        %add3A_1717 = arith.addi %convert_element_type3A_1713, %convert_element_type3A_1716 : vector<16xi32>
        %add3A_1718 = arith.constant 5808 : i32
        %add3A_1719 = vector.broadcast %add3A_1718 : i32 to vector<16xi32>
        %add3A_1720 = arith.addi %mul3A_1464, %add3A_1719 : vector<16xi32>
        %add3A_1721 = arith.addi %add3A_1720, %add3A_1717 : vector<16xi32>
        tpu.vector_store_idx %arg5[%add3A_1721], %add3A_1469 : memref<16896xf32, #tpu.memory_space<vmem>>[vector<16xi32>], vector<16xf32>,
        %get3A_1722 = arith.constant 192 : index
        %get3A_1723 = tpu.vector_load %arg4[%get3A_1722] {strides = array<i32>} : memref<512xf32, #tpu.memory_space<vmem>>, vector<16xf32>,
        %sub3A_1724 = arith.subf %gather3A_1460, %get3A_1723 : vector<16xf32>
        %add3A_1725 = arith.constant 1.550000e+01 : f32
        %add3A_1726 = vector.broadcast %add3A_1725 : f32 to vector<16xf32>
        %add3A_1727 = arith.addf %sub3A_1724, %add3A_1726 : vector<16xf32>
        %max3A_1728 = arith.constant 0.000000e+00 : f32
        %max3A_1729 = vector.broadcast %max3A_1728 : f32 to vector<16xf32>
        %max3A_1730 = arith.maximumf %add3A_1727, %max3A_1729 : vector<16xf32>
        %min3A_1731 = arith.constant 3.200000e+01 : f32
        %min3A_1732 = vector.broadcast %min3A_1731 : f32 to vector<16xf32>
        %min3A_1733 = arith.minimumf %max3A_1730, %min3A_1732 : vector<16xf32>
        %convert_element_type3A_1734 = arith.fptosi %min3A_1733 : vector<16xf32> to vector<16xi32>
        %convert_element_type3A_1735 = arith.sitofp %convert_element_type3A_1734 : vector<16xi32> to vector<16xf32>
        %gt3A_1736 = arith.cmpf ogt, %min3A_1733, %convert_element_type3A_1735 : vector<16xf32>
        %convert_element_type3A_1737 = arith.extui %gt3A_1736 : vector<16xi1> to vector<16xi32>
        %add3A_1738 = arith.addi %convert_element_type3A_1734, %convert_element_type3A_1737 : vector<16xi32>
        %add3A_1739 = arith.constant 6336 : i32
        %add3A_1740 = vector.broadcast %add3A_1739 : i32 to vector<16xi32>
        %add3A_1741 = arith.addi %mul3A_1464, %add3A_1740 : vector<16xi32>
        %add3A_1742 = arith.addi %add3A_1741, %add3A_1738 : vector<16xi32>
        tpu.vector_store_idx %arg5[%add3A_1742], %add3A_1469 : memref<16896xf32, #tpu.memory_space<vmem>>[vector<16xi32>], vector<16xf32>,
        %get3A_1743 = arith.constant 208 : index
        %get3A_1744 = tpu.vector_load %arg4[%get3A_1743] {strides = array<i32>} : memref<512xf32, #tpu.memory_space<vmem>>, vector<16xf32>,
        %sub3A_1745 = arith.subf %gather3A_1460, %get3A_1744 : vector<16xf32>
        %add3A_1746 = arith.constant 1.550000e+01 : f32
        %add3A_1747 = vector.broadcast %add3A_1746 : f32 to vector<16xf32>
        %add3A_1748 = arith.addf %sub3A_1745, %add3A_1747 : vector<16xf32>
        %max3A_1749 = arith.constant 0.000000e+00 : f32
        %max3A_1750 = vector.broadcast %max3A_1749 : f32 to vector<16xf32>
        %max3A_1751 = arith.maximumf %add3A_1748, %max3A_1750 : vector<16xf32>
        %min3A_1752 = arith.constant 3.200000e+01 : f32
        %min3A_1753 = vector.broadcast %min3A_1752 : f32 to vector<16xf32>
        %min3A_1754 = arith.minimumf %max3A_1751, %min3A_1753 : vector<16xf32>
        %convert_element_type3A_1755 = arith.fptosi %min3A_1754 : vector<16xf32> to vector<16xi32>
        %convert_element_type3A_1756 = arith.sitofp %convert_element_type3A_1755 : vector<16xi32> to vector<16xf32>
        %gt3A_1757 = arith.cmpf ogt, %min3A_1754, %convert_element_type3A_1756 : vector<16xf32>
        %convert_element_type3A_1758 = arith.extui %gt3A_1757 : vector<16xi1> to vector<16xi32>
        %add3A_1759 = arith.addi %convert_element_type3A_1755, %convert_element_type3A_1758 : vector<16xi32>
        %add3A_1760 = arith.constant 6864 : i32
        %add3A_1761 = vector.broadcast %add3A_1760 : i32 to vector<16xi32>
        %add3A_1762 = arith.addi %mul3A_1464, %add3A_1761 : vector<16xi32>
        %add3A_1763 = arith.addi %add3A_1762, %add3A_1759 : vector<16xi32>
        tpu.vector_store_idx %arg5[%add3A_1763], %add3A_1469 : memref<16896xf32, #tpu.memory_space<vmem>>[vector<16xi32>], vector<16xf32>,
        %get3A_1764 = arith.constant 224 : index
        %get3A_1765 = tpu.vector_load %arg4[%get3A_1764] {strides = array<i32>} : memref<512xf32, #tpu.memory_space<vmem>>, vector<16xf32>,
        %sub3A_1766 = arith.subf %gather3A_1460, %get3A_1765 : vector<16xf32>
        %add3A_1767 = arith.constant 1.550000e+01 : f32
        %add3A_1768 = vector.broadcast %add3A_1767 : f32 to vector<16xf32>
        %add3A_1769 = arith.addf %sub3A_1766, %add3A_1768 : vector<16xf32>
        %max3A_1770 = arith.constant 0.000000e+00 : f32
        %max3A_1771 = vector.broadcast %max3A_1770 : f32 to vector<16xf32>
        %max3A_1772 = arith.maximumf %add3A_1769, %max3A_1771 : vector<16xf32>
        %min3A_1773 = arith.constant 3.200000e+01 : f32
        %min3A_1774 = vector.broadcast %min3A_1773 : f32 to vector<16xf32>
        %min3A_1775 = arith.minimumf %max3A_1772, %min3A_1774 : vector<16xf32>
        %convert_element_type3A_1776 = arith.fptosi %min3A_1775 : vector<16xf32> to vector<16xi32>
        %convert_element_type3A_1777 = arith.sitofp %convert_element_type3A_1776 : vector<16xi32> to vector<16xf32>
        %gt3A_1778 = arith.cmpf ogt, %min3A_1775, %convert_element_type3A_1777 : vector<16xf32>
        %convert_element_type3A_1779 = arith.extui %gt3A_1778 : vector<16xi1> to vector<16xi32>
        %add3A_1780 = arith.addi %convert_element_type3A_1776, %convert_element_type3A_1779 : vector<16xi32>
        %add3A_1781 = arith.constant 7392 : i32
        %add3A_1782 = vector.broadcast %add3A_1781 : i32 to vector<16xi32>
        %add3A_1783 = arith.addi %mul3A_1464, %add3A_1782 : vector<16xi32>
        %add3A_1784 = arith.addi %add3A_1783, %add3A_1780 : vector<16xi32>
        tpu.vector_store_idx %arg5[%add3A_1784], %add3A_1469 : memref<16896xf32, #tpu.memory_space<vmem>>[vector<16xi32>], vector<16xf32>,
        %get3A_1785 = arith.constant 240 : index
        %get3A_1786 = tpu.vector_load %arg4[%get3A_1785] {strides = array<i32>} : memref<512xf32, #tpu.memory_space<vmem>>, vector<16xf32>,
        %sub3A_1787 = arith.subf %gather3A_1460, %get3A_1786 : vector<16xf32>
        %add3A_1788 = arith.constant 1.550000e+01 : f32
        %add3A_1789 = vector.broadcast %add3A_1788 : f32 to vector<16xf32>
        %add3A_1790 = arith.addf %sub3A_1787, %add3A_1789 : vector<16xf32>
        %max3A_1791 = arith.constant 0.000000e+00 : f32
        %max3A_1792 = vector.broadcast %max3A_1791 : f32 to vector<16xf32>
        %max3A_1793 = arith.maximumf %add3A_1790, %max3A_1792 : vector<16xf32>
        %min3A_1794 = arith.constant 3.200000e+01 : f32
        %min3A_1795 = vector.broadcast %min3A_1794 : f32 to vector<16xf32>
        %min3A_1796 = arith.minimumf %max3A_1793, %min3A_1795 : vector<16xf32>
        %convert_element_type3A_1797 = arith.fptosi %min3A_1796 : vector<16xf32> to vector<16xi32>
        %convert_element_type3A_1798 = arith.sitofp %convert_element_type3A_1797 : vector<16xi32> to vector<16xf32>
        %gt3A_1799 = arith.cmpf ogt, %min3A_1796, %convert_element_type3A_1798 : vector<16xf32>
        %convert_element_type3A_1800 = arith.extui %gt3A_1799 : vector<16xi1> to vector<16xi32>
        %add3A_1801 = arith.addi %convert_element_type3A_1797, %convert_element_type3A_1800 : vector<16xi32>
        %add3A_1802 = arith.constant 7920 : i32
        %add3A_1803 = vector.broadcast %add3A_1802 : i32 to vector<16xi32>
        %add3A_1804 = arith.addi %mul3A_1464, %add3A_1803 : vector<16xi32>
        %add3A_1805 = arith.addi %add3A_1804, %add3A_1801 : vector<16xi32>
        tpu.vector_store_idx %arg5[%add3A_1805], %add3A_1469 : memref<16896xf32, #tpu.memory_space<vmem>>[vector<16xi32>], vector<16xf32>,
        %get3A_1806 = arith.constant 256 : index
        %get3A_1807 = tpu.vector_load %arg4[%get3A_1806] {strides = array<i32>} : memref<512xf32, #tpu.memory_space<vmem>>, vector<16xf32>,
        %sub3A_1808 = arith.subf %gather3A_1460, %get3A_1807 : vector<16xf32>
        %add3A_1809 = arith.constant 1.550000e+01 : f32
        %add3A_1810 = vector.broadcast %add3A_1809 : f32 to vector<16xf32>
        %add3A_1811 = arith.addf %sub3A_1808, %add3A_1810 : vector<16xf32>
        %max3A_1812 = arith.constant 0.000000e+00 : f32
        %max3A_1813 = vector.broadcast %max3A_1812 : f32 to vector<16xf32>
        %max3A_1814 = arith.maximumf %add3A_1811, %max3A_1813 : vector<16xf32>
        %min3A_1815 = arith.constant 3.200000e+01 : f32
        %min3A_1816 = vector.broadcast %min3A_1815 : f32 to vector<16xf32>
        %min3A_1817 = arith.minimumf %max3A_1814, %min3A_1816 : vector<16xf32>
        %convert_element_type3A_1818 = arith.fptosi %min3A_1817 : vector<16xf32> to vector<16xi32>
        %convert_element_type3A_1819 = arith.sitofp %convert_element_type3A_1818 : vector<16xi32> to vector<16xf32>
        %gt3A_1820 = arith.cmpf ogt, %min3A_1817, %convert_element_type3A_1819 : vector<16xf32>
        %convert_element_type3A_1821 = arith.extui %gt3A_1820 : vector<16xi1> to vector<16xi32>
        %add3A_1822 = arith.addi %convert_element_type3A_1818, %convert_element_type3A_1821 : vector<16xi32>
        %add3A_1823 = arith.constant 8448 : i32
        %add3A_1824 = vector.broadcast %add3A_1823 : i32 to vector<16xi32>
        %add3A_1825 = arith.addi %mul3A_1464, %add3A_1824 : vector<16xi32>
        %add3A_1826 = arith.addi %add3A_1825, %add3A_1822 : vector<16xi32>
        tpu.vector_store_idx %arg5[%add3A_1826], %add3A_1469 : memref<16896xf32, #tpu.memory_space<vmem>>[vector<16xi32>], vector<16xf32>,
        %get3A_1827 = arith.constant 272 : index
        %get3A_1828 = tpu.vector_load %arg4[%get3A_1827] {strides = array<i32>} : memref<512xf32, #tpu.memory_space<vmem>>, vector<16xf32>,
        %sub3A_1829 = arith.subf %gather3A_1460, %get3A_1828 : vector<16xf32>
        %add3A_1830 = arith.constant 1.550000e+01 : f32
        %add3A_1831 = vector.broadcast %add3A_1830 : f32 to vector<16xf32>
        %add3A_1832 = arith.addf %sub3A_1829, %add3A_1831 : vector<16xf32>
        %max3A_1833 = arith.constant 0.000000e+00 : f32
        %max3A_1834 = vector.broadcast %max3A_1833 : f32 to vector<16xf32>
        %max3A_1835 = arith.maximumf %add3A_1832, %max3A_1834 : vector<16xf32>
        %min3A_1836 = arith.constant 3.200000e+01 : f32
        %min3A_1837 = vector.broadcast %min3A_1836 : f32 to vector<16xf32>
        %min3A_1838 = arith.minimumf %max3A_1835, %min3A_1837 : vector<16xf32>
        %convert_element_type3A_1839 = arith.fptosi %min3A_1838 : vector<16xf32> to vector<16xi32>
        %convert_element_type3A_1840 = arith.sitofp %convert_element_type3A_1839 : vector<16xi32> to vector<16xf32>
        %gt3A_1841 = arith.cmpf ogt, %min3A_1838, %convert_element_type3A_1840 : vector<16xf32>
        %convert_element_type3A_1842 = arith.extui %gt3A_1841 : vector<16xi1> to vector<16xi32>
        %add3A_1843 = arith.addi %convert_element_type3A_1839, %convert_element_type3A_1842 : vector<16xi32>
        %add3A_1844 = arith.constant 8976 : i32
        %add3A_1845 = vector.broadcast %add3A_1844 : i32 to vector<16xi32>
        %add3A_1846 = arith.addi %mul3A_1464, %add3A_1845 : vector<16xi32>
        %add3A_1847 = arith.addi %add3A_1846, %add3A_1843 : vector<16xi32>
        tpu.vector_store_idx %arg5[%add3A_1847], %add3A_1469 : memref<16896xf32, #tpu.memory_space<vmem>>[vector<16xi32>], vector<16xf32>,
        %get3A_1848 = arith.constant 288 : index
        %get3A_1849 = tpu.vector_load %arg4[%get3A_1848] {strides = array<i32>} : memref<512xf32, #tpu.memory_space<vmem>>, vector<16xf32>,
        %sub3A_1850 = arith.subf %gather3A_1460, %get3A_1849 : vector<16xf32>
        %add3A_1851 = arith.constant 1.550000e+01 : f32
        %add3A_1852 = vector.broadcast %add3A_1851 : f32 to vector<16xf32>
        %add3A_1853 = arith.addf %sub3A_1850, %add3A_1852 : vector<16xf32>
        %max3A_1854 = arith.constant 0.000000e+00 : f32
        %max3A_1855 = vector.broadcast %max3A_1854 : f32 to vector<16xf32>
        %max3A_1856 = arith.maximumf %add3A_1853, %max3A_1855 : vector<16xf32>
        %min3A_1857 = arith.constant 3.200000e+01 : f32
        %min3A_1858 = vector.broadcast %min3A_1857 : f32 to vector<16xf32>
        %min3A_1859 = arith.minimumf %max3A_1856, %min3A_1858 : vector<16xf32>
        %convert_element_type3A_1860 = arith.fptosi %min3A_1859 : vector<16xf32> to vector<16xi32>
        %convert_element_type3A_1861 = arith.sitofp %convert_element_type3A_1860 : vector<16xi32> to vector<16xf32>
        %gt3A_1862 = arith.cmpf ogt, %min3A_1859, %convert_element_type3A_1861 : vector<16xf32>
        %convert_element_type3A_1863 = arith.extui %gt3A_1862 : vector<16xi1> to vector<16xi32>
        %add3A_1864 = arith.addi %convert_element_type3A_1860, %convert_element_type3A_1863 : vector<16xi32>
        %add3A_1865 = arith.constant 9504 : i32
        %add3A_1866 = vector.broadcast %add3A_1865 : i32 to vector<16xi32>
        %add3A_1867 = arith.addi %mul3A_1464, %add3A_1866 : vector<16xi32>
        %add3A_1868 = arith.addi %add3A_1867, %add3A_1864 : vector<16xi32>
        tpu.vector_store_idx %arg5[%add3A_1868], %add3A_1469 : memref<16896xf32, #tpu.memory_space<vmem>>[vector<16xi32>], vector<16xf32>,
        %get3A_1869 = arith.constant 304 : index
        %get3A_1870 = tpu.vector_load %arg4[%get3A_1869] {strides = array<i32>} : memref<512xf32, #tpu.memory_space<vmem>>, vector<16xf32>,
        %sub3A_1871 = arith.subf %gather3A_1460, %get3A_1870 : vector<16xf32>
        %add3A_1872 = arith.constant 1.550000e+01 : f32
        %add3A_1873 = vector.broadcast %add3A_1872 : f32 to vector<16xf32>
        %add3A_1874 = arith.addf %sub3A_1871, %add3A_1873 : vector<16xf32>
        %max3A_1875 = arith.constant 0.000000e+00 : f32
        %max3A_1876 = vector.broadcast %max3A_1875 : f32 to vector<16xf32>
        %max3A_1877 = arith.maximumf %add3A_1874, %max3A_1876 : vector<16xf32>
        %min3A_1878 = arith.constant 3.200000e+01 : f32
        %min3A_1879 = vector.broadcast %min3A_1878 : f32 to vector<16xf32>
        %min3A_1880 = arith.minimumf %max3A_1877, %min3A_1879 : vector<16xf32>
        %convert_element_type3A_1881 = arith.fptosi %min3A_1880 : vector<16xf32> to vector<16xi32>
        %convert_element_type3A_1882 = arith.sitofp %convert_element_type3A_1881 : vector<16xi32> to vector<16xf32>
        %gt3A_1883 = arith.cmpf ogt, %min3A_1880, %convert_element_type3A_1882 : vector<16xf32>
        %convert_element_type3A_1884 = arith.extui %gt3A_1883 : vector<16xi1> to vector<16xi32>
        %add3A_1885 = arith.addi %convert_element_type3A_1881, %convert_element_type3A_1884 : vector<16xi32>
        %add3A_1886 = arith.constant 10032 : i32
        %add3A_1887 = vector.broadcast %add3A_1886 : i32 to vector<16xi32>
        %add3A_1888 = arith.addi %mul3A_1464, %add3A_1887 : vector<16xi32>
        %add3A_1889 = arith.addi %add3A_1888, %add3A_1885 : vector<16xi32>
        tpu.vector_store_idx %arg5[%add3A_1889], %add3A_1469 : memref<16896xf32, #tpu.memory_space<vmem>>[vector<16xi32>], vector<16xf32>,
        %get3A_1890 = arith.constant 320 : index
        %get3A_1891 = tpu.vector_load %arg4[%get3A_1890] {strides = array<i32>} : memref<512xf32, #tpu.memory_space<vmem>>, vector<16xf32>,
        %sub3A_1892 = arith.subf %gather3A_1460, %get3A_1891 : vector<16xf32>
        %add3A_1893 = arith.constant 1.550000e+01 : f32
        %add3A_1894 = vector.broadcast %add3A_1893 : f32 to vector<16xf32>
        %add3A_1895 = arith.addf %sub3A_1892, %add3A_1894 : vector<16xf32>
        %max3A_1896 = arith.constant 0.000000e+00 : f32
        %max3A_1897 = vector.broadcast %max3A_1896 : f32 to vector<16xf32>
        %max3A_1898 = arith.maximumf %add3A_1895, %max3A_1897 : vector<16xf32>
        %min3A_1899 = arith.constant 3.200000e+01 : f32
        %min3A_1900 = vector.broadcast %min3A_1899 : f32 to vector<16xf32>
        %min3A_1901 = arith.minimumf %max3A_1898, %min3A_1900 : vector<16xf32>
        %convert_element_type3A_1902 = arith.fptosi %min3A_1901 : vector<16xf32> to vector<16xi32>
        %convert_element_type3A_1903 = arith.sitofp %convert_element_type3A_1902 : vector<16xi32> to vector<16xf32>
        %gt3A_1904 = arith.cmpf ogt, %min3A_1901, %convert_element_type3A_1903 : vector<16xf32>
        %convert_element_type3A_1905 = arith.extui %gt3A_1904 : vector<16xi1> to vector<16xi32>
        %add3A_1906 = arith.addi %convert_element_type3A_1902, %convert_element_type3A_1905 : vector<16xi32>
        %add3A_1907 = arith.constant 10560 : i32
        %add3A_1908 = vector.broadcast %add3A_1907 : i32 to vector<16xi32>
        %add3A_1909 = arith.addi %mul3A_1464, %add3A_1908 : vector<16xi32>
        %add3A_1910 = arith.addi %add3A_1909, %add3A_1906 : vector<16xi32>
        tpu.vector_store_idx %arg5[%add3A_1910], %add3A_1469 : memref<16896xf32, #tpu.memory_space<vmem>>[vector<16xi32>], vector<16xf32>,
        %get3A_1911 = arith.constant 336 : index
        %get3A_1912 = tpu.vector_load %arg4[%get3A_1911] {strides = array<i32>} : memref<512xf32, #tpu.memory_space<vmem>>, vector<16xf32>,
        %sub3A_1913 = arith.subf %gather3A_1460, %get3A_1912 : vector<16xf32>
        %add3A_1914 = arith.constant 1.550000e+01 : f32
        %add3A_1915 = vector.broadcast %add3A_1914 : f32 to vector<16xf32>
        %add3A_1916 = arith.addf %sub3A_1913, %add3A_1915 : vector<16xf32>
        %max3A_1917 = arith.constant 0.000000e+00 : f32
        %max3A_1918 = vector.broadcast %max3A_1917 : f32 to vector<16xf32>
        %max3A_1919 = arith.maximumf %add3A_1916, %max3A_1918 : vector<16xf32>
        %min3A_1920 = arith.constant 3.200000e+01 : f32
        %min3A_1921 = vector.broadcast %min3A_1920 : f32 to vector<16xf32>
        %min3A_1922 = arith.minimumf %max3A_1919, %min3A_1921 : vector<16xf32>
        %convert_element_type3A_1923 = arith.fptosi %min3A_1922 : vector<16xf32> to vector<16xi32>
        %convert_element_type3A_1924 = arith.sitofp %convert_element_type3A_1923 : vector<16xi32> to vector<16xf32>
        %gt3A_1925 = arith.cmpf ogt, %min3A_1922, %convert_element_type3A_1924 : vector<16xf32>
        %convert_element_type3A_1926 = arith.extui %gt3A_1925 : vector<16xi1> to vector<16xi32>
        %add3A_1927 = arith.addi %convert_element_type3A_1923, %convert_element_type3A_1926 : vector<16xi32>
        %add3A_1928 = arith.constant 11088 : i32
        %add3A_1929 = vector.broadcast %add3A_1928 : i32 to vector<16xi32>
        %add3A_1930 = arith.addi %mul3A_1464, %add3A_1929 : vector<16xi32>
        %add3A_1931 = arith.addi %add3A_1930, %add3A_1927 : vector<16xi32>
        tpu.vector_store_idx %arg5[%add3A_1931], %add3A_1469 : memref<16896xf32, #tpu.memory_space<vmem>>[vector<16xi32>], vector<16xf32>,
        %get3A_1932 = arith.constant 352 : index
        %get3A_1933 = tpu.vector_load %arg4[%get3A_1932] {strides = array<i32>} : memref<512xf32, #tpu.memory_space<vmem>>, vector<16xf32>,
        %sub3A_1934 = arith.subf %gather3A_1460, %get3A_1933 : vector<16xf32>
        %add3A_1935 = arith.constant 1.550000e+01 : f32
        %add3A_1936 = vector.broadcast %add3A_1935 : f32 to vector<16xf32>
        %add3A_1937 = arith.addf %sub3A_1934, %add3A_1936 : vector<16xf32>
        %max3A_1938 = arith.constant 0.000000e+00 : f32
        %max3A_1939 = vector.broadcast %max3A_1938 : f32 to vector<16xf32>
        %max3A_1940 = arith.maximumf %add3A_1937, %max3A_1939 : vector<16xf32>
        %min3A_1941 = arith.constant 3.200000e+01 : f32
        %min3A_1942 = vector.broadcast %min3A_1941 : f32 to vector<16xf32>
        %min3A_1943 = arith.minimumf %max3A_1940, %min3A_1942 : vector<16xf32>
        %convert_element_type3A_1944 = arith.fptosi %min3A_1943 : vector<16xf32> to vector<16xi32>
        %convert_element_type3A_1945 = arith.sitofp %convert_element_type3A_1944 : vector<16xi32> to vector<16xf32>
        %gt3A_1946 = arith.cmpf ogt, %min3A_1943, %convert_element_type3A_1945 : vector<16xf32>
        %convert_element_type3A_1947 = arith.extui %gt3A_1946 : vector<16xi1> to vector<16xi32>
        %add3A_1948 = arith.addi %convert_element_type3A_1944, %convert_element_type3A_1947 : vector<16xi32>
        %add3A_1949 = arith.constant 11616 : i32
        %add3A_1950 = vector.broadcast %add3A_1949 : i32 to vector<16xi32>
        %add3A_1951 = arith.addi %mul3A_1464, %add3A_1950 : vector<16xi32>
        %add3A_1952 = arith.addi %add3A_1951, %add3A_1948 : vector<16xi32>
        tpu.vector_store_idx %arg5[%add3A_1952], %add3A_1469 : memref<16896xf32, #tpu.memory_space<vmem>>[vector<16xi32>], vector<16xf32>,
        %get3A_1953 = arith.constant 368 : index
        %get3A_1954 = tpu.vector_load %arg4[%get3A_1953] {strides = array<i32>} : memref<512xf32, #tpu.memory_space<vmem>>, vector<16xf32>,
        %sub3A_1955 = arith.subf %gather3A_1460, %get3A_1954 : vector<16xf32>
        %add3A_1956 = arith.constant 1.550000e+01 : f32
        %add3A_1957 = vector.broadcast %add3A_1956 : f32 to vector<16xf32>
        %add3A_1958 = arith.addf %sub3A_1955, %add3A_1957 : vector<16xf32>
        %max3A_1959 = arith.constant 0.000000e+00 : f32
        %max3A_1960 = vector.broadcast %max3A_1959 : f32 to vector<16xf32>
        %max3A_1961 = arith.maximumf %add3A_1958, %max3A_1960 : vector<16xf32>
        %min3A_1962 = arith.constant 3.200000e+01 : f32
        %min3A_1963 = vector.broadcast %min3A_1962 : f32 to vector<16xf32>
        %min3A_1964 = arith.minimumf %max3A_1961, %min3A_1963 : vector<16xf32>
        %convert_element_type3A_1965 = arith.fptosi %min3A_1964 : vector<16xf32> to vector<16xi32>
        %convert_element_type3A_1966 = arith.sitofp %convert_element_type3A_1965 : vector<16xi32> to vector<16xf32>
        %gt3A_1967 = arith.cmpf ogt, %min3A_1964, %convert_element_type3A_1966 : vector<16xf32>
        %convert_element_type3A_1968 = arith.extui %gt3A_1967 : vector<16xi1> to vector<16xi32>
        %add3A_1969 = arith.addi %convert_element_type3A_1965, %convert_element_type3A_1968 : vector<16xi32>
        %add3A_1970 = arith.constant 12144 : i32
        %add3A_1971 = vector.broadcast %add3A_1970 : i32 to vector<16xi32>
        %add3A_1972 = arith.addi %mul3A_1464, %add3A_1971 : vector<16xi32>
        %add3A_1973 = arith.addi %add3A_1972, %add3A_1969 : vector<16xi32>
        tpu.vector_store_idx %arg5[%add3A_1973], %add3A_1469 : memref<16896xf32, #tpu.memory_space<vmem>>[vector<16xi32>], vector<16xf32>,
        %get3A_1974 = arith.constant 384 : index
        %get3A_1975 = tpu.vector_load %arg4[%get3A_1974] {strides = array<i32>} : memref<512xf32, #tpu.memory_space<vmem>>, vector<16xf32>,
        %sub3A_1976 = arith.subf %gather3A_1460, %get3A_1975 : vector<16xf32>
        %add3A_1977 = arith.constant 1.550000e+01 : f32
        %add3A_1978 = vector.broadcast %add3A_1977 : f32 to vector<16xf32>
        %add3A_1979 = arith.addf %sub3A_1976, %add3A_1978 : vector<16xf32>
        %max3A_1980 = arith.constant 0.000000e+00 : f32
        %max3A_1981 = vector.broadcast %max3A_1980 : f32 to vector<16xf32>
        %max3A_1982 = arith.maximumf %add3A_1979, %max3A_1981 : vector<16xf32>
        %min3A_1983 = arith.constant 3.200000e+01 : f32
        %min3A_1984 = vector.broadcast %min3A_1983 : f32 to vector<16xf32>
        %min3A_1985 = arith.minimumf %max3A_1982, %min3A_1984 : vector<16xf32>
        %convert_element_type3A_1986 = arith.fptosi %min3A_1985 : vector<16xf32> to vector<16xi32>
        %convert_element_type3A_1987 = arith.sitofp %convert_element_type3A_1986 : vector<16xi32> to vector<16xf32>
        %gt3A_1988 = arith.cmpf ogt, %min3A_1985, %convert_element_type3A_1987 : vector<16xf32>
        %convert_element_type3A_1989 = arith.extui %gt3A_1988 : vector<16xi1> to vector<16xi32>
        %add3A_1990 = arith.addi %convert_element_type3A_1986, %convert_element_type3A_1989 : vector<16xi32>
        %add3A_1991 = arith.constant 12672 : i32
        %add3A_1992 = vector.broadcast %add3A_1991 : i32 to vector<16xi32>
        %add3A_1993 = arith.addi %mul3A_1464, %add3A_1992 : vector<16xi32>
        %add3A_1994 = arith.addi %add3A_1993, %add3A_1990 : vector<16xi32>
        tpu.vector_store_idx %arg5[%add3A_1994], %add3A_1469 : memref<16896xf32, #tpu.memory_space<vmem>>[vector<16xi32>], vector<16xf32>,
        %get3A_1995 = arith.constant 400 : index
        %get3A_1996 = tpu.vector_load %arg4[%get3A_1995] {strides = array<i32>} : memref<512xf32, #tpu.memory_space<vmem>>, vector<16xf32>,
        %sub3A_1997 = arith.subf %gather3A_1460, %get3A_1996 : vector<16xf32>
        %add3A_1998 = arith.constant 1.550000e+01 : f32
        %add3A_1999 = vector.broadcast %add3A_1998 : f32 to vector<16xf32>
        %add3A_2000 = arith.addf %sub3A_1997, %add3A_1999 : vector<16xf32>
        %max3A_2001 = arith.constant 0.000000e+00 : f32
        %max3A_2002 = vector.broadcast %max3A_2001 : f32 to vector<16xf32>
        %max3A_2003 = arith.maximumf %add3A_2000, %max3A_2002 : vector<16xf32>
        %min3A_2004 = arith.constant 3.200000e+01 : f32
        %min3A_2005 = vector.broadcast %min3A_2004 : f32 to vector<16xf32>
        %min3A_2006 = arith.minimumf %max3A_2003, %min3A_2005 : vector<16xf32>
        %convert_element_type3A_2007 = arith.fptosi %min3A_2006 : vector<16xf32> to vector<16xi32>
        %convert_element_type3A_2008 = arith.sitofp %convert_element_type3A_2007 : vector<16xi32> to vector<16xf32>
        %gt3A_2009 = arith.cmpf ogt, %min3A_2006, %convert_element_type3A_2008 : vector<16xf32>
        %convert_element_type3A_2010 = arith.extui %gt3A_2009 : vector<16xi1> to vector<16xi32>
        %add3A_2011 = arith.addi %convert_element_type3A_2007, %convert_element_type3A_2010 : vector<16xi32>
        %add3A_2012 = arith.constant 13200 : i32
        %add3A_2013 = vector.broadcast %add3A_2012 : i32 to vector<16xi32>
        %add3A_2014 = arith.addi %mul3A_1464, %add3A_2013 : vector<16xi32>
        %add3A_2015 = arith.addi %add3A_2014, %add3A_2011 : vector<16xi32>
        tpu.vector_store_idx %arg5[%add3A_2015], %add3A_1469 : memref<16896xf32, #tpu.memory_space<vmem>>[vector<16xi32>], vector<16xf32>,
        %get3A_2016 = arith.constant 416 : index
        %get3A_2017 = tpu.vector_load %arg4[%get3A_2016] {strides = array<i32>} : memref<512xf32, #tpu.memory_space<vmem>>, vector<16xf32>,
        %sub3A_2018 = arith.subf %gather3A_1460, %get3A_2017 : vector<16xf32>
        %add3A_2019 = arith.constant 1.550000e+01 : f32
        %add3A_2020 = vector.broadcast %add3A_2019 : f32 to vector<16xf32>
        %add3A_2021 = arith.addf %sub3A_2018, %add3A_2020 : vector<16xf32>
        %max3A_2022 = arith.constant 0.000000e+00 : f32
        %max3A_2023 = vector.broadcast %max3A_2022 : f32 to vector<16xf32>
        %max3A_2024 = arith.maximumf %add3A_2021, %max3A_2023 : vector<16xf32>
        %min3A_2025 = arith.constant 3.200000e+01 : f32
        %min3A_2026 = vector.broadcast %min3A_2025 : f32 to vector<16xf32>
        %min3A_2027 = arith.minimumf %max3A_2024, %min3A_2026 : vector<16xf32>
        %convert_element_type3A_2028 = arith.fptosi %min3A_2027 : vector<16xf32> to vector<16xi32>
        %convert_element_type3A_2029 = arith.sitofp %convert_element_type3A_2028 : vector<16xi32> to vector<16xf32>
        %gt3A_2030 = arith.cmpf ogt, %min3A_2027, %convert_element_type3A_2029 : vector<16xf32>
        %convert_element_type3A_2031 = arith.extui %gt3A_2030 : vector<16xi1> to vector<16xi32>
        %add3A_2032 = arith.addi %convert_element_type3A_2028, %convert_element_type3A_2031 : vector<16xi32>
        %add3A_2033 = arith.constant 13728 : i32
        %add3A_2034 = vector.broadcast %add3A_2033 : i32 to vector<16xi32>
        %add3A_2035 = arith.addi %mul3A_1464, %add3A_2034 : vector<16xi32>
        %add3A_2036 = arith.addi %add3A_2035, %add3A_2032 : vector<16xi32>
        tpu.vector_store_idx %arg5[%add3A_2036], %add3A_1469 : memref<16896xf32, #tpu.memory_space<vmem>>[vector<16xi32>], vector<16xf32>,
        %get3A_2037 = arith.constant 432 : index
        %get3A_2038 = tpu.vector_load %arg4[%get3A_2037] {strides = array<i32>} : memref<512xf32, #tpu.memory_space<vmem>>, vector<16xf32>,
        %sub3A_2039 = arith.subf %gather3A_1460, %get3A_2038 : vector<16xf32>
        %add3A_2040 = arith.constant 1.550000e+01 : f32
        %add3A_2041 = vector.broadcast %add3A_2040 : f32 to vector<16xf32>
        %add3A_2042 = arith.addf %sub3A_2039, %add3A_2041 : vector<16xf32>
        %max3A_2043 = arith.constant 0.000000e+00 : f32
        %max3A_2044 = vector.broadcast %max3A_2043 : f32 to vector<16xf32>
        %max3A_2045 = arith.maximumf %add3A_2042, %max3A_2044 : vector<16xf32>
        %min3A_2046 = arith.constant 3.200000e+01 : f32
        %min3A_2047 = vector.broadcast %min3A_2046 : f32 to vector<16xf32>
        %min3A_2048 = arith.minimumf %max3A_2045, %min3A_2047 : vector<16xf32>
        %convert_element_type3A_2049 = arith.fptosi %min3A_2048 : vector<16xf32> to vector<16xi32>
        %convert_element_type3A_2050 = arith.sitofp %convert_element_type3A_2049 : vector<16xi32> to vector<16xf32>
        %gt3A_2051 = arith.cmpf ogt, %min3A_2048, %convert_element_type3A_2050 : vector<16xf32>
        %convert_element_type3A_2052 = arith.extui %gt3A_2051 : vector<16xi1> to vector<16xi32>
        %add3A_2053 = arith.addi %convert_element_type3A_2049, %convert_element_type3A_2052 : vector<16xi32>
        %add3A_2054 = arith.constant 14256 : i32
        %add3A_2055 = vector.broadcast %add3A_2054 : i32 to vector<16xi32>
        %add3A_2056 = arith.addi %mul3A_1464, %add3A_2055 : vector<16xi32>
        %add3A_2057 = arith.addi %add3A_2056, %add3A_2053 : vector<16xi32>
        tpu.vector_store_idx %arg5[%add3A_2057], %add3A_1469 : memref<16896xf32, #tpu.memory_space<vmem>>[vector<16xi32>], vector<16xf32>,
        %get3A_2058 = arith.constant 448 : index
        %get3A_2059 = tpu.vector_load %arg4[%get3A_2058] {strides = array<i32>} : memref<512xf32, #tpu.memory_space<vmem>>, vector<16xf32>,
        %sub3A_2060 = arith.subf %gather3A_1460, %get3A_2059 : vector<16xf32>
        %add3A_2061 = arith.constant 1.550000e+01 : f32
        %add3A_2062 = vector.broadcast %add3A_2061 : f32 to vector<16xf32>
        %add3A_2063 = arith.addf %sub3A_2060, %add3A_2062 : vector<16xf32>
        %max3A_2064 = arith.constant 0.000000e+00 : f32
        %max3A_2065 = vector.broadcast %max3A_2064 : f32 to vector<16xf32>
        %max3A_2066 = arith.maximumf %add3A_2063, %max3A_2065 : vector<16xf32>
        %min3A_2067 = arith.constant 3.200000e+01 : f32
        %min3A_2068 = vector.broadcast %min3A_2067 : f32 to vector<16xf32>
        %min3A_2069 = arith.minimumf %max3A_2066, %min3A_2068 : vector<16xf32>
        %convert_element_type3A_2070 = arith.fptosi %min3A_2069 : vector<16xf32> to vector<16xi32>
        %convert_element_type3A_2071 = arith.sitofp %convert_element_type3A_2070 : vector<16xi32> to vector<16xf32>
        %gt3A_2072 = arith.cmpf ogt, %min3A_2069, %convert_element_type3A_2071 : vector<16xf32>
        %convert_element_type3A_2073 = arith.extui %gt3A_2072 : vector<16xi1> to vector<16xi32>
        %add3A_2074 = arith.addi %convert_element_type3A_2070, %convert_element_type3A_2073 : vector<16xi32>
        %add3A_2075 = arith.constant 14784 : i32
        %add3A_2076 = vector.broadcast %add3A_2075 : i32 to vector<16xi32>
        %add3A_2077 = arith.addi %mul3A_1464, %add3A_2076 : vector<16xi32>
        %add3A_2078 = arith.addi %add3A_2077, %add3A_2074 : vector<16xi32>
        tpu.vector_store_idx %arg5[%add3A_2078], %add3A_1469 : memref<16896xf32, #tpu.memory_space<vmem>>[vector<16xi32>], vector<16xf32>,
        %get3A_2079 = arith.constant 464 : index
        %get3A_2080 = tpu.vector_load %arg4[%get3A_2079] {strides = array<i32>} : memref<512xf32, #tpu.memory_space<vmem>>, vector<16xf32>,
        %sub3A_2081 = arith.subf %gather3A_1460, %get3A_2080 : vector<16xf32>
        %add3A_2082 = arith.constant 1.550000e+01 : f32
        %add3A_2083 = vector.broadcast %add3A_2082 : f32 to vector<16xf32>
        %add3A_2084 = arith.addf %sub3A_2081, %add3A_2083 : vector<16xf32>
        %max3A_2085 = arith.constant 0.000000e+00 : f32
        %max3A_2086 = vector.broadcast %max3A_2085 : f32 to vector<16xf32>
        %max3A_2087 = arith.maximumf %add3A_2084, %max3A_2086 : vector<16xf32>
        %min3A_2088 = arith.constant 3.200000e+01 : f32
        %min3A_2089 = vector.broadcast %min3A_2088 : f32 to vector<16xf32>
        %min3A_2090 = arith.minimumf %max3A_2087, %min3A_2089 : vector<16xf32>
        %convert_element_type3A_2091 = arith.fptosi %min3A_2090 : vector<16xf32> to vector<16xi32>
        %convert_element_type3A_2092 = arith.sitofp %convert_element_type3A_2091 : vector<16xi32> to vector<16xf32>
        %gt3A_2093 = arith.cmpf ogt, %min3A_2090, %convert_element_type3A_2092 : vector<16xf32>
        %convert_element_type3A_2094 = arith.extui %gt3A_2093 : vector<16xi1> to vector<16xi32>
        %add3A_2095 = arith.addi %convert_element_type3A_2091, %convert_element_type3A_2094 : vector<16xi32>
        %add3A_2096 = arith.constant 15312 : i32
        %add3A_2097 = vector.broadcast %add3A_2096 : i32 to vector<16xi32>
        %add3A_2098 = arith.addi %mul3A_1464, %add3A_2097 : vector<16xi32>
        %add3A_2099 = arith.addi %add3A_2098, %add3A_2095 : vector<16xi32>
        tpu.vector_store_idx %arg5[%add3A_2099], %add3A_1469 : memref<16896xf32, #tpu.memory_space<vmem>>[vector<16xi32>], vector<16xf32>,
        %get3A_2100 = arith.constant 480 : index
        %get3A_2101 = tpu.vector_load %arg4[%get3A_2100] {strides = array<i32>} : memref<512xf32, #tpu.memory_space<vmem>>, vector<16xf32>,
        %sub3A_2102 = arith.subf %gather3A_1460, %get3A_2101 : vector<16xf32>
        %add3A_2103 = arith.constant 1.550000e+01 : f32
        %add3A_2104 = vector.broadcast %add3A_2103 : f32 to vector<16xf32>
        %add3A_2105 = arith.addf %sub3A_2102, %add3A_2104 : vector<16xf32>
        %max3A_2106 = arith.constant 0.000000e+00 : f32
        %max3A_2107 = vector.broadcast %max3A_2106 : f32 to vector<16xf32>
        %max3A_2108 = arith.maximumf %add3A_2105, %max3A_2107 : vector<16xf32>
        %min3A_2109 = arith.constant 3.200000e+01 : f32
        %min3A_2110 = vector.broadcast %min3A_2109 : f32 to vector<16xf32>
        %min3A_2111 = arith.minimumf %max3A_2108, %min3A_2110 : vector<16xf32>
        %convert_element_type3A_2112 = arith.fptosi %min3A_2111 : vector<16xf32> to vector<16xi32>
        %convert_element_type3A_2113 = arith.sitofp %convert_element_type3A_2112 : vector<16xi32> to vector<16xf32>
        %gt3A_2114 = arith.cmpf ogt, %min3A_2111, %convert_element_type3A_2113 : vector<16xf32>
        %convert_element_type3A_2115 = arith.extui %gt3A_2114 : vector<16xi1> to vector<16xi32>
        %add3A_2116 = arith.addi %convert_element_type3A_2112, %convert_element_type3A_2115 : vector<16xi32>
        %add3A_2117 = arith.constant 15840 : i32
        %add3A_2118 = vector.broadcast %add3A_2117 : i32 to vector<16xi32>
        %add3A_2119 = arith.addi %mul3A_1464, %add3A_2118 : vector<16xi32>
        %add3A_2120 = arith.addi %add3A_2119, %add3A_2116 : vector<16xi32>
        tpu.vector_store_idx %arg5[%add3A_2120], %add3A_1469 : memref<16896xf32, #tpu.memory_space<vmem>>[vector<16xi32>], vector<16xf32>,
        %get3A_2121 = arith.constant 496 : index
        %get3A_2122 = tpu.vector_load %arg4[%get3A_2121] {strides = array<i32>} : memref<512xf32, #tpu.memory_space<vmem>>, vector<16xf32>,
        %sub3A_2123 = arith.subf %gather3A_1460, %get3A_2122 : vector<16xf32>
        %add3A_2124 = arith.constant 1.550000e+01 : f32
        %add3A_2125 = vector.broadcast %add3A_2124 : f32 to vector<16xf32>
        %add3A_2126 = arith.addf %sub3A_2123, %add3A_2125 : vector<16xf32>
        %max3A_2127 = arith.constant 0.000000e+00 : f32
        %max3A_2128 = vector.broadcast %max3A_2127 : f32 to vector<16xf32>
        %max3A_2129 = arith.maximumf %add3A_2126, %max3A_2128 : vector<16xf32>
        %min3A_2130 = arith.constant 3.200000e+01 : f32
        %min3A_2131 = vector.broadcast %min3A_2130 : f32 to vector<16xf32>
        %min3A_2132 = arith.minimumf %max3A_2129, %min3A_2131 : vector<16xf32>
        %convert_element_type3A_2133 = arith.fptosi %min3A_2132 : vector<16xf32> to vector<16xi32>
        %convert_element_type3A_2134 = arith.sitofp %convert_element_type3A_2133 : vector<16xi32> to vector<16xf32>
        %gt3A_2135 = arith.cmpf ogt, %min3A_2132, %convert_element_type3A_2134 : vector<16xf32>
        %convert_element_type3A_2136 = arith.extui %gt3A_2135 : vector<16xi1> to vector<16xi32>
        %add3A_2137 = arith.addi %convert_element_type3A_2133, %convert_element_type3A_2136 : vector<16xi32>
        %add3A_2138 = arith.constant 16368 : i32
        %add3A_2139 = vector.broadcast %add3A_2138 : i32 to vector<16xi32>
        %add3A_2140 = arith.addi %mul3A_1464, %add3A_2139 : vector<16xi32>
        %add3A_2141 = arith.addi %add3A_2140, %add3A_2137 : vector<16xi32>
        tpu.vector_store_idx %arg5[%add3A_2141], %add3A_1469 : memref<16896xf32, #tpu.memory_space<vmem>>[vector<16xi32>], vector<16xf32>,
      } else {
      }
      %broadcast_in_dim3A_62 = arith.constant 0 : i32
      %broadcast_in_dim3A_63 = vector.broadcast %broadcast_in_dim3A_62 : i32 to vector<16xi32>
      %add3A_64 = vector.broadcast %add3A_56 : i32 to vector<16xi32>
      %add3A_65 = arith.addi %broadcast_in_dim3A_63, %add3A_64 : vector<16xi32>
      %gather3A = tpu.vector_load_idx %arg4[%add3A_65] : memref<512xf32, #tpu.memory_space<vmem>>[vector<16xi32>], vector<16xf32>,
      %iota3A = tpu.iota {dimensions = array<i32: 0>} : vector<16xi32>
      %mul3A_66 = arith.constant 33 : i32
      %mul3A_67 = vector.broadcast %mul3A_66 : i32 to vector<16xi32>
      %mul3A_68 = arith.muli %iota3A, %mul3A_67 : vector<16xi32>
      %broadcast_in_dim3A_69 = arith.constant 0.000000e+00 : f32
      %broadcast_in_dim3A_70 = vector.broadcast %broadcast_in_dim3A_69 : f32 to vector<16xf32>
      %add3A_71 = arith.constant 1.000000e+00 : f32
      %add3A_72 = vector.broadcast %add3A_71 : f32 to vector<16xf32>
      %add3A_73 = arith.addf %broadcast_in_dim3A_70, %add3A_72 : vector<16xf32>
      %get3A = arith.constant 0 : index
      %get3A_74 = tpu.vector_load %arg4[%get3A] {strides = array<i32>} : memref<512xf32, #tpu.memory_space<vmem>>, vector<16xf32>,
      %sub3A_75 = arith.subf %gather3A, %get3A_74 : vector<16xf32>
      %add3A_76 = arith.constant 1.550000e+01 : f32
      %add3A_77 = vector.broadcast %add3A_76 : f32 to vector<16xf32>
      %add3A_78 = arith.addf %sub3A_75, %add3A_77 : vector<16xf32>
      %max3A = arith.constant 0.000000e+00 : f32
      %max3A_79 = vector.broadcast %max3A : f32 to vector<16xf32>
      %max3A_80 = arith.maximumf %add3A_78, %max3A_79 : vector<16xf32>
      %min3A = arith.constant 3.200000e+01 : f32
      %min3A_81 = vector.broadcast %min3A : f32 to vector<16xf32>
      %min3A_82 = arith.minimumf %max3A_80, %min3A_81 : vector<16xf32>
      %convert_element_type3A_83 = arith.fptosi %min3A_82 : vector<16xf32> to vector<16xi32>
      %convert_element_type3A_84 = arith.sitofp %convert_element_type3A_83 : vector<16xi32> to vector<16xf32>
      %gt3A = arith.cmpf ogt, %min3A_82, %convert_element_type3A_84 : vector<16xf32>
      %convert_element_type3A_85 = arith.extui %gt3A : vector<16xi1> to vector<16xi32>
      %add3A_86 = arith.addi %convert_element_type3A_83, %convert_element_type3A_85 : vector<16xi32>
      %add3A_87 = arith.constant 0 : i32
      %add3A_88 = vector.broadcast %add3A_87 : i32 to vector<16xi32>
      %add3A_89 = arith.addi %mul3A_68, %add3A_88 : vector<16xi32>
      %add3A_90 = arith.addi %add3A_89, %add3A_86 : vector<16xi32>
      tpu.vector_store_idx %arg5[%add3A_90], %add3A_73 : memref<16896xf32, #tpu.memory_space<vmem>>[vector<16xi32>], vector<16xf32>,
      %get3A_91 = arith.constant 16 : index
      %get3A_92 = tpu.vector_load %arg4[%get3A_91] {strides = array<i32>} : memref<512xf32, #tpu.memory_space<vmem>>, vector<16xf32>,
      %sub3A_93 = arith.subf %gather3A, %get3A_92 : vector<16xf32>
      %add3A_94 = arith.constant 1.550000e+01 : f32
      %add3A_95 = vector.broadcast %add3A_94 : f32 to vector<16xf32>
      %add3A_96 = arith.addf %sub3A_93, %add3A_95 : vector<16xf32>
      %max3A_97 = arith.constant 0.000000e+00 : f32
      %max3A_98 = vector.broadcast %max3A_97 : f32 to vector<16xf32>
      %max3A_99 = arith.maximumf %add3A_96, %max3A_98 : vector<16xf32>
      %min3A_100 = arith.constant 3.200000e+01 : f32
      %min3A_101 = vector.broadcast %min3A_100 : f32 to vector<16xf32>
      %min3A_102 = arith.minimumf %max3A_99, %min3A_101 : vector<16xf32>
      %convert_element_type3A_103 = arith.fptosi %min3A_102 : vector<16xf32> to vector<16xi32>
      %convert_element_type3A_104 = arith.sitofp %convert_element_type3A_103 : vector<16xi32> to vector<16xf32>
      %gt3A_105 = arith.cmpf ogt, %min3A_102, %convert_element_type3A_104 : vector<16xf32>
      %convert_element_type3A_106 = arith.extui %gt3A_105 : vector<16xi1> to vector<16xi32>
      %add3A_107 = arith.addi %convert_element_type3A_103, %convert_element_type3A_106 : vector<16xi32>
      %add3A_108 = arith.constant 528 : i32
      %add3A_109 = vector.broadcast %add3A_108 : i32 to vector<16xi32>
      %add3A_110 = arith.addi %mul3A_68, %add3A_109 : vector<16xi32>
      %add3A_111 = arith.addi %add3A_110, %add3A_107 : vector<16xi32>
      tpu.vector_store_idx %arg5[%add3A_111], %add3A_73 : memref<16896xf32, #tpu.memory_space<vmem>>[vector<16xi32>], vector<16xf32>,
      %get3A_112 = arith.constant 32 : index
      %get3A_113 = tpu.vector_load %arg4[%get3A_112] {strides = array<i32>} : memref<512xf32, #tpu.memory_space<vmem>>, vector<16xf32>,
      %sub3A_114 = arith.subf %gather3A, %get3A_113 : vector<16xf32>
      %add3A_115 = arith.constant 1.550000e+01 : f32
      %add3A_116 = vector.broadcast %add3A_115 : f32 to vector<16xf32>
      %add3A_117 = arith.addf %sub3A_114, %add3A_116 : vector<16xf32>
      %max3A_118 = arith.constant 0.000000e+00 : f32
      %max3A_119 = vector.broadcast %max3A_118 : f32 to vector<16xf32>
      %max3A_120 = arith.maximumf %add3A_117, %max3A_119 : vector<16xf32>
      %min3A_121 = arith.constant 3.200000e+01 : f32
      %min3A_122 = vector.broadcast %min3A_121 : f32 to vector<16xf32>
      %min3A_123 = arith.minimumf %max3A_120, %min3A_122 : vector<16xf32>
      %convert_element_type3A_124 = arith.fptosi %min3A_123 : vector<16xf32> to vector<16xi32>
      %convert_element_type3A_125 = arith.sitofp %convert_element_type3A_124 : vector<16xi32> to vector<16xf32>
      %gt3A_126 = arith.cmpf ogt, %min3A_123, %convert_element_type3A_125 : vector<16xf32>
      %convert_element_type3A_127 = arith.extui %gt3A_126 : vector<16xi1> to vector<16xi32>
      %add3A_128 = arith.addi %convert_element_type3A_124, %convert_element_type3A_127 : vector<16xi32>
      %add3A_129 = arith.constant 1056 : i32
      %add3A_130 = vector.broadcast %add3A_129 : i32 to vector<16xi32>
      %add3A_131 = arith.addi %mul3A_68, %add3A_130 : vector<16xi32>
      %add3A_132 = arith.addi %add3A_131, %add3A_128 : vector<16xi32>
      tpu.vector_store_idx %arg5[%add3A_132], %add3A_73 : memref<16896xf32, #tpu.memory_space<vmem>>[vector<16xi32>], vector<16xf32>,
      %get3A_133 = arith.constant 48 : index
      %get3A_134 = tpu.vector_load %arg4[%get3A_133] {strides = array<i32>} : memref<512xf32, #tpu.memory_space<vmem>>, vector<16xf32>,
      %sub3A_135 = arith.subf %gather3A, %get3A_134 : vector<16xf32>
      %add3A_136 = arith.constant 1.550000e+01 : f32
      %add3A_137 = vector.broadcast %add3A_136 : f32 to vector<16xf32>
      %add3A_138 = arith.addf %sub3A_135, %add3A_137 : vector<16xf32>
      %max3A_139 = arith.constant 0.000000e+00 : f32
      %max3A_140 = vector.broadcast %max3A_139 : f32 to vector<16xf32>
      %max3A_141 = arith.maximumf %add3A_138, %max3A_140 : vector<16xf32>
      %min3A_142 = arith.constant 3.200000e+01 : f32
      %min3A_143 = vector.broadcast %min3A_142 : f32 to vector<16xf32>
      %min3A_144 = arith.minimumf %max3A_141, %min3A_143 : vector<16xf32>
      %convert_element_type3A_145 = arith.fptosi %min3A_144 : vector<16xf32> to vector<16xi32>
      %convert_element_type3A_146 = arith.sitofp %convert_element_type3A_145 : vector<16xi32> to vector<16xf32>
      %gt3A_147 = arith.cmpf ogt, %min3A_144, %convert_element_type3A_146 : vector<16xf32>
      %convert_element_type3A_148 = arith.extui %gt3A_147 : vector<16xi1> to vector<16xi32>
      %add3A_149 = arith.addi %convert_element_type3A_145, %convert_element_type3A_148 : vector<16xi32>
      %add3A_150 = arith.constant 1584 : i32
      %add3A_151 = vector.broadcast %add3A_150 : i32 to vector<16xi32>
      %add3A_152 = arith.addi %mul3A_68, %add3A_151 : vector<16xi32>
      %add3A_153 = arith.addi %add3A_152, %add3A_149 : vector<16xi32>
      tpu.vector_store_idx %arg5[%add3A_153], %add3A_73 : memref<16896xf32, #tpu.memory_space<vmem>>[vector<16xi32>], vector<16xf32>,
      %get3A_154 = arith.constant 64 : index
      %get3A_155 = tpu.vector_load %arg4[%get3A_154] {strides = array<i32>} : memref<512xf32, #tpu.memory_space<vmem>>, vector<16xf32>,
      %sub3A_156 = arith.subf %gather3A, %get3A_155 : vector<16xf32>
      %add3A_157 = arith.constant 1.550000e+01 : f32
      %add3A_158 = vector.broadcast %add3A_157 : f32 to vector<16xf32>
      %add3A_159 = arith.addf %sub3A_156, %add3A_158 : vector<16xf32>
      %max3A_160 = arith.constant 0.000000e+00 : f32
      %max3A_161 = vector.broadcast %max3A_160 : f32 to vector<16xf32>
      %max3A_162 = arith.maximumf %add3A_159, %max3A_161 : vector<16xf32>
      %min3A_163 = arith.constant 3.200000e+01 : f32
      %min3A_164 = vector.broadcast %min3A_163 : f32 to vector<16xf32>
      %min3A_165 = arith.minimumf %max3A_162, %min3A_164 : vector<16xf32>
      %convert_element_type3A_166 = arith.fptosi %min3A_165 : vector<16xf32> to vector<16xi32>
      %convert_element_type3A_167 = arith.sitofp %convert_element_type3A_166 : vector<16xi32> to vector<16xf32>
      %gt3A_168 = arith.cmpf ogt, %min3A_165, %convert_element_type3A_167 : vector<16xf32>
      %convert_element_type3A_169 = arith.extui %gt3A_168 : vector<16xi1> to vector<16xi32>
      %add3A_170 = arith.addi %convert_element_type3A_166, %convert_element_type3A_169 : vector<16xi32>
      %add3A_171 = arith.constant 2112 : i32
      %add3A_172 = vector.broadcast %add3A_171 : i32 to vector<16xi32>
      %add3A_173 = arith.addi %mul3A_68, %add3A_172 : vector<16xi32>
      %add3A_174 = arith.addi %add3A_173, %add3A_170 : vector<16xi32>
      tpu.vector_store_idx %arg5[%add3A_174], %add3A_73 : memref<16896xf32, #tpu.memory_space<vmem>>[vector<16xi32>], vector<16xf32>,
      %get3A_175 = arith.constant 80 : index
      %get3A_176 = tpu.vector_load %arg4[%get3A_175] {strides = array<i32>} : memref<512xf32, #tpu.memory_space<vmem>>, vector<16xf32>,
      %sub3A_177 = arith.subf %gather3A, %get3A_176 : vector<16xf32>
      %add3A_178 = arith.constant 1.550000e+01 : f32
      %add3A_179 = vector.broadcast %add3A_178 : f32 to vector<16xf32>
      %add3A_180 = arith.addf %sub3A_177, %add3A_179 : vector<16xf32>
      %max3A_181 = arith.constant 0.000000e+00 : f32
      %max3A_182 = vector.broadcast %max3A_181 : f32 to vector<16xf32>
      %max3A_183 = arith.maximumf %add3A_180, %max3A_182 : vector<16xf32>
      %min3A_184 = arith.constant 3.200000e+01 : f32
      %min3A_185 = vector.broadcast %min3A_184 : f32 to vector<16xf32>
      %min3A_186 = arith.minimumf %max3A_183, %min3A_185 : vector<16xf32>
      %convert_element_type3A_187 = arith.fptosi %min3A_186 : vector<16xf32> to vector<16xi32>
      %convert_element_type3A_188 = arith.sitofp %convert_element_type3A_187 : vector<16xi32> to vector<16xf32>
      %gt3A_189 = arith.cmpf ogt, %min3A_186, %convert_element_type3A_188 : vector<16xf32>
      %convert_element_type3A_190 = arith.extui %gt3A_189 : vector<16xi1> to vector<16xi32>
      %add3A_191 = arith.addi %convert_element_type3A_187, %convert_element_type3A_190 : vector<16xi32>
      %add3A_192 = arith.constant 2640 : i32
      %add3A_193 = vector.broadcast %add3A_192 : i32 to vector<16xi32>
      %add3A_194 = arith.addi %mul3A_68, %add3A_193 : vector<16xi32>
      %add3A_195 = arith.addi %add3A_194, %add3A_191 : vector<16xi32>
      tpu.vector_store_idx %arg5[%add3A_195], %add3A_73 : memref<16896xf32, #tpu.memory_space<vmem>>[vector<16xi32>], vector<16xf32>,
      %get3A_196 = arith.constant 96 : index
      %get3A_197 = tpu.vector_load %arg4[%get3A_196] {strides = array<i32>} : memref<512xf32, #tpu.memory_space<vmem>>, vector<16xf32>,
      %sub3A_198 = arith.subf %gather3A, %get3A_197 : vector<16xf32>
      %add3A_199 = arith.constant 1.550000e+01 : f32
      %add3A_200 = vector.broadcast %add3A_199 : f32 to vector<16xf32>
      %add3A_201 = arith.addf %sub3A_198, %add3A_200 : vector<16xf32>
      %max3A_202 = arith.constant 0.000000e+00 : f32
      %max3A_203 = vector.broadcast %max3A_202 : f32 to vector<16xf32>
      %max3A_204 = arith.maximumf %add3A_201, %max3A_203 : vector<16xf32>
      %min3A_205 = arith.constant 3.200000e+01 : f32
      %min3A_206 = vector.broadcast %min3A_205 : f32 to vector<16xf32>
      %min3A_207 = arith.minimumf %max3A_204, %min3A_206 : vector<16xf32>
      %convert_element_type3A_208 = arith.fptosi %min3A_207 : vector<16xf32> to vector<16xi32>
      %convert_element_type3A_209 = arith.sitofp %convert_element_type3A_208 : vector<16xi32> to vector<16xf32>
      %gt3A_210 = arith.cmpf ogt, %min3A_207, %convert_element_type3A_209 : vector<16xf32>
      %convert_element_type3A_211 = arith.extui %gt3A_210 : vector<16xi1> to vector<16xi32>
      %add3A_212 = arith.addi %convert_element_type3A_208, %convert_element_type3A_211 : vector<16xi32>
      %add3A_213 = arith.constant 3168 : i32
      %add3A_214 = vector.broadcast %add3A_213 : i32 to vector<16xi32>
      %add3A_215 = arith.addi %mul3A_68, %add3A_214 : vector<16xi32>
      %add3A_216 = arith.addi %add3A_215, %add3A_212 : vector<16xi32>
      tpu.vector_store_idx %arg5[%add3A_216], %add3A_73 : memref<16896xf32, #tpu.memory_space<vmem>>[vector<16xi32>], vector<16xf32>,
      %get3A_217 = arith.constant 112 : index
      %get3A_218 = tpu.vector_load %arg4[%get3A_217] {strides = array<i32>} : memref<512xf32, #tpu.memory_space<vmem>>, vector<16xf32>,
      %sub3A_219 = arith.subf %gather3A, %get3A_218 : vector<16xf32>
      %add3A_220 = arith.constant 1.550000e+01 : f32
      %add3A_221 = vector.broadcast %add3A_220 : f32 to vector<16xf32>
      %add3A_222 = arith.addf %sub3A_219, %add3A_221 : vector<16xf32>
      %max3A_223 = arith.constant 0.000000e+00 : f32
      %max3A_224 = vector.broadcast %max3A_223 : f32 to vector<16xf32>
      %max3A_225 = arith.maximumf %add3A_222, %max3A_224 : vector<16xf32>
      %min3A_226 = arith.constant 3.200000e+01 : f32
      %min3A_227 = vector.broadcast %min3A_226 : f32 to vector<16xf32>
      %min3A_228 = arith.minimumf %max3A_225, %min3A_227 : vector<16xf32>
      %convert_element_type3A_229 = arith.fptosi %min3A_228 : vector<16xf32> to vector<16xi32>
      %convert_element_type3A_230 = arith.sitofp %convert_element_type3A_229 : vector<16xi32> to vector<16xf32>
      %gt3A_231 = arith.cmpf ogt, %min3A_228, %convert_element_type3A_230 : vector<16xf32>
      %convert_element_type3A_232 = arith.extui %gt3A_231 : vector<16xi1> to vector<16xi32>
      %add3A_233 = arith.addi %convert_element_type3A_229, %convert_element_type3A_232 : vector<16xi32>
      %add3A_234 = arith.constant 3696 : i32
      %add3A_235 = vector.broadcast %add3A_234 : i32 to vector<16xi32>
      %add3A_236 = arith.addi %mul3A_68, %add3A_235 : vector<16xi32>
      %add3A_237 = arith.addi %add3A_236, %add3A_233 : vector<16xi32>
      tpu.vector_store_idx %arg5[%add3A_237], %add3A_73 : memref<16896xf32, #tpu.memory_space<vmem>>[vector<16xi32>], vector<16xf32>,
      %get3A_238 = arith.constant 128 : index
      %get3A_239 = tpu.vector_load %arg4[%get3A_238] {strides = array<i32>} : memref<512xf32, #tpu.memory_space<vmem>>, vector<16xf32>,
      %sub3A_240 = arith.subf %gather3A, %get3A_239 : vector<16xf32>
      %add3A_241 = arith.constant 1.550000e+01 : f32
      %add3A_242 = vector.broadcast %add3A_241 : f32 to vector<16xf32>
      %add3A_243 = arith.addf %sub3A_240, %add3A_242 : vector<16xf32>
      %max3A_244 = arith.constant 0.000000e+00 : f32
      %max3A_245 = vector.broadcast %max3A_244 : f32 to vector<16xf32>
      %max3A_246 = arith.maximumf %add3A_243, %max3A_245 : vector<16xf32>
      %min3A_247 = arith.constant 3.200000e+01 : f32
      %min3A_248 = vector.broadcast %min3A_247 : f32 to vector<16xf32>
      %min3A_249 = arith.minimumf %max3A_246, %min3A_248 : vector<16xf32>
      %convert_element_type3A_250 = arith.fptosi %min3A_249 : vector<16xf32> to vector<16xi32>
      %convert_element_type3A_251 = arith.sitofp %convert_element_type3A_250 : vector<16xi32> to vector<16xf32>
      %gt3A_252 = arith.cmpf ogt, %min3A_249, %convert_element_type3A_251 : vector<16xf32>
      %convert_element_type3A_253 = arith.extui %gt3A_252 : vector<16xi1> to vector<16xi32>
      %add3A_254 = arith.addi %convert_element_type3A_250, %convert_element_type3A_253 : vector<16xi32>
      %add3A_255 = arith.constant 4224 : i32
      %add3A_256 = vector.broadcast %add3A_255 : i32 to vector<16xi32>
      %add3A_257 = arith.addi %mul3A_68, %add3A_256 : vector<16xi32>
      %add3A_258 = arith.addi %add3A_257, %add3A_254 : vector<16xi32>
      tpu.vector_store_idx %arg5[%add3A_258], %add3A_73 : memref<16896xf32, #tpu.memory_space<vmem>>[vector<16xi32>], vector<16xf32>,
      %get3A_259 = arith.constant 144 : index
      %get3A_260 = tpu.vector_load %arg4[%get3A_259] {strides = array<i32>} : memref<512xf32, #tpu.memory_space<vmem>>, vector<16xf32>,
      %sub3A_261 = arith.subf %gather3A, %get3A_260 : vector<16xf32>
      %add3A_262 = arith.constant 1.550000e+01 : f32
      %add3A_263 = vector.broadcast %add3A_262 : f32 to vector<16xf32>
      %add3A_264 = arith.addf %sub3A_261, %add3A_263 : vector<16xf32>
      %max3A_265 = arith.constant 0.000000e+00 : f32
      %max3A_266 = vector.broadcast %max3A_265 : f32 to vector<16xf32>
      %max3A_267 = arith.maximumf %add3A_264, %max3A_266 : vector<16xf32>
      %min3A_268 = arith.constant 3.200000e+01 : f32
      %min3A_269 = vector.broadcast %min3A_268 : f32 to vector<16xf32>
      %min3A_270 = arith.minimumf %max3A_267, %min3A_269 : vector<16xf32>
      %convert_element_type3A_271 = arith.fptosi %min3A_270 : vector<16xf32> to vector<16xi32>
      %convert_element_type3A_272 = arith.sitofp %convert_element_type3A_271 : vector<16xi32> to vector<16xf32>
      %gt3A_273 = arith.cmpf ogt, %min3A_270, %convert_element_type3A_272 : vector<16xf32>
      %convert_element_type3A_274 = arith.extui %gt3A_273 : vector<16xi1> to vector<16xi32>
      %add3A_275 = arith.addi %convert_element_type3A_271, %convert_element_type3A_274 : vector<16xi32>
      %add3A_276 = arith.constant 4752 : i32
      %add3A_277 = vector.broadcast %add3A_276 : i32 to vector<16xi32>
      %add3A_278 = arith.addi %mul3A_68, %add3A_277 : vector<16xi32>
      %add3A_279 = arith.addi %add3A_278, %add3A_275 : vector<16xi32>
      tpu.vector_store_idx %arg5[%add3A_279], %add3A_73 : memref<16896xf32, #tpu.memory_space<vmem>>[vector<16xi32>], vector<16xf32>,
      %get3A_280 = arith.constant 160 : index
      %get3A_281 = tpu.vector_load %arg4[%get3A_280] {strides = array<i32>} : memref<512xf32, #tpu.memory_space<vmem>>, vector<16xf32>,
      %sub3A_282 = arith.subf %gather3A, %get3A_281 : vector<16xf32>
      %add3A_283 = arith.constant 1.550000e+01 : f32
      %add3A_284 = vector.broadcast %add3A_283 : f32 to vector<16xf32>
      %add3A_285 = arith.addf %sub3A_282, %add3A_284 : vector<16xf32>
      %max3A_286 = arith.constant 0.000000e+00 : f32
      %max3A_287 = vector.broadcast %max3A_286 : f32 to vector<16xf32>
      %max3A_288 = arith.maximumf %add3A_285, %max3A_287 : vector<16xf32>
      %min3A_289 = arith.constant 3.200000e+01 : f32
      %min3A_290 = vector.broadcast %min3A_289 : f32 to vector<16xf32>
      %min3A_291 = arith.minimumf %max3A_288, %min3A_290 : vector<16xf32>
      %convert_element_type3A_292 = arith.fptosi %min3A_291 : vector<16xf32> to vector<16xi32>
      %convert_element_type3A_293 = arith.sitofp %convert_element_type3A_292 : vector<16xi32> to vector<16xf32>
      %gt3A_294 = arith.cmpf ogt, %min3A_291, %convert_element_type3A_293 : vector<16xf32>
      %convert_element_type3A_295 = arith.extui %gt3A_294 : vector<16xi1> to vector<16xi32>
      %add3A_296 = arith.addi %convert_element_type3A_292, %convert_element_type3A_295 : vector<16xi32>
      %add3A_297 = arith.constant 5280 : i32
      %add3A_298 = vector.broadcast %add3A_297 : i32 to vector<16xi32>
      %add3A_299 = arith.addi %mul3A_68, %add3A_298 : vector<16xi32>
      %add3A_300 = arith.addi %add3A_299, %add3A_296 : vector<16xi32>
      tpu.vector_store_idx %arg5[%add3A_300], %add3A_73 : memref<16896xf32, #tpu.memory_space<vmem>>[vector<16xi32>], vector<16xf32>,
      %get3A_301 = arith.constant 176 : index
      %get3A_302 = tpu.vector_load %arg4[%get3A_301] {strides = array<i32>} : memref<512xf32, #tpu.memory_space<vmem>>, vector<16xf32>,
      %sub3A_303 = arith.subf %gather3A, %get3A_302 : vector<16xf32>
      %add3A_304 = arith.constant 1.550000e+01 : f32
      %add3A_305 = vector.broadcast %add3A_304 : f32 to vector<16xf32>
      %add3A_306 = arith.addf %sub3A_303, %add3A_305 : vector<16xf32>
      %max3A_307 = arith.constant 0.000000e+00 : f32
      %max3A_308 = vector.broadcast %max3A_307 : f32 to vector<16xf32>
      %max3A_309 = arith.maximumf %add3A_306, %max3A_308 : vector<16xf32>
      %min3A_310 = arith.constant 3.200000e+01 : f32
      %min3A_311 = vector.broadcast %min3A_310 : f32 to vector<16xf32>
      %min3A_312 = arith.minimumf %max3A_309, %min3A_311 : vector<16xf32>
      %convert_element_type3A_313 = arith.fptosi %min3A_312 : vector<16xf32> to vector<16xi32>
      %convert_element_type3A_314 = arith.sitofp %convert_element_type3A_313 : vector<16xi32> to vector<16xf32>
      %gt3A_315 = arith.cmpf ogt, %min3A_312, %convert_element_type3A_314 : vector<16xf32>
      %convert_element_type3A_316 = arith.extui %gt3A_315 : vector<16xi1> to vector<16xi32>
      %add3A_317 = arith.addi %convert_element_type3A_313, %convert_element_type3A_316 : vector<16xi32>
      %add3A_318 = arith.constant 5808 : i32
      %add3A_319 = vector.broadcast %add3A_318 : i32 to vector<16xi32>
      %add3A_320 = arith.addi %mul3A_68, %add3A_319 : vector<16xi32>
      %add3A_321 = arith.addi %add3A_320, %add3A_317 : vector<16xi32>
      tpu.vector_store_idx %arg5[%add3A_321], %add3A_73 : memref<16896xf32, #tpu.memory_space<vmem>>[vector<16xi32>], vector<16xf32>,
      %get3A_322 = arith.constant 192 : index
      %get3A_323 = tpu.vector_load %arg4[%get3A_322] {strides = array<i32>} : memref<512xf32, #tpu.memory_space<vmem>>, vector<16xf32>,
      %sub3A_324 = arith.subf %gather3A, %get3A_323 : vector<16xf32>
      %add3A_325 = arith.constant 1.550000e+01 : f32
      %add3A_326 = vector.broadcast %add3A_325 : f32 to vector<16xf32>
      %add3A_327 = arith.addf %sub3A_324, %add3A_326 : vector<16xf32>
      %max3A_328 = arith.constant 0.000000e+00 : f32
      %max3A_329 = vector.broadcast %max3A_328 : f32 to vector<16xf32>
      %max3A_330 = arith.maximumf %add3A_327, %max3A_329 : vector<16xf32>
      %min3A_331 = arith.constant 3.200000e+01 : f32
      %min3A_332 = vector.broadcast %min3A_331 : f32 to vector<16xf32>
      %min3A_333 = arith.minimumf %max3A_330, %min3A_332 : vector<16xf32>
      %convert_element_type3A_334 = arith.fptosi %min3A_333 : vector<16xf32> to vector<16xi32>
      %convert_element_type3A_335 = arith.sitofp %convert_element_type3A_334 : vector<16xi32> to vector<16xf32>
      %gt3A_336 = arith.cmpf ogt, %min3A_333, %convert_element_type3A_335 : vector<16xf32>
      %convert_element_type3A_337 = arith.extui %gt3A_336 : vector<16xi1> to vector<16xi32>
      %add3A_338 = arith.addi %convert_element_type3A_334, %convert_element_type3A_337 : vector<16xi32>
      %add3A_339 = arith.constant 6336 : i32
      %add3A_340 = vector.broadcast %add3A_339 : i32 to vector<16xi32>
      %add3A_341 = arith.addi %mul3A_68, %add3A_340 : vector<16xi32>
      %add3A_342 = arith.addi %add3A_341, %add3A_338 : vector<16xi32>
      tpu.vector_store_idx %arg5[%add3A_342], %add3A_73 : memref<16896xf32, #tpu.memory_space<vmem>>[vector<16xi32>], vector<16xf32>,
      %get3A_343 = arith.constant 208 : index
      %get3A_344 = tpu.vector_load %arg4[%get3A_343] {strides = array<i32>} : memref<512xf32, #tpu.memory_space<vmem>>, vector<16xf32>,
      %sub3A_345 = arith.subf %gather3A, %get3A_344 : vector<16xf32>
      %add3A_346 = arith.constant 1.550000e+01 : f32
      %add3A_347 = vector.broadcast %add3A_346 : f32 to vector<16xf32>
      %add3A_348 = arith.addf %sub3A_345, %add3A_347 : vector<16xf32>
      %max3A_349 = arith.constant 0.000000e+00 : f32
      %max3A_350 = vector.broadcast %max3A_349 : f32 to vector<16xf32>
      %max3A_351 = arith.maximumf %add3A_348, %max3A_350 : vector<16xf32>
      %min3A_352 = arith.constant 3.200000e+01 : f32
      %min3A_353 = vector.broadcast %min3A_352 : f32 to vector<16xf32>
      %min3A_354 = arith.minimumf %max3A_351, %min3A_353 : vector<16xf32>
      %convert_element_type3A_355 = arith.fptosi %min3A_354 : vector<16xf32> to vector<16xi32>
      %convert_element_type3A_356 = arith.sitofp %convert_element_type3A_355 : vector<16xi32> to vector<16xf32>
      %gt3A_357 = arith.cmpf ogt, %min3A_354, %convert_element_type3A_356 : vector<16xf32>
      %convert_element_type3A_358 = arith.extui %gt3A_357 : vector<16xi1> to vector<16xi32>
      %add3A_359 = arith.addi %convert_element_type3A_355, %convert_element_type3A_358 : vector<16xi32>
      %add3A_360 = arith.constant 6864 : i32
      %add3A_361 = vector.broadcast %add3A_360 : i32 to vector<16xi32>
      %add3A_362 = arith.addi %mul3A_68, %add3A_361 : vector<16xi32>
      %add3A_363 = arith.addi %add3A_362, %add3A_359 : vector<16xi32>
      tpu.vector_store_idx %arg5[%add3A_363], %add3A_73 : memref<16896xf32, #tpu.memory_space<vmem>>[vector<16xi32>], vector<16xf32>,
      %get3A_364 = arith.constant 224 : index
      %get3A_365 = tpu.vector_load %arg4[%get3A_364] {strides = array<i32>} : memref<512xf32, #tpu.memory_space<vmem>>, vector<16xf32>,
      %sub3A_366 = arith.subf %gather3A, %get3A_365 : vector<16xf32>
      %add3A_367 = arith.constant 1.550000e+01 : f32
      %add3A_368 = vector.broadcast %add3A_367 : f32 to vector<16xf32>
      %add3A_369 = arith.addf %sub3A_366, %add3A_368 : vector<16xf32>
      %max3A_370 = arith.constant 0.000000e+00 : f32
      %max3A_371 = vector.broadcast %max3A_370 : f32 to vector<16xf32>
      %max3A_372 = arith.maximumf %add3A_369, %max3A_371 : vector<16xf32>
      %min3A_373 = arith.constant 3.200000e+01 : f32
      %min3A_374 = vector.broadcast %min3A_373 : f32 to vector<16xf32>
      %min3A_375 = arith.minimumf %max3A_372, %min3A_374 : vector<16xf32>
      %convert_element_type3A_376 = arith.fptosi %min3A_375 : vector<16xf32> to vector<16xi32>
      %convert_element_type3A_377 = arith.sitofp %convert_element_type3A_376 : vector<16xi32> to vector<16xf32>
      %gt3A_378 = arith.cmpf ogt, %min3A_375, %convert_element_type3A_377 : vector<16xf32>
      %convert_element_type3A_379 = arith.extui %gt3A_378 : vector<16xi1> to vector<16xi32>
      %add3A_380 = arith.addi %convert_element_type3A_376, %convert_element_type3A_379 : vector<16xi32>
      %add3A_381 = arith.constant 7392 : i32
      %add3A_382 = vector.broadcast %add3A_381 : i32 to vector<16xi32>
      %add3A_383 = arith.addi %mul3A_68, %add3A_382 : vector<16xi32>
      %add3A_384 = arith.addi %add3A_383, %add3A_380 : vector<16xi32>
      tpu.vector_store_idx %arg5[%add3A_384], %add3A_73 : memref<16896xf32, #tpu.memory_space<vmem>>[vector<16xi32>], vector<16xf32>,
      %get3A_385 = arith.constant 240 : index
      %get3A_386 = tpu.vector_load %arg4[%get3A_385] {strides = array<i32>} : memref<512xf32, #tpu.memory_space<vmem>>, vector<16xf32>,
      %sub3A_387 = arith.subf %gather3A, %get3A_386 : vector<16xf32>
      %add3A_388 = arith.constant 1.550000e+01 : f32
      %add3A_389 = vector.broadcast %add3A_388 : f32 to vector<16xf32>
      %add3A_390 = arith.addf %sub3A_387, %add3A_389 : vector<16xf32>
      %max3A_391 = arith.constant 0.000000e+00 : f32
      %max3A_392 = vector.broadcast %max3A_391 : f32 to vector<16xf32>
      %max3A_393 = arith.maximumf %add3A_390, %max3A_392 : vector<16xf32>
      %min3A_394 = arith.constant 3.200000e+01 : f32
      %min3A_395 = vector.broadcast %min3A_394 : f32 to vector<16xf32>
      %min3A_396 = arith.minimumf %max3A_393, %min3A_395 : vector<16xf32>
      %convert_element_type3A_397 = arith.fptosi %min3A_396 : vector<16xf32> to vector<16xi32>
      %convert_element_type3A_398 = arith.sitofp %convert_element_type3A_397 : vector<16xi32> to vector<16xf32>
      %gt3A_399 = arith.cmpf ogt, %min3A_396, %convert_element_type3A_398 : vector<16xf32>
      %convert_element_type3A_400 = arith.extui %gt3A_399 : vector<16xi1> to vector<16xi32>
      %add3A_401 = arith.addi %convert_element_type3A_397, %convert_element_type3A_400 : vector<16xi32>
      %add3A_402 = arith.constant 7920 : i32
      %add3A_403 = vector.broadcast %add3A_402 : i32 to vector<16xi32>
      %add3A_404 = arith.addi %mul3A_68, %add3A_403 : vector<16xi32>
      %add3A_405 = arith.addi %add3A_404, %add3A_401 : vector<16xi32>
      tpu.vector_store_idx %arg5[%add3A_405], %add3A_73 : memref<16896xf32, #tpu.memory_space<vmem>>[vector<16xi32>], vector<16xf32>,
      %get3A_406 = arith.constant 256 : index
      %get3A_407 = tpu.vector_load %arg4[%get3A_406] {strides = array<i32>} : memref<512xf32, #tpu.memory_space<vmem>>, vector<16xf32>,
      %sub3A_408 = arith.subf %gather3A, %get3A_407 : vector<16xf32>
      %add3A_409 = arith.constant 1.550000e+01 : f32
      %add3A_410 = vector.broadcast %add3A_409 : f32 to vector<16xf32>
      %add3A_411 = arith.addf %sub3A_408, %add3A_410 : vector<16xf32>
      %max3A_412 = arith.constant 0.000000e+00 : f32
      %max3A_413 = vector.broadcast %max3A_412 : f32 to vector<16xf32>
      %max3A_414 = arith.maximumf %add3A_411, %max3A_413 : vector<16xf32>
      %min3A_415 = arith.constant 3.200000e+01 : f32
      %min3A_416 = vector.broadcast %min3A_415 : f32 to vector<16xf32>
      %min3A_417 = arith.minimumf %max3A_414, %min3A_416 : vector<16xf32>
      %convert_element_type3A_418 = arith.fptosi %min3A_417 : vector<16xf32> to vector<16xi32>
      %convert_element_type3A_419 = arith.sitofp %convert_element_type3A_418 : vector<16xi32> to vector<16xf32>
      %gt3A_420 = arith.cmpf ogt, %min3A_417, %convert_element_type3A_419 : vector<16xf32>
      %convert_element_type3A_421 = arith.extui %gt3A_420 : vector<16xi1> to vector<16xi32>
      %add3A_422 = arith.addi %convert_element_type3A_418, %convert_element_type3A_421 : vector<16xi32>
      %add3A_423 = arith.constant 8448 : i32
      %add3A_424 = vector.broadcast %add3A_423 : i32 to vector<16xi32>
      %add3A_425 = arith.addi %mul3A_68, %add3A_424 : vector<16xi32>
      %add3A_426 = arith.addi %add3A_425, %add3A_422 : vector<16xi32>
      tpu.vector_store_idx %arg5[%add3A_426], %add3A_73 : memref<16896xf32, #tpu.memory_space<vmem>>[vector<16xi32>], vector<16xf32>,
      %get3A_427 = arith.constant 272 : index
      %get3A_428 = tpu.vector_load %arg4[%get3A_427] {strides = array<i32>} : memref<512xf32, #tpu.memory_space<vmem>>, vector<16xf32>,
      %sub3A_429 = arith.subf %gather3A, %get3A_428 : vector<16xf32>
      %add3A_430 = arith.constant 1.550000e+01 : f32
      %add3A_431 = vector.broadcast %add3A_430 : f32 to vector<16xf32>
      %add3A_432 = arith.addf %sub3A_429, %add3A_431 : vector<16xf32>
      %max3A_433 = arith.constant 0.000000e+00 : f32
      %max3A_434 = vector.broadcast %max3A_433 : f32 to vector<16xf32>
      %max3A_435 = arith.maximumf %add3A_432, %max3A_434 : vector<16xf32>
      %min3A_436 = arith.constant 3.200000e+01 : f32
      %min3A_437 = vector.broadcast %min3A_436 : f32 to vector<16xf32>
      %min3A_438 = arith.minimumf %max3A_435, %min3A_437 : vector<16xf32>
      %convert_element_type3A_439 = arith.fptosi %min3A_438 : vector<16xf32> to vector<16xi32>
      %convert_element_type3A_440 = arith.sitofp %convert_element_type3A_439 : vector<16xi32> to vector<16xf32>
      %gt3A_441 = arith.cmpf ogt, %min3A_438, %convert_element_type3A_440 : vector<16xf32>
      %convert_element_type3A_442 = arith.extui %gt3A_441 : vector<16xi1> to vector<16xi32>
      %add3A_443 = arith.addi %convert_element_type3A_439, %convert_element_type3A_442 : vector<16xi32>
      %add3A_444 = arith.constant 8976 : i32
      %add3A_445 = vector.broadcast %add3A_444 : i32 to vector<16xi32>
      %add3A_446 = arith.addi %mul3A_68, %add3A_445 : vector<16xi32>
      %add3A_447 = arith.addi %add3A_446, %add3A_443 : vector<16xi32>
      tpu.vector_store_idx %arg5[%add3A_447], %add3A_73 : memref<16896xf32, #tpu.memory_space<vmem>>[vector<16xi32>], vector<16xf32>,
      %get3A_448 = arith.constant 288 : index
      %get3A_449 = tpu.vector_load %arg4[%get3A_448] {strides = array<i32>} : memref<512xf32, #tpu.memory_space<vmem>>, vector<16xf32>,
      %sub3A_450 = arith.subf %gather3A, %get3A_449 : vector<16xf32>
      %add3A_451 = arith.constant 1.550000e+01 : f32
      %add3A_452 = vector.broadcast %add3A_451 : f32 to vector<16xf32>
      %add3A_453 = arith.addf %sub3A_450, %add3A_452 : vector<16xf32>
      %max3A_454 = arith.constant 0.000000e+00 : f32
      %max3A_455 = vector.broadcast %max3A_454 : f32 to vector<16xf32>
      %max3A_456 = arith.maximumf %add3A_453, %max3A_455 : vector<16xf32>
      %min3A_457 = arith.constant 3.200000e+01 : f32
      %min3A_458 = vector.broadcast %min3A_457 : f32 to vector<16xf32>
      %min3A_459 = arith.minimumf %max3A_456, %min3A_458 : vector<16xf32>
      %convert_element_type3A_460 = arith.fptosi %min3A_459 : vector<16xf32> to vector<16xi32>
      %convert_element_type3A_461 = arith.sitofp %convert_element_type3A_460 : vector<16xi32> to vector<16xf32>
      %gt3A_462 = arith.cmpf ogt, %min3A_459, %convert_element_type3A_461 : vector<16xf32>
      %convert_element_type3A_463 = arith.extui %gt3A_462 : vector<16xi1> to vector<16xi32>
      %add3A_464 = arith.addi %convert_element_type3A_460, %convert_element_type3A_463 : vector<16xi32>
      %add3A_465 = arith.constant 9504 : i32
      %add3A_466 = vector.broadcast %add3A_465 : i32 to vector<16xi32>
      %add3A_467 = arith.addi %mul3A_68, %add3A_466 : vector<16xi32>
      %add3A_468 = arith.addi %add3A_467, %add3A_464 : vector<16xi32>
      tpu.vector_store_idx %arg5[%add3A_468], %add3A_73 : memref<16896xf32, #tpu.memory_space<vmem>>[vector<16xi32>], vector<16xf32>,
      %get3A_469 = arith.constant 304 : index
      %get3A_470 = tpu.vector_load %arg4[%get3A_469] {strides = array<i32>} : memref<512xf32, #tpu.memory_space<vmem>>, vector<16xf32>,
      %sub3A_471 = arith.subf %gather3A, %get3A_470 : vector<16xf32>
      %add3A_472 = arith.constant 1.550000e+01 : f32
      %add3A_473 = vector.broadcast %add3A_472 : f32 to vector<16xf32>
      %add3A_474 = arith.addf %sub3A_471, %add3A_473 : vector<16xf32>
      %max3A_475 = arith.constant 0.000000e+00 : f32
      %max3A_476 = vector.broadcast %max3A_475 : f32 to vector<16xf32>
      %max3A_477 = arith.maximumf %add3A_474, %max3A_476 : vector<16xf32>
      %min3A_478 = arith.constant 3.200000e+01 : f32
      %min3A_479 = vector.broadcast %min3A_478 : f32 to vector<16xf32>
      %min3A_480 = arith.minimumf %max3A_477, %min3A_479 : vector<16xf32>
      %convert_element_type3A_481 = arith.fptosi %min3A_480 : vector<16xf32> to vector<16xi32>
      %convert_element_type3A_482 = arith.sitofp %convert_element_type3A_481 : vector<16xi32> to vector<16xf32>
      %gt3A_483 = arith.cmpf ogt, %min3A_480, %convert_element_type3A_482 : vector<16xf32>
      %convert_element_type3A_484 = arith.extui %gt3A_483 : vector<16xi1> to vector<16xi32>
      %add3A_485 = arith.addi %convert_element_type3A_481, %convert_element_type3A_484 : vector<16xi32>
      %add3A_486 = arith.constant 10032 : i32
      %add3A_487 = vector.broadcast %add3A_486 : i32 to vector<16xi32>
      %add3A_488 = arith.addi %mul3A_68, %add3A_487 : vector<16xi32>
      %add3A_489 = arith.addi %add3A_488, %add3A_485 : vector<16xi32>
      tpu.vector_store_idx %arg5[%add3A_489], %add3A_73 : memref<16896xf32, #tpu.memory_space<vmem>>[vector<16xi32>], vector<16xf32>,
      %get3A_490 = arith.constant 320 : index
      %get3A_491 = tpu.vector_load %arg4[%get3A_490] {strides = array<i32>} : memref<512xf32, #tpu.memory_space<vmem>>, vector<16xf32>,
      %sub3A_492 = arith.subf %gather3A, %get3A_491 : vector<16xf32>
      %add3A_493 = arith.constant 1.550000e+01 : f32
      %add3A_494 = vector.broadcast %add3A_493 : f32 to vector<16xf32>
      %add3A_495 = arith.addf %sub3A_492, %add3A_494 : vector<16xf32>
      %max3A_496 = arith.constant 0.000000e+00 : f32
      %max3A_497 = vector.broadcast %max3A_496 : f32 to vector<16xf32>
      %max3A_498 = arith.maximumf %add3A_495, %max3A_497 : vector<16xf32>
      %min3A_499 = arith.constant 3.200000e+01 : f32
      %min3A_500 = vector.broadcast %min3A_499 : f32 to vector<16xf32>
      %min3A_501 = arith.minimumf %max3A_498, %min3A_500 : vector<16xf32>
      %convert_element_type3A_502 = arith.fptosi %min3A_501 : vector<16xf32> to vector<16xi32>
      %convert_element_type3A_503 = arith.sitofp %convert_element_type3A_502 : vector<16xi32> to vector<16xf32>
      %gt3A_504 = arith.cmpf ogt, %min3A_501, %convert_element_type3A_503 : vector<16xf32>
      %convert_element_type3A_505 = arith.extui %gt3A_504 : vector<16xi1> to vector<16xi32>
      %add3A_506 = arith.addi %convert_element_type3A_502, %convert_element_type3A_505 : vector<16xi32>
      %add3A_507 = arith.constant 10560 : i32
      %add3A_508 = vector.broadcast %add3A_507 : i32 to vector<16xi32>
      %add3A_509 = arith.addi %mul3A_68, %add3A_508 : vector<16xi32>
      %add3A_510 = arith.addi %add3A_509, %add3A_506 : vector<16xi32>
      tpu.vector_store_idx %arg5[%add3A_510], %add3A_73 : memref<16896xf32, #tpu.memory_space<vmem>>[vector<16xi32>], vector<16xf32>,
      %get3A_511 = arith.constant 336 : index
      %get3A_512 = tpu.vector_load %arg4[%get3A_511] {strides = array<i32>} : memref<512xf32, #tpu.memory_space<vmem>>, vector<16xf32>,
      %sub3A_513 = arith.subf %gather3A, %get3A_512 : vector<16xf32>
      %add3A_514 = arith.constant 1.550000e+01 : f32
      %add3A_515 = vector.broadcast %add3A_514 : f32 to vector<16xf32>
      %add3A_516 = arith.addf %sub3A_513, %add3A_515 : vector<16xf32>
      %max3A_517 = arith.constant 0.000000e+00 : f32
      %max3A_518 = vector.broadcast %max3A_517 : f32 to vector<16xf32>
      %max3A_519 = arith.maximumf %add3A_516, %max3A_518 : vector<16xf32>
      %min3A_520 = arith.constant 3.200000e+01 : f32
      %min3A_521 = vector.broadcast %min3A_520 : f32 to vector<16xf32>
      %min3A_522 = arith.minimumf %max3A_519, %min3A_521 : vector<16xf32>
      %convert_element_type3A_523 = arith.fptosi %min3A_522 : vector<16xf32> to vector<16xi32>
      %convert_element_type3A_524 = arith.sitofp %convert_element_type3A_523 : vector<16xi32> to vector<16xf32>
      %gt3A_525 = arith.cmpf ogt, %min3A_522, %convert_element_type3A_524 : vector<16xf32>
      %convert_element_type3A_526 = arith.extui %gt3A_525 : vector<16xi1> to vector<16xi32>
      %add3A_527 = arith.addi %convert_element_type3A_523, %convert_element_type3A_526 : vector<16xi32>
      %add3A_528 = arith.constant 11088 : i32
      %add3A_529 = vector.broadcast %add3A_528 : i32 to vector<16xi32>
      %add3A_530 = arith.addi %mul3A_68, %add3A_529 : vector<16xi32>
      %add3A_531 = arith.addi %add3A_530, %add3A_527 : vector<16xi32>
      tpu.vector_store_idx %arg5[%add3A_531], %add3A_73 : memref<16896xf32, #tpu.memory_space<vmem>>[vector<16xi32>], vector<16xf32>,
      %get3A_532 = arith.constant 352 : index
      %get3A_533 = tpu.vector_load %arg4[%get3A_532] {strides = array<i32>} : memref<512xf32, #tpu.memory_space<vmem>>, vector<16xf32>,
      %sub3A_534 = arith.subf %gather3A, %get3A_533 : vector<16xf32>
      %add3A_535 = arith.constant 1.550000e+01 : f32
      %add3A_536 = vector.broadcast %add3A_535 : f32 to vector<16xf32>
      %add3A_537 = arith.addf %sub3A_534, %add3A_536 : vector<16xf32>
      %max3A_538 = arith.constant 0.000000e+00 : f32
      %max3A_539 = vector.broadcast %max3A_538 : f32 to vector<16xf32>
      %max3A_540 = arith.maximumf %add3A_537, %max3A_539 : vector<16xf32>
      %min3A_541 = arith.constant 3.200000e+01 : f32
      %min3A_542 = vector.broadcast %min3A_541 : f32 to vector<16xf32>
      %min3A_543 = arith.minimumf %max3A_540, %min3A_542 : vector<16xf32>
      %convert_element_type3A_544 = arith.fptosi %min3A_543 : vector<16xf32> to vector<16xi32>
      %convert_element_type3A_545 = arith.sitofp %convert_element_type3A_544 : vector<16xi32> to vector<16xf32>
      %gt3A_546 = arith.cmpf ogt, %min3A_543, %convert_element_type3A_545 : vector<16xf32>
      %convert_element_type3A_547 = arith.extui %gt3A_546 : vector<16xi1> to vector<16xi32>
      %add3A_548 = arith.addi %convert_element_type3A_544, %convert_element_type3A_547 : vector<16xi32>
      %add3A_549 = arith.constant 11616 : i32
      %add3A_550 = vector.broadcast %add3A_549 : i32 to vector<16xi32>
      %add3A_551 = arith.addi %mul3A_68, %add3A_550 : vector<16xi32>
      %add3A_552 = arith.addi %add3A_551, %add3A_548 : vector<16xi32>
      tpu.vector_store_idx %arg5[%add3A_552], %add3A_73 : memref<16896xf32, #tpu.memory_space<vmem>>[vector<16xi32>], vector<16xf32>,
      %get3A_553 = arith.constant 368 : index
      %get3A_554 = tpu.vector_load %arg4[%get3A_553] {strides = array<i32>} : memref<512xf32, #tpu.memory_space<vmem>>, vector<16xf32>,
      %sub3A_555 = arith.subf %gather3A, %get3A_554 : vector<16xf32>
      %add3A_556 = arith.constant 1.550000e+01 : f32
      %add3A_557 = vector.broadcast %add3A_556 : f32 to vector<16xf32>
      %add3A_558 = arith.addf %sub3A_555, %add3A_557 : vector<16xf32>
      %max3A_559 = arith.constant 0.000000e+00 : f32
      %max3A_560 = vector.broadcast %max3A_559 : f32 to vector<16xf32>
      %max3A_561 = arith.maximumf %add3A_558, %max3A_560 : vector<16xf32>
      %min3A_562 = arith.constant 3.200000e+01 : f32
      %min3A_563 = vector.broadcast %min3A_562 : f32 to vector<16xf32>
      %min3A_564 = arith.minimumf %max3A_561, %min3A_563 : vector<16xf32>
      %convert_element_type3A_565 = arith.fptosi %min3A_564 : vector<16xf32> to vector<16xi32>
      %convert_element_type3A_566 = arith.sitofp %convert_element_type3A_565 : vector<16xi32> to vector<16xf32>
      %gt3A_567 = arith.cmpf ogt, %min3A_564, %convert_element_type3A_566 : vector<16xf32>
      %convert_element_type3A_568 = arith.extui %gt3A_567 : vector<16xi1> to vector<16xi32>
      %add3A_569 = arith.addi %convert_element_type3A_565, %convert_element_type3A_568 : vector<16xi32>
      %add3A_570 = arith.constant 12144 : i32
      %add3A_571 = vector.broadcast %add3A_570 : i32 to vector<16xi32>
      %add3A_572 = arith.addi %mul3A_68, %add3A_571 : vector<16xi32>
      %add3A_573 = arith.addi %add3A_572, %add3A_569 : vector<16xi32>
      tpu.vector_store_idx %arg5[%add3A_573], %add3A_73 : memref<16896xf32, #tpu.memory_space<vmem>>[vector<16xi32>], vector<16xf32>,
      %get3A_574 = arith.constant 384 : index
      %get3A_575 = tpu.vector_load %arg4[%get3A_574] {strides = array<i32>} : memref<512xf32, #tpu.memory_space<vmem>>, vector<16xf32>,
      %sub3A_576 = arith.subf %gather3A, %get3A_575 : vector<16xf32>
      %add3A_577 = arith.constant 1.550000e+01 : f32
      %add3A_578 = vector.broadcast %add3A_577 : f32 to vector<16xf32>
      %add3A_579 = arith.addf %sub3A_576, %add3A_578 : vector<16xf32>
      %max3A_580 = arith.constant 0.000000e+00 : f32
      %max3A_581 = vector.broadcast %max3A_580 : f32 to vector<16xf32>
      %max3A_582 = arith.maximumf %add3A_579, %max3A_581 : vector<16xf32>
      %min3A_583 = arith.constant 3.200000e+01 : f32
      %min3A_584 = vector.broadcast %min3A_583 : f32 to vector<16xf32>
      %min3A_585 = arith.minimumf %max3A_582, %min3A_584 : vector<16xf32>
      %convert_element_type3A_586 = arith.fptosi %min3A_585 : vector<16xf32> to vector<16xi32>
      %convert_element_type3A_587 = arith.sitofp %convert_element_type3A_586 : vector<16xi32> to vector<16xf32>
      %gt3A_588 = arith.cmpf ogt, %min3A_585, %convert_element_type3A_587 : vector<16xf32>
      %convert_element_type3A_589 = arith.extui %gt3A_588 : vector<16xi1> to vector<16xi32>
      %add3A_590 = arith.addi %convert_element_type3A_586, %convert_element_type3A_589 : vector<16xi32>
      %add3A_591 = arith.constant 12672 : i32
      %add3A_592 = vector.broadcast %add3A_591 : i32 to vector<16xi32>
      %add3A_593 = arith.addi %mul3A_68, %add3A_592 : vector<16xi32>
      %add3A_594 = arith.addi %add3A_593, %add3A_590 : vector<16xi32>
      tpu.vector_store_idx %arg5[%add3A_594], %add3A_73 : memref<16896xf32, #tpu.memory_space<vmem>>[vector<16xi32>], vector<16xf32>,
      %get3A_595 = arith.constant 400 : index
      %get3A_596 = tpu.vector_load %arg4[%get3A_595] {strides = array<i32>} : memref<512xf32, #tpu.memory_space<vmem>>, vector<16xf32>,
      %sub3A_597 = arith.subf %gather3A, %get3A_596 : vector<16xf32>
      %add3A_598 = arith.constant 1.550000e+01 : f32
      %add3A_599 = vector.broadcast %add3A_598 : f32 to vector<16xf32>
      %add3A_600 = arith.addf %sub3A_597, %add3A_599 : vector<16xf32>
      %max3A_601 = arith.constant 0.000000e+00 : f32
      %max3A_602 = vector.broadcast %max3A_601 : f32 to vector<16xf32>
      %max3A_603 = arith.maximumf %add3A_600, %max3A_602 : vector<16xf32>
      %min3A_604 = arith.constant 3.200000e+01 : f32
      %min3A_605 = vector.broadcast %min3A_604 : f32 to vector<16xf32>
      %min3A_606 = arith.minimumf %max3A_603, %min3A_605 : vector<16xf32>
      %convert_element_type3A_607 = arith.fptosi %min3A_606 : vector<16xf32> to vector<16xi32>
      %convert_element_type3A_608 = arith.sitofp %convert_element_type3A_607 : vector<16xi32> to vector<16xf32>
      %gt3A_609 = arith.cmpf ogt, %min3A_606, %convert_element_type3A_608 : vector<16xf32>
      %convert_element_type3A_610 = arith.extui %gt3A_609 : vector<16xi1> to vector<16xi32>
      %add3A_611 = arith.addi %convert_element_type3A_607, %convert_element_type3A_610 : vector<16xi32>
      %add3A_612 = arith.constant 13200 : i32
      %add3A_613 = vector.broadcast %add3A_612 : i32 to vector<16xi32>
      %add3A_614 = arith.addi %mul3A_68, %add3A_613 : vector<16xi32>
      %add3A_615 = arith.addi %add3A_614, %add3A_611 : vector<16xi32>
      tpu.vector_store_idx %arg5[%add3A_615], %add3A_73 : memref<16896xf32, #tpu.memory_space<vmem>>[vector<16xi32>], vector<16xf32>,
      %get3A_616 = arith.constant 416 : index
      %get3A_617 = tpu.vector_load %arg4[%get3A_616] {strides = array<i32>} : memref<512xf32, #tpu.memory_space<vmem>>, vector<16xf32>,
      %sub3A_618 = arith.subf %gather3A, %get3A_617 : vector<16xf32>
      %add3A_619 = arith.constant 1.550000e+01 : f32
      %add3A_620 = vector.broadcast %add3A_619 : f32 to vector<16xf32>
      %add3A_621 = arith.addf %sub3A_618, %add3A_620 : vector<16xf32>
      %max3A_622 = arith.constant 0.000000e+00 : f32
      %max3A_623 = vector.broadcast %max3A_622 : f32 to vector<16xf32>
      %max3A_624 = arith.maximumf %add3A_621, %max3A_623 : vector<16xf32>
      %min3A_625 = arith.constant 3.200000e+01 : f32
      %min3A_626 = vector.broadcast %min3A_625 : f32 to vector<16xf32>
      %min3A_627 = arith.minimumf %max3A_624, %min3A_626 : vector<16xf32>
      %convert_element_type3A_628 = arith.fptosi %min3A_627 : vector<16xf32> to vector<16xi32>
      %convert_element_type3A_629 = arith.sitofp %convert_element_type3A_628 : vector<16xi32> to vector<16xf32>
      %gt3A_630 = arith.cmpf ogt, %min3A_627, %convert_element_type3A_629 : vector<16xf32>
      %convert_element_type3A_631 = arith.extui %gt3A_630 : vector<16xi1> to vector<16xi32>
      %add3A_632 = arith.addi %convert_element_type3A_628, %convert_element_type3A_631 : vector<16xi32>
      %add3A_633 = arith.constant 13728 : i32
      %add3A_634 = vector.broadcast %add3A_633 : i32 to vector<16xi32>
      %add3A_635 = arith.addi %mul3A_68, %add3A_634 : vector<16xi32>
      %add3A_636 = arith.addi %add3A_635, %add3A_632 : vector<16xi32>
      tpu.vector_store_idx %arg5[%add3A_636], %add3A_73 : memref<16896xf32, #tpu.memory_space<vmem>>[vector<16xi32>], vector<16xf32>,
      %get3A_637 = arith.constant 432 : index
      %get3A_638 = tpu.vector_load %arg4[%get3A_637] {strides = array<i32>} : memref<512xf32, #tpu.memory_space<vmem>>, vector<16xf32>,
      %sub3A_639 = arith.subf %gather3A, %get3A_638 : vector<16xf32>
      %add3A_640 = arith.constant 1.550000e+01 : f32
      %add3A_641 = vector.broadcast %add3A_640 : f32 to vector<16xf32>
      %add3A_642 = arith.addf %sub3A_639, %add3A_641 : vector<16xf32>
      %max3A_643 = arith.constant 0.000000e+00 : f32
      %max3A_644 = vector.broadcast %max3A_643 : f32 to vector<16xf32>
      %max3A_645 = arith.maximumf %add3A_642, %max3A_644 : vector<16xf32>
      %min3A_646 = arith.constant 3.200000e+01 : f32
      %min3A_647 = vector.broadcast %min3A_646 : f32 to vector<16xf32>
      %min3A_648 = arith.minimumf %max3A_645, %min3A_647 : vector<16xf32>
      %convert_element_type3A_649 = arith.fptosi %min3A_648 : vector<16xf32> to vector<16xi32>
      %convert_element_type3A_650 = arith.sitofp %convert_element_type3A_649 : vector<16xi32> to vector<16xf32>
      %gt3A_651 = arith.cmpf ogt, %min3A_648, %convert_element_type3A_650 : vector<16xf32>
      %convert_element_type3A_652 = arith.extui %gt3A_651 : vector<16xi1> to vector<16xi32>
      %add3A_653 = arith.addi %convert_element_type3A_649, %convert_element_type3A_652 : vector<16xi32>
      %add3A_654 = arith.constant 14256 : i32
      %add3A_655 = vector.broadcast %add3A_654 : i32 to vector<16xi32>
      %add3A_656 = arith.addi %mul3A_68, %add3A_655 : vector<16xi32>
      %add3A_657 = arith.addi %add3A_656, %add3A_653 : vector<16xi32>
      tpu.vector_store_idx %arg5[%add3A_657], %add3A_73 : memref<16896xf32, #tpu.memory_space<vmem>>[vector<16xi32>], vector<16xf32>,
      %get3A_658 = arith.constant 448 : index
      %get3A_659 = tpu.vector_load %arg4[%get3A_658] {strides = array<i32>} : memref<512xf32, #tpu.memory_space<vmem>>, vector<16xf32>,
      %sub3A_660 = arith.subf %gather3A, %get3A_659 : vector<16xf32>
      %add3A_661 = arith.constant 1.550000e+01 : f32
      %add3A_662 = vector.broadcast %add3A_661 : f32 to vector<16xf32>
      %add3A_663 = arith.addf %sub3A_660, %add3A_662 : vector<16xf32>
      %max3A_664 = arith.constant 0.000000e+00 : f32
      %max3A_665 = vector.broadcast %max3A_664 : f32 to vector<16xf32>
      %max3A_666 = arith.maximumf %add3A_663, %max3A_665 : vector<16xf32>
      %min3A_667 = arith.constant 3.200000e+01 : f32
      %min3A_668 = vector.broadcast %min3A_667 : f32 to vector<16xf32>
      %min3A_669 = arith.minimumf %max3A_666, %min3A_668 : vector<16xf32>
      %convert_element_type3A_670 = arith.fptosi %min3A_669 : vector<16xf32> to vector<16xi32>
      %convert_element_type3A_671 = arith.sitofp %convert_element_type3A_670 : vector<16xi32> to vector<16xf32>
      %gt3A_672 = arith.cmpf ogt, %min3A_669, %convert_element_type3A_671 : vector<16xf32>
      %convert_element_type3A_673 = arith.extui %gt3A_672 : vector<16xi1> to vector<16xi32>
      %add3A_674 = arith.addi %convert_element_type3A_670, %convert_element_type3A_673 : vector<16xi32>
      %add3A_675 = arith.constant 14784 : i32
      %add3A_676 = vector.broadcast %add3A_675 : i32 to vector<16xi32>
      %add3A_677 = arith.addi %mul3A_68, %add3A_676 : vector<16xi32>
      %add3A_678 = arith.addi %add3A_677, %add3A_674 : vector<16xi32>
      tpu.vector_store_idx %arg5[%add3A_678], %add3A_73 : memref<16896xf32, #tpu.memory_space<vmem>>[vector<16xi32>], vector<16xf32>,
      %get3A_679 = arith.constant 464 : index
      %get3A_680 = tpu.vector_load %arg4[%get3A_679] {strides = array<i32>} : memref<512xf32, #tpu.memory_space<vmem>>, vector<16xf32>,
      %sub3A_681 = arith.subf %gather3A, %get3A_680 : vector<16xf32>
      %add3A_682 = arith.constant 1.550000e+01 : f32
      %add3A_683 = vector.broadcast %add3A_682 : f32 to vector<16xf32>
      %add3A_684 = arith.addf %sub3A_681, %add3A_683 : vector<16xf32>
      %max3A_685 = arith.constant 0.000000e+00 : f32
      %max3A_686 = vector.broadcast %max3A_685 : f32 to vector<16xf32>
      %max3A_687 = arith.maximumf %add3A_684, %max3A_686 : vector<16xf32>
      %min3A_688 = arith.constant 3.200000e+01 : f32
      %min3A_689 = vector.broadcast %min3A_688 : f32 to vector<16xf32>
      %min3A_690 = arith.minimumf %max3A_687, %min3A_689 : vector<16xf32>
      %convert_element_type3A_691 = arith.fptosi %min3A_690 : vector<16xf32> to vector<16xi32>
      %convert_element_type3A_692 = arith.sitofp %convert_element_type3A_691 : vector<16xi32> to vector<16xf32>
      %gt3A_693 = arith.cmpf ogt, %min3A_690, %convert_element_type3A_692 : vector<16xf32>
      %convert_element_type3A_694 = arith.extui %gt3A_693 : vector<16xi1> to vector<16xi32>
      %add3A_695 = arith.addi %convert_element_type3A_691, %convert_element_type3A_694 : vector<16xi32>
      %add3A_696 = arith.constant 15312 : i32
      %add3A_697 = vector.broadcast %add3A_696 : i32 to vector<16xi32>
      %add3A_698 = arith.addi %mul3A_68, %add3A_697 : vector<16xi32>
      %add3A_699 = arith.addi %add3A_698, %add3A_695 : vector<16xi32>
      tpu.vector_store_idx %arg5[%add3A_699], %add3A_73 : memref<16896xf32, #tpu.memory_space<vmem>>[vector<16xi32>], vector<16xf32>,
      %get3A_700 = arith.constant 480 : index
      %get3A_701 = tpu.vector_load %arg4[%get3A_700] {strides = array<i32>} : memref<512xf32, #tpu.memory_space<vmem>>, vector<16xf32>,
      %sub3A_702 = arith.subf %gather3A, %get3A_701 : vector<16xf32>
      %add3A_703 = arith.constant 1.550000e+01 : f32
      %add3A_704 = vector.broadcast %add3A_703 : f32 to vector<16xf32>
      %add3A_705 = arith.addf %sub3A_702, %add3A_704 : vector<16xf32>
      %max3A_706 = arith.constant 0.000000e+00 : f32
      %max3A_707 = vector.broadcast %max3A_706 : f32 to vector<16xf32>
      %max3A_708 = arith.maximumf %add3A_705, %max3A_707 : vector<16xf32>
      %min3A_709 = arith.constant 3.200000e+01 : f32
      %min3A_710 = vector.broadcast %min3A_709 : f32 to vector<16xf32>
      %min3A_711 = arith.minimumf %max3A_708, %min3A_710 : vector<16xf32>
      %convert_element_type3A_712 = arith.fptosi %min3A_711 : vector<16xf32> to vector<16xi32>
      %convert_element_type3A_713 = arith.sitofp %convert_element_type3A_712 : vector<16xi32> to vector<16xf32>
      %gt3A_714 = arith.cmpf ogt, %min3A_711, %convert_element_type3A_713 : vector<16xf32>
      %convert_element_type3A_715 = arith.extui %gt3A_714 : vector<16xi1> to vector<16xi32>
      %add3A_716 = arith.addi %convert_element_type3A_712, %convert_element_type3A_715 : vector<16xi32>
      %add3A_717 = arith.constant 15840 : i32
      %add3A_718 = vector.broadcast %add3A_717 : i32 to vector<16xi32>
      %add3A_719 = arith.addi %mul3A_68, %add3A_718 : vector<16xi32>
      %add3A_720 = arith.addi %add3A_719, %add3A_716 : vector<16xi32>
      tpu.vector_store_idx %arg5[%add3A_720], %add3A_73 : memref<16896xf32, #tpu.memory_space<vmem>>[vector<16xi32>], vector<16xf32>,
      %get3A_721 = arith.constant 496 : index
      %get3A_722 = tpu.vector_load %arg4[%get3A_721] {strides = array<i32>} : memref<512xf32, #tpu.memory_space<vmem>>, vector<16xf32>,
      %sub3A_723 = arith.subf %gather3A, %get3A_722 : vector<16xf32>
      %add3A_724 = arith.constant 1.550000e+01 : f32
      %add3A_725 = vector.broadcast %add3A_724 : f32 to vector<16xf32>
      %add3A_726 = arith.addf %sub3A_723, %add3A_725 : vector<16xf32>
      %max3A_727 = arith.constant 0.000000e+00 : f32
      %max3A_728 = vector.broadcast %max3A_727 : f32 to vector<16xf32>
      %max3A_729 = arith.maximumf %add3A_726, %max3A_728 : vector<16xf32>
      %min3A_730 = arith.constant 3.200000e+01 : f32
      %min3A_731 = vector.broadcast %min3A_730 : f32 to vector<16xf32>
      %min3A_732 = arith.minimumf %max3A_729, %min3A_731 : vector<16xf32>
      %convert_element_type3A_733 = arith.fptosi %min3A_732 : vector<16xf32> to vector<16xi32>
      %convert_element_type3A_734 = arith.sitofp %convert_element_type3A_733 : vector<16xi32> to vector<16xf32>
      %gt3A_735 = arith.cmpf ogt, %min3A_732, %convert_element_type3A_734 : vector<16xf32>
      %convert_element_type3A_736 = arith.extui %gt3A_735 : vector<16xi1> to vector<16xi32>
      %add3A_737 = arith.addi %convert_element_type3A_733, %convert_element_type3A_736 : vector<16xi32>
      %add3A_738 = arith.constant 16368 : i32
      %add3A_739 = vector.broadcast %add3A_738 : i32 to vector<16xi32>
      %add3A_740 = arith.addi %mul3A_68, %add3A_739 : vector<16xi32>
      %add3A_741 = arith.addi %add3A_740, %add3A_737 : vector<16xi32>
      tpu.vector_store_idx %arg5[%add3A_741], %add3A_73 : memref<16896xf32, #tpu.memory_space<vmem>>[vector<16xi32>], vector<16xf32>,
      %dma_start3A = arith.constant 0 : i32
      %dma_start3A_742 = tpu.memref_slice %arg3[%add3A_59, %dma_start3A] : memref<2048x16896xf32, #tpu.memory_space<hbm>> -> memref<1x16896xf32, #tpu.memory_space<hbm>>
      %dma_start3A_743 = tpu.memref_squeeze %dma_start3A_742 : memref<1x16896xf32, #tpu.memory_space<hbm>> -> memref<16896xf32, #tpu.memory_space<hbm>>
      %dma_start3A_744 = arith.constant 0 : i32
      %dma_start3A_745 = tpu.memref_slice %arg3[%add3A_59, %dma_start3A_744] : memref<2048x16896xf32, #tpu.memory_space<hbm>> -> memref<1x16896xf32, #tpu.memory_space<hbm>>
      %dma_start3A_746 = tpu.memref_squeeze %dma_start3A_745 : memref<1x16896xf32, #tpu.memory_space<hbm>> -> memref<16896xf32, #tpu.memory_space<hbm>>
      tpu.enqueue_dma source(%arg5 : memref<16896xf32, #tpu.memory_space<vmem>>) target(%dma_start3A_746 : memref<16896xf32, #tpu.memory_space<hbm>>) target_semaphore(%arg7 : memref<!tpu.dma_semaphore, #tpu.memory_space<semaphore_mem>>)
      %ge3A_747 = arith.constant 1 : i32
      %ge3A_748 = arith.cmpi sge, %scan3A_53, %ge3A_747 : i32
      %convert_element_type3A_749 = arith.extui %ge3A_748 : i1 to i32
      %cond3A_750 = arith.constant 0 : i32
      %cond3A_751 = arith.cmpi ne, %convert_element_type3A_749, %cond3A_750 : i32
      scf.if %cond3A_751 {
        %add3A_1448 = arith.constant 1 : i32
        %add3A_1449 = arith.addi %add3A_59, %add3A_1448 : i32
        %dma_wait3A_1450 = arith.constant 0 : i32
        %dma_wait3A_1451 = tpu.memref_slice %arg3[%add3A_1449, %dma_wait3A_1450] : memref<2048x16896xf32, #tpu.memory_space<hbm>> -> memref<1x16896xf32, #tpu.memory_space<hbm>>
        %dma_wait3A_1452 = tpu.memref_squeeze %dma_wait3A_1451 : memref<1x16896xf32, #tpu.memory_space<hbm>> -> memref<16896xf32, #tpu.memory_space<hbm>>
        %dma_wait3A_1453 = arith.constant 0 : i32
        %dma_wait3A_1454 = tpu.memref_slice %arg3[%add3A_1449, %dma_wait3A_1453] : memref<2048x16896xf32, #tpu.memory_space<hbm>> -> memref<1x16896xf32, #tpu.memory_space<hbm>>
        %dma_wait3A_1455 = tpu.memref_squeeze %dma_wait3A_1454 : memref<1x16896xf32, #tpu.memory_space<hbm>> -> memref<16896xf32, #tpu.memory_space<hbm>>
        tpu.wait_dma2 semaphore(%arg8 : memref<!tpu.dma_semaphore, #tpu.memory_space<semaphore_mem>>) src(%arg6 : memref<16896xf32, #tpu.memory_space<vmem>>) dst(%dma_wait3A_1455 : memref<16896xf32, #tpu.memory_space<hbm>>)
        %sub3A_1456 = arith.constant 1 : i32
        %sub3A_1457 = arith.subi %add3A_56, %sub3A_1456 : i32
        %broadcast_in_dim3A_1458 = arith.constant 0 : i32
        %broadcast_in_dim3A_1459 = vector.broadcast %broadcast_in_dim3A_1458 : i32 to vector<16xi32>
        %add3A_1460 = vector.broadcast %sub3A_1457 : i32 to vector<16xi32>
        %add3A_1461 = arith.addi %broadcast_in_dim3A_1459, %add3A_1460 : vector<16xi32>
        %gather3A_1462 = tpu.vector_load_idx %arg4[%add3A_1461] : memref<512xf32, #tpu.memory_space<vmem>>[vector<16xi32>], vector<16xf32>,
        %iota3A_1463 = tpu.iota {dimensions = array<i32: 0>} : vector<16xi32>
        %mul3A_1464 = arith.constant 33 : i32
        %mul3A_1465 = vector.broadcast %mul3A_1464 : i32 to vector<16xi32>
        %mul3A_1466 = arith.muli %iota3A_1463, %mul3A_1465 : vector<16xi32>
        %broadcast_in_dim3A_1467 = arith.constant 0.000000e+00 : f32
        %broadcast_in_dim3A_1468 = vector.broadcast %broadcast_in_dim3A_1467 : f32 to vector<16xf32>
        %add3A_1469 = arith.constant 0.000000e+00 : f32
        %add3A_1470 = vector.broadcast %add3A_1469 : f32 to vector<16xf32>
        %add3A_1471 = arith.addf %broadcast_in_dim3A_1468, %add3A_1470 : vector<16xf32>
        %get3A_1472 = arith.constant 0 : index
        %get3A_1473 = tpu.vector_load %arg4[%get3A_1472] {strides = array<i32>} : memref<512xf32, #tpu.memory_space<vmem>>, vector<16xf32>,
        %sub3A_1474 = arith.subf %gather3A_1462, %get3A_1473 : vector<16xf32>
        %add3A_1475 = arith.constant 1.550000e+01 : f32
        %add3A_1476 = vector.broadcast %add3A_1475 : f32 to vector<16xf32>
        %add3A_1477 = arith.addf %sub3A_1474, %add3A_1476 : vector<16xf32>
        %max3A_1478 = arith.constant 0.000000e+00 : f32
        %max3A_1479 = vector.broadcast %max3A_1478 : f32 to vector<16xf32>
        %max3A_1480 = arith.maximumf %add3A_1477, %max3A_1479 : vector<16xf32>
        %min3A_1481 = arith.constant 3.200000e+01 : f32
        %min3A_1482 = vector.broadcast %min3A_1481 : f32 to vector<16xf32>
        %min3A_1483 = arith.minimumf %max3A_1480, %min3A_1482 : vector<16xf32>
        %convert_element_type3A_1484 = arith.fptosi %min3A_1483 : vector<16xf32> to vector<16xi32>
        %convert_element_type3A_1485 = arith.sitofp %convert_element_type3A_1484 : vector<16xi32> to vector<16xf32>
        %gt3A_1486 = arith.cmpf ogt, %min3A_1483, %convert_element_type3A_1485 : vector<16xf32>
        %convert_element_type3A_1487 = arith.extui %gt3A_1486 : vector<16xi1> to vector<16xi32>
        %add3A_1488 = arith.addi %convert_element_type3A_1484, %convert_element_type3A_1487 : vector<16xi32>
        %add3A_1489 = arith.constant 0 : i32
        %add3A_1490 = vector.broadcast %add3A_1489 : i32 to vector<16xi32>
        %add3A_1491 = arith.addi %mul3A_1466, %add3A_1490 : vector<16xi32>
        %add3A_1492 = arith.addi %add3A_1491, %add3A_1488 : vector<16xi32>
        tpu.vector_store_idx %arg6[%add3A_1492], %add3A_1471 : memref<16896xf32, #tpu.memory_space<vmem>>[vector<16xi32>], vector<16xf32>,
        %get3A_1493 = arith.constant 16 : index
        %get3A_1494 = tpu.vector_load %arg4[%get3A_1493] {strides = array<i32>} : memref<512xf32, #tpu.memory_space<vmem>>, vector<16xf32>,
        %sub3A_1495 = arith.subf %gather3A_1462, %get3A_1494 : vector<16xf32>
        %add3A_1496 = arith.constant 1.550000e+01 : f32
        %add3A_1497 = vector.broadcast %add3A_1496 : f32 to vector<16xf32>
        %add3A_1498 = arith.addf %sub3A_1495, %add3A_1497 : vector<16xf32>
        %max3A_1499 = arith.constant 0.000000e+00 : f32
        %max3A_1500 = vector.broadcast %max3A_1499 : f32 to vector<16xf32>
        %max3A_1501 = arith.maximumf %add3A_1498, %max3A_1500 : vector<16xf32>
        %min3A_1502 = arith.constant 3.200000e+01 : f32
        %min3A_1503 = vector.broadcast %min3A_1502 : f32 to vector<16xf32>
        %min3A_1504 = arith.minimumf %max3A_1501, %min3A_1503 : vector<16xf32>
        %convert_element_type3A_1505 = arith.fptosi %min3A_1504 : vector<16xf32> to vector<16xi32>
        %convert_element_type3A_1506 = arith.sitofp %convert_element_type3A_1505 : vector<16xi32> to vector<16xf32>
        %gt3A_1507 = arith.cmpf ogt, %min3A_1504, %convert_element_type3A_1506 : vector<16xf32>
        %convert_element_type3A_1508 = arith.extui %gt3A_1507 : vector<16xi1> to vector<16xi32>
        %add3A_1509 = arith.addi %convert_element_type3A_1505, %convert_element_type3A_1508 : vector<16xi32>
        %add3A_1510 = arith.constant 528 : i32
        %add3A_1511 = vector.broadcast %add3A_1510 : i32 to vector<16xi32>
        %add3A_1512 = arith.addi %mul3A_1466, %add3A_1511 : vector<16xi32>
        %add3A_1513 = arith.addi %add3A_1512, %add3A_1509 : vector<16xi32>
        tpu.vector_store_idx %arg6[%add3A_1513], %add3A_1471 : memref<16896xf32, #tpu.memory_space<vmem>>[vector<16xi32>], vector<16xf32>,
        %get3A_1514 = arith.constant 32 : index
        %get3A_1515 = tpu.vector_load %arg4[%get3A_1514] {strides = array<i32>} : memref<512xf32, #tpu.memory_space<vmem>>, vector<16xf32>,
        %sub3A_1516 = arith.subf %gather3A_1462, %get3A_1515 : vector<16xf32>
        %add3A_1517 = arith.constant 1.550000e+01 : f32
        %add3A_1518 = vector.broadcast %add3A_1517 : f32 to vector<16xf32>
        %add3A_1519 = arith.addf %sub3A_1516, %add3A_1518 : vector<16xf32>
        %max3A_1520 = arith.constant 0.000000e+00 : f32
        %max3A_1521 = vector.broadcast %max3A_1520 : f32 to vector<16xf32>
        %max3A_1522 = arith.maximumf %add3A_1519, %max3A_1521 : vector<16xf32>
        %min3A_1523 = arith.constant 3.200000e+01 : f32
        %min3A_1524 = vector.broadcast %min3A_1523 : f32 to vector<16xf32>
        %min3A_1525 = arith.minimumf %max3A_1522, %min3A_1524 : vector<16xf32>
        %convert_element_type3A_1526 = arith.fptosi %min3A_1525 : vector<16xf32> to vector<16xi32>
        %convert_element_type3A_1527 = arith.sitofp %convert_element_type3A_1526 : vector<16xi32> to vector<16xf32>
        %gt3A_1528 = arith.cmpf ogt, %min3A_1525, %convert_element_type3A_1527 : vector<16xf32>
        %convert_element_type3A_1529 = arith.extui %gt3A_1528 : vector<16xi1> to vector<16xi32>
        %add3A_1530 = arith.addi %convert_element_type3A_1526, %convert_element_type3A_1529 : vector<16xi32>
        %add3A_1531 = arith.constant 1056 : i32
        %add3A_1532 = vector.broadcast %add3A_1531 : i32 to vector<16xi32>
        %add3A_1533 = arith.addi %mul3A_1466, %add3A_1532 : vector<16xi32>
        %add3A_1534 = arith.addi %add3A_1533, %add3A_1530 : vector<16xi32>
        tpu.vector_store_idx %arg6[%add3A_1534], %add3A_1471 : memref<16896xf32, #tpu.memory_space<vmem>>[vector<16xi32>], vector<16xf32>,
        %get3A_1535 = arith.constant 48 : index
        %get3A_1536 = tpu.vector_load %arg4[%get3A_1535] {strides = array<i32>} : memref<512xf32, #tpu.memory_space<vmem>>, vector<16xf32>,
        %sub3A_1537 = arith.subf %gather3A_1462, %get3A_1536 : vector<16xf32>
        %add3A_1538 = arith.constant 1.550000e+01 : f32
        %add3A_1539 = vector.broadcast %add3A_1538 : f32 to vector<16xf32>
        %add3A_1540 = arith.addf %sub3A_1537, %add3A_1539 : vector<16xf32>
        %max3A_1541 = arith.constant 0.000000e+00 : f32
        %max3A_1542 = vector.broadcast %max3A_1541 : f32 to vector<16xf32>
        %max3A_1543 = arith.maximumf %add3A_1540, %max3A_1542 : vector<16xf32>
        %min3A_1544 = arith.constant 3.200000e+01 : f32
        %min3A_1545 = vector.broadcast %min3A_1544 : f32 to vector<16xf32>
        %min3A_1546 = arith.minimumf %max3A_1543, %min3A_1545 : vector<16xf32>
        %convert_element_type3A_1547 = arith.fptosi %min3A_1546 : vector<16xf32> to vector<16xi32>
        %convert_element_type3A_1548 = arith.sitofp %convert_element_type3A_1547 : vector<16xi32> to vector<16xf32>
        %gt3A_1549 = arith.cmpf ogt, %min3A_1546, %convert_element_type3A_1548 : vector<16xf32>
        %convert_element_type3A_1550 = arith.extui %gt3A_1549 : vector<16xi1> to vector<16xi32>
        %add3A_1551 = arith.addi %convert_element_type3A_1547, %convert_element_type3A_1550 : vector<16xi32>
        %add3A_1552 = arith.constant 1584 : i32
        %add3A_1553 = vector.broadcast %add3A_1552 : i32 to vector<16xi32>
        %add3A_1554 = arith.addi %mul3A_1466, %add3A_1553 : vector<16xi32>
        %add3A_1555 = arith.addi %add3A_1554, %add3A_1551 : vector<16xi32>
        tpu.vector_store_idx %arg6[%add3A_1555], %add3A_1471 : memref<16896xf32, #tpu.memory_space<vmem>>[vector<16xi32>], vector<16xf32>,
        %get3A_1556 = arith.constant 64 : index
        %get3A_1557 = tpu.vector_load %arg4[%get3A_1556] {strides = array<i32>} : memref<512xf32, #tpu.memory_space<vmem>>, vector<16xf32>,
        %sub3A_1558 = arith.subf %gather3A_1462, %get3A_1557 : vector<16xf32>
        %add3A_1559 = arith.constant 1.550000e+01 : f32
        %add3A_1560 = vector.broadcast %add3A_1559 : f32 to vector<16xf32>
        %add3A_1561 = arith.addf %sub3A_1558, %add3A_1560 : vector<16xf32>
        %max3A_1562 = arith.constant 0.000000e+00 : f32
        %max3A_1563 = vector.broadcast %max3A_1562 : f32 to vector<16xf32>
        %max3A_1564 = arith.maximumf %add3A_1561, %max3A_1563 : vector<16xf32>
        %min3A_1565 = arith.constant 3.200000e+01 : f32
        %min3A_1566 = vector.broadcast %min3A_1565 : f32 to vector<16xf32>
        %min3A_1567 = arith.minimumf %max3A_1564, %min3A_1566 : vector<16xf32>
        %convert_element_type3A_1568 = arith.fptosi %min3A_1567 : vector<16xf32> to vector<16xi32>
        %convert_element_type3A_1569 = arith.sitofp %convert_element_type3A_1568 : vector<16xi32> to vector<16xf32>
        %gt3A_1570 = arith.cmpf ogt, %min3A_1567, %convert_element_type3A_1569 : vector<16xf32>
        %convert_element_type3A_1571 = arith.extui %gt3A_1570 : vector<16xi1> to vector<16xi32>
        %add3A_1572 = arith.addi %convert_element_type3A_1568, %convert_element_type3A_1571 : vector<16xi32>
        %add3A_1573 = arith.constant 2112 : i32
        %add3A_1574 = vector.broadcast %add3A_1573 : i32 to vector<16xi32>
        %add3A_1575 = arith.addi %mul3A_1466, %add3A_1574 : vector<16xi32>
        %add3A_1576 = arith.addi %add3A_1575, %add3A_1572 : vector<16xi32>
        tpu.vector_store_idx %arg6[%add3A_1576], %add3A_1471 : memref<16896xf32, #tpu.memory_space<vmem>>[vector<16xi32>], vector<16xf32>,
        %get3A_1577 = arith.constant 80 : index
        %get3A_1578 = tpu.vector_load %arg4[%get3A_1577] {strides = array<i32>} : memref<512xf32, #tpu.memory_space<vmem>>, vector<16xf32>,
        %sub3A_1579 = arith.subf %gather3A_1462, %get3A_1578 : vector<16xf32>
        %add3A_1580 = arith.constant 1.550000e+01 : f32
        %add3A_1581 = vector.broadcast %add3A_1580 : f32 to vector<16xf32>
        %add3A_1582 = arith.addf %sub3A_1579, %add3A_1581 : vector<16xf32>
        %max3A_1583 = arith.constant 0.000000e+00 : f32
        %max3A_1584 = vector.broadcast %max3A_1583 : f32 to vector<16xf32>
        %max3A_1585 = arith.maximumf %add3A_1582, %max3A_1584 : vector<16xf32>
        %min3A_1586 = arith.constant 3.200000e+01 : f32
        %min3A_1587 = vector.broadcast %min3A_1586 : f32 to vector<16xf32>
        %min3A_1588 = arith.minimumf %max3A_1585, %min3A_1587 : vector<16xf32>
        %convert_element_type3A_1589 = arith.fptosi %min3A_1588 : vector<16xf32> to vector<16xi32>
        %convert_element_type3A_1590 = arith.sitofp %convert_element_type3A_1589 : vector<16xi32> to vector<16xf32>
        %gt3A_1591 = arith.cmpf ogt, %min3A_1588, %convert_element_type3A_1590 : vector<16xf32>
        %convert_element_type3A_1592 = arith.extui %gt3A_1591 : vector<16xi1> to vector<16xi32>
        %add3A_1593 = arith.addi %convert_element_type3A_1589, %convert_element_type3A_1592 : vector<16xi32>
        %add3A_1594 = arith.constant 2640 : i32
        %add3A_1595 = vector.broadcast %add3A_1594 : i32 to vector<16xi32>
        %add3A_1596 = arith.addi %mul3A_1466, %add3A_1595 : vector<16xi32>
        %add3A_1597 = arith.addi %add3A_1596, %add3A_1593 : vector<16xi32>
        tpu.vector_store_idx %arg6[%add3A_1597], %add3A_1471 : memref<16896xf32, #tpu.memory_space<vmem>>[vector<16xi32>], vector<16xf32>,
        %get3A_1598 = arith.constant 96 : index
        %get3A_1599 = tpu.vector_load %arg4[%get3A_1598] {strides = array<i32>} : memref<512xf32, #tpu.memory_space<vmem>>, vector<16xf32>,
        %sub3A_1600 = arith.subf %gather3A_1462, %get3A_1599 : vector<16xf32>
        %add3A_1601 = arith.constant 1.550000e+01 : f32
        %add3A_1602 = vector.broadcast %add3A_1601 : f32 to vector<16xf32>
        %add3A_1603 = arith.addf %sub3A_1600, %add3A_1602 : vector<16xf32>
        %max3A_1604 = arith.constant 0.000000e+00 : f32
        %max3A_1605 = vector.broadcast %max3A_1604 : f32 to vector<16xf32>
        %max3A_1606 = arith.maximumf %add3A_1603, %max3A_1605 : vector<16xf32>
        %min3A_1607 = arith.constant 3.200000e+01 : f32
        %min3A_1608 = vector.broadcast %min3A_1607 : f32 to vector<16xf32>
        %min3A_1609 = arith.minimumf %max3A_1606, %min3A_1608 : vector<16xf32>
        %convert_element_type3A_1610 = arith.fptosi %min3A_1609 : vector<16xf32> to vector<16xi32>
        %convert_element_type3A_1611 = arith.sitofp %convert_element_type3A_1610 : vector<16xi32> to vector<16xf32>
        %gt3A_1612 = arith.cmpf ogt, %min3A_1609, %convert_element_type3A_1611 : vector<16xf32>
        %convert_element_type3A_1613 = arith.extui %gt3A_1612 : vector<16xi1> to vector<16xi32>
        %add3A_1614 = arith.addi %convert_element_type3A_1610, %convert_element_type3A_1613 : vector<16xi32>
        %add3A_1615 = arith.constant 3168 : i32
        %add3A_1616 = vector.broadcast %add3A_1615 : i32 to vector<16xi32>
        %add3A_1617 = arith.addi %mul3A_1466, %add3A_1616 : vector<16xi32>
        %add3A_1618 = arith.addi %add3A_1617, %add3A_1614 : vector<16xi32>
        tpu.vector_store_idx %arg6[%add3A_1618], %add3A_1471 : memref<16896xf32, #tpu.memory_space<vmem>>[vector<16xi32>], vector<16xf32>,
        %get3A_1619 = arith.constant 112 : index
        %get3A_1620 = tpu.vector_load %arg4[%get3A_1619] {strides = array<i32>} : memref<512xf32, #tpu.memory_space<vmem>>, vector<16xf32>,
        %sub3A_1621 = arith.subf %gather3A_1462, %get3A_1620 : vector<16xf32>
        %add3A_1622 = arith.constant 1.550000e+01 : f32
        %add3A_1623 = vector.broadcast %add3A_1622 : f32 to vector<16xf32>
        %add3A_1624 = arith.addf %sub3A_1621, %add3A_1623 : vector<16xf32>
        %max3A_1625 = arith.constant 0.000000e+00 : f32
        %max3A_1626 = vector.broadcast %max3A_1625 : f32 to vector<16xf32>
        %max3A_1627 = arith.maximumf %add3A_1624, %max3A_1626 : vector<16xf32>
        %min3A_1628 = arith.constant 3.200000e+01 : f32
        %min3A_1629 = vector.broadcast %min3A_1628 : f32 to vector<16xf32>
        %min3A_1630 = arith.minimumf %max3A_1627, %min3A_1629 : vector<16xf32>
        %convert_element_type3A_1631 = arith.fptosi %min3A_1630 : vector<16xf32> to vector<16xi32>
        %convert_element_type3A_1632 = arith.sitofp %convert_element_type3A_1631 : vector<16xi32> to vector<16xf32>
        %gt3A_1633 = arith.cmpf ogt, %min3A_1630, %convert_element_type3A_1632 : vector<16xf32>
        %convert_element_type3A_1634 = arith.extui %gt3A_1633 : vector<16xi1> to vector<16xi32>
        %add3A_1635 = arith.addi %convert_element_type3A_1631, %convert_element_type3A_1634 : vector<16xi32>
        %add3A_1636 = arith.constant 3696 : i32
        %add3A_1637 = vector.broadcast %add3A_1636 : i32 to vector<16xi32>
        %add3A_1638 = arith.addi %mul3A_1466, %add3A_1637 : vector<16xi32>
        %add3A_1639 = arith.addi %add3A_1638, %add3A_1635 : vector<16xi32>
        tpu.vector_store_idx %arg6[%add3A_1639], %add3A_1471 : memref<16896xf32, #tpu.memory_space<vmem>>[vector<16xi32>], vector<16xf32>,
        %get3A_1640 = arith.constant 128 : index
        %get3A_1641 = tpu.vector_load %arg4[%get3A_1640] {strides = array<i32>} : memref<512xf32, #tpu.memory_space<vmem>>, vector<16xf32>,
        %sub3A_1642 = arith.subf %gather3A_1462, %get3A_1641 : vector<16xf32>
        %add3A_1643 = arith.constant 1.550000e+01 : f32
        %add3A_1644 = vector.broadcast %add3A_1643 : f32 to vector<16xf32>
        %add3A_1645 = arith.addf %sub3A_1642, %add3A_1644 : vector<16xf32>
        %max3A_1646 = arith.constant 0.000000e+00 : f32
        %max3A_1647 = vector.broadcast %max3A_1646 : f32 to vector<16xf32>
        %max3A_1648 = arith.maximumf %add3A_1645, %max3A_1647 : vector<16xf32>
        %min3A_1649 = arith.constant 3.200000e+01 : f32
        %min3A_1650 = vector.broadcast %min3A_1649 : f32 to vector<16xf32>
        %min3A_1651 = arith.minimumf %max3A_1648, %min3A_1650 : vector<16xf32>
        %convert_element_type3A_1652 = arith.fptosi %min3A_1651 : vector<16xf32> to vector<16xi32>
        %convert_element_type3A_1653 = arith.sitofp %convert_element_type3A_1652 : vector<16xi32> to vector<16xf32>
        %gt3A_1654 = arith.cmpf ogt, %min3A_1651, %convert_element_type3A_1653 : vector<16xf32>
        %convert_element_type3A_1655 = arith.extui %gt3A_1654 : vector<16xi1> to vector<16xi32>
        %add3A_1656 = arith.addi %convert_element_type3A_1652, %convert_element_type3A_1655 : vector<16xi32>
        %add3A_1657 = arith.constant 4224 : i32
        %add3A_1658 = vector.broadcast %add3A_1657 : i32 to vector<16xi32>
        %add3A_1659 = arith.addi %mul3A_1466, %add3A_1658 : vector<16xi32>
        %add3A_1660 = arith.addi %add3A_1659, %add3A_1656 : vector<16xi32>
        tpu.vector_store_idx %arg6[%add3A_1660], %add3A_1471 : memref<16896xf32, #tpu.memory_space<vmem>>[vector<16xi32>], vector<16xf32>,
        %get3A_1661 = arith.constant 144 : index
        %get3A_1662 = tpu.vector_load %arg4[%get3A_1661] {strides = array<i32>} : memref<512xf32, #tpu.memory_space<vmem>>, vector<16xf32>,
        %sub3A_1663 = arith.subf %gather3A_1462, %get3A_1662 : vector<16xf32>
        %add3A_1664 = arith.constant 1.550000e+01 : f32
        %add3A_1665 = vector.broadcast %add3A_1664 : f32 to vector<16xf32>
        %add3A_1666 = arith.addf %sub3A_1663, %add3A_1665 : vector<16xf32>
        %max3A_1667 = arith.constant 0.000000e+00 : f32
        %max3A_1668 = vector.broadcast %max3A_1667 : f32 to vector<16xf32>
        %max3A_1669 = arith.maximumf %add3A_1666, %max3A_1668 : vector<16xf32>
        %min3A_1670 = arith.constant 3.200000e+01 : f32
        %min3A_1671 = vector.broadcast %min3A_1670 : f32 to vector<16xf32>
        %min3A_1672 = arith.minimumf %max3A_1669, %min3A_1671 : vector<16xf32>
        %convert_element_type3A_1673 = arith.fptosi %min3A_1672 : vector<16xf32> to vector<16xi32>
        %convert_element_type3A_1674 = arith.sitofp %convert_element_type3A_1673 : vector<16xi32> to vector<16xf32>
        %gt3A_1675 = arith.cmpf ogt, %min3A_1672, %convert_element_type3A_1674 : vector<16xf32>
        %convert_element_type3A_1676 = arith.extui %gt3A_1675 : vector<16xi1> to vector<16xi32>
        %add3A_1677 = arith.addi %convert_element_type3A_1673, %convert_element_type3A_1676 : vector<16xi32>
        %add3A_1678 = arith.constant 4752 : i32
        %add3A_1679 = vector.broadcast %add3A_1678 : i32 to vector<16xi32>
        %add3A_1680 = arith.addi %mul3A_1466, %add3A_1679 : vector<16xi32>
        %add3A_1681 = arith.addi %add3A_1680, %add3A_1677 : vector<16xi32>
        tpu.vector_store_idx %arg6[%add3A_1681], %add3A_1471 : memref<16896xf32, #tpu.memory_space<vmem>>[vector<16xi32>], vector<16xf32>,
        %get3A_1682 = arith.constant 160 : index
        %get3A_1683 = tpu.vector_load %arg4[%get3A_1682] {strides = array<i32>} : memref<512xf32, #tpu.memory_space<vmem>>, vector<16xf32>,
        %sub3A_1684 = arith.subf %gather3A_1462, %get3A_1683 : vector<16xf32>
        %add3A_1685 = arith.constant 1.550000e+01 : f32
        %add3A_1686 = vector.broadcast %add3A_1685 : f32 to vector<16xf32>
        %add3A_1687 = arith.addf %sub3A_1684, %add3A_1686 : vector<16xf32>
        %max3A_1688 = arith.constant 0.000000e+00 : f32
        %max3A_1689 = vector.broadcast %max3A_1688 : f32 to vector<16xf32>
        %max3A_1690 = arith.maximumf %add3A_1687, %max3A_1689 : vector<16xf32>
        %min3A_1691 = arith.constant 3.200000e+01 : f32
        %min3A_1692 = vector.broadcast %min3A_1691 : f32 to vector<16xf32>
        %min3A_1693 = arith.minimumf %max3A_1690, %min3A_1692 : vector<16xf32>
        %convert_element_type3A_1694 = arith.fptosi %min3A_1693 : vector<16xf32> to vector<16xi32>
        %convert_element_type3A_1695 = arith.sitofp %convert_element_type3A_1694 : vector<16xi32> to vector<16xf32>
        %gt3A_1696 = arith.cmpf ogt, %min3A_1693, %convert_element_type3A_1695 : vector<16xf32>
        %convert_element_type3A_1697 = arith.extui %gt3A_1696 : vector<16xi1> to vector<16xi32>
        %add3A_1698 = arith.addi %convert_element_type3A_1694, %convert_element_type3A_1697 : vector<16xi32>
        %add3A_1699 = arith.constant 5280 : i32
        %add3A_1700 = vector.broadcast %add3A_1699 : i32 to vector<16xi32>
        %add3A_1701 = arith.addi %mul3A_1466, %add3A_1700 : vector<16xi32>
        %add3A_1702 = arith.addi %add3A_1701, %add3A_1698 : vector<16xi32>
        tpu.vector_store_idx %arg6[%add3A_1702], %add3A_1471 : memref<16896xf32, #tpu.memory_space<vmem>>[vector<16xi32>], vector<16xf32>,
        %get3A_1703 = arith.constant 176 : index
        %get3A_1704 = tpu.vector_load %arg4[%get3A_1703] {strides = array<i32>} : memref<512xf32, #tpu.memory_space<vmem>>, vector<16xf32>,
        %sub3A_1705 = arith.subf %gather3A_1462, %get3A_1704 : vector<16xf32>
        %add3A_1706 = arith.constant 1.550000e+01 : f32
        %add3A_1707 = vector.broadcast %add3A_1706 : f32 to vector<16xf32>
        %add3A_1708 = arith.addf %sub3A_1705, %add3A_1707 : vector<16xf32>
        %max3A_1709 = arith.constant 0.000000e+00 : f32
        %max3A_1710 = vector.broadcast %max3A_1709 : f32 to vector<16xf32>
        %max3A_1711 = arith.maximumf %add3A_1708, %max3A_1710 : vector<16xf32>
        %min3A_1712 = arith.constant 3.200000e+01 : f32
        %min3A_1713 = vector.broadcast %min3A_1712 : f32 to vector<16xf32>
        %min3A_1714 = arith.minimumf %max3A_1711, %min3A_1713 : vector<16xf32>
        %convert_element_type3A_1715 = arith.fptosi %min3A_1714 : vector<16xf32> to vector<16xi32>
        %convert_element_type3A_1716 = arith.sitofp %convert_element_type3A_1715 : vector<16xi32> to vector<16xf32>
        %gt3A_1717 = arith.cmpf ogt, %min3A_1714, %convert_element_type3A_1716 : vector<16xf32>
        %convert_element_type3A_1718 = arith.extui %gt3A_1717 : vector<16xi1> to vector<16xi32>
        %add3A_1719 = arith.addi %convert_element_type3A_1715, %convert_element_type3A_1718 : vector<16xi32>
        %add3A_1720 = arith.constant 5808 : i32
        %add3A_1721 = vector.broadcast %add3A_1720 : i32 to vector<16xi32>
        %add3A_1722 = arith.addi %mul3A_1466, %add3A_1721 : vector<16xi32>
        %add3A_1723 = arith.addi %add3A_1722, %add3A_1719 : vector<16xi32>
        tpu.vector_store_idx %arg6[%add3A_1723], %add3A_1471 : memref<16896xf32, #tpu.memory_space<vmem>>[vector<16xi32>], vector<16xf32>,
        %get3A_1724 = arith.constant 192 : index
        %get3A_1725 = tpu.vector_load %arg4[%get3A_1724] {strides = array<i32>} : memref<512xf32, #tpu.memory_space<vmem>>, vector<16xf32>,
        %sub3A_1726 = arith.subf %gather3A_1462, %get3A_1725 : vector<16xf32>
        %add3A_1727 = arith.constant 1.550000e+01 : f32
        %add3A_1728 = vector.broadcast %add3A_1727 : f32 to vector<16xf32>
        %add3A_1729 = arith.addf %sub3A_1726, %add3A_1728 : vector<16xf32>
        %max3A_1730 = arith.constant 0.000000e+00 : f32
        %max3A_1731 = vector.broadcast %max3A_1730 : f32 to vector<16xf32>
        %max3A_1732 = arith.maximumf %add3A_1729, %max3A_1731 : vector<16xf32>
        %min3A_1733 = arith.constant 3.200000e+01 : f32
        %min3A_1734 = vector.broadcast %min3A_1733 : f32 to vector<16xf32>
        %min3A_1735 = arith.minimumf %max3A_1732, %min3A_1734 : vector<16xf32>
        %convert_element_type3A_1736 = arith.fptosi %min3A_1735 : vector<16xf32> to vector<16xi32>
        %convert_element_type3A_1737 = arith.sitofp %convert_element_type3A_1736 : vector<16xi32> to vector<16xf32>
        %gt3A_1738 = arith.cmpf ogt, %min3A_1735, %convert_element_type3A_1737 : vector<16xf32>
        %convert_element_type3A_1739 = arith.extui %gt3A_1738 : vector<16xi1> to vector<16xi32>
        %add3A_1740 = arith.addi %convert_element_type3A_1736, %convert_element_type3A_1739 : vector<16xi32>
        %add3A_1741 = arith.constant 6336 : i32
        %add3A_1742 = vector.broadcast %add3A_1741 : i32 to vector<16xi32>
        %add3A_1743 = arith.addi %mul3A_1466, %add3A_1742 : vector<16xi32>
        %add3A_1744 = arith.addi %add3A_1743, %add3A_1740 : vector<16xi32>
        tpu.vector_store_idx %arg6[%add3A_1744], %add3A_1471 : memref<16896xf32, #tpu.memory_space<vmem>>[vector<16xi32>], vector<16xf32>,
        %get3A_1745 = arith.constant 208 : index
        %get3A_1746 = tpu.vector_load %arg4[%get3A_1745] {strides = array<i32>} : memref<512xf32, #tpu.memory_space<vmem>>, vector<16xf32>,
        %sub3A_1747 = arith.subf %gather3A_1462, %get3A_1746 : vector<16xf32>
        %add3A_1748 = arith.constant 1.550000e+01 : f32
        %add3A_1749 = vector.broadcast %add3A_1748 : f32 to vector<16xf32>
        %add3A_1750 = arith.addf %sub3A_1747, %add3A_1749 : vector<16xf32>
        %max3A_1751 = arith.constant 0.000000e+00 : f32
        %max3A_1752 = vector.broadcast %max3A_1751 : f32 to vector<16xf32>
        %max3A_1753 = arith.maximumf %add3A_1750, %max3A_1752 : vector<16xf32>
        %min3A_1754 = arith.constant 3.200000e+01 : f32
        %min3A_1755 = vector.broadcast %min3A_1754 : f32 to vector<16xf32>
        %min3A_1756 = arith.minimumf %max3A_1753, %min3A_1755 : vector<16xf32>
        %convert_element_type3A_1757 = arith.fptosi %min3A_1756 : vector<16xf32> to vector<16xi32>
        %convert_element_type3A_1758 = arith.sitofp %convert_element_type3A_1757 : vector<16xi32> to vector<16xf32>
        %gt3A_1759 = arith.cmpf ogt, %min3A_1756, %convert_element_type3A_1758 : vector<16xf32>
        %convert_element_type3A_1760 = arith.extui %gt3A_1759 : vector<16xi1> to vector<16xi32>
        %add3A_1761 = arith.addi %convert_element_type3A_1757, %convert_element_type3A_1760 : vector<16xi32>
        %add3A_1762 = arith.constant 6864 : i32
        %add3A_1763 = vector.broadcast %add3A_1762 : i32 to vector<16xi32>
        %add3A_1764 = arith.addi %mul3A_1466, %add3A_1763 : vector<16xi32>
        %add3A_1765 = arith.addi %add3A_1764, %add3A_1761 : vector<16xi32>
        tpu.vector_store_idx %arg6[%add3A_1765], %add3A_1471 : memref<16896xf32, #tpu.memory_space<vmem>>[vector<16xi32>], vector<16xf32>,
        %get3A_1766 = arith.constant 224 : index
        %get3A_1767 = tpu.vector_load %arg4[%get3A_1766] {strides = array<i32>} : memref<512xf32, #tpu.memory_space<vmem>>, vector<16xf32>,
        %sub3A_1768 = arith.subf %gather3A_1462, %get3A_1767 : vector<16xf32>
        %add3A_1769 = arith.constant 1.550000e+01 : f32
        %add3A_1770 = vector.broadcast %add3A_1769 : f32 to vector<16xf32>
        %add3A_1771 = arith.addf %sub3A_1768, %add3A_1770 : vector<16xf32>
        %max3A_1772 = arith.constant 0.000000e+00 : f32
        %max3A_1773 = vector.broadcast %max3A_1772 : f32 to vector<16xf32>
        %max3A_1774 = arith.maximumf %add3A_1771, %max3A_1773 : vector<16xf32>
        %min3A_1775 = arith.constant 3.200000e+01 : f32
        %min3A_1776 = vector.broadcast %min3A_1775 : f32 to vector<16xf32>
        %min3A_1777 = arith.minimumf %max3A_1774, %min3A_1776 : vector<16xf32>
        %convert_element_type3A_1778 = arith.fptosi %min3A_1777 : vector<16xf32> to vector<16xi32>
        %convert_element_type3A_1779 = arith.sitofp %convert_element_type3A_1778 : vector<16xi32> to vector<16xf32>
        %gt3A_1780 = arith.cmpf ogt, %min3A_1777, %convert_element_type3A_1779 : vector<16xf32>
        %convert_element_type3A_1781 = arith.extui %gt3A_1780 : vector<16xi1> to vector<16xi32>
        %add3A_1782 = arith.addi %convert_element_type3A_1778, %convert_element_type3A_1781 : vector<16xi32>
        %add3A_1783 = arith.constant 7392 : i32
        %add3A_1784 = vector.broadcast %add3A_1783 : i32 to vector<16xi32>
        %add3A_1785 = arith.addi %mul3A_1466, %add3A_1784 : vector<16xi32>
        %add3A_1786 = arith.addi %add3A_1785, %add3A_1782 : vector<16xi32>
        tpu.vector_store_idx %arg6[%add3A_1786], %add3A_1471 : memref<16896xf32, #tpu.memory_space<vmem>>[vector<16xi32>], vector<16xf32>,
        %get3A_1787 = arith.constant 240 : index
        %get3A_1788 = tpu.vector_load %arg4[%get3A_1787] {strides = array<i32>} : memref<512xf32, #tpu.memory_space<vmem>>, vector<16xf32>,
        %sub3A_1789 = arith.subf %gather3A_1462, %get3A_1788 : vector<16xf32>
        %add3A_1790 = arith.constant 1.550000e+01 : f32
        %add3A_1791 = vector.broadcast %add3A_1790 : f32 to vector<16xf32>
        %add3A_1792 = arith.addf %sub3A_1789, %add3A_1791 : vector<16xf32>
        %max3A_1793 = arith.constant 0.000000e+00 : f32
        %max3A_1794 = vector.broadcast %max3A_1793 : f32 to vector<16xf32>
        %max3A_1795 = arith.maximumf %add3A_1792, %max3A_1794 : vector<16xf32>
        %min3A_1796 = arith.constant 3.200000e+01 : f32
        %min3A_1797 = vector.broadcast %min3A_1796 : f32 to vector<16xf32>
        %min3A_1798 = arith.minimumf %max3A_1795, %min3A_1797 : vector<16xf32>
        %convert_element_type3A_1799 = arith.fptosi %min3A_1798 : vector<16xf32> to vector<16xi32>
        %convert_element_type3A_1800 = arith.sitofp %convert_element_type3A_1799 : vector<16xi32> to vector<16xf32>
        %gt3A_1801 = arith.cmpf ogt, %min3A_1798, %convert_element_type3A_1800 : vector<16xf32>
        %convert_element_type3A_1802 = arith.extui %gt3A_1801 : vector<16xi1> to vector<16xi32>
        %add3A_1803 = arith.addi %convert_element_type3A_1799, %convert_element_type3A_1802 : vector<16xi32>
        %add3A_1804 = arith.constant 7920 : i32
        %add3A_1805 = vector.broadcast %add3A_1804 : i32 to vector<16xi32>
        %add3A_1806 = arith.addi %mul3A_1466, %add3A_1805 : vector<16xi32>
        %add3A_1807 = arith.addi %add3A_1806, %add3A_1803 : vector<16xi32>
        tpu.vector_store_idx %arg6[%add3A_1807], %add3A_1471 : memref<16896xf32, #tpu.memory_space<vmem>>[vector<16xi32>], vector<16xf32>,
        %get3A_1808 = arith.constant 256 : index
        %get3A_1809 = tpu.vector_load %arg4[%get3A_1808] {strides = array<i32>} : memref<512xf32, #tpu.memory_space<vmem>>, vector<16xf32>,
        %sub3A_1810 = arith.subf %gather3A_1462, %get3A_1809 : vector<16xf32>
        %add3A_1811 = arith.constant 1.550000e+01 : f32
        %add3A_1812 = vector.broadcast %add3A_1811 : f32 to vector<16xf32>
        %add3A_1813 = arith.addf %sub3A_1810, %add3A_1812 : vector<16xf32>
        %max3A_1814 = arith.constant 0.000000e+00 : f32
        %max3A_1815 = vector.broadcast %max3A_1814 : f32 to vector<16xf32>
        %max3A_1816 = arith.maximumf %add3A_1813, %max3A_1815 : vector<16xf32>
        %min3A_1817 = arith.constant 3.200000e+01 : f32
        %min3A_1818 = vector.broadcast %min3A_1817 : f32 to vector<16xf32>
        %min3A_1819 = arith.minimumf %max3A_1816, %min3A_1818 : vector<16xf32>
        %convert_element_type3A_1820 = arith.fptosi %min3A_1819 : vector<16xf32> to vector<16xi32>
        %convert_element_type3A_1821 = arith.sitofp %convert_element_type3A_1820 : vector<16xi32> to vector<16xf32>
        %gt3A_1822 = arith.cmpf ogt, %min3A_1819, %convert_element_type3A_1821 : vector<16xf32>
        %convert_element_type3A_1823 = arith.extui %gt3A_1822 : vector<16xi1> to vector<16xi32>
        %add3A_1824 = arith.addi %convert_element_type3A_1820, %convert_element_type3A_1823 : vector<16xi32>
        %add3A_1825 = arith.constant 8448 : i32
        %add3A_1826 = vector.broadcast %add3A_1825 : i32 to vector<16xi32>
        %add3A_1827 = arith.addi %mul3A_1466, %add3A_1826 : vector<16xi32>
        %add3A_1828 = arith.addi %add3A_1827, %add3A_1824 : vector<16xi32>
        tpu.vector_store_idx %arg6[%add3A_1828], %add3A_1471 : memref<16896xf32, #tpu.memory_space<vmem>>[vector<16xi32>], vector<16xf32>,
        %get3A_1829 = arith.constant 272 : index
        %get3A_1830 = tpu.vector_load %arg4[%get3A_1829] {strides = array<i32>} : memref<512xf32, #tpu.memory_space<vmem>>, vector<16xf32>,
        %sub3A_1831 = arith.subf %gather3A_1462, %get3A_1830 : vector<16xf32>
        %add3A_1832 = arith.constant 1.550000e+01 : f32
        %add3A_1833 = vector.broadcast %add3A_1832 : f32 to vector<16xf32>
        %add3A_1834 = arith.addf %sub3A_1831, %add3A_1833 : vector<16xf32>
        %max3A_1835 = arith.constant 0.000000e+00 : f32
        %max3A_1836 = vector.broadcast %max3A_1835 : f32 to vector<16xf32>
        %max3A_1837 = arith.maximumf %add3A_1834, %max3A_1836 : vector<16xf32>
        %min3A_1838 = arith.constant 3.200000e+01 : f32
        %min3A_1839 = vector.broadcast %min3A_1838 : f32 to vector<16xf32>
        %min3A_1840 = arith.minimumf %max3A_1837, %min3A_1839 : vector<16xf32>
        %convert_element_type3A_1841 = arith.fptosi %min3A_1840 : vector<16xf32> to vector<16xi32>
        %convert_element_type3A_1842 = arith.sitofp %convert_element_type3A_1841 : vector<16xi32> to vector<16xf32>
        %gt3A_1843 = arith.cmpf ogt, %min3A_1840, %convert_element_type3A_1842 : vector<16xf32>
        %convert_element_type3A_1844 = arith.extui %gt3A_1843 : vector<16xi1> to vector<16xi32>
        %add3A_1845 = arith.addi %convert_element_type3A_1841, %convert_element_type3A_1844 : vector<16xi32>
        %add3A_1846 = arith.constant 8976 : i32
        %add3A_1847 = vector.broadcast %add3A_1846 : i32 to vector<16xi32>
        %add3A_1848 = arith.addi %mul3A_1466, %add3A_1847 : vector<16xi32>
        %add3A_1849 = arith.addi %add3A_1848, %add3A_1845 : vector<16xi32>
        tpu.vector_store_idx %arg6[%add3A_1849], %add3A_1471 : memref<16896xf32, #tpu.memory_space<vmem>>[vector<16xi32>], vector<16xf32>,
        %get3A_1850 = arith.constant 288 : index
        %get3A_1851 = tpu.vector_load %arg4[%get3A_1850] {strides = array<i32>} : memref<512xf32, #tpu.memory_space<vmem>>, vector<16xf32>,
        %sub3A_1852 = arith.subf %gather3A_1462, %get3A_1851 : vector<16xf32>
        %add3A_1853 = arith.constant 1.550000e+01 : f32
        %add3A_1854 = vector.broadcast %add3A_1853 : f32 to vector<16xf32>
        %add3A_1855 = arith.addf %sub3A_1852, %add3A_1854 : vector<16xf32>
        %max3A_1856 = arith.constant 0.000000e+00 : f32
        %max3A_1857 = vector.broadcast %max3A_1856 : f32 to vector<16xf32>
        %max3A_1858 = arith.maximumf %add3A_1855, %max3A_1857 : vector<16xf32>
        %min3A_1859 = arith.constant 3.200000e+01 : f32
        %min3A_1860 = vector.broadcast %min3A_1859 : f32 to vector<16xf32>
        %min3A_1861 = arith.minimumf %max3A_1858, %min3A_1860 : vector<16xf32>
        %convert_element_type3A_1862 = arith.fptosi %min3A_1861 : vector<16xf32> to vector<16xi32>
        %convert_element_type3A_1863 = arith.sitofp %convert_element_type3A_1862 : vector<16xi32> to vector<16xf32>
        %gt3A_1864 = arith.cmpf ogt, %min3A_1861, %convert_element_type3A_1863 : vector<16xf32>
        %convert_element_type3A_1865 = arith.extui %gt3A_1864 : vector<16xi1> to vector<16xi32>
        %add3A_1866 = arith.addi %convert_element_type3A_1862, %convert_element_type3A_1865 : vector<16xi32>
        %add3A_1867 = arith.constant 9504 : i32
        %add3A_1868 = vector.broadcast %add3A_1867 : i32 to vector<16xi32>
        %add3A_1869 = arith.addi %mul3A_1466, %add3A_1868 : vector<16xi32>
        %add3A_1870 = arith.addi %add3A_1869, %add3A_1866 : vector<16xi32>
        tpu.vector_store_idx %arg6[%add3A_1870], %add3A_1471 : memref<16896xf32, #tpu.memory_space<vmem>>[vector<16xi32>], vector<16xf32>,
        %get3A_1871 = arith.constant 304 : index
        %get3A_1872 = tpu.vector_load %arg4[%get3A_1871] {strides = array<i32>} : memref<512xf32, #tpu.memory_space<vmem>>, vector<16xf32>,
        %sub3A_1873 = arith.subf %gather3A_1462, %get3A_1872 : vector<16xf32>
        %add3A_1874 = arith.constant 1.550000e+01 : f32
        %add3A_1875 = vector.broadcast %add3A_1874 : f32 to vector<16xf32>
        %add3A_1876 = arith.addf %sub3A_1873, %add3A_1875 : vector<16xf32>
        %max3A_1877 = arith.constant 0.000000e+00 : f32
        %max3A_1878 = vector.broadcast %max3A_1877 : f32 to vector<16xf32>
        %max3A_1879 = arith.maximumf %add3A_1876, %max3A_1878 : vector<16xf32>
        %min3A_1880 = arith.constant 3.200000e+01 : f32
        %min3A_1881 = vector.broadcast %min3A_1880 : f32 to vector<16xf32>
        %min3A_1882 = arith.minimumf %max3A_1879, %min3A_1881 : vector<16xf32>
        %convert_element_type3A_1883 = arith.fptosi %min3A_1882 : vector<16xf32> to vector<16xi32>
        %convert_element_type3A_1884 = arith.sitofp %convert_element_type3A_1883 : vector<16xi32> to vector<16xf32>
        %gt3A_1885 = arith.cmpf ogt, %min3A_1882, %convert_element_type3A_1884 : vector<16xf32>
        %convert_element_type3A_1886 = arith.extui %gt3A_1885 : vector<16xi1> to vector<16xi32>
        %add3A_1887 = arith.addi %convert_element_type3A_1883, %convert_element_type3A_1886 : vector<16xi32>
        %add3A_1888 = arith.constant 10032 : i32
        %add3A_1889 = vector.broadcast %add3A_1888 : i32 to vector<16xi32>
        %add3A_1890 = arith.addi %mul3A_1466, %add3A_1889 : vector<16xi32>
        %add3A_1891 = arith.addi %add3A_1890, %add3A_1887 : vector<16xi32>
        tpu.vector_store_idx %arg6[%add3A_1891], %add3A_1471 : memref<16896xf32, #tpu.memory_space<vmem>>[vector<16xi32>], vector<16xf32>,
        %get3A_1892 = arith.constant 320 : index
        %get3A_1893 = tpu.vector_load %arg4[%get3A_1892] {strides = array<i32>} : memref<512xf32, #tpu.memory_space<vmem>>, vector<16xf32>,
        %sub3A_1894 = arith.subf %gather3A_1462, %get3A_1893 : vector<16xf32>
        %add3A_1895 = arith.constant 1.550000e+01 : f32
        %add3A_1896 = vector.broadcast %add3A_1895 : f32 to vector<16xf32>
        %add3A_1897 = arith.addf %sub3A_1894, %add3A_1896 : vector<16xf32>
        %max3A_1898 = arith.constant 0.000000e+00 : f32
        %max3A_1899 = vector.broadcast %max3A_1898 : f32 to vector<16xf32>
        %max3A_1900 = arith.maximumf %add3A_1897, %max3A_1899 : vector<16xf32>
        %min3A_1901 = arith.constant 3.200000e+01 : f32
        %min3A_1902 = vector.broadcast %min3A_1901 : f32 to vector<16xf32>
        %min3A_1903 = arith.minimumf %max3A_1900, %min3A_1902 : vector<16xf32>
        %convert_element_type3A_1904 = arith.fptosi %min3A_1903 : vector<16xf32> to vector<16xi32>
        %convert_element_type3A_1905 = arith.sitofp %convert_element_type3A_1904 : vector<16xi32> to vector<16xf32>
        %gt3A_1906 = arith.cmpf ogt, %min3A_1903, %convert_element_type3A_1905 : vector<16xf32>
        %convert_element_type3A_1907 = arith.extui %gt3A_1906 : vector<16xi1> to vector<16xi32>
        %add3A_1908 = arith.addi %convert_element_type3A_1904, %convert_element_type3A_1907 : vector<16xi32>
        %add3A_1909 = arith.constant 10560 : i32
        %add3A_1910 = vector.broadcast %add3A_1909 : i32 to vector<16xi32>
        %add3A_1911 = arith.addi %mul3A_1466, %add3A_1910 : vector<16xi32>
        %add3A_1912 = arith.addi %add3A_1911, %add3A_1908 : vector<16xi32>
        tpu.vector_store_idx %arg6[%add3A_1912], %add3A_1471 : memref<16896xf32, #tpu.memory_space<vmem>>[vector<16xi32>], vector<16xf32>,
        %get3A_1913 = arith.constant 336 : index
        %get3A_1914 = tpu.vector_load %arg4[%get3A_1913] {strides = array<i32>} : memref<512xf32, #tpu.memory_space<vmem>>, vector<16xf32>,
        %sub3A_1915 = arith.subf %gather3A_1462, %get3A_1914 : vector<16xf32>
        %add3A_1916 = arith.constant 1.550000e+01 : f32
        %add3A_1917 = vector.broadcast %add3A_1916 : f32 to vector<16xf32>
        %add3A_1918 = arith.addf %sub3A_1915, %add3A_1917 : vector<16xf32>
        %max3A_1919 = arith.constant 0.000000e+00 : f32
        %max3A_1920 = vector.broadcast %max3A_1919 : f32 to vector<16xf32>
        %max3A_1921 = arith.maximumf %add3A_1918, %max3A_1920 : vector<16xf32>
        %min3A_1922 = arith.constant 3.200000e+01 : f32
        %min3A_1923 = vector.broadcast %min3A_1922 : f32 to vector<16xf32>
        %min3A_1924 = arith.minimumf %max3A_1921, %min3A_1923 : vector<16xf32>
        %convert_element_type3A_1925 = arith.fptosi %min3A_1924 : vector<16xf32> to vector<16xi32>
        %convert_element_type3A_1926 = arith.sitofp %convert_element_type3A_1925 : vector<16xi32> to vector<16xf32>
        %gt3A_1927 = arith.cmpf ogt, %min3A_1924, %convert_element_type3A_1926 : vector<16xf32>
        %convert_element_type3A_1928 = arith.extui %gt3A_1927 : vector<16xi1> to vector<16xi32>
        %add3A_1929 = arith.addi %convert_element_type3A_1925, %convert_element_type3A_1928 : vector<16xi32>
        %add3A_1930 = arith.constant 11088 : i32
        %add3A_1931 = vector.broadcast %add3A_1930 : i32 to vector<16xi32>
        %add3A_1932 = arith.addi %mul3A_1466, %add3A_1931 : vector<16xi32>
        %add3A_1933 = arith.addi %add3A_1932, %add3A_1929 : vector<16xi32>
        tpu.vector_store_idx %arg6[%add3A_1933], %add3A_1471 : memref<16896xf32, #tpu.memory_space<vmem>>[vector<16xi32>], vector<16xf32>,
        %get3A_1934 = arith.constant 352 : index
        %get3A_1935 = tpu.vector_load %arg4[%get3A_1934] {strides = array<i32>} : memref<512xf32, #tpu.memory_space<vmem>>, vector<16xf32>,
        %sub3A_1936 = arith.subf %gather3A_1462, %get3A_1935 : vector<16xf32>
        %add3A_1937 = arith.constant 1.550000e+01 : f32
        %add3A_1938 = vector.broadcast %add3A_1937 : f32 to vector<16xf32>
        %add3A_1939 = arith.addf %sub3A_1936, %add3A_1938 : vector<16xf32>
        %max3A_1940 = arith.constant 0.000000e+00 : f32
        %max3A_1941 = vector.broadcast %max3A_1940 : f32 to vector<16xf32>
        %max3A_1942 = arith.maximumf %add3A_1939, %max3A_1941 : vector<16xf32>
        %min3A_1943 = arith.constant 3.200000e+01 : f32
        %min3A_1944 = vector.broadcast %min3A_1943 : f32 to vector<16xf32>
        %min3A_1945 = arith.minimumf %max3A_1942, %min3A_1944 : vector<16xf32>
        %convert_element_type3A_1946 = arith.fptosi %min3A_1945 : vector<16xf32> to vector<16xi32>
        %convert_element_type3A_1947 = arith.sitofp %convert_element_type3A_1946 : vector<16xi32> to vector<16xf32>
        %gt3A_1948 = arith.cmpf ogt, %min3A_1945, %convert_element_type3A_1947 : vector<16xf32>
        %convert_element_type3A_1949 = arith.extui %gt3A_1948 : vector<16xi1> to vector<16xi32>
        %add3A_1950 = arith.addi %convert_element_type3A_1946, %convert_element_type3A_1949 : vector<16xi32>
        %add3A_1951 = arith.constant 11616 : i32
        %add3A_1952 = vector.broadcast %add3A_1951 : i32 to vector<16xi32>
        %add3A_1953 = arith.addi %mul3A_1466, %add3A_1952 : vector<16xi32>
        %add3A_1954 = arith.addi %add3A_1953, %add3A_1950 : vector<16xi32>
        tpu.vector_store_idx %arg6[%add3A_1954], %add3A_1471 : memref<16896xf32, #tpu.memory_space<vmem>>[vector<16xi32>], vector<16xf32>,
        %get3A_1955 = arith.constant 368 : index
        %get3A_1956 = tpu.vector_load %arg4[%get3A_1955] {strides = array<i32>} : memref<512xf32, #tpu.memory_space<vmem>>, vector<16xf32>,
        %sub3A_1957 = arith.subf %gather3A_1462, %get3A_1956 : vector<16xf32>
        %add3A_1958 = arith.constant 1.550000e+01 : f32
        %add3A_1959 = vector.broadcast %add3A_1958 : f32 to vector<16xf32>
        %add3A_1960 = arith.addf %sub3A_1957, %add3A_1959 : vector<16xf32>
        %max3A_1961 = arith.constant 0.000000e+00 : f32
        %max3A_1962 = vector.broadcast %max3A_1961 : f32 to vector<16xf32>
        %max3A_1963 = arith.maximumf %add3A_1960, %max3A_1962 : vector<16xf32>
        %min3A_1964 = arith.constant 3.200000e+01 : f32
        %min3A_1965 = vector.broadcast %min3A_1964 : f32 to vector<16xf32>
        %min3A_1966 = arith.minimumf %max3A_1963, %min3A_1965 : vector<16xf32>
        %convert_element_type3A_1967 = arith.fptosi %min3A_1966 : vector<16xf32> to vector<16xi32>
        %convert_element_type3A_1968 = arith.sitofp %convert_element_type3A_1967 : vector<16xi32> to vector<16xf32>
        %gt3A_1969 = arith.cmpf ogt, %min3A_1966, %convert_element_type3A_1968 : vector<16xf32>
        %convert_element_type3A_1970 = arith.extui %gt3A_1969 : vector<16xi1> to vector<16xi32>
        %add3A_1971 = arith.addi %convert_element_type3A_1967, %convert_element_type3A_1970 : vector<16xi32>
        %add3A_1972 = arith.constant 12144 : i32
        %add3A_1973 = vector.broadcast %add3A_1972 : i32 to vector<16xi32>
        %add3A_1974 = arith.addi %mul3A_1466, %add3A_1973 : vector<16xi32>
        %add3A_1975 = arith.addi %add3A_1974, %add3A_1971 : vector<16xi32>
        tpu.vector_store_idx %arg6[%add3A_1975], %add3A_1471 : memref<16896xf32, #tpu.memory_space<vmem>>[vector<16xi32>], vector<16xf32>,
        %get3A_1976 = arith.constant 384 : index
        %get3A_1977 = tpu.vector_load %arg4[%get3A_1976] {strides = array<i32>} : memref<512xf32, #tpu.memory_space<vmem>>, vector<16xf32>,
        %sub3A_1978 = arith.subf %gather3A_1462, %get3A_1977 : vector<16xf32>
        %add3A_1979 = arith.constant 1.550000e+01 : f32
        %add3A_1980 = vector.broadcast %add3A_1979 : f32 to vector<16xf32>
        %add3A_1981 = arith.addf %sub3A_1978, %add3A_1980 : vector<16xf32>
        %max3A_1982 = arith.constant 0.000000e+00 : f32
        %max3A_1983 = vector.broadcast %max3A_1982 : f32 to vector<16xf32>
        %max3A_1984 = arith.maximumf %add3A_1981, %max3A_1983 : vector<16xf32>
        %min3A_1985 = arith.constant 3.200000e+01 : f32
        %min3A_1986 = vector.broadcast %min3A_1985 : f32 to vector<16xf32>
        %min3A_1987 = arith.minimumf %max3A_1984, %min3A_1986 : vector<16xf32>
        %convert_element_type3A_1988 = arith.fptosi %min3A_1987 : vector<16xf32> to vector<16xi32>
        %convert_element_type3A_1989 = arith.sitofp %convert_element_type3A_1988 : vector<16xi32> to vector<16xf32>
        %gt3A_1990 = arith.cmpf ogt, %min3A_1987, %convert_element_type3A_1989 : vector<16xf32>
        %convert_element_type3A_1991 = arith.extui %gt3A_1990 : vector<16xi1> to vector<16xi32>
        %add3A_1992 = arith.addi %convert_element_type3A_1988, %convert_element_type3A_1991 : vector<16xi32>
        %add3A_1993 = arith.constant 12672 : i32
        %add3A_1994 = vector.broadcast %add3A_1993 : i32 to vector<16xi32>
        %add3A_1995 = arith.addi %mul3A_1466, %add3A_1994 : vector<16xi32>
        %add3A_1996 = arith.addi %add3A_1995, %add3A_1992 : vector<16xi32>
        tpu.vector_store_idx %arg6[%add3A_1996], %add3A_1471 : memref<16896xf32, #tpu.memory_space<vmem>>[vector<16xi32>], vector<16xf32>,
        %get3A_1997 = arith.constant 400 : index
        %get3A_1998 = tpu.vector_load %arg4[%get3A_1997] {strides = array<i32>} : memref<512xf32, #tpu.memory_space<vmem>>, vector<16xf32>,
        %sub3A_1999 = arith.subf %gather3A_1462, %get3A_1998 : vector<16xf32>
        %add3A_2000 = arith.constant 1.550000e+01 : f32
        %add3A_2001 = vector.broadcast %add3A_2000 : f32 to vector<16xf32>
        %add3A_2002 = arith.addf %sub3A_1999, %add3A_2001 : vector<16xf32>
        %max3A_2003 = arith.constant 0.000000e+00 : f32
        %max3A_2004 = vector.broadcast %max3A_2003 : f32 to vector<16xf32>
        %max3A_2005 = arith.maximumf %add3A_2002, %max3A_2004 : vector<16xf32>
        %min3A_2006 = arith.constant 3.200000e+01 : f32
        %min3A_2007 = vector.broadcast %min3A_2006 : f32 to vector<16xf32>
        %min3A_2008 = arith.minimumf %max3A_2005, %min3A_2007 : vector<16xf32>
        %convert_element_type3A_2009 = arith.fptosi %min3A_2008 : vector<16xf32> to vector<16xi32>
        %convert_element_type3A_2010 = arith.sitofp %convert_element_type3A_2009 : vector<16xi32> to vector<16xf32>
        %gt3A_2011 = arith.cmpf ogt, %min3A_2008, %convert_element_type3A_2010 : vector<16xf32>
        %convert_element_type3A_2012 = arith.extui %gt3A_2011 : vector<16xi1> to vector<16xi32>
        %add3A_2013 = arith.addi %convert_element_type3A_2009, %convert_element_type3A_2012 : vector<16xi32>
        %add3A_2014 = arith.constant 13200 : i32
        %add3A_2015 = vector.broadcast %add3A_2014 : i32 to vector<16xi32>
        %add3A_2016 = arith.addi %mul3A_1466, %add3A_2015 : vector<16xi32>
        %add3A_2017 = arith.addi %add3A_2016, %add3A_2013 : vector<16xi32>
        tpu.vector_store_idx %arg6[%add3A_2017], %add3A_1471 : memref<16896xf32, #tpu.memory_space<vmem>>[vector<16xi32>], vector<16xf32>,
        %get3A_2018 = arith.constant 416 : index
        %get3A_2019 = tpu.vector_load %arg4[%get3A_2018] {strides = array<i32>} : memref<512xf32, #tpu.memory_space<vmem>>, vector<16xf32>,
        %sub3A_2020 = arith.subf %gather3A_1462, %get3A_2019 : vector<16xf32>
        %add3A_2021 = arith.constant 1.550000e+01 : f32
        %add3A_2022 = vector.broadcast %add3A_2021 : f32 to vector<16xf32>
        %add3A_2023 = arith.addf %sub3A_2020, %add3A_2022 : vector<16xf32>
        %max3A_2024 = arith.constant 0.000000e+00 : f32
        %max3A_2025 = vector.broadcast %max3A_2024 : f32 to vector<16xf32>
        %max3A_2026 = arith.maximumf %add3A_2023, %max3A_2025 : vector<16xf32>
        %min3A_2027 = arith.constant 3.200000e+01 : f32
        %min3A_2028 = vector.broadcast %min3A_2027 : f32 to vector<16xf32>
        %min3A_2029 = arith.minimumf %max3A_2026, %min3A_2028 : vector<16xf32>
        %convert_element_type3A_2030 = arith.fptosi %min3A_2029 : vector<16xf32> to vector<16xi32>
        %convert_element_type3A_2031 = arith.sitofp %convert_element_type3A_2030 : vector<16xi32> to vector<16xf32>
        %gt3A_2032 = arith.cmpf ogt, %min3A_2029, %convert_element_type3A_2031 : vector<16xf32>
        %convert_element_type3A_2033 = arith.extui %gt3A_2032 : vector<16xi1> to vector<16xi32>
        %add3A_2034 = arith.addi %convert_element_type3A_2030, %convert_element_type3A_2033 : vector<16xi32>
        %add3A_2035 = arith.constant 13728 : i32
        %add3A_2036 = vector.broadcast %add3A_2035 : i32 to vector<16xi32>
        %add3A_2037 = arith.addi %mul3A_1466, %add3A_2036 : vector<16xi32>
        %add3A_2038 = arith.addi %add3A_2037, %add3A_2034 : vector<16xi32>
        tpu.vector_store_idx %arg6[%add3A_2038], %add3A_1471 : memref<16896xf32, #tpu.memory_space<vmem>>[vector<16xi32>], vector<16xf32>,
        %get3A_2039 = arith.constant 432 : index
        %get3A_2040 = tpu.vector_load %arg4[%get3A_2039] {strides = array<i32>} : memref<512xf32, #tpu.memory_space<vmem>>, vector<16xf32>,
        %sub3A_2041 = arith.subf %gather3A_1462, %get3A_2040 : vector<16xf32>
        %add3A_2042 = arith.constant 1.550000e+01 : f32
        %add3A_2043 = vector.broadcast %add3A_2042 : f32 to vector<16xf32>
        %add3A_2044 = arith.addf %sub3A_2041, %add3A_2043 : vector<16xf32>
        %max3A_2045 = arith.constant 0.000000e+00 : f32
        %max3A_2046 = vector.broadcast %max3A_2045 : f32 to vector<16xf32>
        %max3A_2047 = arith.maximumf %add3A_2044, %max3A_2046 : vector<16xf32>
        %min3A_2048 = arith.constant 3.200000e+01 : f32
        %min3A_2049 = vector.broadcast %min3A_2048 : f32 to vector<16xf32>
        %min3A_2050 = arith.minimumf %max3A_2047, %min3A_2049 : vector<16xf32>
        %convert_element_type3A_2051 = arith.fptosi %min3A_2050 : vector<16xf32> to vector<16xi32>
        %convert_element_type3A_2052 = arith.sitofp %convert_element_type3A_2051 : vector<16xi32> to vector<16xf32>
        %gt3A_2053 = arith.cmpf ogt, %min3A_2050, %convert_element_type3A_2052 : vector<16xf32>
        %convert_element_type3A_2054 = arith.extui %gt3A_2053 : vector<16xi1> to vector<16xi32>
        %add3A_2055 = arith.addi %convert_element_type3A_2051, %convert_element_type3A_2054 : vector<16xi32>
        %add3A_2056 = arith.constant 14256 : i32
        %add3A_2057 = vector.broadcast %add3A_2056 : i32 to vector<16xi32>
        %add3A_2058 = arith.addi %mul3A_1466, %add3A_2057 : vector<16xi32>
        %add3A_2059 = arith.addi %add3A_2058, %add3A_2055 : vector<16xi32>
        tpu.vector_store_idx %arg6[%add3A_2059], %add3A_1471 : memref<16896xf32, #tpu.memory_space<vmem>>[vector<16xi32>], vector<16xf32>,
        %get3A_2060 = arith.constant 448 : index
        %get3A_2061 = tpu.vector_load %arg4[%get3A_2060] {strides = array<i32>} : memref<512xf32, #tpu.memory_space<vmem>>, vector<16xf32>,
        %sub3A_2062 = arith.subf %gather3A_1462, %get3A_2061 : vector<16xf32>
        %add3A_2063 = arith.constant 1.550000e+01 : f32
        %add3A_2064 = vector.broadcast %add3A_2063 : f32 to vector<16xf32>
        %add3A_2065 = arith.addf %sub3A_2062, %add3A_2064 : vector<16xf32>
        %max3A_2066 = arith.constant 0.000000e+00 : f32
        %max3A_2067 = vector.broadcast %max3A_2066 : f32 to vector<16xf32>
        %max3A_2068 = arith.maximumf %add3A_2065, %max3A_2067 : vector<16xf32>
        %min3A_2069 = arith.constant 3.200000e+01 : f32
        %min3A_2070 = vector.broadcast %min3A_2069 : f32 to vector<16xf32>
        %min3A_2071 = arith.minimumf %max3A_2068, %min3A_2070 : vector<16xf32>
        %convert_element_type3A_2072 = arith.fptosi %min3A_2071 : vector<16xf32> to vector<16xi32>
        %convert_element_type3A_2073 = arith.sitofp %convert_element_type3A_2072 : vector<16xi32> to vector<16xf32>
        %gt3A_2074 = arith.cmpf ogt, %min3A_2071, %convert_element_type3A_2073 : vector<16xf32>
        %convert_element_type3A_2075 = arith.extui %gt3A_2074 : vector<16xi1> to vector<16xi32>
        %add3A_2076 = arith.addi %convert_element_type3A_2072, %convert_element_type3A_2075 : vector<16xi32>
        %add3A_2077 = arith.constant 14784 : i32
        %add3A_2078 = vector.broadcast %add3A_2077 : i32 to vector<16xi32>
        %add3A_2079 = arith.addi %mul3A_1466, %add3A_2078 : vector<16xi32>
        %add3A_2080 = arith.addi %add3A_2079, %add3A_2076 : vector<16xi32>
        tpu.vector_store_idx %arg6[%add3A_2080], %add3A_1471 : memref<16896xf32, #tpu.memory_space<vmem>>[vector<16xi32>], vector<16xf32>,
        %get3A_2081 = arith.constant 464 : index
        %get3A_2082 = tpu.vector_load %arg4[%get3A_2081] {strides = array<i32>} : memref<512xf32, #tpu.memory_space<vmem>>, vector<16xf32>,
        %sub3A_2083 = arith.subf %gather3A_1462, %get3A_2082 : vector<16xf32>
        %add3A_2084 = arith.constant 1.550000e+01 : f32
        %add3A_2085 = vector.broadcast %add3A_2084 : f32 to vector<16xf32>
        %add3A_2086 = arith.addf %sub3A_2083, %add3A_2085 : vector<16xf32>
        %max3A_2087 = arith.constant 0.000000e+00 : f32
        %max3A_2088 = vector.broadcast %max3A_2087 : f32 to vector<16xf32>
        %max3A_2089 = arith.maximumf %add3A_2086, %max3A_2088 : vector<16xf32>
        %min3A_2090 = arith.constant 3.200000e+01 : f32
        %min3A_2091 = vector.broadcast %min3A_2090 : f32 to vector<16xf32>
        %min3A_2092 = arith.minimumf %max3A_2089, %min3A_2091 : vector<16xf32>
        %convert_element_type3A_2093 = arith.fptosi %min3A_2092 : vector<16xf32> to vector<16xi32>
        %convert_element_type3A_2094 = arith.sitofp %convert_element_type3A_2093 : vector<16xi32> to vector<16xf32>
        %gt3A_2095 = arith.cmpf ogt, %min3A_2092, %convert_element_type3A_2094 : vector<16xf32>
        %convert_element_type3A_2096 = arith.extui %gt3A_2095 : vector<16xi1> to vector<16xi32>
        %add3A_2097 = arith.addi %convert_element_type3A_2093, %convert_element_type3A_2096 : vector<16xi32>
        %add3A_2098 = arith.constant 15312 : i32
        %add3A_2099 = vector.broadcast %add3A_2098 : i32 to vector<16xi32>
        %add3A_2100 = arith.addi %mul3A_1466, %add3A_2099 : vector<16xi32>
        %add3A_2101 = arith.addi %add3A_2100, %add3A_2097 : vector<16xi32>
        tpu.vector_store_idx %arg6[%add3A_2101], %add3A_1471 : memref<16896xf32, #tpu.memory_space<vmem>>[vector<16xi32>], vector<16xf32>,
        %get3A_2102 = arith.constant 480 : index
        %get3A_2103 = tpu.vector_load %arg4[%get3A_2102] {strides = array<i32>} : memref<512xf32, #tpu.memory_space<vmem>>, vector<16xf32>,
        %sub3A_2104 = arith.subf %gather3A_1462, %get3A_2103 : vector<16xf32>
        %add3A_2105 = arith.constant 1.550000e+01 : f32
        %add3A_2106 = vector.broadcast %add3A_2105 : f32 to vector<16xf32>
        %add3A_2107 = arith.addf %sub3A_2104, %add3A_2106 : vector<16xf32>
        %max3A_2108 = arith.constant 0.000000e+00 : f32
        %max3A_2109 = vector.broadcast %max3A_2108 : f32 to vector<16xf32>
        %max3A_2110 = arith.maximumf %add3A_2107, %max3A_2109 : vector<16xf32>
        %min3A_2111 = arith.constant 3.200000e+01 : f32
        %min3A_2112 = vector.broadcast %min3A_2111 : f32 to vector<16xf32>
        %min3A_2113 = arith.minimumf %max3A_2110, %min3A_2112 : vector<16xf32>
        %convert_element_type3A_2114 = arith.fptosi %min3A_2113 : vector<16xf32> to vector<16xi32>
        %convert_element_type3A_2115 = arith.sitofp %convert_element_type3A_2114 : vector<16xi32> to vector<16xf32>
        %gt3A_2116 = arith.cmpf ogt, %min3A_2113, %convert_element_type3A_2115 : vector<16xf32>
        %convert_element_type3A_2117 = arith.extui %gt3A_2116 : vector<16xi1> to vector<16xi32>
        %add3A_2118 = arith.addi %convert_element_type3A_2114, %convert_element_type3A_2117 : vector<16xi32>
        %add3A_2119 = arith.constant 15840 : i32
        %add3A_2120 = vector.broadcast %add3A_2119 : i32 to vector<16xi32>
        %add3A_2121 = arith.addi %mul3A_1466, %add3A_2120 : vector<16xi32>
        %add3A_2122 = arith.addi %add3A_2121, %add3A_2118 : vector<16xi32>
        tpu.vector_store_idx %arg6[%add3A_2122], %add3A_1471 : memref<16896xf32, #tpu.memory_space<vmem>>[vector<16xi32>], vector<16xf32>,
        %get3A_2123 = arith.constant 496 : index
        %get3A_2124 = tpu.vector_load %arg4[%get3A_2123] {strides = array<i32>} : memref<512xf32, #tpu.memory_space<vmem>>, vector<16xf32>,
        %sub3A_2125 = arith.subf %gather3A_1462, %get3A_2124 : vector<16xf32>
        %add3A_2126 = arith.constant 1.550000e+01 : f32
        %add3A_2127 = vector.broadcast %add3A_2126 : f32 to vector<16xf32>
        %add3A_2128 = arith.addf %sub3A_2125, %add3A_2127 : vector<16xf32>
        %max3A_2129 = arith.constant 0.000000e+00 : f32
        %max3A_2130 = vector.broadcast %max3A_2129 : f32 to vector<16xf32>
        %max3A_2131 = arith.maximumf %add3A_2128, %max3A_2130 : vector<16xf32>
        %min3A_2132 = arith.constant 3.200000e+01 : f32
        %min3A_2133 = vector.broadcast %min3A_2132 : f32 to vector<16xf32>
        %min3A_2134 = arith.minimumf %max3A_2131, %min3A_2133 : vector<16xf32>
        %convert_element_type3A_2135 = arith.fptosi %min3A_2134 : vector<16xf32> to vector<16xi32>
        %convert_element_type3A_2136 = arith.sitofp %convert_element_type3A_2135 : vector<16xi32> to vector<16xf32>
        %gt3A_2137 = arith.cmpf ogt, %min3A_2134, %convert_element_type3A_2136 : vector<16xf32>
        %convert_element_type3A_2138 = arith.extui %gt3A_2137 : vector<16xi1> to vector<16xi32>
        %add3A_2139 = arith.addi %convert_element_type3A_2135, %convert_element_type3A_2138 : vector<16xi32>
        %add3A_2140 = arith.constant 16368 : i32
        %add3A_2141 = vector.broadcast %add3A_2140 : i32 to vector<16xi32>
        %add3A_2142 = arith.addi %mul3A_1466, %add3A_2141 : vector<16xi32>
        %add3A_2143 = arith.addi %add3A_2142, %add3A_2139 : vector<16xi32>
        tpu.vector_store_idx %arg6[%add3A_2143], %add3A_1471 : memref<16896xf32, #tpu.memory_space<vmem>>[vector<16xi32>], vector<16xf32>,
      } else {
      }
      %add3A_752 = arith.constant 1 : i32
      %add3A_753 = arith.addi %add3A_56, %add3A_752 : i32
      %broadcast_in_dim3A_754 = arith.constant 0 : i32
      %broadcast_in_dim3A_755 = vector.broadcast %broadcast_in_dim3A_754 : i32 to vector<16xi32>
      %add3A_756 = vector.broadcast %add3A_753 : i32 to vector<16xi32>
      %add3A_757 = arith.addi %broadcast_in_dim3A_755, %add3A_756 : vector<16xi32>
      %gather3A_758 = tpu.vector_load_idx %arg4[%add3A_757] : memref<512xf32, #tpu.memory_space<vmem>>[vector<16xi32>], vector<16xf32>,
      %iota3A_759 = tpu.iota {dimensions = array<i32: 0>} : vector<16xi32>
      %mul3A_760 = arith.constant 33 : i32
      %mul3A_761 = vector.broadcast %mul3A_760 : i32 to vector<16xi32>
      %mul3A_762 = arith.muli %iota3A_759, %mul3A_761 : vector<16xi32>
      %broadcast_in_dim3A_763 = arith.constant 0.000000e+00 : f32
      %broadcast_in_dim3A_764 = vector.broadcast %broadcast_in_dim3A_763 : f32 to vector<16xf32>
      %add3A_765 = arith.constant 1.000000e+00 : f32
      %add3A_766 = vector.broadcast %add3A_765 : f32 to vector<16xf32>
      %add3A_767 = arith.addf %broadcast_in_dim3A_764, %add3A_766 : vector<16xf32>
      %get3A_768 = arith.constant 0 : index
      %get3A_769 = tpu.vector_load %arg4[%get3A_768] {strides = array<i32>} : memref<512xf32, #tpu.memory_space<vmem>>, vector<16xf32>,
      %sub3A_770 = arith.subf %gather3A_758, %get3A_769 : vector<16xf32>
      %add3A_771 = arith.constant 1.550000e+01 : f32
      %add3A_772 = vector.broadcast %add3A_771 : f32 to vector<16xf32>
      %add3A_773 = arith.addf %sub3A_770, %add3A_772 : vector<16xf32>
      %max3A_774 = arith.constant 0.000000e+00 : f32
      %max3A_775 = vector.broadcast %max3A_774 : f32 to vector<16xf32>
      %max3A_776 = arith.maximumf %add3A_773, %max3A_775 : vector<16xf32>
      %min3A_777 = arith.constant 3.200000e+01 : f32
      %min3A_778 = vector.broadcast %min3A_777 : f32 to vector<16xf32>
      %min3A_779 = arith.minimumf %max3A_776, %min3A_778 : vector<16xf32>
      %convert_element_type3A_780 = arith.fptosi %min3A_779 : vector<16xf32> to vector<16xi32>
      %convert_element_type3A_781 = arith.sitofp %convert_element_type3A_780 : vector<16xi32> to vector<16xf32>
      %gt3A_782 = arith.cmpf ogt, %min3A_779, %convert_element_type3A_781 : vector<16xf32>
      %convert_element_type3A_783 = arith.extui %gt3A_782 : vector<16xi1> to vector<16xi32>
      %add3A_784 = arith.addi %convert_element_type3A_780, %convert_element_type3A_783 : vector<16xi32>
      %add3A_785 = arith.constant 0 : i32
      %add3A_786 = vector.broadcast %add3A_785 : i32 to vector<16xi32>
      %add3A_787 = arith.addi %mul3A_762, %add3A_786 : vector<16xi32>
      %add3A_788 = arith.addi %add3A_787, %add3A_784 : vector<16xi32>
      tpu.vector_store_idx %arg6[%add3A_788], %add3A_767 : memref<16896xf32, #tpu.memory_space<vmem>>[vector<16xi32>], vector<16xf32>,
      %get3A_789 = arith.constant 16 : index
      %get3A_790 = tpu.vector_load %arg4[%get3A_789] {strides = array<i32>} : memref<512xf32, #tpu.memory_space<vmem>>, vector<16xf32>,
      %sub3A_791 = arith.subf %gather3A_758, %get3A_790 : vector<16xf32>
      %add3A_792 = arith.constant 1.550000e+01 : f32
      %add3A_793 = vector.broadcast %add3A_792 : f32 to vector<16xf32>
      %add3A_794 = arith.addf %sub3A_791, %add3A_793 : vector<16xf32>
      %max3A_795 = arith.constant 0.000000e+00 : f32
      %max3A_796 = vector.broadcast %max3A_795 : f32 to vector<16xf32>
      %max3A_797 = arith.maximumf %add3A_794, %max3A_796 : vector<16xf32>
      %min3A_798 = arith.constant 3.200000e+01 : f32
      %min3A_799 = vector.broadcast %min3A_798 : f32 to vector<16xf32>
      %min3A_800 = arith.minimumf %max3A_797, %min3A_799 : vector<16xf32>
      %convert_element_type3A_801 = arith.fptosi %min3A_800 : vector<16xf32> to vector<16xi32>
      %convert_element_type3A_802 = arith.sitofp %convert_element_type3A_801 : vector<16xi32> to vector<16xf32>
      %gt3A_803 = arith.cmpf ogt, %min3A_800, %convert_element_type3A_802 : vector<16xf32>
      %convert_element_type3A_804 = arith.extui %gt3A_803 : vector<16xi1> to vector<16xi32>
      %add3A_805 = arith.addi %convert_element_type3A_801, %convert_element_type3A_804 : vector<16xi32>
      %add3A_806 = arith.constant 528 : i32
      %add3A_807 = vector.broadcast %add3A_806 : i32 to vector<16xi32>
      %add3A_808 = arith.addi %mul3A_762, %add3A_807 : vector<16xi32>
      %add3A_809 = arith.addi %add3A_808, %add3A_805 : vector<16xi32>
      tpu.vector_store_idx %arg6[%add3A_809], %add3A_767 : memref<16896xf32, #tpu.memory_space<vmem>>[vector<16xi32>], vector<16xf32>,
      %get3A_810 = arith.constant 32 : index
      %get3A_811 = tpu.vector_load %arg4[%get3A_810] {strides = array<i32>} : memref<512xf32, #tpu.memory_space<vmem>>, vector<16xf32>,
      %sub3A_812 = arith.subf %gather3A_758, %get3A_811 : vector<16xf32>
      %add3A_813 = arith.constant 1.550000e+01 : f32
      %add3A_814 = vector.broadcast %add3A_813 : f32 to vector<16xf32>
      %add3A_815 = arith.addf %sub3A_812, %add3A_814 : vector<16xf32>
      %max3A_816 = arith.constant 0.000000e+00 : f32
      %max3A_817 = vector.broadcast %max3A_816 : f32 to vector<16xf32>
      %max3A_818 = arith.maximumf %add3A_815, %max3A_817 : vector<16xf32>
      %min3A_819 = arith.constant 3.200000e+01 : f32
      %min3A_820 = vector.broadcast %min3A_819 : f32 to vector<16xf32>
      %min3A_821 = arith.minimumf %max3A_818, %min3A_820 : vector<16xf32>
      %convert_element_type3A_822 = arith.fptosi %min3A_821 : vector<16xf32> to vector<16xi32>
      %convert_element_type3A_823 = arith.sitofp %convert_element_type3A_822 : vector<16xi32> to vector<16xf32>
      %gt3A_824 = arith.cmpf ogt, %min3A_821, %convert_element_type3A_823 : vector<16xf32>
      %convert_element_type3A_825 = arith.extui %gt3A_824 : vector<16xi1> to vector<16xi32>
      %add3A_826 = arith.addi %convert_element_type3A_822, %convert_element_type3A_825 : vector<16xi32>
      %add3A_827 = arith.constant 1056 : i32
      %add3A_828 = vector.broadcast %add3A_827 : i32 to vector<16xi32>
      %add3A_829 = arith.addi %mul3A_762, %add3A_828 : vector<16xi32>
      %add3A_830 = arith.addi %add3A_829, %add3A_826 : vector<16xi32>
      tpu.vector_store_idx %arg6[%add3A_830], %add3A_767 : memref<16896xf32, #tpu.memory_space<vmem>>[vector<16xi32>], vector<16xf32>,
      %get3A_831 = arith.constant 48 : index
      %get3A_832 = tpu.vector_load %arg4[%get3A_831] {strides = array<i32>} : memref<512xf32, #tpu.memory_space<vmem>>, vector<16xf32>,
      %sub3A_833 = arith.subf %gather3A_758, %get3A_832 : vector<16xf32>
      %add3A_834 = arith.constant 1.550000e+01 : f32
      %add3A_835 = vector.broadcast %add3A_834 : f32 to vector<16xf32>
      %add3A_836 = arith.addf %sub3A_833, %add3A_835 : vector<16xf32>
      %max3A_837 = arith.constant 0.000000e+00 : f32
      %max3A_838 = vector.broadcast %max3A_837 : f32 to vector<16xf32>
      %max3A_839 = arith.maximumf %add3A_836, %max3A_838 : vector<16xf32>
      %min3A_840 = arith.constant 3.200000e+01 : f32
      %min3A_841 = vector.broadcast %min3A_840 : f32 to vector<16xf32>
      %min3A_842 = arith.minimumf %max3A_839, %min3A_841 : vector<16xf32>
      %convert_element_type3A_843 = arith.fptosi %min3A_842 : vector<16xf32> to vector<16xi32>
      %convert_element_type3A_844 = arith.sitofp %convert_element_type3A_843 : vector<16xi32> to vector<16xf32>
      %gt3A_845 = arith.cmpf ogt, %min3A_842, %convert_element_type3A_844 : vector<16xf32>
      %convert_element_type3A_846 = arith.extui %gt3A_845 : vector<16xi1> to vector<16xi32>
      %add3A_847 = arith.addi %convert_element_type3A_843, %convert_element_type3A_846 : vector<16xi32>
      %add3A_848 = arith.constant 1584 : i32
      %add3A_849 = vector.broadcast %add3A_848 : i32 to vector<16xi32>
      %add3A_850 = arith.addi %mul3A_762, %add3A_849 : vector<16xi32>
      %add3A_851 = arith.addi %add3A_850, %add3A_847 : vector<16xi32>
      tpu.vector_store_idx %arg6[%add3A_851], %add3A_767 : memref<16896xf32, #tpu.memory_space<vmem>>[vector<16xi32>], vector<16xf32>,
      %get3A_852 = arith.constant 64 : index
      %get3A_853 = tpu.vector_load %arg4[%get3A_852] {strides = array<i32>} : memref<512xf32, #tpu.memory_space<vmem>>, vector<16xf32>,
      %sub3A_854 = arith.subf %gather3A_758, %get3A_853 : vector<16xf32>
      %add3A_855 = arith.constant 1.550000e+01 : f32
      %add3A_856 = vector.broadcast %add3A_855 : f32 to vector<16xf32>
      %add3A_857 = arith.addf %sub3A_854, %add3A_856 : vector<16xf32>
      %max3A_858 = arith.constant 0.000000e+00 : f32
      %max3A_859 = vector.broadcast %max3A_858 : f32 to vector<16xf32>
      %max3A_860 = arith.maximumf %add3A_857, %max3A_859 : vector<16xf32>
      %min3A_861 = arith.constant 3.200000e+01 : f32
      %min3A_862 = vector.broadcast %min3A_861 : f32 to vector<16xf32>
      %min3A_863 = arith.minimumf %max3A_860, %min3A_862 : vector<16xf32>
      %convert_element_type3A_864 = arith.fptosi %min3A_863 : vector<16xf32> to vector<16xi32>
      %convert_element_type3A_865 = arith.sitofp %convert_element_type3A_864 : vector<16xi32> to vector<16xf32>
      %gt3A_866 = arith.cmpf ogt, %min3A_863, %convert_element_type3A_865 : vector<16xf32>
      %convert_element_type3A_867 = arith.extui %gt3A_866 : vector<16xi1> to vector<16xi32>
      %add3A_868 = arith.addi %convert_element_type3A_864, %convert_element_type3A_867 : vector<16xi32>
      %add3A_869 = arith.constant 2112 : i32
      %add3A_870 = vector.broadcast %add3A_869 : i32 to vector<16xi32>
      %add3A_871 = arith.addi %mul3A_762, %add3A_870 : vector<16xi32>
      %add3A_872 = arith.addi %add3A_871, %add3A_868 : vector<16xi32>
      tpu.vector_store_idx %arg6[%add3A_872], %add3A_767 : memref<16896xf32, #tpu.memory_space<vmem>>[vector<16xi32>], vector<16xf32>,
      %get3A_873 = arith.constant 80 : index
      %get3A_874 = tpu.vector_load %arg4[%get3A_873] {strides = array<i32>} : memref<512xf32, #tpu.memory_space<vmem>>, vector<16xf32>,
      %sub3A_875 = arith.subf %gather3A_758, %get3A_874 : vector<16xf32>
      %add3A_876 = arith.constant 1.550000e+01 : f32
      %add3A_877 = vector.broadcast %add3A_876 : f32 to vector<16xf32>
      %add3A_878 = arith.addf %sub3A_875, %add3A_877 : vector<16xf32>
      %max3A_879 = arith.constant 0.000000e+00 : f32
      %max3A_880 = vector.broadcast %max3A_879 : f32 to vector<16xf32>
      %max3A_881 = arith.maximumf %add3A_878, %max3A_880 : vector<16xf32>
      %min3A_882 = arith.constant 3.200000e+01 : f32
      %min3A_883 = vector.broadcast %min3A_882 : f32 to vector<16xf32>
      %min3A_884 = arith.minimumf %max3A_881, %min3A_883 : vector<16xf32>
      %convert_element_type3A_885 = arith.fptosi %min3A_884 : vector<16xf32> to vector<16xi32>
      %convert_element_type3A_886 = arith.sitofp %convert_element_type3A_885 : vector<16xi32> to vector<16xf32>
      %gt3A_887 = arith.cmpf ogt, %min3A_884, %convert_element_type3A_886 : vector<16xf32>
      %convert_element_type3A_888 = arith.extui %gt3A_887 : vector<16xi1> to vector<16xi32>
      %add3A_889 = arith.addi %convert_element_type3A_885, %convert_element_type3A_888 : vector<16xi32>
      %add3A_890 = arith.constant 2640 : i32
      %add3A_891 = vector.broadcast %add3A_890 : i32 to vector<16xi32>
      %add3A_892 = arith.addi %mul3A_762, %add3A_891 : vector<16xi32>
      %add3A_893 = arith.addi %add3A_892, %add3A_889 : vector<16xi32>
      tpu.vector_store_idx %arg6[%add3A_893], %add3A_767 : memref<16896xf32, #tpu.memory_space<vmem>>[vector<16xi32>], vector<16xf32>,
      %get3A_894 = arith.constant 96 : index
      %get3A_895 = tpu.vector_load %arg4[%get3A_894] {strides = array<i32>} : memref<512xf32, #tpu.memory_space<vmem>>, vector<16xf32>,
      %sub3A_896 = arith.subf %gather3A_758, %get3A_895 : vector<16xf32>
      %add3A_897 = arith.constant 1.550000e+01 : f32
      %add3A_898 = vector.broadcast %add3A_897 : f32 to vector<16xf32>
      %add3A_899 = arith.addf %sub3A_896, %add3A_898 : vector<16xf32>
      %max3A_900 = arith.constant 0.000000e+00 : f32
      %max3A_901 = vector.broadcast %max3A_900 : f32 to vector<16xf32>
      %max3A_902 = arith.maximumf %add3A_899, %max3A_901 : vector<16xf32>
      %min3A_903 = arith.constant 3.200000e+01 : f32
      %min3A_904 = vector.broadcast %min3A_903 : f32 to vector<16xf32>
      %min3A_905 = arith.minimumf %max3A_902, %min3A_904 : vector<16xf32>
      %convert_element_type3A_906 = arith.fptosi %min3A_905 : vector<16xf32> to vector<16xi32>
      %convert_element_type3A_907 = arith.sitofp %convert_element_type3A_906 : vector<16xi32> to vector<16xf32>
      %gt3A_908 = arith.cmpf ogt, %min3A_905, %convert_element_type3A_907 : vector<16xf32>
      %convert_element_type3A_909 = arith.extui %gt3A_908 : vector<16xi1> to vector<16xi32>
      %add3A_910 = arith.addi %convert_element_type3A_906, %convert_element_type3A_909 : vector<16xi32>
      %add3A_911 = arith.constant 3168 : i32
      %add3A_912 = vector.broadcast %add3A_911 : i32 to vector<16xi32>
      %add3A_913 = arith.addi %mul3A_762, %add3A_912 : vector<16xi32>
      %add3A_914 = arith.addi %add3A_913, %add3A_910 : vector<16xi32>
      tpu.vector_store_idx %arg6[%add3A_914], %add3A_767 : memref<16896xf32, #tpu.memory_space<vmem>>[vector<16xi32>], vector<16xf32>,
      %get3A_915 = arith.constant 112 : index
      %get3A_916 = tpu.vector_load %arg4[%get3A_915] {strides = array<i32>} : memref<512xf32, #tpu.memory_space<vmem>>, vector<16xf32>,
      %sub3A_917 = arith.subf %gather3A_758, %get3A_916 : vector<16xf32>
      %add3A_918 = arith.constant 1.550000e+01 : f32
      %add3A_919 = vector.broadcast %add3A_918 : f32 to vector<16xf32>
      %add3A_920 = arith.addf %sub3A_917, %add3A_919 : vector<16xf32>
      %max3A_921 = arith.constant 0.000000e+00 : f32
      %max3A_922 = vector.broadcast %max3A_921 : f32 to vector<16xf32>
      %max3A_923 = arith.maximumf %add3A_920, %max3A_922 : vector<16xf32>
      %min3A_924 = arith.constant 3.200000e+01 : f32
      %min3A_925 = vector.broadcast %min3A_924 : f32 to vector<16xf32>
      %min3A_926 = arith.minimumf %max3A_923, %min3A_925 : vector<16xf32>
      %convert_element_type3A_927 = arith.fptosi %min3A_926 : vector<16xf32> to vector<16xi32>
      %convert_element_type3A_928 = arith.sitofp %convert_element_type3A_927 : vector<16xi32> to vector<16xf32>
      %gt3A_929 = arith.cmpf ogt, %min3A_926, %convert_element_type3A_928 : vector<16xf32>
      %convert_element_type3A_930 = arith.extui %gt3A_929 : vector<16xi1> to vector<16xi32>
      %add3A_931 = arith.addi %convert_element_type3A_927, %convert_element_type3A_930 : vector<16xi32>
      %add3A_932 = arith.constant 3696 : i32
      %add3A_933 = vector.broadcast %add3A_932 : i32 to vector<16xi32>
      %add3A_934 = arith.addi %mul3A_762, %add3A_933 : vector<16xi32>
      %add3A_935 = arith.addi %add3A_934, %add3A_931 : vector<16xi32>
      tpu.vector_store_idx %arg6[%add3A_935], %add3A_767 : memref<16896xf32, #tpu.memory_space<vmem>>[vector<16xi32>], vector<16xf32>,
      %get3A_936 = arith.constant 128 : index
      %get3A_937 = tpu.vector_load %arg4[%get3A_936] {strides = array<i32>} : memref<512xf32, #tpu.memory_space<vmem>>, vector<16xf32>,
      %sub3A_938 = arith.subf %gather3A_758, %get3A_937 : vector<16xf32>
      %add3A_939 = arith.constant 1.550000e+01 : f32
      %add3A_940 = vector.broadcast %add3A_939 : f32 to vector<16xf32>
      %add3A_941 = arith.addf %sub3A_938, %add3A_940 : vector<16xf32>
      %max3A_942 = arith.constant 0.000000e+00 : f32
      %max3A_943 = vector.broadcast %max3A_942 : f32 to vector<16xf32>
      %max3A_944 = arith.maximumf %add3A_941, %max3A_943 : vector<16xf32>
      %min3A_945 = arith.constant 3.200000e+01 : f32
      %min3A_946 = vector.broadcast %min3A_945 : f32 to vector<16xf32>
      %min3A_947 = arith.minimumf %max3A_944, %min3A_946 : vector<16xf32>
      %convert_element_type3A_948 = arith.fptosi %min3A_947 : vector<16xf32> to vector<16xi32>
      %convert_element_type3A_949 = arith.sitofp %convert_element_type3A_948 : vector<16xi32> to vector<16xf32>
      %gt3A_950 = arith.cmpf ogt, %min3A_947, %convert_element_type3A_949 : vector<16xf32>
      %convert_element_type3A_951 = arith.extui %gt3A_950 : vector<16xi1> to vector<16xi32>
      %add3A_952 = arith.addi %convert_element_type3A_948, %convert_element_type3A_951 : vector<16xi32>
      %add3A_953 = arith.constant 4224 : i32
      %add3A_954 = vector.broadcast %add3A_953 : i32 to vector<16xi32>
      %add3A_955 = arith.addi %mul3A_762, %add3A_954 : vector<16xi32>
      %add3A_956 = arith.addi %add3A_955, %add3A_952 : vector<16xi32>
      tpu.vector_store_idx %arg6[%add3A_956], %add3A_767 : memref<16896xf32, #tpu.memory_space<vmem>>[vector<16xi32>], vector<16xf32>,
      %get3A_957 = arith.constant 144 : index
      %get3A_958 = tpu.vector_load %arg4[%get3A_957] {strides = array<i32>} : memref<512xf32, #tpu.memory_space<vmem>>, vector<16xf32>,
      %sub3A_959 = arith.subf %gather3A_758, %get3A_958 : vector<16xf32>
      %add3A_960 = arith.constant 1.550000e+01 : f32
      %add3A_961 = vector.broadcast %add3A_960 : f32 to vector<16xf32>
      %add3A_962 = arith.addf %sub3A_959, %add3A_961 : vector<16xf32>
      %max3A_963 = arith.constant 0.000000e+00 : f32
      %max3A_964 = vector.broadcast %max3A_963 : f32 to vector<16xf32>
      %max3A_965 = arith.maximumf %add3A_962, %max3A_964 : vector<16xf32>
      %min3A_966 = arith.constant 3.200000e+01 : f32
      %min3A_967 = vector.broadcast %min3A_966 : f32 to vector<16xf32>
      %min3A_968 = arith.minimumf %max3A_965, %min3A_967 : vector<16xf32>
      %convert_element_type3A_969 = arith.fptosi %min3A_968 : vector<16xf32> to vector<16xi32>
      %convert_element_type3A_970 = arith.sitofp %convert_element_type3A_969 : vector<16xi32> to vector<16xf32>
      %gt3A_971 = arith.cmpf ogt, %min3A_968, %convert_element_type3A_970 : vector<16xf32>
      %convert_element_type3A_972 = arith.extui %gt3A_971 : vector<16xi1> to vector<16xi32>
      %add3A_973 = arith.addi %convert_element_type3A_969, %convert_element_type3A_972 : vector<16xi32>
      %add3A_974 = arith.constant 4752 : i32
      %add3A_975 = vector.broadcast %add3A_974 : i32 to vector<16xi32>
      %add3A_976 = arith.addi %mul3A_762, %add3A_975 : vector<16xi32>
      %add3A_977 = arith.addi %add3A_976, %add3A_973 : vector<16xi32>
      tpu.vector_store_idx %arg6[%add3A_977], %add3A_767 : memref<16896xf32, #tpu.memory_space<vmem>>[vector<16xi32>], vector<16xf32>,
      %get3A_978 = arith.constant 160 : index
      %get3A_979 = tpu.vector_load %arg4[%get3A_978] {strides = array<i32>} : memref<512xf32, #tpu.memory_space<vmem>>, vector<16xf32>,
      %sub3A_980 = arith.subf %gather3A_758, %get3A_979 : vector<16xf32>
      %add3A_981 = arith.constant 1.550000e+01 : f32
      %add3A_982 = vector.broadcast %add3A_981 : f32 to vector<16xf32>
      %add3A_983 = arith.addf %sub3A_980, %add3A_982 : vector<16xf32>
      %max3A_984 = arith.constant 0.000000e+00 : f32
      %max3A_985 = vector.broadcast %max3A_984 : f32 to vector<16xf32>
      %max3A_986 = arith.maximumf %add3A_983, %max3A_985 : vector<16xf32>
      %min3A_987 = arith.constant 3.200000e+01 : f32
      %min3A_988 = vector.broadcast %min3A_987 : f32 to vector<16xf32>
      %min3A_989 = arith.minimumf %max3A_986, %min3A_988 : vector<16xf32>
      %convert_element_type3A_990 = arith.fptosi %min3A_989 : vector<16xf32> to vector<16xi32>
      %convert_element_type3A_991 = arith.sitofp %convert_element_type3A_990 : vector<16xi32> to vector<16xf32>
      %gt3A_992 = arith.cmpf ogt, %min3A_989, %convert_element_type3A_991 : vector<16xf32>
      %convert_element_type3A_993 = arith.extui %gt3A_992 : vector<16xi1> to vector<16xi32>
      %add3A_994 = arith.addi %convert_element_type3A_990, %convert_element_type3A_993 : vector<16xi32>
      %add3A_995 = arith.constant 5280 : i32
      %add3A_996 = vector.broadcast %add3A_995 : i32 to vector<16xi32>
      %add3A_997 = arith.addi %mul3A_762, %add3A_996 : vector<16xi32>
      %add3A_998 = arith.addi %add3A_997, %add3A_994 : vector<16xi32>
      tpu.vector_store_idx %arg6[%add3A_998], %add3A_767 : memref<16896xf32, #tpu.memory_space<vmem>>[vector<16xi32>], vector<16xf32>,
      %get3A_999 = arith.constant 176 : index
      %get3A_1000 = tpu.vector_load %arg4[%get3A_999] {strides = array<i32>} : memref<512xf32, #tpu.memory_space<vmem>>, vector<16xf32>,
      %sub3A_1001 = arith.subf %gather3A_758, %get3A_1000 : vector<16xf32>
      %add3A_1002 = arith.constant 1.550000e+01 : f32
      %add3A_1003 = vector.broadcast %add3A_1002 : f32 to vector<16xf32>
      %add3A_1004 = arith.addf %sub3A_1001, %add3A_1003 : vector<16xf32>
      %max3A_1005 = arith.constant 0.000000e+00 : f32
      %max3A_1006 = vector.broadcast %max3A_1005 : f32 to vector<16xf32>
      %max3A_1007 = arith.maximumf %add3A_1004, %max3A_1006 : vector<16xf32>
      %min3A_1008 = arith.constant 3.200000e+01 : f32
      %min3A_1009 = vector.broadcast %min3A_1008 : f32 to vector<16xf32>
      %min3A_1010 = arith.minimumf %max3A_1007, %min3A_1009 : vector<16xf32>
      %convert_element_type3A_1011 = arith.fptosi %min3A_1010 : vector<16xf32> to vector<16xi32>
      %convert_element_type3A_1012 = arith.sitofp %convert_element_type3A_1011 : vector<16xi32> to vector<16xf32>
      %gt3A_1013 = arith.cmpf ogt, %min3A_1010, %convert_element_type3A_1012 : vector<16xf32>
      %convert_element_type3A_1014 = arith.extui %gt3A_1013 : vector<16xi1> to vector<16xi32>
      %add3A_1015 = arith.addi %convert_element_type3A_1011, %convert_element_type3A_1014 : vector<16xi32>
      %add3A_1016 = arith.constant 5808 : i32
      %add3A_1017 = vector.broadcast %add3A_1016 : i32 to vector<16xi32>
      %add3A_1018 = arith.addi %mul3A_762, %add3A_1017 : vector<16xi32>
      %add3A_1019 = arith.addi %add3A_1018, %add3A_1015 : vector<16xi32>
      tpu.vector_store_idx %arg6[%add3A_1019], %add3A_767 : memref<16896xf32, #tpu.memory_space<vmem>>[vector<16xi32>], vector<16xf32>,
      %get3A_1020 = arith.constant 192 : index
      %get3A_1021 = tpu.vector_load %arg4[%get3A_1020] {strides = array<i32>} : memref<512xf32, #tpu.memory_space<vmem>>, vector<16xf32>,
      %sub3A_1022 = arith.subf %gather3A_758, %get3A_1021 : vector<16xf32>
      %add3A_1023 = arith.constant 1.550000e+01 : f32
      %add3A_1024 = vector.broadcast %add3A_1023 : f32 to vector<16xf32>
      %add3A_1025 = arith.addf %sub3A_1022, %add3A_1024 : vector<16xf32>
      %max3A_1026 = arith.constant 0.000000e+00 : f32
      %max3A_1027 = vector.broadcast %max3A_1026 : f32 to vector<16xf32>
      %max3A_1028 = arith.maximumf %add3A_1025, %max3A_1027 : vector<16xf32>
      %min3A_1029 = arith.constant 3.200000e+01 : f32
      %min3A_1030 = vector.broadcast %min3A_1029 : f32 to vector<16xf32>
      %min3A_1031 = arith.minimumf %max3A_1028, %min3A_1030 : vector<16xf32>
      %convert_element_type3A_1032 = arith.fptosi %min3A_1031 : vector<16xf32> to vector<16xi32>
      %convert_element_type3A_1033 = arith.sitofp %convert_element_type3A_1032 : vector<16xi32> to vector<16xf32>
      %gt3A_1034 = arith.cmpf ogt, %min3A_1031, %convert_element_type3A_1033 : vector<16xf32>
      %convert_element_type3A_1035 = arith.extui %gt3A_1034 : vector<16xi1> to vector<16xi32>
      %add3A_1036 = arith.addi %convert_element_type3A_1032, %convert_element_type3A_1035 : vector<16xi32>
      %add3A_1037 = arith.constant 6336 : i32
      %add3A_1038 = vector.broadcast %add3A_1037 : i32 to vector<16xi32>
      %add3A_1039 = arith.addi %mul3A_762, %add3A_1038 : vector<16xi32>
      %add3A_1040 = arith.addi %add3A_1039, %add3A_1036 : vector<16xi32>
      tpu.vector_store_idx %arg6[%add3A_1040], %add3A_767 : memref<16896xf32, #tpu.memory_space<vmem>>[vector<16xi32>], vector<16xf32>,
      %get3A_1041 = arith.constant 208 : index
      %get3A_1042 = tpu.vector_load %arg4[%get3A_1041] {strides = array<i32>} : memref<512xf32, #tpu.memory_space<vmem>>, vector<16xf32>,
      %sub3A_1043 = arith.subf %gather3A_758, %get3A_1042 : vector<16xf32>
      %add3A_1044 = arith.constant 1.550000e+01 : f32
      %add3A_1045 = vector.broadcast %add3A_1044 : f32 to vector<16xf32>
      %add3A_1046 = arith.addf %sub3A_1043, %add3A_1045 : vector<16xf32>
      %max3A_1047 = arith.constant 0.000000e+00 : f32
      %max3A_1048 = vector.broadcast %max3A_1047 : f32 to vector<16xf32>
      %max3A_1049 = arith.maximumf %add3A_1046, %max3A_1048 : vector<16xf32>
      %min3A_1050 = arith.constant 3.200000e+01 : f32
      %min3A_1051 = vector.broadcast %min3A_1050 : f32 to vector<16xf32>
      %min3A_1052 = arith.minimumf %max3A_1049, %min3A_1051 : vector<16xf32>
      %convert_element_type3A_1053 = arith.fptosi %min3A_1052 : vector<16xf32> to vector<16xi32>
      %convert_element_type3A_1054 = arith.sitofp %convert_element_type3A_1053 : vector<16xi32> to vector<16xf32>
      %gt3A_1055 = arith.cmpf ogt, %min3A_1052, %convert_element_type3A_1054 : vector<16xf32>
      %convert_element_type3A_1056 = arith.extui %gt3A_1055 : vector<16xi1> to vector<16xi32>
      %add3A_1057 = arith.addi %convert_element_type3A_1053, %convert_element_type3A_1056 : vector<16xi32>
      %add3A_1058 = arith.constant 6864 : i32
      %add3A_1059 = vector.broadcast %add3A_1058 : i32 to vector<16xi32>
      %add3A_1060 = arith.addi %mul3A_762, %add3A_1059 : vector<16xi32>
      %add3A_1061 = arith.addi %add3A_1060, %add3A_1057 : vector<16xi32>
      tpu.vector_store_idx %arg6[%add3A_1061], %add3A_767 : memref<16896xf32, #tpu.memory_space<vmem>>[vector<16xi32>], vector<16xf32>,
      %get3A_1062 = arith.constant 224 : index
      %get3A_1063 = tpu.vector_load %arg4[%get3A_1062] {strides = array<i32>} : memref<512xf32, #tpu.memory_space<vmem>>, vector<16xf32>,
      %sub3A_1064 = arith.subf %gather3A_758, %get3A_1063 : vector<16xf32>
      %add3A_1065 = arith.constant 1.550000e+01 : f32
      %add3A_1066 = vector.broadcast %add3A_1065 : f32 to vector<16xf32>
      %add3A_1067 = arith.addf %sub3A_1064, %add3A_1066 : vector<16xf32>
      %max3A_1068 = arith.constant 0.000000e+00 : f32
      %max3A_1069 = vector.broadcast %max3A_1068 : f32 to vector<16xf32>
      %max3A_1070 = arith.maximumf %add3A_1067, %max3A_1069 : vector<16xf32>
      %min3A_1071 = arith.constant 3.200000e+01 : f32
      %min3A_1072 = vector.broadcast %min3A_1071 : f32 to vector<16xf32>
      %min3A_1073 = arith.minimumf %max3A_1070, %min3A_1072 : vector<16xf32>
      %convert_element_type3A_1074 = arith.fptosi %min3A_1073 : vector<16xf32> to vector<16xi32>
      %convert_element_type3A_1075 = arith.sitofp %convert_element_type3A_1074 : vector<16xi32> to vector<16xf32>
      %gt3A_1076 = arith.cmpf ogt, %min3A_1073, %convert_element_type3A_1075 : vector<16xf32>
      %convert_element_type3A_1077 = arith.extui %gt3A_1076 : vector<16xi1> to vector<16xi32>
      %add3A_1078 = arith.addi %convert_element_type3A_1074, %convert_element_type3A_1077 : vector<16xi32>
      %add3A_1079 = arith.constant 7392 : i32
      %add3A_1080 = vector.broadcast %add3A_1079 : i32 to vector<16xi32>
      %add3A_1081 = arith.addi %mul3A_762, %add3A_1080 : vector<16xi32>
      %add3A_1082 = arith.addi %add3A_1081, %add3A_1078 : vector<16xi32>
      tpu.vector_store_idx %arg6[%add3A_1082], %add3A_767 : memref<16896xf32, #tpu.memory_space<vmem>>[vector<16xi32>], vector<16xf32>,
      %get3A_1083 = arith.constant 240 : index
      %get3A_1084 = tpu.vector_load %arg4[%get3A_1083] {strides = array<i32>} : memref<512xf32, #tpu.memory_space<vmem>>, vector<16xf32>,
      %sub3A_1085 = arith.subf %gather3A_758, %get3A_1084 : vector<16xf32>
      %add3A_1086 = arith.constant 1.550000e+01 : f32
      %add3A_1087 = vector.broadcast %add3A_1086 : f32 to vector<16xf32>
      %add3A_1088 = arith.addf %sub3A_1085, %add3A_1087 : vector<16xf32>
      %max3A_1089 = arith.constant 0.000000e+00 : f32
      %max3A_1090 = vector.broadcast %max3A_1089 : f32 to vector<16xf32>
      %max3A_1091 = arith.maximumf %add3A_1088, %max3A_1090 : vector<16xf32>
      %min3A_1092 = arith.constant 3.200000e+01 : f32
      %min3A_1093 = vector.broadcast %min3A_1092 : f32 to vector<16xf32>
      %min3A_1094 = arith.minimumf %max3A_1091, %min3A_1093 : vector<16xf32>
      %convert_element_type3A_1095 = arith.fptosi %min3A_1094 : vector<16xf32> to vector<16xi32>
      %convert_element_type3A_1096 = arith.sitofp %convert_element_type3A_1095 : vector<16xi32> to vector<16xf32>
      %gt3A_1097 = arith.cmpf ogt, %min3A_1094, %convert_element_type3A_1096 : vector<16xf32>
      %convert_element_type3A_1098 = arith.extui %gt3A_1097 : vector<16xi1> to vector<16xi32>
      %add3A_1099 = arith.addi %convert_element_type3A_1095, %convert_element_type3A_1098 : vector<16xi32>
      %add3A_1100 = arith.constant 7920 : i32
      %add3A_1101 = vector.broadcast %add3A_1100 : i32 to vector<16xi32>
      %add3A_1102 = arith.addi %mul3A_762, %add3A_1101 : vector<16xi32>
      %add3A_1103 = arith.addi %add3A_1102, %add3A_1099 : vector<16xi32>
      tpu.vector_store_idx %arg6[%add3A_1103], %add3A_767 : memref<16896xf32, #tpu.memory_space<vmem>>[vector<16xi32>], vector<16xf32>,
      %get3A_1104 = arith.constant 256 : index
      %get3A_1105 = tpu.vector_load %arg4[%get3A_1104] {strides = array<i32>} : memref<512xf32, #tpu.memory_space<vmem>>, vector<16xf32>,
      %sub3A_1106 = arith.subf %gather3A_758, %get3A_1105 : vector<16xf32>
      %add3A_1107 = arith.constant 1.550000e+01 : f32
      %add3A_1108 = vector.broadcast %add3A_1107 : f32 to vector<16xf32>
      %add3A_1109 = arith.addf %sub3A_1106, %add3A_1108 : vector<16xf32>
      %max3A_1110 = arith.constant 0.000000e+00 : f32
      %max3A_1111 = vector.broadcast %max3A_1110 : f32 to vector<16xf32>
      %max3A_1112 = arith.maximumf %add3A_1109, %max3A_1111 : vector<16xf32>
      %min3A_1113 = arith.constant 3.200000e+01 : f32
      %min3A_1114 = vector.broadcast %min3A_1113 : f32 to vector<16xf32>
      %min3A_1115 = arith.minimumf %max3A_1112, %min3A_1114 : vector<16xf32>
      %convert_element_type3A_1116 = arith.fptosi %min3A_1115 : vector<16xf32> to vector<16xi32>
      %convert_element_type3A_1117 = arith.sitofp %convert_element_type3A_1116 : vector<16xi32> to vector<16xf32>
      %gt3A_1118 = arith.cmpf ogt, %min3A_1115, %convert_element_type3A_1117 : vector<16xf32>
      %convert_element_type3A_1119 = arith.extui %gt3A_1118 : vector<16xi1> to vector<16xi32>
      %add3A_1120 = arith.addi %convert_element_type3A_1116, %convert_element_type3A_1119 : vector<16xi32>
      %add3A_1121 = arith.constant 8448 : i32
      %add3A_1122 = vector.broadcast %add3A_1121 : i32 to vector<16xi32>
      %add3A_1123 = arith.addi %mul3A_762, %add3A_1122 : vector<16xi32>
      %add3A_1124 = arith.addi %add3A_1123, %add3A_1120 : vector<16xi32>
      tpu.vector_store_idx %arg6[%add3A_1124], %add3A_767 : memref<16896xf32, #tpu.memory_space<vmem>>[vector<16xi32>], vector<16xf32>,
      %get3A_1125 = arith.constant 272 : index
      %get3A_1126 = tpu.vector_load %arg4[%get3A_1125] {strides = array<i32>} : memref<512xf32, #tpu.memory_space<vmem>>, vector<16xf32>,
      %sub3A_1127 = arith.subf %gather3A_758, %get3A_1126 : vector<16xf32>
      %add3A_1128 = arith.constant 1.550000e+01 : f32
      %add3A_1129 = vector.broadcast %add3A_1128 : f32 to vector<16xf32>
      %add3A_1130 = arith.addf %sub3A_1127, %add3A_1129 : vector<16xf32>
      %max3A_1131 = arith.constant 0.000000e+00 : f32
      %max3A_1132 = vector.broadcast %max3A_1131 : f32 to vector<16xf32>
      %max3A_1133 = arith.maximumf %add3A_1130, %max3A_1132 : vector<16xf32>
      %min3A_1134 = arith.constant 3.200000e+01 : f32
      %min3A_1135 = vector.broadcast %min3A_1134 : f32 to vector<16xf32>
      %min3A_1136 = arith.minimumf %max3A_1133, %min3A_1135 : vector<16xf32>
      %convert_element_type3A_1137 = arith.fptosi %min3A_1136 : vector<16xf32> to vector<16xi32>
      %convert_element_type3A_1138 = arith.sitofp %convert_element_type3A_1137 : vector<16xi32> to vector<16xf32>
      %gt3A_1139 = arith.cmpf ogt, %min3A_1136, %convert_element_type3A_1138 : vector<16xf32>
      %convert_element_type3A_1140 = arith.extui %gt3A_1139 : vector<16xi1> to vector<16xi32>
      %add3A_1141 = arith.addi %convert_element_type3A_1137, %convert_element_type3A_1140 : vector<16xi32>
      %add3A_1142 = arith.constant 8976 : i32
      %add3A_1143 = vector.broadcast %add3A_1142 : i32 to vector<16xi32>
      %add3A_1144 = arith.addi %mul3A_762, %add3A_1143 : vector<16xi32>
      %add3A_1145 = arith.addi %add3A_1144, %add3A_1141 : vector<16xi32>
      tpu.vector_store_idx %arg6[%add3A_1145], %add3A_767 : memref<16896xf32, #tpu.memory_space<vmem>>[vector<16xi32>], vector<16xf32>,
      %get3A_1146 = arith.constant 288 : index
      %get3A_1147 = tpu.vector_load %arg4[%get3A_1146] {strides = array<i32>} : memref<512xf32, #tpu.memory_space<vmem>>, vector<16xf32>,
      %sub3A_1148 = arith.subf %gather3A_758, %get3A_1147 : vector<16xf32>
      %add3A_1149 = arith.constant 1.550000e+01 : f32
      %add3A_1150 = vector.broadcast %add3A_1149 : f32 to vector<16xf32>
      %add3A_1151 = arith.addf %sub3A_1148, %add3A_1150 : vector<16xf32>
      %max3A_1152 = arith.constant 0.000000e+00 : f32
      %max3A_1153 = vector.broadcast %max3A_1152 : f32 to vector<16xf32>
      %max3A_1154 = arith.maximumf %add3A_1151, %max3A_1153 : vector<16xf32>
      %min3A_1155 = arith.constant 3.200000e+01 : f32
      %min3A_1156 = vector.broadcast %min3A_1155 : f32 to vector<16xf32>
      %min3A_1157 = arith.minimumf %max3A_1154, %min3A_1156 : vector<16xf32>
      %convert_element_type3A_1158 = arith.fptosi %min3A_1157 : vector<16xf32> to vector<16xi32>
      %convert_element_type3A_1159 = arith.sitofp %convert_element_type3A_1158 : vector<16xi32> to vector<16xf32>
      %gt3A_1160 = arith.cmpf ogt, %min3A_1157, %convert_element_type3A_1159 : vector<16xf32>
      %convert_element_type3A_1161 = arith.extui %gt3A_1160 : vector<16xi1> to vector<16xi32>
      %add3A_1162 = arith.addi %convert_element_type3A_1158, %convert_element_type3A_1161 : vector<16xi32>
      %add3A_1163 = arith.constant 9504 : i32
      %add3A_1164 = vector.broadcast %add3A_1163 : i32 to vector<16xi32>
      %add3A_1165 = arith.addi %mul3A_762, %add3A_1164 : vector<16xi32>
      %add3A_1166 = arith.addi %add3A_1165, %add3A_1162 : vector<16xi32>
      tpu.vector_store_idx %arg6[%add3A_1166], %add3A_767 : memref<16896xf32, #tpu.memory_space<vmem>>[vector<16xi32>], vector<16xf32>,
      %get3A_1167 = arith.constant 304 : index
      %get3A_1168 = tpu.vector_load %arg4[%get3A_1167] {strides = array<i32>} : memref<512xf32, #tpu.memory_space<vmem>>, vector<16xf32>,
      %sub3A_1169 = arith.subf %gather3A_758, %get3A_1168 : vector<16xf32>
      %add3A_1170 = arith.constant 1.550000e+01 : f32
      %add3A_1171 = vector.broadcast %add3A_1170 : f32 to vector<16xf32>
      %add3A_1172 = arith.addf %sub3A_1169, %add3A_1171 : vector<16xf32>
      %max3A_1173 = arith.constant 0.000000e+00 : f32
      %max3A_1174 = vector.broadcast %max3A_1173 : f32 to vector<16xf32>
      %max3A_1175 = arith.maximumf %add3A_1172, %max3A_1174 : vector<16xf32>
      %min3A_1176 = arith.constant 3.200000e+01 : f32
      %min3A_1177 = vector.broadcast %min3A_1176 : f32 to vector<16xf32>
      %min3A_1178 = arith.minimumf %max3A_1175, %min3A_1177 : vector<16xf32>
      %convert_element_type3A_1179 = arith.fptosi %min3A_1178 : vector<16xf32> to vector<16xi32>
      %convert_element_type3A_1180 = arith.sitofp %convert_element_type3A_1179 : vector<16xi32> to vector<16xf32>
      %gt3A_1181 = arith.cmpf ogt, %min3A_1178, %convert_element_type3A_1180 : vector<16xf32>
      %convert_element_type3A_1182 = arith.extui %gt3A_1181 : vector<16xi1> to vector<16xi32>
      %add3A_1183 = arith.addi %convert_element_type3A_1179, %convert_element_type3A_1182 : vector<16xi32>
      %add3A_1184 = arith.constant 10032 : i32
      %add3A_1185 = vector.broadcast %add3A_1184 : i32 to vector<16xi32>
      %add3A_1186 = arith.addi %mul3A_762, %add3A_1185 : vector<16xi32>
      %add3A_1187 = arith.addi %add3A_1186, %add3A_1183 : vector<16xi32>
      tpu.vector_store_idx %arg6[%add3A_1187], %add3A_767 : memref<16896xf32, #tpu.memory_space<vmem>>[vector<16xi32>], vector<16xf32>,
      %get3A_1188 = arith.constant 320 : index
      %get3A_1189 = tpu.vector_load %arg4[%get3A_1188] {strides = array<i32>} : memref<512xf32, #tpu.memory_space<vmem>>, vector<16xf32>,
      %sub3A_1190 = arith.subf %gather3A_758, %get3A_1189 : vector<16xf32>
      %add3A_1191 = arith.constant 1.550000e+01 : f32
      %add3A_1192 = vector.broadcast %add3A_1191 : f32 to vector<16xf32>
      %add3A_1193 = arith.addf %sub3A_1190, %add3A_1192 : vector<16xf32>
      %max3A_1194 = arith.constant 0.000000e+00 : f32
      %max3A_1195 = vector.broadcast %max3A_1194 : f32 to vector<16xf32>
      %max3A_1196 = arith.maximumf %add3A_1193, %max3A_1195 : vector<16xf32>
      %min3A_1197 = arith.constant 3.200000e+01 : f32
      %min3A_1198 = vector.broadcast %min3A_1197 : f32 to vector<16xf32>
      %min3A_1199 = arith.minimumf %max3A_1196, %min3A_1198 : vector<16xf32>
      %convert_element_type3A_1200 = arith.fptosi %min3A_1199 : vector<16xf32> to vector<16xi32>
      %convert_element_type3A_1201 = arith.sitofp %convert_element_type3A_1200 : vector<16xi32> to vector<16xf32>
      %gt3A_1202 = arith.cmpf ogt, %min3A_1199, %convert_element_type3A_1201 : vector<16xf32>
      %convert_element_type3A_1203 = arith.extui %gt3A_1202 : vector<16xi1> to vector<16xi32>
      %add3A_1204 = arith.addi %convert_element_type3A_1200, %convert_element_type3A_1203 : vector<16xi32>
      %add3A_1205 = arith.constant 10560 : i32
      %add3A_1206 = vector.broadcast %add3A_1205 : i32 to vector<16xi32>
      %add3A_1207 = arith.addi %mul3A_762, %add3A_1206 : vector<16xi32>
      %add3A_1208 = arith.addi %add3A_1207, %add3A_1204 : vector<16xi32>
      tpu.vector_store_idx %arg6[%add3A_1208], %add3A_767 : memref<16896xf32, #tpu.memory_space<vmem>>[vector<16xi32>], vector<16xf32>,
      %get3A_1209 = arith.constant 336 : index
      %get3A_1210 = tpu.vector_load %arg4[%get3A_1209] {strides = array<i32>} : memref<512xf32, #tpu.memory_space<vmem>>, vector<16xf32>,
      %sub3A_1211 = arith.subf %gather3A_758, %get3A_1210 : vector<16xf32>
      %add3A_1212 = arith.constant 1.550000e+01 : f32
      %add3A_1213 = vector.broadcast %add3A_1212 : f32 to vector<16xf32>
      %add3A_1214 = arith.addf %sub3A_1211, %add3A_1213 : vector<16xf32>
      %max3A_1215 = arith.constant 0.000000e+00 : f32
      %max3A_1216 = vector.broadcast %max3A_1215 : f32 to vector<16xf32>
      %max3A_1217 = arith.maximumf %add3A_1214, %max3A_1216 : vector<16xf32>
      %min3A_1218 = arith.constant 3.200000e+01 : f32
      %min3A_1219 = vector.broadcast %min3A_1218 : f32 to vector<16xf32>
      %min3A_1220 = arith.minimumf %max3A_1217, %min3A_1219 : vector<16xf32>
      %convert_element_type3A_1221 = arith.fptosi %min3A_1220 : vector<16xf32> to vector<16xi32>
      %convert_element_type3A_1222 = arith.sitofp %convert_element_type3A_1221 : vector<16xi32> to vector<16xf32>
      %gt3A_1223 = arith.cmpf ogt, %min3A_1220, %convert_element_type3A_1222 : vector<16xf32>
      %convert_element_type3A_1224 = arith.extui %gt3A_1223 : vector<16xi1> to vector<16xi32>
      %add3A_1225 = arith.addi %convert_element_type3A_1221, %convert_element_type3A_1224 : vector<16xi32>
      %add3A_1226 = arith.constant 11088 : i32
      %add3A_1227 = vector.broadcast %add3A_1226 : i32 to vector<16xi32>
      %add3A_1228 = arith.addi %mul3A_762, %add3A_1227 : vector<16xi32>
      %add3A_1229 = arith.addi %add3A_1228, %add3A_1225 : vector<16xi32>
      tpu.vector_store_idx %arg6[%add3A_1229], %add3A_767 : memref<16896xf32, #tpu.memory_space<vmem>>[vector<16xi32>], vector<16xf32>,
      %get3A_1230 = arith.constant 352 : index
      %get3A_1231 = tpu.vector_load %arg4[%get3A_1230] {strides = array<i32>} : memref<512xf32, #tpu.memory_space<vmem>>, vector<16xf32>,
      %sub3A_1232 = arith.subf %gather3A_758, %get3A_1231 : vector<16xf32>
      %add3A_1233 = arith.constant 1.550000e+01 : f32
      %add3A_1234 = vector.broadcast %add3A_1233 : f32 to vector<16xf32>
      %add3A_1235 = arith.addf %sub3A_1232, %add3A_1234 : vector<16xf32>
      %max3A_1236 = arith.constant 0.000000e+00 : f32
      %max3A_1237 = vector.broadcast %max3A_1236 : f32 to vector<16xf32>
      %max3A_1238 = arith.maximumf %add3A_1235, %max3A_1237 : vector<16xf32>
      %min3A_1239 = arith.constant 3.200000e+01 : f32
      %min3A_1240 = vector.broadcast %min3A_1239 : f32 to vector<16xf32>
      %min3A_1241 = arith.minimumf %max3A_1238, %min3A_1240 : vector<16xf32>
      %convert_element_type3A_1242 = arith.fptosi %min3A_1241 : vector<16xf32> to vector<16xi32>
      %convert_element_type3A_1243 = arith.sitofp %convert_element_type3A_1242 : vector<16xi32> to vector<16xf32>
      %gt3A_1244 = arith.cmpf ogt, %min3A_1241, %convert_element_type3A_1243 : vector<16xf32>
      %convert_element_type3A_1245 = arith.extui %gt3A_1244 : vector<16xi1> to vector<16xi32>
      %add3A_1246 = arith.addi %convert_element_type3A_1242, %convert_element_type3A_1245 : vector<16xi32>
      %add3A_1247 = arith.constant 11616 : i32
      %add3A_1248 = vector.broadcast %add3A_1247 : i32 to vector<16xi32>
      %add3A_1249 = arith.addi %mul3A_762, %add3A_1248 : vector<16xi32>
      %add3A_1250 = arith.addi %add3A_1249, %add3A_1246 : vector<16xi32>
      tpu.vector_store_idx %arg6[%add3A_1250], %add3A_767 : memref<16896xf32, #tpu.memory_space<vmem>>[vector<16xi32>], vector<16xf32>,
      %get3A_1251 = arith.constant 368 : index
      %get3A_1252 = tpu.vector_load %arg4[%get3A_1251] {strides = array<i32>} : memref<512xf32, #tpu.memory_space<vmem>>, vector<16xf32>,
      %sub3A_1253 = arith.subf %gather3A_758, %get3A_1252 : vector<16xf32>
      %add3A_1254 = arith.constant 1.550000e+01 : f32
      %add3A_1255 = vector.broadcast %add3A_1254 : f32 to vector<16xf32>
      %add3A_1256 = arith.addf %sub3A_1253, %add3A_1255 : vector<16xf32>
      %max3A_1257 = arith.constant 0.000000e+00 : f32
      %max3A_1258 = vector.broadcast %max3A_1257 : f32 to vector<16xf32>
      %max3A_1259 = arith.maximumf %add3A_1256, %max3A_1258 : vector<16xf32>
      %min3A_1260 = arith.constant 3.200000e+01 : f32
      %min3A_1261 = vector.broadcast %min3A_1260 : f32 to vector<16xf32>
      %min3A_1262 = arith.minimumf %max3A_1259, %min3A_1261 : vector<16xf32>
      %convert_element_type3A_1263 = arith.fptosi %min3A_1262 : vector<16xf32> to vector<16xi32>
      %convert_element_type3A_1264 = arith.sitofp %convert_element_type3A_1263 : vector<16xi32> to vector<16xf32>
      %gt3A_1265 = arith.cmpf ogt, %min3A_1262, %convert_element_type3A_1264 : vector<16xf32>
      %convert_element_type3A_1266 = arith.extui %gt3A_1265 : vector<16xi1> to vector<16xi32>
      %add3A_1267 = arith.addi %convert_element_type3A_1263, %convert_element_type3A_1266 : vector<16xi32>
      %add3A_1268 = arith.constant 12144 : i32
      %add3A_1269 = vector.broadcast %add3A_1268 : i32 to vector<16xi32>
      %add3A_1270 = arith.addi %mul3A_762, %add3A_1269 : vector<16xi32>
      %add3A_1271 = arith.addi %add3A_1270, %add3A_1267 : vector<16xi32>
      tpu.vector_store_idx %arg6[%add3A_1271], %add3A_767 : memref<16896xf32, #tpu.memory_space<vmem>>[vector<16xi32>], vector<16xf32>,
      %get3A_1272 = arith.constant 384 : index
      %get3A_1273 = tpu.vector_load %arg4[%get3A_1272] {strides = array<i32>} : memref<512xf32, #tpu.memory_space<vmem>>, vector<16xf32>,
      %sub3A_1274 = arith.subf %gather3A_758, %get3A_1273 : vector<16xf32>
      %add3A_1275 = arith.constant 1.550000e+01 : f32
      %add3A_1276 = vector.broadcast %add3A_1275 : f32 to vector<16xf32>
      %add3A_1277 = arith.addf %sub3A_1274, %add3A_1276 : vector<16xf32>
      %max3A_1278 = arith.constant 0.000000e+00 : f32
      %max3A_1279 = vector.broadcast %max3A_1278 : f32 to vector<16xf32>
      %max3A_1280 = arith.maximumf %add3A_1277, %max3A_1279 : vector<16xf32>
      %min3A_1281 = arith.constant 3.200000e+01 : f32
      %min3A_1282 = vector.broadcast %min3A_1281 : f32 to vector<16xf32>
      %min3A_1283 = arith.minimumf %max3A_1280, %min3A_1282 : vector<16xf32>
      %convert_element_type3A_1284 = arith.fptosi %min3A_1283 : vector<16xf32> to vector<16xi32>
      %convert_element_type3A_1285 = arith.sitofp %convert_element_type3A_1284 : vector<16xi32> to vector<16xf32>
      %gt3A_1286 = arith.cmpf ogt, %min3A_1283, %convert_element_type3A_1285 : vector<16xf32>
      %convert_element_type3A_1287 = arith.extui %gt3A_1286 : vector<16xi1> to vector<16xi32>
      %add3A_1288 = arith.addi %convert_element_type3A_1284, %convert_element_type3A_1287 : vector<16xi32>
      %add3A_1289 = arith.constant 12672 : i32
      %add3A_1290 = vector.broadcast %add3A_1289 : i32 to vector<16xi32>
      %add3A_1291 = arith.addi %mul3A_762, %add3A_1290 : vector<16xi32>
      %add3A_1292 = arith.addi %add3A_1291, %add3A_1288 : vector<16xi32>
      tpu.vector_store_idx %arg6[%add3A_1292], %add3A_767 : memref<16896xf32, #tpu.memory_space<vmem>>[vector<16xi32>], vector<16xf32>,
      %get3A_1293 = arith.constant 400 : index
      %get3A_1294 = tpu.vector_load %arg4[%get3A_1293] {strides = array<i32>} : memref<512xf32, #tpu.memory_space<vmem>>, vector<16xf32>,
      %sub3A_1295 = arith.subf %gather3A_758, %get3A_1294 : vector<16xf32>
      %add3A_1296 = arith.constant 1.550000e+01 : f32
      %add3A_1297 = vector.broadcast %add3A_1296 : f32 to vector<16xf32>
      %add3A_1298 = arith.addf %sub3A_1295, %add3A_1297 : vector<16xf32>
      %max3A_1299 = arith.constant 0.000000e+00 : f32
      %max3A_1300 = vector.broadcast %max3A_1299 : f32 to vector<16xf32>
      %max3A_1301 = arith.maximumf %add3A_1298, %max3A_1300 : vector<16xf32>
      %min3A_1302 = arith.constant 3.200000e+01 : f32
      %min3A_1303 = vector.broadcast %min3A_1302 : f32 to vector<16xf32>
      %min3A_1304 = arith.minimumf %max3A_1301, %min3A_1303 : vector<16xf32>
      %convert_element_type3A_1305 = arith.fptosi %min3A_1304 : vector<16xf32> to vector<16xi32>
      %convert_element_type3A_1306 = arith.sitofp %convert_element_type3A_1305 : vector<16xi32> to vector<16xf32>
      %gt3A_1307 = arith.cmpf ogt, %min3A_1304, %convert_element_type3A_1306 : vector<16xf32>
      %convert_element_type3A_1308 = arith.extui %gt3A_1307 : vector<16xi1> to vector<16xi32>
      %add3A_1309 = arith.addi %convert_element_type3A_1305, %convert_element_type3A_1308 : vector<16xi32>
      %add3A_1310 = arith.constant 13200 : i32
      %add3A_1311 = vector.broadcast %add3A_1310 : i32 to vector<16xi32>
      %add3A_1312 = arith.addi %mul3A_762, %add3A_1311 : vector<16xi32>
      %add3A_1313 = arith.addi %add3A_1312, %add3A_1309 : vector<16xi32>
      tpu.vector_store_idx %arg6[%add3A_1313], %add3A_767 : memref<16896xf32, #tpu.memory_space<vmem>>[vector<16xi32>], vector<16xf32>,
      %get3A_1314 = arith.constant 416 : index
      %get3A_1315 = tpu.vector_load %arg4[%get3A_1314] {strides = array<i32>} : memref<512xf32, #tpu.memory_space<vmem>>, vector<16xf32>,
      %sub3A_1316 = arith.subf %gather3A_758, %get3A_1315 : vector<16xf32>
      %add3A_1317 = arith.constant 1.550000e+01 : f32
      %add3A_1318 = vector.broadcast %add3A_1317 : f32 to vector<16xf32>
      %add3A_1319 = arith.addf %sub3A_1316, %add3A_1318 : vector<16xf32>
      %max3A_1320 = arith.constant 0.000000e+00 : f32
      %max3A_1321 = vector.broadcast %max3A_1320 : f32 to vector<16xf32>
      %max3A_1322 = arith.maximumf %add3A_1319, %max3A_1321 : vector<16xf32>
      %min3A_1323 = arith.constant 3.200000e+01 : f32
      %min3A_1324 = vector.broadcast %min3A_1323 : f32 to vector<16xf32>
      %min3A_1325 = arith.minimumf %max3A_1322, %min3A_1324 : vector<16xf32>
      %convert_element_type3A_1326 = arith.fptosi %min3A_1325 : vector<16xf32> to vector<16xi32>
      %convert_element_type3A_1327 = arith.sitofp %convert_element_type3A_1326 : vector<16xi32> to vector<16xf32>
      %gt3A_1328 = arith.cmpf ogt, %min3A_1325, %convert_element_type3A_1327 : vector<16xf32>
      %convert_element_type3A_1329 = arith.extui %gt3A_1328 : vector<16xi1> to vector<16xi32>
      %add3A_1330 = arith.addi %convert_element_type3A_1326, %convert_element_type3A_1329 : vector<16xi32>
      %add3A_1331 = arith.constant 13728 : i32
      %add3A_1332 = vector.broadcast %add3A_1331 : i32 to vector<16xi32>
      %add3A_1333 = arith.addi %mul3A_762, %add3A_1332 : vector<16xi32>
      %add3A_1334 = arith.addi %add3A_1333, %add3A_1330 : vector<16xi32>
      tpu.vector_store_idx %arg6[%add3A_1334], %add3A_767 : memref<16896xf32, #tpu.memory_space<vmem>>[vector<16xi32>], vector<16xf32>,
      %get3A_1335 = arith.constant 432 : index
      %get3A_1336 = tpu.vector_load %arg4[%get3A_1335] {strides = array<i32>} : memref<512xf32, #tpu.memory_space<vmem>>, vector<16xf32>,
      %sub3A_1337 = arith.subf %gather3A_758, %get3A_1336 : vector<16xf32>
      %add3A_1338 = arith.constant 1.550000e+01 : f32
      %add3A_1339 = vector.broadcast %add3A_1338 : f32 to vector<16xf32>
      %add3A_1340 = arith.addf %sub3A_1337, %add3A_1339 : vector<16xf32>
      %max3A_1341 = arith.constant 0.000000e+00 : f32
      %max3A_1342 = vector.broadcast %max3A_1341 : f32 to vector<16xf32>
      %max3A_1343 = arith.maximumf %add3A_1340, %max3A_1342 : vector<16xf32>
      %min3A_1344 = arith.constant 3.200000e+01 : f32
      %min3A_1345 = vector.broadcast %min3A_1344 : f32 to vector<16xf32>
      %min3A_1346 = arith.minimumf %max3A_1343, %min3A_1345 : vector<16xf32>
      %convert_element_type3A_1347 = arith.fptosi %min3A_1346 : vector<16xf32> to vector<16xi32>
      %convert_element_type3A_1348 = arith.sitofp %convert_element_type3A_1347 : vector<16xi32> to vector<16xf32>
      %gt3A_1349 = arith.cmpf ogt, %min3A_1346, %convert_element_type3A_1348 : vector<16xf32>
      %convert_element_type3A_1350 = arith.extui %gt3A_1349 : vector<16xi1> to vector<16xi32>
      %add3A_1351 = arith.addi %convert_element_type3A_1347, %convert_element_type3A_1350 : vector<16xi32>
      %add3A_1352 = arith.constant 14256 : i32
      %add3A_1353 = vector.broadcast %add3A_1352 : i32 to vector<16xi32>
      %add3A_1354 = arith.addi %mul3A_762, %add3A_1353 : vector<16xi32>
      %add3A_1355 = arith.addi %add3A_1354, %add3A_1351 : vector<16xi32>
      tpu.vector_store_idx %arg6[%add3A_1355], %add3A_767 : memref<16896xf32, #tpu.memory_space<vmem>>[vector<16xi32>], vector<16xf32>,
      %get3A_1356 = arith.constant 448 : index
      %get3A_1357 = tpu.vector_load %arg4[%get3A_1356] {strides = array<i32>} : memref<512xf32, #tpu.memory_space<vmem>>, vector<16xf32>,
      %sub3A_1358 = arith.subf %gather3A_758, %get3A_1357 : vector<16xf32>
      %add3A_1359 = arith.constant 1.550000e+01 : f32
      %add3A_1360 = vector.broadcast %add3A_1359 : f32 to vector<16xf32>
      %add3A_1361 = arith.addf %sub3A_1358, %add3A_1360 : vector<16xf32>
      %max3A_1362 = arith.constant 0.000000e+00 : f32
      %max3A_1363 = vector.broadcast %max3A_1362 : f32 to vector<16xf32>
      %max3A_1364 = arith.maximumf %add3A_1361, %max3A_1363 : vector<16xf32>
      %min3A_1365 = arith.constant 3.200000e+01 : f32
      %min3A_1366 = vector.broadcast %min3A_1365 : f32 to vector<16xf32>
      %min3A_1367 = arith.minimumf %max3A_1364, %min3A_1366 : vector<16xf32>
      %convert_element_type3A_1368 = arith.fptosi %min3A_1367 : vector<16xf32> to vector<16xi32>
      %convert_element_type3A_1369 = arith.sitofp %convert_element_type3A_1368 : vector<16xi32> to vector<16xf32>
      %gt3A_1370 = arith.cmpf ogt, %min3A_1367, %convert_element_type3A_1369 : vector<16xf32>
      %convert_element_type3A_1371 = arith.extui %gt3A_1370 : vector<16xi1> to vector<16xi32>
      %add3A_1372 = arith.addi %convert_element_type3A_1368, %convert_element_type3A_1371 : vector<16xi32>
      %add3A_1373 = arith.constant 14784 : i32
      %add3A_1374 = vector.broadcast %add3A_1373 : i32 to vector<16xi32>
      %add3A_1375 = arith.addi %mul3A_762, %add3A_1374 : vector<16xi32>
      %add3A_1376 = arith.addi %add3A_1375, %add3A_1372 : vector<16xi32>
      tpu.vector_store_idx %arg6[%add3A_1376], %add3A_767 : memref<16896xf32, #tpu.memory_space<vmem>>[vector<16xi32>], vector<16xf32>,
      %get3A_1377 = arith.constant 464 : index
      %get3A_1378 = tpu.vector_load %arg4[%get3A_1377] {strides = array<i32>} : memref<512xf32, #tpu.memory_space<vmem>>, vector<16xf32>,
      %sub3A_1379 = arith.subf %gather3A_758, %get3A_1378 : vector<16xf32>
      %add3A_1380 = arith.constant 1.550000e+01 : f32
      %add3A_1381 = vector.broadcast %add3A_1380 : f32 to vector<16xf32>
      %add3A_1382 = arith.addf %sub3A_1379, %add3A_1381 : vector<16xf32>
      %max3A_1383 = arith.constant 0.000000e+00 : f32
      %max3A_1384 = vector.broadcast %max3A_1383 : f32 to vector<16xf32>
      %max3A_1385 = arith.maximumf %add3A_1382, %max3A_1384 : vector<16xf32>
      %min3A_1386 = arith.constant 3.200000e+01 : f32
      %min3A_1387 = vector.broadcast %min3A_1386 : f32 to vector<16xf32>
      %min3A_1388 = arith.minimumf %max3A_1385, %min3A_1387 : vector<16xf32>
      %convert_element_type3A_1389 = arith.fptosi %min3A_1388 : vector<16xf32> to vector<16xi32>
      %convert_element_type3A_1390 = arith.sitofp %convert_element_type3A_1389 : vector<16xi32> to vector<16xf32>
      %gt3A_1391 = arith.cmpf ogt, %min3A_1388, %convert_element_type3A_1390 : vector<16xf32>
      %convert_element_type3A_1392 = arith.extui %gt3A_1391 : vector<16xi1> to vector<16xi32>
      %add3A_1393 = arith.addi %convert_element_type3A_1389, %convert_element_type3A_1392 : vector<16xi32>
      %add3A_1394 = arith.constant 15312 : i32
      %add3A_1395 = vector.broadcast %add3A_1394 : i32 to vector<16xi32>
      %add3A_1396 = arith.addi %mul3A_762, %add3A_1395 : vector<16xi32>
      %add3A_1397 = arith.addi %add3A_1396, %add3A_1393 : vector<16xi32>
      tpu.vector_store_idx %arg6[%add3A_1397], %add3A_767 : memref<16896xf32, #tpu.memory_space<vmem>>[vector<16xi32>], vector<16xf32>,
      %get3A_1398 = arith.constant 480 : index
      %get3A_1399 = tpu.vector_load %arg4[%get3A_1398] {strides = array<i32>} : memref<512xf32, #tpu.memory_space<vmem>>, vector<16xf32>,
      %sub3A_1400 = arith.subf %gather3A_758, %get3A_1399 : vector<16xf32>
      %add3A_1401 = arith.constant 1.550000e+01 : f32
      %add3A_1402 = vector.broadcast %add3A_1401 : f32 to vector<16xf32>
      %add3A_1403 = arith.addf %sub3A_1400, %add3A_1402 : vector<16xf32>
      %max3A_1404 = arith.constant 0.000000e+00 : f32
      %max3A_1405 = vector.broadcast %max3A_1404 : f32 to vector<16xf32>
      %max3A_1406 = arith.maximumf %add3A_1403, %max3A_1405 : vector<16xf32>
      %min3A_1407 = arith.constant 3.200000e+01 : f32
      %min3A_1408 = vector.broadcast %min3A_1407 : f32 to vector<16xf32>
      %min3A_1409 = arith.minimumf %max3A_1406, %min3A_1408 : vector<16xf32>
      %convert_element_type3A_1410 = arith.fptosi %min3A_1409 : vector<16xf32> to vector<16xi32>
      %convert_element_type3A_1411 = arith.sitofp %convert_element_type3A_1410 : vector<16xi32> to vector<16xf32>
      %gt3A_1412 = arith.cmpf ogt, %min3A_1409, %convert_element_type3A_1411 : vector<16xf32>
      %convert_element_type3A_1413 = arith.extui %gt3A_1412 : vector<16xi1> to vector<16xi32>
      %add3A_1414 = arith.addi %convert_element_type3A_1410, %convert_element_type3A_1413 : vector<16xi32>
      %add3A_1415 = arith.constant 15840 : i32
      %add3A_1416 = vector.broadcast %add3A_1415 : i32 to vector<16xi32>
      %add3A_1417 = arith.addi %mul3A_762, %add3A_1416 : vector<16xi32>
      %add3A_1418 = arith.addi %add3A_1417, %add3A_1414 : vector<16xi32>
      tpu.vector_store_idx %arg6[%add3A_1418], %add3A_767 : memref<16896xf32, #tpu.memory_space<vmem>>[vector<16xi32>], vector<16xf32>,
      %get3A_1419 = arith.constant 496 : index
      %get3A_1420 = tpu.vector_load %arg4[%get3A_1419] {strides = array<i32>} : memref<512xf32, #tpu.memory_space<vmem>>, vector<16xf32>,
      %sub3A_1421 = arith.subf %gather3A_758, %get3A_1420 : vector<16xf32>
      %add3A_1422 = arith.constant 1.550000e+01 : f32
      %add3A_1423 = vector.broadcast %add3A_1422 : f32 to vector<16xf32>
      %add3A_1424 = arith.addf %sub3A_1421, %add3A_1423 : vector<16xf32>
      %max3A_1425 = arith.constant 0.000000e+00 : f32
      %max3A_1426 = vector.broadcast %max3A_1425 : f32 to vector<16xf32>
      %max3A_1427 = arith.maximumf %add3A_1424, %max3A_1426 : vector<16xf32>
      %min3A_1428 = arith.constant 3.200000e+01 : f32
      %min3A_1429 = vector.broadcast %min3A_1428 : f32 to vector<16xf32>
      %min3A_1430 = arith.minimumf %max3A_1427, %min3A_1429 : vector<16xf32>
      %convert_element_type3A_1431 = arith.fptosi %min3A_1430 : vector<16xf32> to vector<16xi32>
      %convert_element_type3A_1432 = arith.sitofp %convert_element_type3A_1431 : vector<16xi32> to vector<16xf32>
      %gt3A_1433 = arith.cmpf ogt, %min3A_1430, %convert_element_type3A_1432 : vector<16xf32>
      %convert_element_type3A_1434 = arith.extui %gt3A_1433 : vector<16xi1> to vector<16xi32>
      %add3A_1435 = arith.addi %convert_element_type3A_1431, %convert_element_type3A_1434 : vector<16xi32>
      %add3A_1436 = arith.constant 16368 : i32
      %add3A_1437 = vector.broadcast %add3A_1436 : i32 to vector<16xi32>
      %add3A_1438 = arith.addi %mul3A_762, %add3A_1437 : vector<16xi32>
      %add3A_1439 = arith.addi %add3A_1438, %add3A_1435 : vector<16xi32>
      tpu.vector_store_idx %arg6[%add3A_1439], %add3A_767 : memref<16896xf32, #tpu.memory_space<vmem>>[vector<16xi32>], vector<16xf32>,
      %add3A_1440 = arith.constant 1 : i32
      %add3A_1441 = arith.addi %add3A_59, %add3A_1440 : i32
      %dma_start3A_1442 = arith.constant 0 : i32
      %dma_start3A_1443 = tpu.memref_slice %arg3[%add3A_1441, %dma_start3A_1442] : memref<2048x16896xf32, #tpu.memory_space<hbm>> -> memref<1x16896xf32, #tpu.memory_space<hbm>>
      %dma_start3A_1444 = tpu.memref_squeeze %dma_start3A_1443 : memref<1x16896xf32, #tpu.memory_space<hbm>> -> memref<16896xf32, #tpu.memory_space<hbm>>
      %dma_start3A_1445 = arith.constant 0 : i32
      %dma_start3A_1446 = tpu.memref_slice %arg3[%add3A_1441, %dma_start3A_1445] : memref<2048x16896xf32, #tpu.memory_space<hbm>> -> memref<1x16896xf32, #tpu.memory_space<hbm>>
      %dma_start3A_1447 = tpu.memref_squeeze %dma_start3A_1446 : memref<1x16896xf32, #tpu.memory_space<hbm>> -> memref<16896xf32, #tpu.memory_space<hbm>>
      tpu.enqueue_dma source(%arg6 : memref<16896xf32, #tpu.memory_space<vmem>>) target(%dma_start3A_1447 : memref<16896xf32, #tpu.memory_space<hbm>>) target_semaphore(%arg8 : memref<!tpu.dma_semaphore, #tpu.memory_space<semaphore_mem>>)
    }
    %scan3A_35 = arith.constant 32 : i32
    %add3A_36 = arith.constant 64 : i32
    %add3A_37 = arith.addi %mul3A_2, %add3A_36 : i32
    %sub3A_38 = arith.constant 2 : i32
    %sub3A_39 = arith.subi %add3A_37, %sub3A_38 : i32
    %dma_wait3A = arith.constant 0 : i32
    %dma_wait3A_40 = tpu.memref_slice %arg3[%sub3A_39, %dma_wait3A] : memref<2048x16896xf32, #tpu.memory_space<hbm>> -> memref<1x16896xf32, #tpu.memory_space<hbm>>
    %dma_wait3A_41 = tpu.memref_squeeze %dma_wait3A_40 : memref<1x16896xf32, #tpu.memory_space<hbm>> -> memref<16896xf32, #tpu.memory_space<hbm>>
    %dma_wait3A_42 = arith.constant 0 : i32
    %dma_wait3A_43 = tpu.memref_slice %arg3[%sub3A_39, %dma_wait3A_42] : memref<2048x16896xf32, #tpu.memory_space<hbm>> -> memref<1x16896xf32, #tpu.memory_space<hbm>>
    %dma_wait3A_44 = tpu.memref_squeeze %dma_wait3A_43 : memref<1x16896xf32, #tpu.memory_space<hbm>> -> memref<16896xf32, #tpu.memory_space<hbm>>
    tpu.wait_dma2 semaphore(%arg7 : memref<!tpu.dma_semaphore, #tpu.memory_space<semaphore_mem>>) src(%arg5 : memref<16896xf32, #tpu.memory_space<vmem>>) dst(%dma_wait3A_44 : memref<16896xf32, #tpu.memory_space<hbm>>)
    %add3A_45 = arith.constant 1 : i32
    %add3A_46 = arith.addi %sub3A_39, %add3A_45 : i32
    %dma_wait3A_47 = arith.constant 0 : i32
    %dma_wait3A_48 = tpu.memref_slice %arg3[%add3A_46, %dma_wait3A_47] : memref<2048x16896xf32, #tpu.memory_space<hbm>> -> memref<1x16896xf32, #tpu.memory_space<hbm>>
    %dma_wait3A_49 = tpu.memref_squeeze %dma_wait3A_48 : memref<1x16896xf32, #tpu.memory_space<hbm>> -> memref<16896xf32, #tpu.memory_space<hbm>>
    %dma_wait3A_50 = arith.constant 0 : i32
    %dma_wait3A_51 = tpu.memref_slice %arg3[%add3A_46, %dma_wait3A_50] : memref<2048x16896xf32, #tpu.memory_space<hbm>> -> memref<1x16896xf32, #tpu.memory_space<hbm>>
    %dma_wait3A_52 = tpu.memref_squeeze %dma_wait3A_51 : memref<1x16896xf32, #tpu.memory_space<hbm>> -> memref<16896xf32, #tpu.memory_space<hbm>>
    tpu.wait_dma2 semaphore(%arg8 : memref<!tpu.dma_semaphore, #tpu.memory_space<semaphore_mem>>) src(%arg6 : memref<16896xf32, #tpu.memory_space<vmem>>) dst(%dma_wait3A_52 : memref<16896xf32, #tpu.memory_space<hbm>>)
    return
  }
}

</mosaic_0001>

<sc_bundles>
// kernel: kernel.3.cloned.1.call-start
scs
__scs_entry_jumppad:
0x0: {  	(pc) =	sbr.rel $0x88, $3  }
0x1: {  	(tag) =	ssettag $0x0;
	lr =	simm.s32 $0x1  }
0x2: {  	[smem:$0x3FA0] =	sst lr;
	_ =	strace $0xD0000000  }
0x3: {  	_ = 	snop  }
0x4: {  	_ = 	snop  }
0x5: {  	_ = 	snop  }
0x6: {  	_ = 	snop  }
0x7: {  	_ = 	snop  }
__scs_overlays_trampoline_lowered:
0x8: {  	[smem:$0x3FAF] =	sst s0  }
0x9: {  	[smem:$0x3FB0] =	sst s1  }
0xa: {  	[smem:$0x3FB1] =	sst s2  }
0xb: {  	[smem:$0x3FB2] =	sst s3  }
0xc: {  	[smem:$0x3FB3] =	sst s4  }
0xd: {  	[smem:$0x3FB4] =	sst s5  }
0xe: {  	[smem:$0x3FB5] =	sst s6  }
0xf: {  	[smem:$0x3FB6] =	sst s7  }
0x10: {  	[smem:$0x3FB7] =	sst s8  }
0x11: {  	[smem:$0x3FB8] =	sst s9;
	s0 =	simm.s32 @!p0 $0x0  }
0x12: {  	s1 =	sld [smem:$0x3F9E];
	s0 =	simm.s32 @p0 $0x1  }
0x13: {  	[smem:$0x3FB9] =	sst s0;
	s0 =	simm.s32 @!p1 $0x0  }
0x14: {  	s2 =	sld [smem:$0x3F9D];
	s0 =	simm.s32 @p1 $0x1  }
0x15: {  	[smem:$0x3FBA] =	sst s0;
	s0 =	simm.s32 @!p2 $0x0  }
0x16: {  	s3 =	sld [smem:$0x3FDB];
	s0 =	simm.s32 @p2 $0x1  }
0x17: {  	s4 =	simm.s32 $0x1BF5;
	[smem:$0x3FBC] =	sst s0  }
0x18: {  	s0 =	sld [smem:$0x3F9F];
	_ =	swait.ge [sflag:s4], $0x0  }
0x19: {  	s7 =	sld [smem:$0x3FA0]  }
0x1a: {  	s8 =	sadd.s32 $0xFFFFE003, lr  }
0x1b: {  	s9 =	sadd.s32 $0xFFFFFEF7, lr;
	s5 =	simm.s32 $0xFFFFFFFF;
	p2 =	slt.u32 s8, $0xFFFFF086  }
0x1c: {  	p1 =	slt.u32 s9, $0xF7A;
	s5 =	simm.s32 @!p2 $0x0  }
0x1d: {  	s5 =	simm.s32 @p1 $0x1;
	p0 =	seq.s32 s7, s2  }
0x1e: {  	s7 =	smul.u32 @!p0 $0xF7A, s2;
	p2 =	seq.s32 @!p0 s5, $0x0  }
0x1f: {  	s9 =	smul.u32 $0xF7A, s1;
	s8 =	simm.s32 @!p0 $0x1BF5;
	p2 =	por !p2, p0  }
0x20: {  	[sflag:s8] =	ssyncset.s32 @!p0 $0xFFFFF086;
	s6 =	sadd.s32 @!p0 s3, s7;
	s7 =	simm.s32 @!p0 $0x108  }
0x21: {  	s3 =	sadd.s32 s3, s9;
	s6 =	sadd.s32 @!p0 $0x88, s6;
	s7 =	simm.s32 @p2 $0x1082  }
0x22: {  	[simem:s7], [sflag:s8] =	dma.local @!p0 [hbm:s6], $0xF7A  }
0x23: {  	s9 =	sor.u32 $0xD0000000, s2;
	s6 =	simm.s32 $0x108;
	_ =	swait.ge @!p0 [sflag:s8], $0x0  }
0x24: {  	s3 =	sadd.s32 $0x88, s3;
	s6 =	simm.s32 @!p1 $0x1082;
	[sflag:s4] =	ssyncset.s32 $0xFFFFF086  }
0x25: {  	[simem:s6], [sflag:s4] =	dma.local [hbm:s3], $0xF7A  }
0x26: {  	[smem:$0x3FA0] =	sst s1;
	(tag) =	ssettag s2;
	_ =	strace s9  }
0x27: {  	s1 =	sld [smem:$0x3FB0]  }
0x28: {  	s2 =	sld [smem:$0x3FB1]  }
0x29: {  	s4 =	sld [smem:$0x3FB3]  }
0x2a: {  	p0 =	seq.s32 s5, $0x0;
	s5 =	sld [smem:$0x3FB4]  }
0x2b: {  	s6 =	sld [smem:$0x3FB5]  }
0x2c: {  	s7 =	sld [smem:$0x3FB6]  }
0x2d: {  	s3 =	simm.s32 $0x108;
	s8 =	sld [smem:$0x3FB7]  }
0x2e: {  	s3 =	simm.s32 @!p0 $0x1082;
	s9 =	sld [smem:$0x3FB8]  }
0x2f: {  	lr =	sadd.s32 s0, s3;
	s0 =	sld [smem:$0x3FAF]  }
0x30: {  	s3 =	sld [smem:$0x3FB2]  }
0x31: {  	[smem:$0x3FBB] =	sst s10  }
0x32: {  	s10 =	sld [smem:$0x3FB9];
	_ =	sdelay $0x3  }
0x33: {  	p0 =	seq.s32 s10, $0x1;
	s10 =	sld [smem:$0x3FBB];
	_ =	sdelay $0x3  }
0x34: {  	[smem:$0x3FBB] =	sst s10  }
0x35: {  	s10 =	sld [smem:$0x3FBA];
	_ =	sdelay $0x3  }
0x36: {  	p1 =	seq.s32 s10, $0x1;
	s10 =	sld [smem:$0x3FBB];
	_ =	sdelay $0x3  }
0x37: {  	[smem:$0x3FBB] =	sst s10  }
0x38: {  	s10 =	sld [smem:$0x3FBC]  }
0x39: {  	_ = 	snop;
	(pc) =	sbr.ind lr, $3  }
0x3a: {  	_ = 	snop  }
0x3b: {  	_ = 	snop  }
0x3c: {  	p2 =	seq.s32 s10, $0x1;
	s10 =	sld [smem:$0x3FBB]  }
0x3d: {  	_ =	shalt  }
0x3e: {  	_ =	shalt  }
0x3f: {  	_ =	shalt  }
0x40: {  	_ =	shalt  }
0x41: {  	_ =	shalt  }
0x42: {  	_ =	shalt  }
0x43: {  	_ =	shalt  }
0x44: {  	_ =	shalt  }
0x45: {  	_ =	shalt  }
0x46: {  	_ =	shalt  }
0x47: {  	_ =	shalt  }
0x48: {  	_ =	shalt  }
0x49: {  	_ =	shalt  }
0x4a: {  	_ =	shalt  }
0x4b: {  	_ =	shalt  }
0x4c: {  	_ =	shalt  }
0x4d: {  	_ =	shalt  }
0x4e: {  	_ =	shalt  }
0x4f: {  	_ =	shalt  }
0x50: {  	_ =	shalt  }
0x51: {  	_ =	shalt  }
0x52: {  	_ =	shalt  }
0x53: {  	_ =	shalt  }
0x54: {  	_ =	shalt  }
0x55: {  	_ =	shalt  }
0x56: {  	_ =	shalt  }
0x57: {  	_ =	shalt  }
0x58: {  	_ =	shalt  }
0x59: {  	_ =	shalt  }
0x5a: {  	_ =	shalt  }
0x5b: {  	_ =	shalt  }
0x5c: {  	_ =	shalt  }
0x5d: {  	_ =	shalt  }
0x5e: {  	_ =	shalt  }
0x5f: {  	_ =	shalt  }
0x60: {  	_ =	shalt  }
0x61: {  	_ =	shalt  }
0x62: {  	_ =	shalt  }
0x63: {  	_ =	shalt  }
0x64: {  	_ =	shalt  }
0x65: {  	_ =	shalt  }
0x66: {  	_ =	shalt  }
0x67: {  	_ =	shalt  }
0x68: {  	_ =	shalt  }
0x69: {  	_ =	shalt  }
0x6a: {  	_ =	shalt  }
0x6b: {  	_ =	shalt  }
0x6c: {  	_ =	shalt  }
0x6d: {  	_ =	shalt  }
0x6e: {  	_ =	shalt  }
0x6f: {  	_ =	shalt  }
0x70: {  	_ =	shalt  }
0x71: {  	_ =	shalt  }
0x72: {  	_ =	shalt  }
0x73: {  	_ =	shalt  }
0x74: {  	_ =	shalt  }
0x75: {  	_ =	shalt  }
0x76: {  	_ =	shalt  }
0x77: {  	_ =	shalt  }
0x78: {  	_ =	shalt  }
0x79: {  	_ =	shalt  }
0x7a: {  	_ =	shalt  }
0x7b: {  	_ =	shalt  }
0x7c: {  	_ =	shalt  }
0x7d: {  	_ =	shalt  }
0x7e: {  	_ =	shalt  }
0x7f: {  	_ =	shalt  }
0x80: {  	_ =	shalt  }
0x81: {  	_ =	shalt  }
0x82: {  	_ =	shalt  }
0x83: {  	_ =	shalt  }
0x84: {  	_ =	shalt  }
0x85: {  	_ =	shalt  }
0x86: {  	_ =	shalt  }
0x87: {  	_ =	shalt  }
.Lfunc_end0:
.L_simem_size_0:
called_computation.1_lowered:
.L_overlay_start_0:
0x88: {  	s2 =	sld [smem:$0x3FD9]  }
0x89: {  	s3 =	sld [smem:$0x3FFE];
	_ =	sdelay $0x1  }
0x8a: {  	s1 =	srdreg.scid  }
0x8b: {  	s0 =	sand.u32 $0x1, s1  }
0x8c: {  	s17 =	sshll.u32 s0, $0xA;
	s2 =	sadd.s32 s3, s2  }
0x8d: {  	s2 =	sadd.s32 s2, s17  }
0x8e: {  	[smem:$0x3FC7] =	sst s2  }
0x8f: {  	_ = 	snop  }
0x90: {  	s2 =	sld [smem:$0x3FD0];
	(tm) =	ssettm $0x1  }
0x91: {  	s18 =	sld [smem:$0x3FFB];
	_ =	sdelay $0x3  }
0x92: {  	_ =	strace s18  }
0x93: {  	s3 =	sld [smem:$0x3FFC];
	_ =	sdelay $0x3  }
0x94: {  	_ =	strace s3  }
0x95: {  	s3 =	sld [smem:$0x3FFD];
	_ =	sdelay $0x3  }
0x96: {  	_ =	strace s3  }
0x97: {  	_ =	strace $0x8FFFFFFF  }
0x98: {  	s19 =	sld [smem:$0x3FDB];
	_ =	sdelay $0x1  }
0x99: {  	s4 =	simm.s32 $_scs_section_size  }
0x9a: {  	s5 =	simm.s32 $_size__tile_overlayer_lowered;
	s6 =	simm.s32 $_tile_overlayer_lowered  }
0x9b: {  	s22 =	simm.s32 $0x1BFF;
	s21 =	sshll.u32 s6, $0x1;
	s3 =	sadd.s32 s4, s19  }
0x9c: {  	s7 =	simm.s32 $0x0;
	s20 =	sshll.u32 s5, $0x1;
	s5 =	sadd.s32 s21, s3  }
0x9d: {  	[timem:s7], [sflag:s22] =	dma.local [hbm:s5], s20  }
0x9e: {  	_ =	swait.ge [sflag:s22], s20  }
0x9f: {  	s4 =	ssub.s32 $0x0, s20;
	[sflag:s22] =	ssyncset.done $0x0  }
0xa0: {  	[sflag:s22] =	ssyncadd.s32 s4;
	_ =	sdelay $0x1  }
0xa1: {  	s23 =	simm.s32 $0x1B8B  }
0xa2: {  	_ =	swait.ge [sflag:s23], $0x1  }
0xa3: {  	[sflag:s23] =	ssyncset.done $0x0  }
0xa4: {  	s25 =	simm.s32 $0x1B8E;
	s24 =	sld [smem:$0x3FFE];
	[sflag:s23] =	ssyncadd.s32 $0xFFFFFFFF  }
0xa5: {  	s26 =	simm.s32 $execute0_lowered;
	[smem:$0x3FD2] =	sst s25  }
0xa6: {  	s5 =	sshll.u32 s26, $0x1;
	_ =	strace $0x80000046;
	[dreg:$0x1] =	wrdreg $0xFFFFFFFF  }
0xa7: {  	s28 =	simm.s32 $_size_execute0_lowered;
	s3 =	sadd.s32 s3, s5;
	[dreg:$0x0] =	wrdreg $0x0  }
0xa8: {  	s5 =	sshll.u32 s28, $0x1;
	[dreg:$0x2] =	wrdreg s3  }
0xa9: {  	[dreg:$0x3] =	wrdreg s5  }
0xaa: {  	[dreg:$0x4] =	wrdreg $0xC0  }
0xab: {  	_ =	task [dreg:s7], $0x5FFFF  }
0xac: {  	[dreg:$0x1] =	wrdreg $0xFFFFFFFF  }
0xad: {  	[dreg:$0x0] =	wrdreg $0x60  }
0xae: {  	[dreg:$0x2] =	wrdreg s2  }
0xaf: {  	[dreg:$0x3] =	wrdreg s24  }
0xb0: {  	[dreg:$0x4] =	wrdreg $0x9  }
0xb1: {  	_ =	task.clear_ibuf [dreg:s7], $0x5FFFF;
	_ =	strace $0x90000046  }
0xb2: {  	s29 =	simm.s32 $0x9;
	_ =	strace $0x80000048  }
0xb3: {  	_ =	swait.ge [sflag:s29], $0x1  }
0xb4: {  	[sflag:s29] =	ssyncadd.s32 $0xFFFFFFFF  }
0xb5: {  	_ =	strace $0x90000048  }
0xb6: {  	_ =	sfence  }
0xb7: {  	s30 =	sld [smem:$0x0];
	_ =	sdelay $0x2  }
0xb8: {  	s31 =	sshll.u32 s1, $0xD;
	s1 =	sshrl.u32 s1, $0x2  }
0xb9: {  	s3 =	sand.u32 $0x4000, s31;
	s1 =	sadd.s32 s1, s30  }
0xba: {  	s0 =	sor.u32 s3, s0;
	s1 =	sshll.u32 s1, $0x11  }
0xbb: {  	s0 =	sor.u32 s1, s0  }
0xbc: {  	s0 =	sadd.s32 $0x8F2B, s0  }
0xbd: {  	[sflag:s0] =	ssyncadd.remote.s32 $0x1  }
0xbe: {  	_ =	sfence.sel $0xFFFF  }
0xbf: {  	[dreg:$0x0] =	wrdreg $0xFFFFFFFF;
	(pc) =	sbr.abs _section_cstart, $3  }
0xc0: {  	[dreg:$0x1] =	wrdreg $0xFFFFFFFF  }
0xc1: {  	_ =	task.clear_ibuf [dreg:s7], $0x2FFFF;
	_ =	strace $0x9FFFFFFF  }
0xc2: {  	(tm) =	ssettm $0x7FFFFFFF  }
0xc3: {  	_ =	shalt  }
tec
execute0_lowered:
.L_overlay_start_1:
0x0: {  	(tag) =	ssettag $0x1  }
0x1: {  	v0 =	vlaneseq.u32  }
0x2: {  	v0 =	vmul.u32 $0x21, v0  }
0x3: {  	v1 =	vimm.f32 $0.0e+00  }
0x4: {  	s4 =	rddreg [dreg:$0x0];
	v2 =	vimm.s32 $0x0;
	v3 =	vimm.f32 $1.000000000e+00;
	v4 =	vadd.s32 $0x210, v0  }
0x5: {  	s3 =	rddreg [dreg:$0x1];
	s2 =	srdreg.scid;
	v5 =	vadd.s32 $0x420, v0;
	v6 =	vadd.s32 $0x630, v0;
	v7 =	vadd.s32 $0x840, v0  }
0x6: {  	s0 =	rddreg [dreg:$0x2];
	s1 =	simm.s32 $0x0;
	s10 =	simm.s32 $0x80;
	v8 =	vadd.s32 $0xA50, v0;
	v9 =	vadd.s32 $0xC60, v0;
	v10 =	vadd.s32 $0xE70, v0  }
0x7: {  	s11 =	simm.s32 $0x400;
	s12 =	simm.s32 $0x4400;
	s13 =	simm.s32 $0x1;
	v11 =	vadd.s32 $0x1080, v0;
	v12 =	vadd.s32 $0x1290, v0;
	v13 =	vadd.s32 $0x14A0, v0  }
0x8: {  	s14 =	simm.s32 $0x2;
	s15 =	simm.s32 $0x0;
	s5 =	sand.u32 $0x1, s2;
	v14 =	vadd.s32 $0x16B0, v0;
	v15 =	vadd.s32 $0x18C0, v0;
	v16 =	vadd.s32 $0x1AD0, v0  }
0x9: {  	[smem:$0x7FF] =	sst s1;
	s2 =	stileid.u32;
	s3 =	sadd.s32 $0x800, s3;
	v17 =	vadd.s32 $0x1CE0, v0;
	v18 =	vadd.s32 $0x1EF0, v0;
	v19 =	vadd.s32 $0x2100, v0  }
.Ltmp0:
0xa: {  	s6 =	ssub.s32 $0x2, s5;
	_ =	strace $0x80000047;
	v20 =	vadd.s32 $0x2310, v0;
	v21 =	vadd.s32 $0x2520, v0;
	v22 =	vadd.s32 $0x2730, v0;
	(pc) =	sbr.rel .LBB2_1-.Ltmp0, $4  }
0xb: {  	s30 =	sshll.u32 s2, $0x4;
	s8 =	sshll.u32 s2, $0x7;
	s7 =	sshrl.u32 s6, $0x1;
	v23 =	vadd.s32 $0x2940, v0;
	v24 =	vadd.s32 $0x2B50, v0;
	v25 =	vadd.s32 $0x2D60, v0  }
0xc: {  	s9 =	sshll.u32 s5, $0x6;
	s31 =	sand.u32 $0xC0, s30;
	v26 =	vadd.s32 $0x2F70, v0;
	v27 =	vadd.s32 $0x3180, v0;
	v28 =	vadd.s32 $0x3390, v0;
	s6 =	ssub.s32 s6, s7  }
0xd: {  	v29 =	vadd.s32 $0x35A0, v0;
	v30 =	vadd.s32 $0x37B0, v0;
	v31 =	vadd.s32 $0x39C0, v0;
	s4 =	sadd.s32 s4, s31;
	s5 =	smax.u32 s6, $0x1;
	s6 =	sor.u32 s9, s8  }
0xe: {  	v32 =	vadd.s32 $0x3BD0, v0;
	v33 =	vadd.s32 $0x3DE0, v0;
	v34 =	vadd.s32 $0x3FF0, v0;
	s8 =	simm.s32 $0x3;
	s9 =	simm.s32 $0x200;
	s7 =	sand.u32 $0x1C0, s6  }
.LBB2_9:
0xf: {  	s15 =	sadd.s32 $0x1, s15  }
0x10: {  	_ =	swait.ge [sflag:s13], $0x4200;
	p0 =	sne.s32 s15, s5  }
.Ltmp1:
0x11: {  	[sflag:s13] =	ssyncset.done $0x0;
	(pc) =	sbr.rel @!p0 .LBB2_10-.Ltmp1, $4  }
0x12: {  	[sflag:s13] =	ssyncadd.s32 $0xFFFFBE00  }
0x13: {  	_ =	swait.ge [sflag:s14], $0x4200  }
0x14: {  	[sflag:s14] =	ssyncset.done $0x0  }
0x15: {  	[sflag:s14] =	ssyncadd.s32 $0xFFFFBE00  }
.LBB2_1:
0x16: {  	[tilespmem:s1], [sflag:$0x3] =	stream.linear.gather [hbm4b:s4+s1], $0x200, $0x38;
	[tilespmem:$0x8600] =	vst v63  }
0x17: {  	_ =	swait.ge [sflag:s8], $0x200  }
0x18: {  	[sflag:s8] =	ssyncset.done $0x0  }
0x19: {  	s16 =	simm.s32 $0x0;
	[sflag:s8] =	ssyncadd.s32 $0xFFFFFE00  }
.LBB2_2:
0x1a: {  	p0 =	sne.s32 s16, $0x107C0  }
.Ltmp2:
0x1b: {  	_ = 	snop;
	(pc) =	sbr.rel @p0 .LBB2_2-.Ltmp2, $4  }
0x1c: {  	_ = 	snop  }
0x1d: {  	s17 =	sshra.s32 s16, $0x2  }
0x1e: {  	[tilespmem:s17+$0x200] =	vst v1  }
0x1f: {  	s16 =	sadd.s32 $0x40, s16;
	[tilespmem:s17+$0x4400] =	vst v1  }
.Ltmp3:
0x20: {  	(pc) =	sbr.rel .LBB2_4-.Ltmp3, $2  }
0x21: {  	_ =	sdelay $0x2  }
0x22: {  	s16 =	simm.s32 $0x0;
	s17 =	simm.s32 $0x0  }
.LBB2_8:
0x23: {  	s18 =	sadd.s32 $0x1, s18  }
0x24: {  	v35 =	vmov s18;
	_ =	sdelay $0x3  }
0x25: {  	v36 =	vld [tilespmem:$0x0]  }
0x26: {  	v35 =	vld.idx.msk [tilespmem:v35+s1+$0x0], $0xffff;
	_ =	sdelay $0x4  }
0x27: {  	v36 =	vsub.f32 v35, v36;
	_ =	sdelay $0x1  }
0x28: {  	v36 =	vadd.f32 $1.550000000e+01, v36;
	_ =	sdelay $0x1  }
0x29: {  	v36 =	vmax.f32 v36, $0.0e+00  }
0x2a: {  	v36 =	vmin.f32 v36, $3.200000000e+01  }
0x2b: {  	v37 =	vtrunc.f32 v36  }
0x2c: {  	v38 =	vcvt.f32.s32 v37;
	vm0 =	vgt.f32 v36, v37  }
0x2d: {  	v36 =	vsel vm0, $0x1, v2  }
0x2e: {  	v36 =	vadd.s32 v36, v38  }
0x2f: {  	v36 =	vadd.s32 v0, v36;
	_ =	sdelay $0x4  }
0x30: {  	[tilespmem:v36+s12+$0x0] =	vst.idx.msk $0xffff, v3  }
0x31: {  	v36 =	vld [tilespmem:$0x10];
	_ =	sdelay $0x4  }
0x32: {  	v36 =	vsub.f32 v35, v36;
	_ =	sdelay $0x1  }
0x33: {  	v36 =	vadd.f32 $1.550000000e+01, v36;
	_ =	sdelay $0x1  }
0x34: {  	v36 =	vmax.f32 v36, $0.0e+00  }
0x35: {  	v36 =	vmin.f32 v36, $3.200000000e+01  }
0x36: {  	v50 =	vtrunc.f32 v36  }
0x37: {  	v51 =	vcvt.f32.s32 v50;
	vm9 =	vgt.f32 v36, v50  }
0x38: {  	v36 =	vsel vm9, $0x1, v2  }
0x39: {  	v36 =	vadd.s32 v36, v51  }
0x3a: {  	v36 =	vadd.s32 v4, v36;
	_ =	sdelay $0x4  }
0x3b: {  	[tilespmem:v36+s12+$0x0] =	vst.idx.msk $0xffff, v3  }
0x3c: {  	v36 =	vld [tilespmem:$0x20];
	_ =	sdelay $0x4  }
0x3d: {  	v36 =	vsub.f32 v35, v36;
	_ =	sdelay $0x1  }
0x3e: {  	v36 =	vadd.f32 $1.550000000e+01, v36;
	_ =	sdelay $0x1  }
0x3f: {  	v36 =	vmax.f32 v36, $0.0e+00  }
0x40: {  	v36 =	vmin.f32 v36, $3.200000000e+01  }
0x41: {  	v52 =	vtrunc.f32 v36  }
0x42: {  	v53 =	vcvt.f32.s32 v52;
	vm10 =	vgt.f32 v36, v52  }
0x43: {  	v36 =	vsel vm10, $0x1, v2  }
0x44: {  	v36 =	vadd.s32 v36, v53  }
0x45: {  	v36 =	vadd.s32 v5, v36;
	_ =	sdelay $0x4  }
0x46: {  	[tilespmem:v36+s12+$0x0] =	vst.idx.msk $0xffff, v3  }
0x47: {  	v36 =	vld [tilespmem:$0x30];
	_ =	sdelay $0x4  }
0x48: {  	v36 =	vsub.f32 v35, v36;
	_ =	sdelay $0x1  }
0x49: {  	v36 =	vadd.f32 $1.550000000e+01, v36;
	_ =	sdelay $0x1  }
0x4a: {  	v36 =	vmax.f32 v36, $0.0e+00  }
0x4b: {  	v36 =	vmin.f32 v36, $3.200000000e+01  }
0x4c: {  	v54 =	vtrunc.f32 v36  }
0x4d: {  	v55 =	vcvt.f32.s32 v54;
	vm11 =	vgt.f32 v36, v54  }
0x4e: {  	v36 =	vsel vm11, $0x1, v2  }
0x4f: {  	v36 =	vadd.s32 v36, v55  }
0x50: {  	v36 =	vadd.s32 v6, v36;
	_ =	sdelay $0x4  }
0x51: {  	[tilespmem:v36+s12+$0x0] =	vst.idx.msk $0xffff, v3  }
0x52: {  	v36 =	vld [tilespmem:$0x40];
	_ =	sdelay $0x4  }
0x53: {  	v36 =	vsub.f32 v35, v36;
	_ =	sdelay $0x1  }
0x54: {  	v36 =	vadd.f32 $1.550000000e+01, v36;
	_ =	sdelay $0x1  }
0x55: {  	v36 =	vmax.f32 v36, $0.0e+00  }
0x56: {  	v36 =	vmin.f32 v36, $3.200000000e+01  }
0x57: {  	v56 =	vtrunc.f32 v36  }
0x58: {  	v57 =	vcvt.f32.s32 v56;
	vm12 =	vgt.f32 v36, v56  }
0x59: {  	v36 =	vsel vm12, $0x1, v2  }
0x5a: {  	v36 =	vadd.s32 v36, v57  }
0x5b: {  	v36 =	vadd.s32 v7, v36;
	_ =	sdelay $0x4  }
0x5c: {  	[tilespmem:v36+s12+$0x0] =	vst.idx.msk $0xffff, v3  }
0x5d: {  	v36 =	vld [tilespmem:$0x50];
	_ =	sdelay $0x4  }
0x5e: {  	v36 =	vsub.f32 v35, v36;
	_ =	sdelay $0x1  }
0x5f: {  	v36 =	vadd.f32 $1.550000000e+01, v36;
	_ =	sdelay $0x1  }
0x60: {  	v36 =	vmax.f32 v36, $0.0e+00  }
0x61: {  	v36 =	vmin.f32 v36, $3.200000000e+01  }
0x62: {  	v58 =	vtrunc.f32 v36  }
0x63: {  	v59 =	vcvt.f32.s32 v58;
	vm13 =	vgt.f32 v36, v58  }
0x64: {  	v36 =	vsel vm13, $0x1, v2  }
0x65: {  	v36 =	vadd.s32 v36, v59  }
0x66: {  	v36 =	vadd.s32 v8, v36;
	_ =	sdelay $0x4  }
0x67: {  	[tilespmem:v36+s12+$0x0] =	vst.idx.msk $0xffff, v3  }
0x68: {  	v36 =	vld [tilespmem:$0x60];
	_ =	sdelay $0x4  }
0x69: {  	v36 =	vsub.f32 v35, v36;
	_ =	sdelay $0x1  }
0x6a: {  	v36 =	vadd.f32 $1.550000000e+01, v36;
	_ =	sdelay $0x1  }
0x6b: {  	v36 =	vmax.f32 v36, $0.0e+00  }
0x6c: {  	v36 =	vmin.f32 v36, $3.200000000e+01  }
0x6d: {  	v60 =	vtrunc.f32 v36  }
0x6e: {  	v61 =	vcvt.f32.s32 v60;
	vm14 =	vgt.f32 v36, v60  }
0x6f: {  	v36 =	vsel vm14, $0x1, v2  }
0x70: {  	v36 =	vadd.s32 v36, v61  }
0x71: {  	v36 =	vadd.s32 v9, v36;
	_ =	sdelay $0x4  }
0x72: {  	[tilespmem:v36+s12+$0x0] =	vst.idx.msk $0xffff, v3  }
0x73: {  	v36 =	vld [tilespmem:$0x70];
	_ =	sdelay $0x4  }
0x74: {  	v36 =	vsub.f32 v35, v36;
	_ =	sdelay $0x1  }
0x75: {  	v36 =	vadd.f32 $1.550000000e+01, v36;
	_ =	sdelay $0x1  }
0x76: {  	v36 =	vmax.f32 v36, $0.0e+00  }
0x77: {  	v36 =	vmin.f32 v36, $3.200000000e+01  }
0x78: {  	v62 =	vtrunc.f32 v36  }
0x79: {  	v63 =	vcvt.f32.s32 v62;
	vm15 =	vgt.f32 v36, v62  }
0x7a: {  	v36 =	vsel vm15, $0x1, v2  }
0x7b: {  	v36 =	vadd.s32 v36, v63  }
0x7c: {  	v36 =	vadd.s32 v10, v36;
	_ =	sdelay $0x4  }
0x7d: {  	[tilespmem:v36+s12+$0x0] =	vst.idx.msk $0xffff, v3  }
0x7e: {  	v36 =	vld [tilespmem:$0x80];
	_ =	sdelay $0x4  }
0x7f: {  	v36 =	vsub.f32 v35, v36;
	_ =	sdelay $0x1  }
0x80: {  	v36 =	vadd.f32 $1.550000000e+01, v36;
	_ =	sdelay $0x1  }
0x81: {  	v36 =	vmax.f32 v36, $0.0e+00  }
0x82: {  	v36 =	vmin.f32 v36, $3.200000000e+01  }
0x83: {  	v40 =	vtrunc.f32 v36  }
0x84: {  	v41 =	vcvt.f32.s32 v40;
	vm4 =	vgt.f32 v36, v40  }
0x85: {  	v36 =	vsel vm4, $0x1, v2  }
0x86: {  	v36 =	vadd.s32 v36, v41  }
0x87: {  	v36 =	vadd.s32 v11, v36;
	_ =	sdelay $0x4  }
0x88: {  	[tilespmem:v36+s12+$0x0] =	vst.idx.msk $0xffff, v3  }
0x89: {  	v36 =	vld [tilespmem:$0x90];
	_ =	sdelay $0x4  }
0x8a: {  	v36 =	vsub.f32 v35, v36;
	_ =	sdelay $0x1  }
0x8b: {  	v36 =	vadd.f32 $1.550000000e+01, v36;
	_ =	sdelay $0x1  }
0x8c: {  	v36 =	vmax.f32 v36, $0.0e+00  }
0x8d: {  	v36 =	vmin.f32 v36, $3.200000000e+01  }
0x8e: {  	v42 =	vtrunc.f32 v36  }
0x8f: {  	v43 =	vcvt.f32.s32 v42;
	vm5 =	vgt.f32 v36, v42  }
0x90: {  	v36 =	vsel vm5, $0x1, v2  }
0x91: {  	v36 =	vadd.s32 v36, v43  }
0x92: {  	v36 =	vadd.s32 v12, v36;
	_ =	sdelay $0x4  }
0x93: {  	[tilespmem:v36+s12+$0x0] =	vst.idx.msk $0xffff, v3  }
0x94: {  	v36 =	vld [tilespmem:$0xA0];
	_ =	sdelay $0x4  }
0x95: {  	v36 =	vsub.f32 v35, v36;
	_ =	sdelay $0x1  }
0x96: {  	v36 =	vadd.f32 $1.550000000e+01, v36;
	_ =	sdelay $0x1  }
0x97: {  	v36 =	vmax.f32 v36, $0.0e+00  }
0x98: {  	v36 =	vmin.f32 v36, $3.200000000e+01  }
0x99: {  	v44 =	vtrunc.f32 v36  }
0x9a: {  	v45 =	vcvt.f32.s32 v44;
	vm6 =	vgt.f32 v36, v44  }
0x9b: {  	v36 =	vsel vm6, $0x1, v2  }
0x9c: {  	v36 =	vadd.s32 v36, v45  }
0x9d: {  	v36 =	vadd.s32 v13, v36;
	_ =	sdelay $0x4  }
0x9e: {  	[tilespmem:v36+s12+$0x0] =	vst.idx.msk $0xffff, v3  }
0x9f: {  	v36 =	vld [tilespmem:$0xB0];
	_ =	sdelay $0x4  }
0xa0: {  	v36 =	vsub.f32 v35, v36;
	_ =	sdelay $0x1  }
0xa1: {  	v36 =	vadd.f32 $1.550000000e+01, v36;
	_ =	sdelay $0x1  }
0xa2: {  	v36 =	vmax.f32 v36, $0.0e+00  }
0xa3: {  	v36 =	vmin.f32 v36, $3.200000000e+01  }
0xa4: {  	v46 =	vtrunc.f32 v36  }
0xa5: {  	v47 =	vcvt.f32.s32 v46;
	vm7 =	vgt.f32 v36, v46  }
0xa6: {  	v36 =	vsel vm7, $0x1, v2  }
0xa7: {  	v36 =	vadd.s32 v36, v47  }
0xa8: {  	v36 =	vadd.s32 v14, v36;
	_ =	sdelay $0x4  }
0xa9: {  	[tilespmem:v36+s12+$0x0] =	vst.idx.msk $0xffff, v3  }
0xaa: {  	v36 =	vld [tilespmem:$0xC0];
	_ =	sdelay $0x4  }
0xab: {  	v36 =	vsub.f32 v35, v36;
	_ =	sdelay $0x1  }
0xac: {  	v36 =	vadd.f32 $1.550000000e+01, v36;
	_ =	sdelay $0x1  }
0xad: {  	v36 =	vmax.f32 v36, $0.0e+00  }
0xae: {  	v36 =	vmin.f32 v36, $3.200000000e+01  }
0xaf: {  	v48 =	vtrunc.f32 v36  }
0xb0: {  	v49 =	vcvt.f32.s32 v48;
	vm8 =	vgt.f32 v36, v48  }
0xb1: {  	v36 =	vsel vm8, $0x1, v2  }
0xb2: {  	v36 =	vadd.s32 v36, v49  }
0xb3: {  	v36 =	vadd.s32 v15, v36;
	_ =	sdelay $0x4  }
0xb4: {  	[tilespmem:v36+s12+$0x0] =	vst.idx.msk $0xffff, v3  }
0xb5: {  	v36 =	vld [tilespmem:$0xD0];
	_ =	sdelay $0x4  }
0xb6: {  	v36 =	vsub.f32 v35, v36;
	_ =	sdelay $0x1  }
0xb7: {  	v36 =	vadd.f32 $1.550000000e+01, v36;
	_ =	sdelay $0x1  }
0xb8: {  	v36 =	vmax.f32 v36, $0.0e+00  }
0xb9: {  	v36 =	vmin.f32 v36, $3.200000000e+01  }
0xba: {  	v50 =	vtrunc.f32 v36  }
0xbb: {  	v51 =	vcvt.f32.s32 v50;
	vm9 =	vgt.f32 v36, v50  }
0xbc: {  	v36 =	vsel vm9, $0x1, v2  }
0xbd: {  	v36 =	vadd.s32 v36, v51  }
0xbe: {  	v36 =	vadd.s32 v16, v36;
	_ =	sdelay $0x4  }
0xbf: {  	[tilespmem:v36+s12+$0x0] =	vst.idx.msk $0xffff, v3  }
0xc0: {  	v36 =	vld [tilespmem:$0xE0];
	_ =	sdelay $0x4  }
0xc1: {  	v36 =	vsub.f32 v35, v36;
	_ =	sdelay $0x1  }
0xc2: {  	v36 =	vadd.f32 $1.550000000e+01, v36;
	_ =	sdelay $0x1  }
0xc3: {  	v36 =	vmax.f32 v36, $0.0e+00  }
0xc4: {  	v36 =	vmin.f32 v36, $3.200000000e+01  }
0xc5: {  	v52 =	vtrunc.f32 v36  }
0xc6: {  	v53 =	vcvt.f32.s32 v52;
	vm10 =	vgt.f32 v36, v52  }
0xc7: {  	v36 =	vsel vm10, $0x1, v2  }
0xc8: {  	v36 =	vadd.s32 v36, v53  }
0xc9: {  	v36 =	vadd.s32 v17, v36;
	_ =	sdelay $0x4  }
0xca: {  	[tilespmem:v36+s12+$0x0] =	vst.idx.msk $0xffff, v3  }
0xcb: {  	v36 =	vld [tilespmem:$0xF0];
	_ =	sdelay $0x4  }
0xcc: {  	v36 =	vsub.f32 v35, v36;
	_ =	sdelay $0x1  }
0xcd: {  	v36 =	vadd.f32 $1.550000000e+01, v36;
	_ =	sdelay $0x1  }
0xce: {  	v36 =	vmax.f32 v36, $0.0e+00  }
0xcf: {  	v36 =	vmin.f32 v36, $3.200000000e+01  }
0xd0: {  	v54 =	vtrunc.f32 v36  }
0xd1: {  	v55 =	vcvt.f32.s32 v54;
	vm11 =	vgt.f32 v36, v54  }
0xd2: {  	v36 =	vsel vm11, $0x1, v2  }
0xd3: {  	v36 =	vadd.s32 v36, v55  }
0xd4: {  	v36 =	vadd.s32 v18, v36;
	_ =	sdelay $0x4  }
0xd5: {  	[tilespmem:v36+s12+$0x0] =	vst.idx.msk $0xffff, v3  }
0xd6: {  	v36 =	vld [tilespmem:$0x100];
	_ =	sdelay $0x4  }
0xd7: {  	v36 =	vsub.f32 v35, v36;
	_ =	sdelay $0x1  }
0xd8: {  	v36 =	vadd.f32 $1.550000000e+01, v36;
	_ =	sdelay $0x1  }
0xd9: {  	v36 =	vmax.f32 v36, $0.0e+00  }
0xda: {  	v36 =	vmin.f32 v36, $3.200000000e+01  }
0xdb: {  	v56 =	vtrunc.f32 v36  }
0xdc: {  	v57 =	vcvt.f32.s32 v56;
	vm12 =	vgt.f32 v36, v56  }
0xdd: {  	v36 =	vsel vm12, $0x1, v2  }
0xde: {  	v36 =	vadd.s32 v36, v57  }
0xdf: {  	v36 =	vadd.s32 v19, v36;
	_ =	sdelay $0x4  }
0xe0: {  	[tilespmem:v36+s12+$0x0] =	vst.idx.msk $0xffff, v3  }
0xe1: {  	v36 =	vld [tilespmem:$0x110];
	_ =	sdelay $0x4  }
0xe2: {  	v36 =	vsub.f32 v35, v36;
	_ =	sdelay $0x1  }
0xe3: {  	v36 =	vadd.f32 $1.550000000e+01, v36;
	_ =	sdelay $0x1  }
0xe4: {  	v36 =	vmax.f32 v36, $0.0e+00  }
0xe5: {  	v36 =	vmin.f32 v36, $3.200000000e+01  }
0xe6: {  	v58 =	vtrunc.f32 v36  }
0xe7: {  	v59 =	vcvt.f32.s32 v58;
	vm13 =	vgt.f32 v36, v58  }
0xe8: {  	v36 =	vsel vm13, $0x1, v2  }
0xe9: {  	v36 =	vadd.s32 v36, v59  }
0xea: {  	v36 =	vadd.s32 v20, v36;
	_ =	sdelay $0x4  }
0xeb: {  	[tilespmem:v36+s12+$0x0] =	vst.idx.msk $0xffff, v3  }
0xec: {  	v36 =	vld [tilespmem:$0x120];
	_ =	sdelay $0x4  }
0xed: {  	v36 =	vsub.f32 v35, v36;
	_ =	sdelay $0x1  }
0xee: {  	v36 =	vadd.f32 $1.550000000e+01, v36;
	_ =	sdelay $0x1  }
0xef: {  	v36 =	vmax.f32 v36, $0.0e+00  }
0xf0: {  	v36 =	vmin.f32 v36, $3.200000000e+01  }
0xf1: {  	v60 =	vtrunc.f32 v36  }
0xf2: {  	v61 =	vcvt.f32.s32 v60;
	vm14 =	vgt.f32 v36, v60  }
0xf3: {  	v36 =	vsel vm14, $0x1, v2  }
0xf4: {  	v36 =	vadd.s32 v36, v61  }
0xf5: {  	v36 =	vadd.s32 v21, v36;
	_ =	sdelay $0x4  }
0xf6: {  	[tilespmem:v36+s12+$0x0] =	vst.idx.msk $0xffff, v3  }
0xf7: {  	v36 =	vld [tilespmem:$0x130];
	_ =	sdelay $0x4  }
0xf8: {  	v36 =	vsub.f32 v35, v36;
	_ =	sdelay $0x1  }
0xf9: {  	v36 =	vadd.f32 $1.550000000e+01, v36;
	_ =	sdelay $0x1  }
0xfa: {  	v36 =	vmax.f32 v36, $0.0e+00  }
0xfb: {  	v36 =	vmin.f32 v36, $3.200000000e+01  }
0xfc: {  	v62 =	vtrunc.f32 v36  }
0xfd: {  	v63 =	vcvt.f32.s32 v62;
	vm15 =	vgt.f32 v36, v62  }
0xfe: {  	v36 =	vsel vm15, $0x1, v2  }
0xff: {  	v36 =	vadd.s32 v36, v63  }
0x100: {  	v36 =	vadd.s32 v22, v36;
	_ =	sdelay $0x4  }
0x101: {  	[tilespmem:v36+s12+$0x0] =	vst.idx.msk $0xffff, v3  }
0x102: {  	v36 =	vld [tilespmem:$0x140];
	_ =	sdelay $0x4  }
0x103: {  	v36 =	vsub.f32 v35, v36;
	_ =	sdelay $0x1  }
0x104: {  	v36 =	vadd.f32 $1.550000000e+01, v36;
	_ =	sdelay $0x1  }
0x105: {  	v36 =	vmax.f32 v36, $0.0e+00  }
0x106: {  	v36 =	vmin.f32 v36, $3.200000000e+01  }
0x107: {  	v40 =	vtrunc.f32 v36  }
0x108: {  	v41 =	vcvt.f32.s32 v40;
	vm4 =	vgt.f32 v36, v40  }
0x109: {  	v36 =	vsel vm4, $0x1, v2  }
0x10a: {  	v36 =	vadd.s32 v36, v41  }
0x10b: {  	v36 =	vadd.s32 v23, v36;
	_ =	sdelay $0x4  }
0x10c: {  	[tilespmem:v36+s12+$0x0] =	vst.idx.msk $0xffff, v3  }
0x10d: {  	v36 =	vld [tilespmem:$0x150];
	_ =	sdelay $0x4  }
0x10e: {  	v36 =	vsub.f32 v35, v36;
	_ =	sdelay $0x1  }
0x10f: {  	v36 =	vadd.f32 $1.550000000e+01, v36;
	_ =	sdelay $0x1  }
0x110: {  	v36 =	vmax.f32 v36, $0.0e+00  }
0x111: {  	v36 =	vmin.f32 v36, $3.200000000e+01  }
0x112: {  	v42 =	vtrunc.f32 v36  }
0x113: {  	v43 =	vcvt.f32.s32 v42;
	vm5 =	vgt.f32 v36, v42  }
0x114: {  	v36 =	vsel vm5, $0x1, v2  }
0x115: {  	v36 =	vadd.s32 v36, v43  }
0x116: {  	v36 =	vadd.s32 v24, v36;
	_ =	sdelay $0x4  }
0x117: {  	[tilespmem:v36+s12+$0x0] =	vst.idx.msk $0xffff, v3  }
0x118: {  	v36 =	vld [tilespmem:$0x160];
	_ =	sdelay $0x4  }
0x119: {  	v36 =	vsub.f32 v35, v36;
	_ =	sdelay $0x1  }
0x11a: {  	v36 =	vadd.f32 $1.550000000e+01, v36;
	_ =	sdelay $0x1  }
0x11b: {  	v36 =	vmax.f32 v36, $0.0e+00  }
0x11c: {  	v36 =	vmin.f32 v36, $3.200000000e+01  }
0x11d: {  	v44 =	vtrunc.f32 v36  }
0x11e: {  	v45 =	vcvt.f32.s32 v44;
	vm6 =	vgt.f32 v36, v44  }
0x11f: {  	v36 =	vsel vm6, $0x1, v2  }
0x120: {  	v36 =	vadd.s32 v36, v45  }
0x121: {  	v36 =	vadd.s32 v25, v36;
	_ =	sdelay $0x4  }
0x122: {  	[tilespmem:v36+s12+$0x0] =	vst.idx.msk $0xffff, v3  }
0x123: {  	v36 =	vld [tilespmem:$0x170];
	_ =	sdelay $0x4  }
0x124: {  	v36 =	vsub.f32 v35, v36;
	_ =	sdelay $0x1  }
0x125: {  	v36 =	vadd.f32 $1.550000000e+01, v36;
	_ =	sdelay $0x1  }
0x126: {  	v36 =	vmax.f32 v36, $0.0e+00  }
0x127: {  	v36 =	vmin.f32 v36, $3.200000000e+01  }
0x128: {  	v46 =	vtrunc.f32 v36  }
0x129: {  	v47 =	vcvt.f32.s32 v46;
	vm7 =	vgt.f32 v36, v46  }
0x12a: {  	v36 =	vsel vm7, $0x1, v2  }
0x12b: {  	v36 =	vadd.s32 v36, v47  }
0x12c: {  	v36 =	vadd.s32 v26, v36;
	_ =	sdelay $0x4  }
0x12d: {  	[tilespmem:v36+s12+$0x0] =	vst.idx.msk $0xffff, v3  }
0x12e: {  	v36 =	vld [tilespmem:$0x180];
	_ =	sdelay $0x4  }
0x12f: {  	v36 =	vsub.f32 v35, v36;
	_ =	sdelay $0x1  }
0x130: {  	v36 =	vadd.f32 $1.550000000e+01, v36;
	_ =	sdelay $0x1  }
0x131: {  	v36 =	vmax.f32 v36, $0.0e+00  }
0x132: {  	v36 =	vmin.f32 v36, $3.200000000e+01  }
0x133: {  	v48 =	vtrunc.f32 v36  }
0x134: {  	v49 =	vcvt.f32.s32 v48;
	vm8 =	vgt.f32 v36, v48  }
0x135: {  	v36 =	vsel vm8, $0x1, v2  }
0x136: {  	v36 =	vadd.s32 v36, v49  }
0x137: {  	v36 =	vadd.s32 v27, v36;
	_ =	sdelay $0x4  }
0x138: {  	[tilespmem:v36+s12+$0x0] =	vst.idx.msk $0xffff, v3  }
0x139: {  	v36 =	vld [tilespmem:$0x190];
	_ =	sdelay $0x4  }
0x13a: {  	v36 =	vsub.f32 v35, v36;
	_ =	sdelay $0x1  }
0x13b: {  	v36 =	vadd.f32 $1.550000000e+01, v36;
	_ =	sdelay $0x1  }
0x13c: {  	v36 =	vmax.f32 v36, $0.0e+00  }
0x13d: {  	v36 =	vmin.f32 v36, $3.200000000e+01  }
0x13e: {  	v50 =	vtrunc.f32 v36  }
0x13f: {  	v51 =	vcvt.f32.s32 v50;
	vm9 =	vgt.f32 v36, v50  }
0x140: {  	v36 =	vsel vm9, $0x1, v2  }
0x141: {  	v36 =	vadd.s32 v36, v51  }
0x142: {  	v36 =	vadd.s32 v28, v36;
	_ =	sdelay $0x4  }
0x143: {  	[tilespmem:v36+s12+$0x0] =	vst.idx.msk $0xffff, v3  }
0x144: {  	v36 =	vld [tilespmem:$0x1A0];
	_ =	sdelay $0x4  }
0x145: {  	v36 =	vsub.f32 v35, v36;
	_ =	sdelay $0x1  }
0x146: {  	v36 =	vadd.f32 $1.550000000e+01, v36;
	_ =	sdelay $0x1  }
0x147: {  	v36 =	vmax.f32 v36, $0.0e+00  }
0x148: {  	v36 =	vmin.f32 v36, $3.200000000e+01  }
0x149: {  	v52 =	vtrunc.f32 v36  }
0x14a: {  	v53 =	vcvt.f32.s32 v52;
	vm10 =	vgt.f32 v36, v52  }
0x14b: {  	v36 =	vsel vm10, $0x1, v2  }
0x14c: {  	v36 =	vadd.s32 v36, v53  }
0x14d: {  	v36 =	vadd.s32 v29, v36;
	_ =	sdelay $0x4  }
0x14e: {  	[tilespmem:v36+s12+$0x0] =	vst.idx.msk $0xffff, v3  }
0x14f: {  	v36 =	vld [tilespmem:$0x1B0];
	_ =	sdelay $0x4  }
0x150: {  	v36 =	vsub.f32 v35, v36;
	_ =	sdelay $0x1  }
0x151: {  	v36 =	vadd.f32 $1.550000000e+01, v36;
	_ =	sdelay $0x1  }
0x152: {  	v36 =	vmax.f32 v36, $0.0e+00  }
0x153: {  	v36 =	vmin.f32 v36, $3.200000000e+01  }
0x154: {  	v54 =	vtrunc.f32 v36  }
0x155: {  	v55 =	vcvt.f32.s32 v54;
	vm11 =	vgt.f32 v36, v54  }
0x156: {  	v36 =	vsel vm11, $0x1, v2  }
0x157: {  	v36 =	vadd.s32 v36, v55  }
0x158: {  	v36 =	vadd.s32 v30, v36;
	_ =	sdelay $0x4  }
0x159: {  	[tilespmem:v36+s12+$0x0] =	vst.idx.msk $0xffff, v3  }
0x15a: {  	v36 =	vld [tilespmem:$0x1C0];
	_ =	sdelay $0x4  }
0x15b: {  	v36 =	vsub.f32 v35, v36;
	_ =	sdelay $0x1  }
0x15c: {  	v36 =	vadd.f32 $1.550000000e+01, v36;
	_ =	sdelay $0x1  }
0x15d: {  	v36 =	vmax.f32 v36, $0.0e+00  }
0x15e: {  	v36 =	vmin.f32 v36, $3.200000000e+01  }
0x15f: {  	v56 =	vtrunc.f32 v36  }
0x160: {  	v57 =	vcvt.f32.s32 v56;
	vm12 =	vgt.f32 v36, v56  }
0x161: {  	v36 =	vsel vm12, $0x1, v2  }
0x162: {  	v36 =	vadd.s32 v36, v57  }
0x163: {  	v36 =	vadd.s32 v31, v36;
	_ =	sdelay $0x4  }
0x164: {  	[tilespmem:v36+s12+$0x0] =	vst.idx.msk $0xffff, v3  }
0x165: {  	v36 =	vld [tilespmem:$0x1D0];
	_ =	sdelay $0x4  }
0x166: {  	v36 =	vsub.f32 v35, v36;
	_ =	sdelay $0x1  }
0x167: {  	v36 =	vadd.f32 $1.550000000e+01, v36;
	_ =	sdelay $0x1  }
0x168: {  	v36 =	vmax.f32 v36, $0.0e+00  }
0x169: {  	v36 =	vmin.f32 v36, $3.200000000e+01  }
0x16a: {  	v58 =	vtrunc.f32 v36  }
0x16b: {  	v59 =	vcvt.f32.s32 v58;
	vm13 =	vgt.f32 v36, v58  }
0x16c: {  	v36 =	vsel vm13, $0x1, v2  }
0x16d: {  	v36 =	vadd.s32 v36, v59  }
0x16e: {  	v36 =	vadd.s32 v32, v36;
	_ =	sdelay $0x4  }
0x16f: {  	[tilespmem:v36+s12+$0x0] =	vst.idx.msk $0xffff, v3  }
0x170: {  	v36 =	vld [tilespmem:$0x1E0];
	_ =	sdelay $0x4  }
0x171: {  	v36 =	vsub.f32 v35, v36;
	_ =	sdelay $0x1  }
0x172: {  	v36 =	vadd.f32 $1.550000000e+01, v36;
	_ =	sdelay $0x1  }
0x173: {  	v36 =	vmax.f32 v36, $0.0e+00  }
0x174: {  	v36 =	vmin.f32 v36, $3.200000000e+01  }
0x175: {  	v60 =	vtrunc.f32 v36  }
0x176: {  	v61 =	vcvt.f32.s32 v60;
	vm14 =	vgt.f32 v36, v60  }
0x177: {  	v36 =	vsel vm14, $0x1, v2  }
0x178: {  	v36 =	vadd.s32 v36, v61  }
0x179: {  	v36 =	vadd.s32 v33, v36;
	_ =	sdelay $0x4  }
0x17a: {  	[tilespmem:v36+s12+$0x0] =	vst.idx.msk $0xffff, v3  }
0x17b: {  	v36 =	vld [tilespmem:$0x1F0];
	_ =	sdelay $0x4  }
0x17c: {  	v35 =	vsub.f32 v35, v36;
	_ =	sdelay $0x1  }
0x17d: {  	v35 =	vadd.f32 $1.550000000e+01, v35;
	_ =	sdelay $0x1  }
0x17e: {  	v35 =	vmax.f32 v35, $0.0e+00  }
0x17f: {  	v35 =	vmin.f32 v35, $3.200000000e+01  }
0x180: {  	v62 =	vtrunc.f32 v35  }
0x181: {  	v63 =	vcvt.f32.s32 v62;
	vm15 =	vgt.f32 v35, v62  }
0x182: {  	v35 =	vsel vm15, $0x1, v2  }
0x183: {  	v35 =	vadd.s32 v35, v63  }
0x184: {  	s17 =	sadd.s32 $0x2, s17;
	v35 =	vadd.s32 v34, v35  }
0x185: {  	p0 =	sne.s32 s17, $0x40  }
.Ltmp4:
0x186: {  	_ = 	snop;
	(pc) =	sbr.rel @!p0 .LBB2_9-.Ltmp4, $4  }
0x187: {  	_ = 	snop  }
0x188: {  	s31 =	sadd.s32 s19, s3  }
0x189: {  	s16 =	sadd.s32 $0x100, s16;
	s18 =	sadd.s32 $0x10, s31;
	[tilespmem:v35+s12+$0x0] =	vst.idx.msk $0xffff, v3  }
0x18a: {  	[hbm4b:s18+s10] =	stream.strided.scatter [tilespmem:s12], [sflag:$0x2], $0x4200, s11, s10, $0x38;
	[tilespmem:$0x8600] =	vst v63  }
.LBB2_4:
0x18b: {  	p0 =	seq.s32 s17, $0x0  }
.Ltmp5:
0x18c: {  	_ = 	snop;
	(pc) =	sbr.rel @p0 .LBB2_6-.Ltmp5, $2  }
0x18d: {  	_ =	sdelay $0x2  }
0x18e: {  	s18 =	sadd.s32 s17, s7  }
0x18f: {  	s19 =	sadd.s32 $0xFFFFFFFE, s18  }
0x190: {  	v35 =	vmov s19  }
0x191: {  	_ =	swait.ge [sflag:s13], $0x4200  }
0x192: {  	[sflag:s13] =	ssyncset.done $0x0  }
0x193: {  	[sflag:s13] =	ssyncadd.s32 $0xFFFFBE00  }
0x194: {  	v36 =	vld [tilespmem:$0x0]  }
0x195: {  	v35 =	vld.idx.msk [tilespmem:v35+s1+$0x0], $0xffff;
	_ =	sdelay $0x4  }
0x196: {  	v36 =	vsub.f32 v35, v36;
	_ =	sdelay $0x1  }
0x197: {  	v36 =	vadd.f32 $1.550000000e+01, v36;
	_ =	sdelay $0x1  }
0x198: {  	v36 =	vmax.f32 v36, $0.0e+00  }
0x199: {  	v36 =	vmin.f32 v36, $3.200000000e+01  }
0x19a: {  	v37 =	vtrunc.f32 v36  }
0x19b: {  	v38 =	vcvt.f32.s32 v37;
	vm0 =	vgt.f32 v36, v37  }
0x19c: {  	v36 =	vsel vm0, $0x1, v2  }
0x19d: {  	v36 =	vadd.s32 v36, v38  }
0x19e: {  	v36 =	vadd.s32 v0, v36;
	_ =	sdelay $0x4  }
0x19f: {  	[tilespmem:v36+s9+$0x0] =	vst.idx.msk $0xffff, v1  }
0x1a0: {  	v36 =	vld [tilespmem:$0x10];
	_ =	sdelay $0x4  }
0x1a1: {  	v36 =	vsub.f32 v35, v36;
	_ =	sdelay $0x1  }
0x1a2: {  	v36 =	vadd.f32 $1.550000000e+01, v36;
	_ =	sdelay $0x1  }
0x1a3: {  	v36 =	vmax.f32 v36, $0.0e+00  }
0x1a4: {  	v36 =	vmin.f32 v36, $3.200000000e+01  }
0x1a5: {  	v50 =	vtrunc.f32 v36  }
0x1a6: {  	v51 =	vcvt.f32.s32 v50;
	vm9 =	vgt.f32 v36, v50  }
0x1a7: {  	v36 =	vsel vm9, $0x1, v2  }
0x1a8: {  	v36 =	vadd.s32 v36, v51  }
0x1a9: {  	v36 =	vadd.s32 v4, v36;
	_ =	sdelay $0x4  }
0x1aa: {  	[tilespmem:v36+s9+$0x0] =	vst.idx.msk $0xffff, v1  }
0x1ab: {  	v36 =	vld [tilespmem:$0x20];
	_ =	sdelay $0x4  }
0x1ac: {  	v36 =	vsub.f32 v35, v36;
	_ =	sdelay $0x1  }
0x1ad: {  	v36 =	vadd.f32 $1.550000000e+01, v36;
	_ =	sdelay $0x1  }
0x1ae: {  	v36 =	vmax.f32 v36, $0.0e+00  }
0x1af: {  	v36 =	vmin.f32 v36, $3.200000000e+01  }
0x1b0: {  	v52 =	vtrunc.f32 v36  }
0x1b1: {  	v53 =	vcvt.f32.s32 v52;
	vm10 =	vgt.f32 v36, v52  }
0x1b2: {  	v36 =	vsel vm10, $0x1, v2  }
0x1b3: {  	v36 =	vadd.s32 v36, v53  }
0x1b4: {  	v36 =	vadd.s32 v5, v36;
	_ =	sdelay $0x4  }
0x1b5: {  	[tilespmem:v36+s9+$0x0] =	vst.idx.msk $0xffff, v1  }
0x1b6: {  	v36 =	vld [tilespmem:$0x30];
	_ =	sdelay $0x4  }
0x1b7: {  	v36 =	vsub.f32 v35, v36;
	_ =	sdelay $0x1  }
0x1b8: {  	v36 =	vadd.f32 $1.550000000e+01, v36;
	_ =	sdelay $0x1  }
0x1b9: {  	v36 =	vmax.f32 v36, $0.0e+00  }
0x1ba: {  	v36 =	vmin.f32 v36, $3.200000000e+01  }
0x1bb: {  	v54 =	vtrunc.f32 v36  }
0x1bc: {  	v55 =	vcvt.f32.s32 v54;
	vm11 =	vgt.f32 v36, v54  }
0x1bd: {  	v36 =	vsel vm11, $0x1, v2  }
0x1be: {  	v36 =	vadd.s32 v36, v55  }
0x1bf: {  	v36 =	vadd.s32 v6, v36;
	_ =	sdelay $0x4  }
0x1c0: {  	[tilespmem:v36+s9+$0x0] =	vst.idx.msk $0xffff, v1  }
0x1c1: {  	v36 =	vld [tilespmem:$0x40];
	_ =	sdelay $0x4  }
0x1c2: {  	v36 =	vsub.f32 v35, v36;
	_ =	sdelay $0x1  }
0x1c3: {  	v36 =	vadd.f32 $1.550000000e+01, v36;
	_ =	sdelay $0x1  }
0x1c4: {  	v36 =	vmax.f32 v36, $0.0e+00  }
0x1c5: {  	v36 =	vmin.f32 v36, $3.200000000e+01  }
0x1c6: {  	v56 =	vtrunc.f32 v36  }
0x1c7: {  	v57 =	vcvt.f32.s32 v56;
	vm12 =	vgt.f32 v36, v56  }
0x1c8: {  	v36 =	vsel vm12, $0x1, v2  }
0x1c9: {  	v36 =	vadd.s32 v36, v57  }
0x1ca: {  	v36 =	vadd.s32 v7, v36;
	_ =	sdelay $0x4  }
0x1cb: {  	[tilespmem:v36+s9+$0x0] =	vst.idx.msk $0xffff, v1  }
0x1cc: {  	v36 =	vld [tilespmem:$0x50];
	_ =	sdelay $0x4  }
0x1cd: {  	v36 =	vsub.f32 v35, v36;
	_ =	sdelay $0x1  }
0x1ce: {  	v36 =	vadd.f32 $1.550000000e+01, v36;
	_ =	sdelay $0x1  }
0x1cf: {  	v36 =	vmax.f32 v36, $0.0e+00  }
0x1d0: {  	v36 =	vmin.f32 v36, $3.200000000e+01  }
0x1d1: {  	v58 =	vtrunc.f32 v36  }
0x1d2: {  	v59 =	vcvt.f32.s32 v58;
	vm13 =	vgt.f32 v36, v58  }
0x1d3: {  	v36 =	vsel vm13, $0x1, v2  }
0x1d4: {  	v36 =	vadd.s32 v36, v59  }
0x1d5: {  	v36 =	vadd.s32 v8, v36;
	_ =	sdelay $0x4  }
0x1d6: {  	[tilespmem:v36+s9+$0x0] =	vst.idx.msk $0xffff, v1  }
0x1d7: {  	v36 =	vld [tilespmem:$0x60];
	_ =	sdelay $0x4  }
0x1d8: {  	v36 =	vsub.f32 v35, v36;
	_ =	sdelay $0x1  }
0x1d9: {  	v36 =	vadd.f32 $1.550000000e+01, v36;
	_ =	sdelay $0x1  }
0x1da: {  	v36 =	vmax.f32 v36, $0.0e+00  }
0x1db: {  	v36 =	vmin.f32 v36, $3.200000000e+01  }
0x1dc: {  	v60 =	vtrunc.f32 v36  }
0x1dd: {  	v61 =	vcvt.f32.s32 v60;
	vm14 =	vgt.f32 v36, v60  }
0x1de: {  	v36 =	vsel vm14, $0x1, v2  }
0x1df: {  	v36 =	vadd.s32 v36, v61  }
0x1e0: {  	v36 =	vadd.s32 v9, v36;
	_ =	sdelay $0x4  }
0x1e1: {  	[tilespmem:v36+s9+$0x0] =	vst.idx.msk $0xffff, v1  }
0x1e2: {  	v36 =	vld [tilespmem:$0x70];
	_ =	sdelay $0x4  }
0x1e3: {  	v36 =	vsub.f32 v35, v36;
	_ =	sdelay $0x1  }
0x1e4: {  	v36 =	vadd.f32 $1.550000000e+01, v36;
	_ =	sdelay $0x1  }
0x1e5: {  	v36 =	vmax.f32 v36, $0.0e+00  }
0x1e6: {  	v36 =	vmin.f32 v36, $3.200000000e+01  }
0x1e7: {  	v62 =	vtrunc.f32 v36  }
0x1e8: {  	v63 =	vcvt.f32.s32 v62;
	vm15 =	vgt.f32 v36, v62  }
0x1e9: {  	v36 =	vsel vm15, $0x1, v2  }
0x1ea: {  	v36 =	vadd.s32 v36, v63  }
0x1eb: {  	v36 =	vadd.s32 v10, v36;
	_ =	sdelay $0x4  }
0x1ec: {  	[tilespmem:v36+s9+$0x0] =	vst.idx.msk $0xffff, v1  }
0x1ed: {  	v36 =	vld [tilespmem:$0x80];
	_ =	sdelay $0x4  }
0x1ee: {  	v36 =	vsub.f32 v35, v36;
	_ =	sdelay $0x1  }
0x1ef: {  	v36 =	vadd.f32 $1.550000000e+01, v36;
	_ =	sdelay $0x1  }
0x1f0: {  	v36 =	vmax.f32 v36, $0.0e+00  }
0x1f1: {  	v36 =	vmin.f32 v36, $3.200000000e+01  }
0x1f2: {  	v40 =	vtrunc.f32 v36  }
0x1f3: {  	v41 =	vcvt.f32.s32 v40;
	vm4 =	vgt.f32 v36, v40  }
0x1f4: {  	v36 =	vsel vm4, $0x1, v2  }
0x1f5: {  	v36 =	vadd.s32 v36, v41  }
0x1f6: {  	v36 =	vadd.s32 v11, v36;
	_ =	sdelay $0x4  }
0x1f7: {  	[tilespmem:v36+s9+$0x0] =	vst.idx.msk $0xffff, v1  }
0x1f8: {  	v36 =	vld [tilespmem:$0x90];
	_ =	sdelay $0x4  }
0x1f9: {  	v36 =	vsub.f32 v35, v36;
	_ =	sdelay $0x1  }
0x1fa: {  	v36 =	vadd.f32 $1.550000000e+01, v36;
	_ =	sdelay $0x1  }
0x1fb: {  	v36 =	vmax.f32 v36, $0.0e+00  }
0x1fc: {  	v36 =	vmin.f32 v36, $3.200000000e+01  }
0x1fd: {  	v42 =	vtrunc.f32 v36  }
0x1fe: {  	v43 =	vcvt.f32.s32 v42;
	vm5 =	vgt.f32 v36, v42  }
0x1ff: {  	v36 =	vsel vm5, $0x1, v2  }
0x200: {  	v36 =	vadd.s32 v36, v43  }
0x201: {  	v36 =	vadd.s32 v12, v36;
	_ =	sdelay $0x4  }
0x202: {  	[tilespmem:v36+s9+$0x0] =	vst.idx.msk $0xffff, v1  }
0x203: {  	v36 =	vld [tilespmem:$0xA0];
	_ =	sdelay $0x4  }
0x204: {  	v36 =	vsub.f32 v35, v36;
	_ =	sdelay $0x1  }
0x205: {  	v36 =	vadd.f32 $1.550000000e+01, v36;
	_ =	sdelay $0x1  }
0x206: {  	v36 =	vmax.f32 v36, $0.0e+00  }
0x207: {  	v36 =	vmin.f32 v36, $3.200000000e+01  }
0x208: {  	v44 =	vtrunc.f32 v36  }
0x209: {  	v45 =	vcvt.f32.s32 v44;
	vm6 =	vgt.f32 v36, v44  }
0x20a: {  	v36 =	vsel vm6, $0x1, v2  }
0x20b: {  	v36 =	vadd.s32 v36, v45  }
0x20c: {  	v36 =	vadd.s32 v13, v36;
	_ =	sdelay $0x4  }
0x20d: {  	[tilespmem:v36+s9+$0x0] =	vst.idx.msk $0xffff, v1  }
0x20e: {  	v36 =	vld [tilespmem:$0xB0];
	_ =	sdelay $0x4  }
0x20f: {  	v36 =	vsub.f32 v35, v36;
	_ =	sdelay $0x1  }
0x210: {  	v36 =	vadd.f32 $1.550000000e+01, v36;
	_ =	sdelay $0x1  }
0x211: {  	v36 =	vmax.f32 v36, $0.0e+00  }
0x212: {  	v36 =	vmin.f32 v36, $3.200000000e+01  }
0x213: {  	v46 =	vtrunc.f32 v36  }
0x214: {  	v47 =	vcvt.f32.s32 v46;
	vm7 =	vgt.f32 v36, v46  }
0x215: {  	v36 =	vsel vm7, $0x1, v2  }
0x216: {  	v36 =	vadd.s32 v36, v47  }
0x217: {  	v36 =	vadd.s32 v14, v36;
	_ =	sdelay $0x4  }
0x218: {  	[tilespmem:v36+s9+$0x0] =	vst.idx.msk $0xffff, v1  }
0x219: {  	v36 =	vld [tilespmem:$0xC0];
	_ =	sdelay $0x4  }
0x21a: {  	v36 =	vsub.f32 v35, v36;
	_ =	sdelay $0x1  }
0x21b: {  	v36 =	vadd.f32 $1.550000000e+01, v36;
	_ =	sdelay $0x1  }
0x21c: {  	v36 =	vmax.f32 v36, $0.0e+00  }
0x21d: {  	v36 =	vmin.f32 v36, $3.200000000e+01  }
0x21e: {  	v48 =	vtrunc.f32 v36  }
0x21f: {  	v49 =	vcvt.f32.s32 v48;
	vm8 =	vgt.f32 v36, v48  }
0x220: {  	v36 =	vsel vm8, $0x1, v2  }
0x221: {  	v36 =	vadd.s32 v36, v49  }
0x222: {  	v36 =	vadd.s32 v15, v36;
	_ =	sdelay $0x4  }
0x223: {  	[tilespmem:v36+s9+$0x0] =	vst.idx.msk $0xffff, v1  }
0x224: {  	v36 =	vld [tilespmem:$0xD0];
	_ =	sdelay $0x4  }
0x225: {  	v36 =	vsub.f32 v35, v36;
	_ =	sdelay $0x1  }
0x226: {  	v36 =	vadd.f32 $1.550000000e+01, v36;
	_ =	sdelay $0x1  }
0x227: {  	v36 =	vmax.f32 v36, $0.0e+00  }
0x228: {  	v36 =	vmin.f32 v36, $3.200000000e+01  }
0x229: {  	v50 =	vtrunc.f32 v36  }
0x22a: {  	v51 =	vcvt.f32.s32 v50;
	vm9 =	vgt.f32 v36, v50  }
0x22b: {  	v36 =	vsel vm9, $0x1, v2  }
0x22c: {  	v36 =	vadd.s32 v36, v51  }
0x22d: {  	v36 =	vadd.s32 v16, v36;
	_ =	sdelay $0x4  }
0x22e: {  	[tilespmem:v36+s9+$0x0] =	vst.idx.msk $0xffff, v1  }
0x22f: {  	v36 =	vld [tilespmem:$0xE0];
	_ =	sdelay $0x4  }
0x230: {  	v36 =	vsub.f32 v35, v36;
	_ =	sdelay $0x1  }
0x231: {  	v36 =	vadd.f32 $1.550000000e+01, v36;
	_ =	sdelay $0x1  }
0x232: {  	v36 =	vmax.f32 v36, $0.0e+00  }
0x233: {  	v36 =	vmin.f32 v36, $3.200000000e+01  }
0x234: {  	v52 =	vtrunc.f32 v36  }
0x235: {  	v53 =	vcvt.f32.s32 v52;
	vm10 =	vgt.f32 v36, v52  }
0x236: {  	v36 =	vsel vm10, $0x1, v2  }
0x237: {  	v36 =	vadd.s32 v36, v53  }
0x238: {  	v36 =	vadd.s32 v17, v36;
	_ =	sdelay $0x4  }
0x239: {  	[tilespmem:v36+s9+$0x0] =	vst.idx.msk $0xffff, v1  }
0x23a: {  	v36 =	vld [tilespmem:$0xF0];
	_ =	sdelay $0x4  }
0x23b: {  	v36 =	vsub.f32 v35, v36;
	_ =	sdelay $0x1  }
0x23c: {  	v36 =	vadd.f32 $1.550000000e+01, v36;
	_ =	sdelay $0x1  }
0x23d: {  	v36 =	vmax.f32 v36, $0.0e+00  }
0x23e: {  	v36 =	vmin.f32 v36, $3.200000000e+01  }
0x23f: {  	v54 =	vtrunc.f32 v36  }
0x240: {  	v55 =	vcvt.f32.s32 v54;
	vm11 =	vgt.f32 v36, v54  }
0x241: {  	v36 =	vsel vm11, $0x1, v2  }
0x242: {  	v36 =	vadd.s32 v36, v55  }
0x243: {  	v36 =	vadd.s32 v18, v36;
	_ =	sdelay $0x4  }
0x244: {  	[tilespmem:v36+s9+$0x0] =	vst.idx.msk $0xffff, v1  }
0x245: {  	v36 =	vld [tilespmem:$0x100];
	_ =	sdelay $0x4  }
0x246: {  	v36 =	vsub.f32 v35, v36;
	_ =	sdelay $0x1  }
0x247: {  	v36 =	vadd.f32 $1.550000000e+01, v36;
	_ =	sdelay $0x1  }
0x248: {  	v36 =	vmax.f32 v36, $0.0e+00  }
0x249: {  	v36 =	vmin.f32 v36, $3.200000000e+01  }
0x24a: {  	v56 =	vtrunc.f32 v36  }
0x24b: {  	v57 =	vcvt.f32.s32 v56;
	vm12 =	vgt.f32 v36, v56  }
0x24c: {  	v36 =	vsel vm12, $0x1, v2  }
0x24d: {  	v36 =	vadd.s32 v36, v57  }
0x24e: {  	v36 =	vadd.s32 v19, v36;
	_ =	sdelay $0x4  }
0x24f: {  	[tilespmem:v36+s9+$0x0] =	vst.idx.msk $0xffff, v1  }
0x250: {  	v36 =	vld [tilespmem:$0x110];
	_ =	sdelay $0x4  }
0x251: {  	v36 =	vsub.f32 v35, v36;
	_ =	sdelay $0x1  }
0x252: {  	v36 =	vadd.f32 $1.550000000e+01, v36;
	_ =	sdelay $0x1  }
0x253: {  	v36 =	vmax.f32 v36, $0.0e+00  }
0x254: {  	v36 =	vmin.f32 v36, $3.200000000e+01  }
0x255: {  	v58 =	vtrunc.f32 v36  }
0x256: {  	v59 =	vcvt.f32.s32 v58;
	vm13 =	vgt.f32 v36, v58  }
0x257: {  	v36 =	vsel vm13, $0x1, v2  }
0x258: {  	v36 =	vadd.s32 v36, v59  }
0x259: {  	v36 =	vadd.s32 v20, v36;
	_ =	sdelay $0x4  }
0x25a: {  	[tilespmem:v36+s9+$0x0] =	vst.idx.msk $0xffff, v1  }
0x25b: {  	v36 =	vld [tilespmem:$0x120];
	_ =	sdelay $0x4  }
0x25c: {  	v36 =	vsub.f32 v35, v36;
	_ =	sdelay $0x1  }
0x25d: {  	v36 =	vadd.f32 $1.550000000e+01, v36;
	_ =	sdelay $0x1  }
0x25e: {  	v36 =	vmax.f32 v36, $0.0e+00  }
0x25f: {  	v36 =	vmin.f32 v36, $3.200000000e+01  }
0x260: {  	v60 =	vtrunc.f32 v36  }
0x261: {  	v61 =	vcvt.f32.s32 v60;
	vm14 =	vgt.f32 v36, v60  }
0x262: {  	v36 =	vsel vm14, $0x1, v2  }
0x263: {  	v36 =	vadd.s32 v36, v61  }
0x264: {  	v36 =	vadd.s32 v21, v36;
	_ =	sdelay $0x4  }
0x265: {  	[tilespmem:v36+s9+$0x0] =	vst.idx.msk $0xffff, v1  }
0x266: {  	v36 =	vld [tilespmem:$0x130];
	_ =	sdelay $0x4  }
0x267: {  	v36 =	vsub.f32 v35, v36;
	_ =	sdelay $0x1  }
0x268: {  	v36 =	vadd.f32 $1.550000000e+01, v36;
	_ =	sdelay $0x1  }
0x269: {  	v36 =	vmax.f32 v36, $0.0e+00  }
0x26a: {  	v36 =	vmin.f32 v36, $3.200000000e+01  }
0x26b: {  	v62 =	vtrunc.f32 v36  }
0x26c: {  	v63 =	vcvt.f32.s32 v62;
	vm15 =	vgt.f32 v36, v62  }
0x26d: {  	v36 =	vsel vm15, $0x1, v2  }
0x26e: {  	v36 =	vadd.s32 v36, v63  }
0x26f: {  	v36 =	vadd.s32 v22, v36;
	_ =	sdelay $0x4  }
0x270: {  	[tilespmem:v36+s9+$0x0] =	vst.idx.msk $0xffff, v1  }
0x271: {  	v36 =	vld [tilespmem:$0x140];
	_ =	sdelay $0x4  }
0x272: {  	v36 =	vsub.f32 v35, v36;
	_ =	sdelay $0x1  }
0x273: {  	v36 =	vadd.f32 $1.550000000e+01, v36;
	_ =	sdelay $0x1  }
0x274: {  	v36 =	vmax.f32 v36, $0.0e+00  }
0x275: {  	v36 =	vmin.f32 v36, $3.200000000e+01  }
0x276: {  	v40 =	vtrunc.f32 v36  }
0x277: {  	v41 =	vcvt.f32.s32 v40;
	vm4 =	vgt.f32 v36, v40  }
0x278: {  	v36 =	vsel vm4, $0x1, v2  }
0x279: {  	v36 =	vadd.s32 v36, v41  }
0x27a: {  	v36 =	vadd.s32 v23, v36;
	_ =	sdelay $0x4  }
0x27b: {  	[tilespmem:v36+s9+$0x0] =	vst.idx.msk $0xffff, v1  }
0x27c: {  	v36 =	vld [tilespmem:$0x150];
	_ =	sdelay $0x4  }
0x27d: {  	v36 =	vsub.f32 v35, v36;
	_ =	sdelay $0x1  }
0x27e: {  	v36 =	vadd.f32 $1.550000000e+01, v36;
	_ =	sdelay $0x1  }
0x27f: {  	v36 =	vmax.f32 v36, $0.0e+00  }
0x280: {  	v36 =	vmin.f32 v36, $3.200000000e+01  }
0x281: {  	v42 =	vtrunc.f32 v36  }
0x282: {  	v43 =	vcvt.f32.s32 v42;
	vm5 =	vgt.f32 v36, v42  }
0x283: {  	v36 =	vsel vm5, $0x1, v2  }
0x284: {  	v36 =	vadd.s32 v36, v43  }
0x285: {  	v36 =	vadd.s32 v24, v36;
	_ =	sdelay $0x4  }
0x286: {  	[tilespmem:v36+s9+$0x0] =	vst.idx.msk $0xffff, v1  }
0x287: {  	v36 =	vld [tilespmem:$0x160];
	_ =	sdelay $0x4  }
0x288: {  	v36 =	vsub.f32 v35, v36;
	_ =	sdelay $0x1  }
0x289: {  	v36 =	vadd.f32 $1.550000000e+01, v36;
	_ =	sdelay $0x1  }
0x28a: {  	v36 =	vmax.f32 v36, $0.0e+00  }
0x28b: {  	v36 =	vmin.f32 v36, $3.200000000e+01  }
0x28c: {  	v44 =	vtrunc.f32 v36  }
0x28d: {  	v45 =	vcvt.f32.s32 v44;
	vm6 =	vgt.f32 v36, v44  }
0x28e: {  	v36 =	vsel vm6, $0x1, v2  }
0x28f: {  	v36 =	vadd.s32 v36, v45  }
0x290: {  	v36 =	vadd.s32 v25, v36;
	_ =	sdelay $0x4  }
0x291: {  	[tilespmem:v36+s9+$0x0] =	vst.idx.msk $0xffff, v1  }
0x292: {  	v36 =	vld [tilespmem:$0x170];
	_ =	sdelay $0x4  }
0x293: {  	v36 =	vsub.f32 v35, v36;
	_ =	sdelay $0x1  }
0x294: {  	v36 =	vadd.f32 $1.550000000e+01, v36;
	_ =	sdelay $0x1  }
0x295: {  	v36 =	vmax.f32 v36, $0.0e+00  }
0x296: {  	v36 =	vmin.f32 v36, $3.200000000e+01  }
0x297: {  	v46 =	vtrunc.f32 v36  }
0x298: {  	v47 =	vcvt.f32.s32 v46;
	vm7 =	vgt.f32 v36, v46  }
0x299: {  	v36 =	vsel vm7, $0x1, v2  }
0x29a: {  	v36 =	vadd.s32 v36, v47  }
0x29b: {  	v36 =	vadd.s32 v26, v36;
	_ =	sdelay $0x4  }
0x29c: {  	[tilespmem:v36+s9+$0x0] =	vst.idx.msk $0xffff, v1  }
0x29d: {  	v36 =	vld [tilespmem:$0x180];
	_ =	sdelay $0x4  }
0x29e: {  	v36 =	vsub.f32 v35, v36;
	_ =	sdelay $0x1  }
0x29f: {  	v36 =	vadd.f32 $1.550000000e+01, v36;
	_ =	sdelay $0x1  }
0x2a0: {  	v36 =	vmax.f32 v36, $0.0e+00  }
0x2a1: {  	v36 =	vmin.f32 v36, $3.200000000e+01  }
0x2a2: {  	v48 =	vtrunc.f32 v36  }
0x2a3: {  	v49 =	vcvt.f32.s32 v48;
	vm8 =	vgt.f32 v36, v48  }
0x2a4: {  	v36 =	vsel vm8, $0x1, v2  }
0x2a5: {  	v36 =	vadd.s32 v36, v49  }
0x2a6: {  	v36 =	vadd.s32 v27, v36;
	_ =	sdelay $0x4  }
0x2a7: {  	[tilespmem:v36+s9+$0x0] =	vst.idx.msk $0xffff, v1  }
0x2a8: {  	v36 =	vld [tilespmem:$0x190];
	_ =	sdelay $0x4  }
0x2a9: {  	v36 =	vsub.f32 v35, v36;
	_ =	sdelay $0x1  }
0x2aa: {  	v36 =	vadd.f32 $1.550000000e+01, v36;
	_ =	sdelay $0x1  }
0x2ab: {  	v36 =	vmax.f32 v36, $0.0e+00  }
0x2ac: {  	v36 =	vmin.f32 v36, $3.200000000e+01  }
0x2ad: {  	v50 =	vtrunc.f32 v36  }
0x2ae: {  	v51 =	vcvt.f32.s32 v50;
	vm9 =	vgt.f32 v36, v50  }
0x2af: {  	v36 =	vsel vm9, $0x1, v2  }
0x2b0: {  	v36 =	vadd.s32 v36, v51  }
0x2b1: {  	v36 =	vadd.s32 v28, v36;
	_ =	sdelay $0x4  }
0x2b2: {  	[tilespmem:v36+s9+$0x0] =	vst.idx.msk $0xffff, v1  }
0x2b3: {  	v36 =	vld [tilespmem:$0x1A0];
	_ =	sdelay $0x4  }
0x2b4: {  	v36 =	vsub.f32 v35, v36;
	_ =	sdelay $0x1  }
0x2b5: {  	v36 =	vadd.f32 $1.550000000e+01, v36;
	_ =	sdelay $0x1  }
0x2b6: {  	v36 =	vmax.f32 v36, $0.0e+00  }
0x2b7: {  	v36 =	vmin.f32 v36, $3.200000000e+01  }
0x2b8: {  	v52 =	vtrunc.f32 v36  }
0x2b9: {  	v53 =	vcvt.f32.s32 v52;
	vm10 =	vgt.f32 v36, v52  }
0x2ba: {  	v36 =	vsel vm10, $0x1, v2  }
0x2bb: {  	v36 =	vadd.s32 v36, v53  }
0x2bc: {  	v36 =	vadd.s32 v29, v36;
	_ =	sdelay $0x4  }
0x2bd: {  	[tilespmem:v36+s9+$0x0] =	vst.idx.msk $0xffff, v1  }
0x2be: {  	v36 =	vld [tilespmem:$0x1B0];
	_ =	sdelay $0x4  }
0x2bf: {  	v36 =	vsub.f32 v35, v36;
	_ =	sdelay $0x1  }
0x2c0: {  	v36 =	vadd.f32 $1.550000000e+01, v36;
	_ =	sdelay $0x1  }
0x2c1: {  	v36 =	vmax.f32 v36, $0.0e+00  }
0x2c2: {  	v36 =	vmin.f32 v36, $3.200000000e+01  }
0x2c3: {  	v54 =	vtrunc.f32 v36  }
0x2c4: {  	v55 =	vcvt.f32.s32 v54;
	vm11 =	vgt.f32 v36, v54  }
0x2c5: {  	v36 =	vsel vm11, $0x1, v2  }
0x2c6: {  	v36 =	vadd.s32 v36, v55  }
0x2c7: {  	v36 =	vadd.s32 v30, v36;
	_ =	sdelay $0x4  }
0x2c8: {  	[tilespmem:v36+s9+$0x0] =	vst.idx.msk $0xffff, v1  }
0x2c9: {  	v36 =	vld [tilespmem:$0x1C0];
	_ =	sdelay $0x4  }
0x2ca: {  	v36 =	vsub.f32 v35, v36;
	_ =	sdelay $0x1  }
0x2cb: {  	v36 =	vadd.f32 $1.550000000e+01, v36;
	_ =	sdelay $0x1  }
0x2cc: {  	v36 =	vmax.f32 v36, $0.0e+00  }
0x2cd: {  	v36 =	vmin.f32 v36, $3.200000000e+01  }
0x2ce: {  	v56 =	vtrunc.f32 v36  }
0x2cf: {  	v57 =	vcvt.f32.s32 v56;
	vm12 =	vgt.f32 v36, v56  }
0x2d0: {  	v36 =	vsel vm12, $0x1, v2  }
0x2d1: {  	v36 =	vadd.s32 v36, v57  }
0x2d2: {  	v36 =	vadd.s32 v31, v36;
	_ =	sdelay $0x4  }
0x2d3: {  	[tilespmem:v36+s9+$0x0] =	vst.idx.msk $0xffff, v1  }
0x2d4: {  	v36 =	vld [tilespmem:$0x1D0];
	_ =	sdelay $0x4  }
0x2d5: {  	v36 =	vsub.f32 v35, v36;
	_ =	sdelay $0x1  }
0x2d6: {  	v36 =	vadd.f32 $1.550000000e+01, v36;
	_ =	sdelay $0x1  }
0x2d7: {  	v36 =	vmax.f32 v36, $0.0e+00  }
0x2d8: {  	v36 =	vmin.f32 v36, $3.200000000e+01  }
0x2d9: {  	v58 =	vtrunc.f32 v36  }
0x2da: {  	v59 =	vcvt.f32.s32 v58;
	vm13 =	vgt.f32 v36, v58  }
0x2db: {  	v36 =	vsel vm13, $0x1, v2  }
0x2dc: {  	v36 =	vadd.s32 v36, v59  }
0x2dd: {  	v36 =	vadd.s32 v32, v36;
	_ =	sdelay $0x4  }
0x2de: {  	[tilespmem:v36+s9+$0x0] =	vst.idx.msk $0xffff, v1  }
0x2df: {  	v36 =	vld [tilespmem:$0x1E0];
	_ =	sdelay $0x4  }
0x2e0: {  	v36 =	vsub.f32 v35, v36;
	_ =	sdelay $0x1  }
0x2e1: {  	v36 =	vadd.f32 $1.550000000e+01, v36;
	_ =	sdelay $0x1  }
0x2e2: {  	v36 =	vmax.f32 v36, $0.0e+00  }
0x2e3: {  	v36 =	vmin.f32 v36, $3.200000000e+01  }
0x2e4: {  	v60 =	vtrunc.f32 v36  }
0x2e5: {  	v61 =	vcvt.f32.s32 v60;
	vm14 =	vgt.f32 v36, v60  }
0x2e6: {  	v36 =	vsel vm14, $0x1, v2  }
0x2e7: {  	v36 =	vadd.s32 v36, v61  }
0x2e8: {  	v36 =	vadd.s32 v33, v36;
	_ =	sdelay $0x4  }
0x2e9: {  	[tilespmem:v36+s9+$0x0] =	vst.idx.msk $0xffff, v1  }
0x2ea: {  	v36 =	vld [tilespmem:$0x1F0];
	_ =	sdelay $0x4  }
0x2eb: {  	v35 =	vsub.f32 v35, v36;
	_ =	sdelay $0x1  }
0x2ec: {  	v35 =	vadd.f32 $1.550000000e+01, v35;
	_ =	sdelay $0x1  }
0x2ed: {  	v35 =	vmax.f32 v35, $0.0e+00  }
0x2ee: {  	v35 =	vmin.f32 v35, $3.200000000e+01  }
0x2ef: {  	v62 =	vtrunc.f32 v35  }
0x2f0: {  	v63 =	vcvt.f32.s32 v62;
	vm15 =	vgt.f32 v35, v62  }
0x2f1: {  	v35 =	vsel vm15, $0x1, v2  }
0x2f2: {  	v35 =	vadd.s32 v35, v63  }
0x2f3: {  	v35 =	vadd.s32 v34, v35;
	_ =	sdelay $0x4  }
0x2f4: {  	[tilespmem:v35+s9+$0x0] =	vst.idx.msk $0xffff, v1  }
.LBB2_6:
0x2f5: {  	v35 =	vmov s18  }
0x2f6: {  	v35 =	vand.u32 $0xFFFFFFFE, v35  }
0x2f7: {  	v35 =	vbroadcast v35, $0x0;
	_ =	sdelay $0x4  }
0x2f8: {  	v36 =	vld [tilespmem:$0x0]  }
0x2f9: {  	v35 =	vld.idx.msk [tilespmem:v35+s1+$0x0], $0xffff;
	_ =	sdelay $0x4  }
0x2fa: {  	v36 =	vsub.f32 v35, v36;
	_ =	sdelay $0x1  }
0x2fb: {  	v36 =	vadd.f32 $1.550000000e+01, v36;
	_ =	sdelay $0x1  }
0x2fc: {  	v36 =	vmax.f32 v36, $0.0e+00  }
0x2fd: {  	v36 =	vmin.f32 v36, $3.200000000e+01  }
0x2fe: {  	v37 =	vtrunc.f32 v36  }
0x2ff: {  	v38 =	vcvt.f32.s32 v37;
	vm0 =	vgt.f32 v36, v37  }
0x300: {  	v36 =	vsel vm0, $0x1, v2  }
0x301: {  	v36 =	vadd.s32 v36, v38  }
0x302: {  	v36 =	vadd.s32 v0, v36;
	_ =	sdelay $0x4  }
0x303: {  	[tilespmem:v36+s9+$0x0] =	vst.idx.msk $0xffff, v3  }
0x304: {  	v36 =	vld [tilespmem:$0x10];
	_ =	sdelay $0x4  }
0x305: {  	v36 =	vsub.f32 v35, v36;
	_ =	sdelay $0x1  }
0x306: {  	v36 =	vadd.f32 $1.550000000e+01, v36;
	_ =	sdelay $0x1  }
0x307: {  	v36 =	vmax.f32 v36, $0.0e+00  }
0x308: {  	v36 =	vmin.f32 v36, $3.200000000e+01  }
0x309: {  	v50 =	vtrunc.f32 v36  }
0x30a: {  	v51 =	vcvt.f32.s32 v50;
	vm9 =	vgt.f32 v36, v50  }
0x30b: {  	v36 =	vsel vm9, $0x1, v2  }
0x30c: {  	v36 =	vadd.s32 v36, v51  }
0x30d: {  	v36 =	vadd.s32 v4, v36;
	_ =	sdelay $0x4  }
0x30e: {  	[tilespmem:v36+s9+$0x0] =	vst.idx.msk $0xffff, v3  }
0x30f: {  	v36 =	vld [tilespmem:$0x20];
	_ =	sdelay $0x4  }
0x310: {  	v36 =	vsub.f32 v35, v36;
	_ =	sdelay $0x1  }
0x311: {  	v36 =	vadd.f32 $1.550000000e+01, v36;
	_ =	sdelay $0x1  }
0x312: {  	v36 =	vmax.f32 v36, $0.0e+00  }
0x313: {  	v36 =	vmin.f32 v36, $3.200000000e+01  }
0x314: {  	v52 =	vtrunc.f32 v36  }
0x315: {  	v53 =	vcvt.f32.s32 v52;
	vm10 =	vgt.f32 v36, v52  }
0x316: {  	v36 =	vsel vm10, $0x1, v2  }
0x317: {  	v36 =	vadd.s32 v36, v53  }
0x318: {  	v36 =	vadd.s32 v5, v36;
	_ =	sdelay $0x4  }
0x319: {  	[tilespmem:v36+s9+$0x0] =	vst.idx.msk $0xffff, v3  }
0x31a: {  	v36 =	vld [tilespmem:$0x30];
	_ =	sdelay $0x4  }
0x31b: {  	v36 =	vsub.f32 v35, v36;
	_ =	sdelay $0x1  }
0x31c: {  	v36 =	vadd.f32 $1.550000000e+01, v36;
	_ =	sdelay $0x1  }
0x31d: {  	v36 =	vmax.f32 v36, $0.0e+00  }
0x31e: {  	v36 =	vmin.f32 v36, $3.200000000e+01  }
0x31f: {  	v54 =	vtrunc.f32 v36  }
0x320: {  	v55 =	vcvt.f32.s32 v54;
	vm11 =	vgt.f32 v36, v54  }
0x321: {  	v36 =	vsel vm11, $0x1, v2  }
0x322: {  	v36 =	vadd.s32 v36, v55  }
0x323: {  	v36 =	vadd.s32 v6, v36;
	_ =	sdelay $0x4  }
0x324: {  	[tilespmem:v36+s9+$0x0] =	vst.idx.msk $0xffff, v3  }
0x325: {  	v36 =	vld [tilespmem:$0x40];
	_ =	sdelay $0x4  }
0x326: {  	v36 =	vsub.f32 v35, v36;
	_ =	sdelay $0x1  }
0x327: {  	v36 =	vadd.f32 $1.550000000e+01, v36;
	_ =	sdelay $0x1  }
0x328: {  	v36 =	vmax.f32 v36, $0.0e+00  }
0x329: {  	v36 =	vmin.f32 v36, $3.200000000e+01  }
0x32a: {  	v56 =	vtrunc.f32 v36  }
0x32b: {  	v57 =	vcvt.f32.s32 v56;
	vm12 =	vgt.f32 v36, v56  }
0x32c: {  	v36 =	vsel vm12, $0x1, v2  }
0x32d: {  	v36 =	vadd.s32 v36, v57  }
0x32e: {  	v36 =	vadd.s32 v7, v36;
	_ =	sdelay $0x4  }
0x32f: {  	[tilespmem:v36+s9+$0x0] =	vst.idx.msk $0xffff, v3  }
0x330: {  	v36 =	vld [tilespmem:$0x50];
	_ =	sdelay $0x4  }
0x331: {  	v36 =	vsub.f32 v35, v36;
	_ =	sdelay $0x1  }
0x332: {  	v36 =	vadd.f32 $1.550000000e+01, v36;
	_ =	sdelay $0x1  }
0x333: {  	v36 =	vmax.f32 v36, $0.0e+00  }
0x334: {  	v36 =	vmin.f32 v36, $3.200000000e+01  }
0x335: {  	v58 =	vtrunc.f32 v36  }
0x336: {  	v59 =	vcvt.f32.s32 v58;
	vm13 =	vgt.f32 v36, v58  }
0x337: {  	v36 =	vsel vm13, $0x1, v2  }
0x338: {  	v36 =	vadd.s32 v36, v59  }
0x339: {  	v36 =	vadd.s32 v8, v36;
	_ =	sdelay $0x4  }
0x33a: {  	[tilespmem:v36+s9+$0x0] =	vst.idx.msk $0xffff, v3  }
0x33b: {  	v36 =	vld [tilespmem:$0x60];
	_ =	sdelay $0x4  }
0x33c: {  	v36 =	vsub.f32 v35, v36;
	_ =	sdelay $0x1  }
0x33d: {  	v36 =	vadd.f32 $1.550000000e+01, v36;
	_ =	sdelay $0x1  }
0x33e: {  	v36 =	vmax.f32 v36, $0.0e+00  }
0x33f: {  	v36 =	vmin.f32 v36, $3.200000000e+01  }
0x340: {  	v60 =	vtrunc.f32 v36  }
0x341: {  	v61 =	vcvt.f32.s32 v60;
	vm14 =	vgt.f32 v36, v60  }
0x342: {  	v36 =	vsel vm14, $0x1, v2  }
0x343: {  	v36 =	vadd.s32 v36, v61  }
0x344: {  	v36 =	vadd.s32 v9, v36;
	_ =	sdelay $0x4  }
0x345: {  	[tilespmem:v36+s9+$0x0] =	vst.idx.msk $0xffff, v3  }
0x346: {  	v36 =	vld [tilespmem:$0x70];
	_ =	sdelay $0x4  }
0x347: {  	v36 =	vsub.f32 v35, v36;
	_ =	sdelay $0x1  }
0x348: {  	v36 =	vadd.f32 $1.550000000e+01, v36;
	_ =	sdelay $0x1  }
0x349: {  	v36 =	vmax.f32 v36, $0.0e+00  }
0x34a: {  	v36 =	vmin.f32 v36, $3.200000000e+01  }
0x34b: {  	v62 =	vtrunc.f32 v36  }
0x34c: {  	v63 =	vcvt.f32.s32 v62;
	vm15 =	vgt.f32 v36, v62  }
0x34d: {  	v36 =	vsel vm15, $0x1, v2  }
0x34e: {  	v36 =	vadd.s32 v36, v63  }
0x34f: {  	v36 =	vadd.s32 v10, v36;
	_ =	sdelay $0x4  }
0x350: {  	[tilespmem:v36+s9+$0x0] =	vst.idx.msk $0xffff, v3  }
0x351: {  	v36 =	vld [tilespmem:$0x80];
	_ =	sdelay $0x4  }
0x352: {  	v36 =	vsub.f32 v35, v36;
	_ =	sdelay $0x1  }
0x353: {  	v36 =	vadd.f32 $1.550000000e+01, v36;
	_ =	sdelay $0x1  }
0x354: {  	v36 =	vmax.f32 v36, $0.0e+00  }
0x355: {  	v36 =	vmin.f32 v36, $3.200000000e+01  }
0x356: {  	v40 =	vtrunc.f32 v36  }
0x357: {  	v41 =	vcvt.f32.s32 v40;
	vm4 =	vgt.f32 v36, v40  }
0x358: {  	v36 =	vsel vm4, $0x1, v2  }
0x359: {  	v36 =	vadd.s32 v36, v41  }
0x35a: {  	v36 =	vadd.s32 v11, v36;
	_ =	sdelay $0x4  }
0x35b: {  	[tilespmem:v36+s9+$0x0] =	vst.idx.msk $0xffff, v3  }
0x35c: {  	v36 =	vld [tilespmem:$0x90];
	_ =	sdelay $0x4  }
0x35d: {  	v36 =	vsub.f32 v35, v36;
	_ =	sdelay $0x1  }
0x35e: {  	v36 =	vadd.f32 $1.550000000e+01, v36;
	_ =	sdelay $0x1  }
0x35f: {  	v36 =	vmax.f32 v36, $0.0e+00  }
0x360: {  	v36 =	vmin.f32 v36, $3.200000000e+01  }
0x361: {  	v42 =	vtrunc.f32 v36  }
0x362: {  	v43 =	vcvt.f32.s32 v42;
	vm5 =	vgt.f32 v36, v42  }
0x363: {  	v36 =	vsel vm5, $0x1, v2  }
0x364: {  	v36 =	vadd.s32 v36, v43  }
0x365: {  	v36 =	vadd.s32 v12, v36;
	_ =	sdelay $0x4  }
0x366: {  	[tilespmem:v36+s9+$0x0] =	vst.idx.msk $0xffff, v3  }
0x367: {  	v36 =	vld [tilespmem:$0xA0];
	_ =	sdelay $0x4  }
0x368: {  	v36 =	vsub.f32 v35, v36;
	_ =	sdelay $0x1  }
0x369: {  	v36 =	vadd.f32 $1.550000000e+01, v36;
	_ =	sdelay $0x1  }
0x36a: {  	v36 =	vmax.f32 v36, $0.0e+00  }
0x36b: {  	v36 =	vmin.f32 v36, $3.200000000e+01  }
0x36c: {  	v44 =	vtrunc.f32 v36  }
0x36d: {  	v45 =	vcvt.f32.s32 v44;
	vm6 =	vgt.f32 v36, v44  }
0x36e: {  	v36 =	vsel vm6, $0x1, v2  }
0x36f: {  	v36 =	vadd.s32 v36, v45  }
0x370: {  	v36 =	vadd.s32 v13, v36;
	_ =	sdelay $0x4  }
0x371: {  	[tilespmem:v36+s9+$0x0] =	vst.idx.msk $0xffff, v3  }
0x372: {  	v36 =	vld [tilespmem:$0xB0];
	_ =	sdelay $0x4  }
0x373: {  	v36 =	vsub.f32 v35, v36;
	_ =	sdelay $0x1  }
0x374: {  	v36 =	vadd.f32 $1.550000000e+01, v36;
	_ =	sdelay $0x1  }
0x375: {  	v36 =	vmax.f32 v36, $0.0e+00  }
0x376: {  	v36 =	vmin.f32 v36, $3.200000000e+01  }
0x377: {  	v46 =	vtrunc.f32 v36  }
0x378: {  	v47 =	vcvt.f32.s32 v46;
	vm7 =	vgt.f32 v36, v46  }
0x379: {  	v36 =	vsel vm7, $0x1, v2  }
0x37a: {  	v36 =	vadd.s32 v36, v47  }
0x37b: {  	v36 =	vadd.s32 v14, v36;
	_ =	sdelay $0x4  }
0x37c: {  	[tilespmem:v36+s9+$0x0] =	vst.idx.msk $0xffff, v3  }
0x37d: {  	v36 =	vld [tilespmem:$0xC0];
	_ =	sdelay $0x4  }
0x37e: {  	v36 =	vsub.f32 v35, v36;
	_ =	sdelay $0x1  }
0x37f: {  	v36 =	vadd.f32 $1.550000000e+01, v36;
	_ =	sdelay $0x1  }
0x380: {  	v36 =	vmax.f32 v36, $0.0e+00  }
0x381: {  	v36 =	vmin.f32 v36, $3.200000000e+01  }
0x382: {  	v48 =	vtrunc.f32 v36  }
0x383: {  	v49 =	vcvt.f32.s32 v48;
	vm8 =	vgt.f32 v36, v48  }
0x384: {  	v36 =	vsel vm8, $0x1, v2  }
0x385: {  	v36 =	vadd.s32 v36, v49  }
0x386: {  	v36 =	vadd.s32 v15, v36;
	_ =	sdelay $0x4  }
0x387: {  	[tilespmem:v36+s9+$0x0] =	vst.idx.msk $0xffff, v3  }
0x388: {  	v36 =	vld [tilespmem:$0xD0];
	_ =	sdelay $0x4  }
0x389: {  	v36 =	vsub.f32 v35, v36;
	_ =	sdelay $0x1  }
0x38a: {  	v36 =	vadd.f32 $1.550000000e+01, v36;
	_ =	sdelay $0x1  }
0x38b: {  	v36 =	vmax.f32 v36, $0.0e+00  }
0x38c: {  	v36 =	vmin.f32 v36, $3.200000000e+01  }
0x38d: {  	v50 =	vtrunc.f32 v36  }
0x38e: {  	v51 =	vcvt.f32.s32 v50;
	vm9 =	vgt.f32 v36, v50  }
0x38f: {  	v36 =	vsel vm9, $0x1, v2  }
0x390: {  	v36 =	vadd.s32 v36, v51  }
0x391: {  	v36 =	vadd.s32 v16, v36;
	_ =	sdelay $0x4  }
0x392: {  	[tilespmem:v36+s9+$0x0] =	vst.idx.msk $0xffff, v3  }
0x393: {  	v36 =	vld [tilespmem:$0xE0];
	_ =	sdelay $0x4  }
0x394: {  	v36 =	vsub.f32 v35, v36;
	_ =	sdelay $0x1  }
0x395: {  	v36 =	vadd.f32 $1.550000000e+01, v36;
	_ =	sdelay $0x1  }
0x396: {  	v36 =	vmax.f32 v36, $0.0e+00  }
0x397: {  	v36 =	vmin.f32 v36, $3.200000000e+01  }
0x398: {  	v52 =	vtrunc.f32 v36  }
0x399: {  	v53 =	vcvt.f32.s32 v52;
	vm10 =	vgt.f32 v36, v52  }
0x39a: {  	v36 =	vsel vm10, $0x1, v2  }
0x39b: {  	v36 =	vadd.s32 v36, v53  }
0x39c: {  	v36 =	vadd.s32 v17, v36;
	_ =	sdelay $0x4  }
0x39d: {  	[tilespmem:v36+s9+$0x0] =	vst.idx.msk $0xffff, v3  }
0x39e: {  	v36 =	vld [tilespmem:$0xF0];
	_ =	sdelay $0x4  }
0x39f: {  	v36 =	vsub.f32 v35, v36;
	_ =	sdelay $0x1  }
0x3a0: {  	v36 =	vadd.f32 $1.550000000e+01, v36;
	_ =	sdelay $0x1  }
0x3a1: {  	v36 =	vmax.f32 v36, $0.0e+00  }
0x3a2: {  	v36 =	vmin.f32 v36, $3.200000000e+01  }
0x3a3: {  	v54 =	vtrunc.f32 v36  }
0x3a4: {  	v55 =	vcvt.f32.s32 v54;
	vm11 =	vgt.f32 v36, v54  }
0x3a5: {  	v36 =	vsel vm11, $0x1, v2  }
0x3a6: {  	v36 =	vadd.s32 v36, v55  }
0x3a7: {  	v36 =	vadd.s32 v18, v36;
	_ =	sdelay $0x4  }
0x3a8: {  	[tilespmem:v36+s9+$0x0] =	vst.idx.msk $0xffff, v3  }
0x3a9: {  	v36 =	vld [tilespmem:$0x100];
	_ =	sdelay $0x4  }
0x3aa: {  	v36 =	vsub.f32 v35, v36;
	_ =	sdelay $0x1  }
0x3ab: {  	v36 =	vadd.f32 $1.550000000e+01, v36;
	_ =	sdelay $0x1  }
0x3ac: {  	v36 =	vmax.f32 v36, $0.0e+00  }
0x3ad: {  	v36 =	vmin.f32 v36, $3.200000000e+01  }
0x3ae: {  	v56 =	vtrunc.f32 v36  }
0x3af: {  	v57 =	vcvt.f32.s32 v56;
	vm12 =	vgt.f32 v36, v56  }
0x3b0: {  	v36 =	vsel vm12, $0x1, v2  }
0x3b1: {  	v36 =	vadd.s32 v36, v57  }
0x3b2: {  	v36 =	vadd.s32 v19, v36;
	_ =	sdelay $0x4  }
0x3b3: {  	[tilespmem:v36+s9+$0x0] =	vst.idx.msk $0xffff, v3  }
0x3b4: {  	v36 =	vld [tilespmem:$0x110];
	_ =	sdelay $0x4  }
0x3b5: {  	v36 =	vsub.f32 v35, v36;
	_ =	sdelay $0x1  }
0x3b6: {  	v36 =	vadd.f32 $1.550000000e+01, v36;
	_ =	sdelay $0x1  }
0x3b7: {  	v36 =	vmax.f32 v36, $0.0e+00  }
0x3b8: {  	v36 =	vmin.f32 v36, $3.200000000e+01  }
0x3b9: {  	v58 =	vtrunc.f32 v36  }
0x3ba: {  	v59 =	vcvt.f32.s32 v58;
	vm13 =	vgt.f32 v36, v58  }
0x3bb: {  	v36 =	vsel vm13, $0x1, v2  }
0x3bc: {  	v36 =	vadd.s32 v36, v59  }
0x3bd: {  	v36 =	vadd.s32 v20, v36;
	_ =	sdelay $0x4  }
0x3be: {  	[tilespmem:v36+s9+$0x0] =	vst.idx.msk $0xffff, v3  }
0x3bf: {  	v36 =	vld [tilespmem:$0x120];
	_ =	sdelay $0x4  }
0x3c0: {  	v36 =	vsub.f32 v35, v36;
	_ =	sdelay $0x1  }
0x3c1: {  	v36 =	vadd.f32 $1.550000000e+01, v36;
	_ =	sdelay $0x1  }
0x3c2: {  	v36 =	vmax.f32 v36, $0.0e+00  }
0x3c3: {  	v36 =	vmin.f32 v36, $3.200000000e+01  }
0x3c4: {  	v60 =	vtrunc.f32 v36  }
0x3c5: {  	v61 =	vcvt.f32.s32 v60;
	vm14 =	vgt.f32 v36, v60  }
0x3c6: {  	v36 =	vsel vm14, $0x1, v2  }
0x3c7: {  	v36 =	vadd.s32 v36, v61  }
0x3c8: {  	v36 =	vadd.s32 v21, v36;
	_ =	sdelay $0x4  }
0x3c9: {  	[tilespmem:v36+s9+$0x0] =	vst.idx.msk $0xffff, v3  }
0x3ca: {  	v36 =	vld [tilespmem:$0x130];
	_ =	sdelay $0x4  }
0x3cb: {  	v36 =	vsub.f32 v35, v36;
	_ =	sdelay $0x1  }
0x3cc: {  	v36 =	vadd.f32 $1.550000000e+01, v36;
	_ =	sdelay $0x1  }
0x3cd: {  	v36 =	vmax.f32 v36, $0.0e+00  }
0x3ce: {  	v36 =	vmin.f32 v36, $3.200000000e+01  }
0x3cf: {  	v62 =	vtrunc.f32 v36  }
0x3d0: {  	v63 =	vcvt.f32.s32 v62;
	vm15 =	vgt.f32 v36, v62  }
0x3d1: {  	v36 =	vsel vm15, $0x1, v2  }
0x3d2: {  	v36 =	vadd.s32 v36, v63  }
0x3d3: {  	v36 =	vadd.s32 v22, v36;
	_ =	sdelay $0x4  }
0x3d4: {  	[tilespmem:v36+s9+$0x0] =	vst.idx.msk $0xffff, v3  }
0x3d5: {  	v36 =	vld [tilespmem:$0x140];
	_ =	sdelay $0x4  }
0x3d6: {  	v36 =	vsub.f32 v35, v36;
	_ =	sdelay $0x1  }
0x3d7: {  	v36 =	vadd.f32 $1.550000000e+01, v36;
	_ =	sdelay $0x1  }
0x3d8: {  	v36 =	vmax.f32 v36, $0.0e+00  }
0x3d9: {  	v36 =	vmin.f32 v36, $3.200000000e+01  }
0x3da: {  	v40 =	vtrunc.f32 v36  }
0x3db: {  	v41 =	vcvt.f32.s32 v40;
	vm4 =	vgt.f32 v36, v40  }
0x3dc: {  	v36 =	vsel vm4, $0x1, v2  }
0x3dd: {  	v36 =	vadd.s32 v36, v41  }
0x3de: {  	v36 =	vadd.s32 v23, v36;
	_ =	sdelay $0x4  }
0x3df: {  	[tilespmem:v36+s9+$0x0] =	vst.idx.msk $0xffff, v3  }
0x3e0: {  	v36 =	vld [tilespmem:$0x150];
	_ =	sdelay $0x4  }
0x3e1: {  	v36 =	vsub.f32 v35, v36;
	_ =	sdelay $0x1  }
0x3e2: {  	v36 =	vadd.f32 $1.550000000e+01, v36;
	_ =	sdelay $0x1  }
0x3e3: {  	v36 =	vmax.f32 v36, $0.0e+00  }
0x3e4: {  	v36 =	vmin.f32 v36, $3.200000000e+01  }
0x3e5: {  	v42 =	vtrunc.f32 v36  }
0x3e6: {  	v43 =	vcvt.f32.s32 v42;
	vm5 =	vgt.f32 v36, v42  }
0x3e7: {  	v36 =	vsel vm5, $0x1, v2  }
0x3e8: {  	v36 =	vadd.s32 v36, v43  }
0x3e9: {  	v36 =	vadd.s32 v24, v36;
	_ =	sdelay $0x4  }
0x3ea: {  	[tilespmem:v36+s9+$0x0] =	vst.idx.msk $0xffff, v3  }
0x3eb: {  	v36 =	vld [tilespmem:$0x160];
	_ =	sdelay $0x4  }
0x3ec: {  	v36 =	vsub.f32 v35, v36;
	_ =	sdelay $0x1  }
0x3ed: {  	v36 =	vadd.f32 $1.550000000e+01, v36;
	_ =	sdelay $0x1  }
0x3ee: {  	v36 =	vmax.f32 v36, $0.0e+00  }
0x3ef: {  	v36 =	vmin.f32 v36, $3.200000000e+01  }
0x3f0: {  	v44 =	vtrunc.f32 v36  }
0x3f1: {  	v45 =	vcvt.f32.s32 v44;
	vm6 =	vgt.f32 v36, v44  }
0x3f2: {  	v36 =	vsel vm6, $0x1, v2  }
0x3f3: {  	v36 =	vadd.s32 v36, v45  }
0x3f4: {  	v36 =	vadd.s32 v25, v36;
	_ =	sdelay $0x4  }
0x3f5: {  	[tilespmem:v36+s9+$0x0] =	vst.idx.msk $0xffff, v3  }
0x3f6: {  	v36 =	vld [tilespmem:$0x170];
	_ =	sdelay $0x4  }
0x3f7: {  	v36 =	vsub.f32 v35, v36;
	_ =	sdelay $0x1  }
0x3f8: {  	v36 =	vadd.f32 $1.550000000e+01, v36;
	_ =	sdelay $0x1  }
0x3f9: {  	v36 =	vmax.f32 v36, $0.0e+00  }
0x3fa: {  	v36 =	vmin.f32 v36, $3.200000000e+01  }
0x3fb: {  	v46 =	vtrunc.f32 v36  }
0x3fc: {  	v47 =	vcvt.f32.s32 v46;
	vm7 =	vgt.f32 v36, v46  }
0x3fd: {  	v36 =	vsel vm7, $0x1, v2  }
0x3fe: {  	v36 =	vadd.s32 v36, v47  }
0x3ff: {  	v36 =	vadd.s32 v26, v36;
	_ =	sdelay $0x4  }
0x400: {  	[tilespmem:v36+s9+$0x0] =	vst.idx.msk $0xffff, v3  }
0x401: {  	v36 =	vld [tilespmem:$0x180];
	_ =	sdelay $0x4  }
0x402: {  	v36 =	vsub.f32 v35, v36;
	_ =	sdelay $0x1  }
0x403: {  	v36 =	vadd.f32 $1.550000000e+01, v36;
	_ =	sdelay $0x1  }
0x404: {  	v36 =	vmax.f32 v36, $0.0e+00  }
0x405: {  	v36 =	vmin.f32 v36, $3.200000000e+01  }
0x406: {  	v48 =	vtrunc.f32 v36  }
0x407: {  	v49 =	vcvt.f32.s32 v48;
	vm8 =	vgt.f32 v36, v48  }
0x408: {  	v36 =	vsel vm8, $0x1, v2  }
0x409: {  	v36 =	vadd.s32 v36, v49  }
0x40a: {  	v36 =	vadd.s32 v27, v36;
	_ =	sdelay $0x4  }
0x40b: {  	[tilespmem:v36+s9+$0x0] =	vst.idx.msk $0xffff, v3  }
0x40c: {  	v36 =	vld [tilespmem:$0x190];
	_ =	sdelay $0x4  }
0x40d: {  	v36 =	vsub.f32 v35, v36;
	_ =	sdelay $0x1  }
0x40e: {  	v36 =	vadd.f32 $1.550000000e+01, v36;
	_ =	sdelay $0x1  }
0x40f: {  	v36 =	vmax.f32 v36, $0.0e+00  }
0x410: {  	v36 =	vmin.f32 v36, $3.200000000e+01  }
0x411: {  	v50 =	vtrunc.f32 v36  }
0x412: {  	v51 =	vcvt.f32.s32 v50;
	vm9 =	vgt.f32 v36, v50  }
0x413: {  	v36 =	vsel vm9, $0x1, v2  }
0x414: {  	v36 =	vadd.s32 v36, v51  }
0x415: {  	v36 =	vadd.s32 v28, v36;
	_ =	sdelay $0x4  }
0x416: {  	[tilespmem:v36+s9+$0x0] =	vst.idx.msk $0xffff, v3  }
0x417: {  	v36 =	vld [tilespmem:$0x1A0];
	_ =	sdelay $0x4  }
0x418: {  	v36 =	vsub.f32 v35, v36;
	_ =	sdelay $0x1  }
0x419: {  	v36 =	vadd.f32 $1.550000000e+01, v36;
	_ =	sdelay $0x1  }
0x41a: {  	v36 =	vmax.f32 v36, $0.0e+00  }
0x41b: {  	v36 =	vmin.f32 v36, $3.200000000e+01  }
0x41c: {  	v52 =	vtrunc.f32 v36  }
0x41d: {  	v53 =	vcvt.f32.s32 v52;
	vm10 =	vgt.f32 v36, v52  }
0x41e: {  	v36 =	vsel vm10, $0x1, v2  }
0x41f: {  	v36 =	vadd.s32 v36, v53  }
0x420: {  	v36 =	vadd.s32 v29, v36;
	_ =	sdelay $0x4  }
0x421: {  	[tilespmem:v36+s9+$0x0] =	vst.idx.msk $0xffff, v3  }
0x422: {  	v36 =	vld [tilespmem:$0x1B0];
	_ =	sdelay $0x4  }
0x423: {  	v36 =	vsub.f32 v35, v36;
	_ =	sdelay $0x1  }
0x424: {  	v36 =	vadd.f32 $1.550000000e+01, v36;
	_ =	sdelay $0x1  }
0x425: {  	v36 =	vmax.f32 v36, $0.0e+00  }
0x426: {  	v36 =	vmin.f32 v36, $3.200000000e+01  }
0x427: {  	v54 =	vtrunc.f32 v36  }
0x428: {  	v55 =	vcvt.f32.s32 v54;
	vm11 =	vgt.f32 v36, v54  }
0x429: {  	v36 =	vsel vm11, $0x1, v2  }
0x42a: {  	v36 =	vadd.s32 v36, v55  }
0x42b: {  	v36 =	vadd.s32 v30, v36;
	_ =	sdelay $0x4  }
0x42c: {  	[tilespmem:v36+s9+$0x0] =	vst.idx.msk $0xffff, v3  }
0x42d: {  	v36 =	vld [tilespmem:$0x1C0];
	_ =	sdelay $0x4  }
0x42e: {  	v36 =	vsub.f32 v35, v36;
	_ =	sdelay $0x1  }
0x42f: {  	v36 =	vadd.f32 $1.550000000e+01, v36;
	_ =	sdelay $0x1  }
0x430: {  	v36 =	vmax.f32 v36, $0.0e+00  }
0x431: {  	v36 =	vmin.f32 v36, $3.200000000e+01  }
0x432: {  	v56 =	vtrunc.f32 v36  }
0x433: {  	v57 =	vcvt.f32.s32 v56;
	vm12 =	vgt.f32 v36, v56  }
0x434: {  	v36 =	vsel vm12, $0x1, v2  }
0x435: {  	v36 =	vadd.s32 v36, v57  }
0x436: {  	v36 =	vadd.s32 v31, v36;
	_ =	sdelay $0x4  }
0x437: {  	[tilespmem:v36+s9+$0x0] =	vst.idx.msk $0xffff, v3  }
0x438: {  	v36 =	vld [tilespmem:$0x1D0];
	_ =	sdelay $0x4  }
0x439: {  	v36 =	vsub.f32 v35, v36;
	_ =	sdelay $0x1  }
0x43a: {  	v36 =	vadd.f32 $1.550000000e+01, v36;
	_ =	sdelay $0x1  }
0x43b: {  	v36 =	vmax.f32 v36, $0.0e+00  }
0x43c: {  	v36 =	vmin.f32 v36, $3.200000000e+01  }
0x43d: {  	v58 =	vtrunc.f32 v36  }
0x43e: {  	v59 =	vcvt.f32.s32 v58;
	vm13 =	vgt.f32 v36, v58  }
0x43f: {  	v36 =	vsel vm13, $0x1, v2  }
0x440: {  	v36 =	vadd.s32 v36, v59  }
0x441: {  	v36 =	vadd.s32 v32, v36;
	_ =	sdelay $0x4  }
0x442: {  	[tilespmem:v36+s9+$0x0] =	vst.idx.msk $0xffff, v3  }
0x443: {  	v36 =	vld [tilespmem:$0x1E0];
	_ =	sdelay $0x4  }
0x444: {  	v36 =	vsub.f32 v35, v36;
	_ =	sdelay $0x1  }
0x445: {  	v36 =	vadd.f32 $1.550000000e+01, v36;
	_ =	sdelay $0x1  }
0x446: {  	v36 =	vmax.f32 v36, $0.0e+00  }
0x447: {  	v36 =	vmin.f32 v36, $3.200000000e+01  }
0x448: {  	v60 =	vtrunc.f32 v36  }
0x449: {  	v61 =	vcvt.f32.s32 v60;
	vm14 =	vgt.f32 v36, v60  }
0x44a: {  	v36 =	vsel vm14, $0x1, v2  }
0x44b: {  	v36 =	vadd.s32 v36, v61  }
0x44c: {  	v36 =	vadd.s32 v33, v36;
	_ =	sdelay $0x4  }
0x44d: {  	[tilespmem:v36+s9+$0x0] =	vst.idx.msk $0xffff, v3  }
0x44e: {  	v36 =	vld [tilespmem:$0x1F0];
	_ =	sdelay $0x4  }
0x44f: {  	v35 =	vsub.f32 v35, v36;
	_ =	sdelay $0x1  }
0x450: {  	v35 =	vadd.f32 $1.550000000e+01, v35;
	_ =	sdelay $0x1  }
0x451: {  	v35 =	vmax.f32 v35, $0.0e+00  }
0x452: {  	v35 =	vmin.f32 v35, $3.200000000e+01  }
0x453: {  	v62 =	vtrunc.f32 v35  }
0x454: {  	v63 =	vcvt.f32.s32 v62;
	vm15 =	vgt.f32 v35, v62  }
0x455: {  	v35 =	vsel vm15, $0x1, v2  }
0x456: {  	s19 =	sadd.s32 s17, s6;
	v35 =	vadd.s32 v35, v63  }
0x457: {  	s19 =	sshrl.u32 s19, $0x3;
	v35 =	vadd.s32 v34, v35  }
0x458: {  	s19 =	smul.u32 $0x21000, s19  }
.Ltmp6:
0x459: {  	s20 =	sand.u32 $0x300, s16;
	(pc) =	sbr.rel @p0 .LBB2_8-.Ltmp6, $4  }
0x45a: {  	s19 =	sor.u32 s20, s19  }
0x45b: {  	s19 =	sshrl.u32 s19, $0x3  }
0x45c: {  	s31 =	sadd.s32 s3, s19;
	[tilespmem:v35+s9+$0x0] =	vst.idx.msk $0xffff, v3  }
0x45d: {  	[hbm4b:s31+s10] =	stream.strided.scatter [tilespmem:s9], [sflag:$0x1], $0x4200, s11, s10, $0x38;
	[tilespmem:$0x8600] =	vst v63  }
0x45e: {  	s20 =	sadd.s32 $0xFFFFFFFF, s18  }
0x45f: {  	v35 =	vmov s20  }
0x460: {  	_ =	swait.ge [sflag:s14], $0x4200  }
0x461: {  	[sflag:s14] =	ssyncset.done $0x0  }
0x462: {  	[sflag:s14] =	ssyncadd.s32 $0xFFFFBE00  }
0x463: {  	v36 =	vld [tilespmem:$0x0]  }
0x464: {  	v35 =	vld.idx.msk [tilespmem:v35+s1+$0x0], $0xffff;
	_ =	sdelay $0x4  }
0x465: {  	v36 =	vsub.f32 v35, v36;
	_ =	sdelay $0x1  }
0x466: {  	v36 =	vadd.f32 $1.550000000e+01, v36;
	_ =	sdelay $0x1  }
0x467: {  	v36 =	vmax.f32 v36, $0.0e+00  }
0x468: {  	v36 =	vmin.f32 v36, $3.200000000e+01  }
0x469: {  	v37 =	vtrunc.f32 v36  }
0x46a: {  	v38 =	vcvt.f32.s32 v37;
	vm0 =	vgt.f32 v36, v37  }
0x46b: {  	v36 =	vsel vm0, $0x1, v2  }
0x46c: {  	v36 =	vadd.s32 v36, v38  }
0x46d: {  	v36 =	vadd.s32 v0, v36;
	_ =	sdelay $0x4  }
0x46e: {  	[tilespmem:v36+s12+$0x0] =	vst.idx.msk $0xffff, v1  }
0x46f: {  	v36 =	vld [tilespmem:$0x10];
	_ =	sdelay $0x4  }
0x470: {  	v36 =	vsub.f32 v35, v36;
	_ =	sdelay $0x1  }
0x471: {  	v36 =	vadd.f32 $1.550000000e+01, v36;
	_ =	sdelay $0x1  }
0x472: {  	v36 =	vmax.f32 v36, $0.0e+00  }
0x473: {  	v36 =	vmin.f32 v36, $3.200000000e+01  }
0x474: {  	v50 =	vtrunc.f32 v36  }
0x475: {  	v51 =	vcvt.f32.s32 v50;
	vm9 =	vgt.f32 v36, v50  }
0x476: {  	v36 =	vsel vm9, $0x1, v2  }
0x477: {  	v36 =	vadd.s32 v36, v51  }
0x478: {  	v36 =	vadd.s32 v4, v36;
	_ =	sdelay $0x4  }
0x479: {  	[tilespmem:v36+s12+$0x0] =	vst.idx.msk $0xffff, v1  }
0x47a: {  	v36 =	vld [tilespmem:$0x20];
	_ =	sdelay $0x4  }
0x47b: {  	v36 =	vsub.f32 v35, v36;
	_ =	sdelay $0x1  }
0x47c: {  	v36 =	vadd.f32 $1.550000000e+01, v36;
	_ =	sdelay $0x1  }
0x47d: {  	v36 =	vmax.f32 v36, $0.0e+00  }
0x47e: {  	v36 =	vmin.f32 v36, $3.200000000e+01  }
0x47f: {  	v52 =	vtrunc.f32 v36  }
0x480: {  	v53 =	vcvt.f32.s32 v52;
	vm10 =	vgt.f32 v36, v52  }
0x481: {  	v36 =	vsel vm10, $0x1, v2  }
0x482: {  	v36 =	vadd.s32 v36, v53  }
0x483: {  	v36 =	vadd.s32 v5, v36;
	_ =	sdelay $0x4  }
0x484: {  	[tilespmem:v36+s12+$0x0] =	vst.idx.msk $0xffff, v1  }
0x485: {  	v36 =	vld [tilespmem:$0x30];
	_ =	sdelay $0x4  }
0x486: {  	v36 =	vsub.f32 v35, v36;
	_ =	sdelay $0x1  }
0x487: {  	v36 =	vadd.f32 $1.550000000e+01, v36;
	_ =	sdelay $0x1  }
0x488: {  	v36 =	vmax.f32 v36, $0.0e+00  }
0x489: {  	v36 =	vmin.f32 v36, $3.200000000e+01  }
0x48a: {  	v54 =	vtrunc.f32 v36  }
0x48b: {  	v55 =	vcvt.f32.s32 v54;
	vm11 =	vgt.f32 v36, v54  }
0x48c: {  	v36 =	vsel vm11, $0x1, v2  }
0x48d: {  	v36 =	vadd.s32 v36, v55  }
0x48e: {  	v36 =	vadd.s32 v6, v36;
	_ =	sdelay $0x4  }
0x48f: {  	[tilespmem:v36+s12+$0x0] =	vst.idx.msk $0xffff, v1  }
0x490: {  	v36 =	vld [tilespmem:$0x40];
	_ =	sdelay $0x4  }
0x491: {  	v36 =	vsub.f32 v35, v36;
	_ =	sdelay $0x1  }
0x492: {  	v36 =	vadd.f32 $1.550000000e+01, v36;
	_ =	sdelay $0x1  }
0x493: {  	v36 =	vmax.f32 v36, $0.0e+00  }
0x494: {  	v36 =	vmin.f32 v36, $3.200000000e+01  }
0x495: {  	v56 =	vtrunc.f32 v36  }
0x496: {  	v57 =	vcvt.f32.s32 v56;
	vm12 =	vgt.f32 v36, v56  }
0x497: {  	v36 =	vsel vm12, $0x1, v2  }
0x498: {  	v36 =	vadd.s32 v36, v57  }
0x499: {  	v36 =	vadd.s32 v7, v36;
	_ =	sdelay $0x4  }
0x49a: {  	[tilespmem:v36+s12+$0x0] =	vst.idx.msk $0xffff, v1  }
0x49b: {  	v36 =	vld [tilespmem:$0x50];
	_ =	sdelay $0x4  }
0x49c: {  	v36 =	vsub.f32 v35, v36;
	_ =	sdelay $0x1  }
0x49d: {  	v36 =	vadd.f32 $1.550000000e+01, v36;
	_ =	sdelay $0x1  }
0x49e: {  	v36 =	vmax.f32 v36, $0.0e+00  }
0x49f: {  	v36 =	vmin.f32 v36, $3.200000000e+01  }
0x4a0: {  	v58 =	vtrunc.f32 v36  }
0x4a1: {  	v59 =	vcvt.f32.s32 v58;
	vm13 =	vgt.f32 v36, v58  }
0x4a2: {  	v36 =	vsel vm13, $0x1, v2  }
0x4a3: {  	v36 =	vadd.s32 v36, v59  }
0x4a4: {  	v36 =	vadd.s32 v8, v36;
	_ =	sdelay $0x4  }
0x4a5: {  	[tilespmem:v36+s12+$0x0] =	vst.idx.msk $0xffff, v1  }
0x4a6: {  	v36 =	vld [tilespmem:$0x60];
	_ =	sdelay $0x4  }
0x4a7: {  	v36 =	vsub.f32 v35, v36;
	_ =	sdelay $0x1  }
0x4a8: {  	v36 =	vadd.f32 $1.550000000e+01, v36;
	_ =	sdelay $0x1  }
0x4a9: {  	v36 =	vmax.f32 v36, $0.0e+00  }
0x4aa: {  	v36 =	vmin.f32 v36, $3.200000000e+01  }
0x4ab: {  	v60 =	vtrunc.f32 v36  }
0x4ac: {  	v61 =	vcvt.f32.s32 v60;
	vm14 =	vgt.f32 v36, v60  }
0x4ad: {  	v36 =	vsel vm14, $0x1, v2  }
0x4ae: {  	v36 =	vadd.s32 v36, v61  }
0x4af: {  	v36 =	vadd.s32 v9, v36;
	_ =	sdelay $0x4  }
0x4b0: {  	[tilespmem:v36+s12+$0x0] =	vst.idx.msk $0xffff, v1  }
0x4b1: {  	v36 =	vld [tilespmem:$0x70];
	_ =	sdelay $0x4  }
0x4b2: {  	v36 =	vsub.f32 v35, v36;
	_ =	sdelay $0x1  }
0x4b3: {  	v36 =	vadd.f32 $1.550000000e+01, v36;
	_ =	sdelay $0x1  }
0x4b4: {  	v36 =	vmax.f32 v36, $0.0e+00  }
0x4b5: {  	v36 =	vmin.f32 v36, $3.200000000e+01  }
0x4b6: {  	v62 =	vtrunc.f32 v36  }
0x4b7: {  	v63 =	vcvt.f32.s32 v62;
	vm15 =	vgt.f32 v36, v62  }
0x4b8: {  	v36 =	vsel vm15, $0x1, v2  }
0x4b9: {  	v36 =	vadd.s32 v36, v63  }
0x4ba: {  	v36 =	vadd.s32 v10, v36;
	_ =	sdelay $0x4  }
0x4bb: {  	[tilespmem:v36+s12+$0x0] =	vst.idx.msk $0xffff, v1  }
0x4bc: {  	v36 =	vld [tilespmem:$0x80];
	_ =	sdelay $0x4  }
0x4bd: {  	v36 =	vsub.f32 v35, v36;
	_ =	sdelay $0x1  }
0x4be: {  	v36 =	vadd.f32 $1.550000000e+01, v36;
	_ =	sdelay $0x1  }
0x4bf: {  	v36 =	vmax.f32 v36, $0.0e+00  }
0x4c0: {  	v36 =	vmin.f32 v36, $3.200000000e+01  }
0x4c1: {  	v40 =	vtrunc.f32 v36  }
0x4c2: {  	v41 =	vcvt.f32.s32 v40;
	vm4 =	vgt.f32 v36, v40  }
0x4c3: {  	v36 =	vsel vm4, $0x1, v2  }
0x4c4: {  	v36 =	vadd.s32 v36, v41  }
0x4c5: {  	v36 =	vadd.s32 v11, v36;
	_ =	sdelay $0x4  }
0x4c6: {  	[tilespmem:v36+s12+$0x0] =	vst.idx.msk $0xffff, v1  }
0x4c7: {  	v36 =	vld [tilespmem:$0x90];
	_ =	sdelay $0x4  }
0x4c8: {  	v36 =	vsub.f32 v35, v36;
	_ =	sdelay $0x1  }
0x4c9: {  	v36 =	vadd.f32 $1.550000000e+01, v36;
	_ =	sdelay $0x1  }
0x4ca: {  	v36 =	vmax.f32 v36, $0.0e+00  }
0x4cb: {  	v36 =	vmin.f32 v36, $3.200000000e+01  }
0x4cc: {  	v42 =	vtrunc.f32 v36  }
0x4cd: {  	v43 =	vcvt.f32.s32 v42;
	vm5 =	vgt.f32 v36, v42  }
0x4ce: {  	v36 =	vsel vm5, $0x1, v2  }
0x4cf: {  	v36 =	vadd.s32 v36, v43  }
0x4d0: {  	v36 =	vadd.s32 v12, v36;
	_ =	sdelay $0x4  }
0x4d1: {  	[tilespmem:v36+s12+$0x0] =	vst.idx.msk $0xffff, v1  }
0x4d2: {  	v36 =	vld [tilespmem:$0xA0];
	_ =	sdelay $0x4  }
0x4d3: {  	v36 =	vsub.f32 v35, v36;
	_ =	sdelay $0x1  }
0x4d4: {  	v36 =	vadd.f32 $1.550000000e+01, v36;
	_ =	sdelay $0x1  }
0x4d5: {  	v36 =	vmax.f32 v36, $0.0e+00  }
0x4d6: {  	v36 =	vmin.f32 v36, $3.200000000e+01  }
0x4d7: {  	v44 =	vtrunc.f32 v36  }
0x4d8: {  	v45 =	vcvt.f32.s32 v44;
	vm6 =	vgt.f32 v36, v44  }
0x4d9: {  	v36 =	vsel vm6, $0x1, v2  }
0x4da: {  	v36 =	vadd.s32 v36, v45  }
0x4db: {  	v36 =	vadd.s32 v13, v36;
	_ =	sdelay $0x4  }
0x4dc: {  	[tilespmem:v36+s12+$0x0] =	vst.idx.msk $0xffff, v1  }
0x4dd: {  	v36 =	vld [tilespmem:$0xB0];
	_ =	sdelay $0x4  }
0x4de: {  	v36 =	vsub.f32 v35, v36;
	_ =	sdelay $0x1  }
0x4df: {  	v36 =	vadd.f32 $1.550000000e+01, v36;
	_ =	sdelay $0x1  }
0x4e0: {  	v36 =	vmax.f32 v36, $0.0e+00  }
0x4e1: {  	v36 =	vmin.f32 v36, $3.200000000e+01  }
0x4e2: {  	v46 =	vtrunc.f32 v36  }
0x4e3: {  	v47 =	vcvt.f32.s32 v46;
	vm7 =	vgt.f32 v36, v46  }
0x4e4: {  	v36 =	vsel vm7, $0x1, v2  }
0x4e5: {  	v36 =	vadd.s32 v36, v47  }
0x4e6: {  	v36 =	vadd.s32 v14, v36;
	_ =	sdelay $0x4  }
0x4e7: {  	[tilespmem:v36+s12+$0x0] =	vst.idx.msk $0xffff, v1  }
0x4e8: {  	v36 =	vld [tilespmem:$0xC0];
	_ =	sdelay $0x4  }
0x4e9: {  	v36 =	vsub.f32 v35, v36;
	_ =	sdelay $0x1  }
0x4ea: {  	v36 =	vadd.f32 $1.550000000e+01, v36;
	_ =	sdelay $0x1  }
0x4eb: {  	v36 =	vmax.f32 v36, $0.0e+00  }
0x4ec: {  	v36 =	vmin.f32 v36, $3.200000000e+01  }
0x4ed: {  	v48 =	vtrunc.f32 v36  }
0x4ee: {  	v49 =	vcvt.f32.s32 v48;
	vm8 =	vgt.f32 v36, v48  }
0x4ef: {  	v36 =	vsel vm8, $0x1, v2  }
0x4f0: {  	v36 =	vadd.s32 v36, v49  }
0x4f1: {  	v36 =	vadd.s32 v15, v36;
	_ =	sdelay $0x4  }
0x4f2: {  	[tilespmem:v36+s12+$0x0] =	vst.idx.msk $0xffff, v1  }
0x4f3: {  	v36 =	vld [tilespmem:$0xD0];
	_ =	sdelay $0x4  }
0x4f4: {  	v36 =	vsub.f32 v35, v36;
	_ =	sdelay $0x1  }
0x4f5: {  	v36 =	vadd.f32 $1.550000000e+01, v36;
	_ =	sdelay $0x1  }
0x4f6: {  	v36 =	vmax.f32 v36, $0.0e+00  }
0x4f7: {  	v36 =	vmin.f32 v36, $3.200000000e+01  }
0x4f8: {  	v50 =	vtrunc.f32 v36  }
0x4f9: {  	v51 =	vcvt.f32.s32 v50;
	vm9 =	vgt.f32 v36, v50  }
0x4fa: {  	v36 =	vsel vm9, $0x1, v2  }
0x4fb: {  	v36 =	vadd.s32 v36, v51  }
0x4fc: {  	v36 =	vadd.s32 v16, v36;
	_ =	sdelay $0x4  }
0x4fd: {  	[tilespmem:v36+s12+$0x0] =	vst.idx.msk $0xffff, v1  }
0x4fe: {  	v36 =	vld [tilespmem:$0xE0];
	_ =	sdelay $0x4  }
0x4ff: {  	v36 =	vsub.f32 v35, v36;
	_ =	sdelay $0x1  }
0x500: {  	v36 =	vadd.f32 $1.550000000e+01, v36;
	_ =	sdelay $0x1  }
0x501: {  	v36 =	vmax.f32 v36, $0.0e+00  }
0x502: {  	v36 =	vmin.f32 v36, $3.200000000e+01  }
0x503: {  	v52 =	vtrunc.f32 v36  }
0x504: {  	v53 =	vcvt.f32.s32 v52;
	vm10 =	vgt.f32 v36, v52  }
0x505: {  	v36 =	vsel vm10, $0x1, v2  }
0x506: {  	v36 =	vadd.s32 v36, v53  }
0x507: {  	v36 =	vadd.s32 v17, v36;
	_ =	sdelay $0x4  }
0x508: {  	[tilespmem:v36+s12+$0x0] =	vst.idx.msk $0xffff, v1  }
0x509: {  	v36 =	vld [tilespmem:$0xF0];
	_ =	sdelay $0x4  }
0x50a: {  	v36 =	vsub.f32 v35, v36;
	_ =	sdelay $0x1  }
0x50b: {  	v36 =	vadd.f32 $1.550000000e+01, v36;
	_ =	sdelay $0x1  }
0x50c: {  	v36 =	vmax.f32 v36, $0.0e+00  }
0x50d: {  	v36 =	vmin.f32 v36, $3.200000000e+01  }
0x50e: {  	v54 =	vtrunc.f32 v36  }
0x50f: {  	v55 =	vcvt.f32.s32 v54;
	vm11 =	vgt.f32 v36, v54  }
0x510: {  	v36 =	vsel vm11, $0x1, v2  }
0x511: {  	v36 =	vadd.s32 v36, v55  }
0x512: {  	v36 =	vadd.s32 v18, v36;
	_ =	sdelay $0x4  }
0x513: {  	[tilespmem:v36+s12+$0x0] =	vst.idx.msk $0xffff, v1  }
0x514: {  	v36 =	vld [tilespmem:$0x100];
	_ =	sdelay $0x4  }
0x515: {  	v36 =	vsub.f32 v35, v36;
	_ =	sdelay $0x1  }
0x516: {  	v36 =	vadd.f32 $1.550000000e+01, v36;
	_ =	sdelay $0x1  }
0x517: {  	v36 =	vmax.f32 v36, $0.0e+00  }
0x518: {  	v36 =	vmin.f32 v36, $3.200000000e+01  }
0x519: {  	v56 =	vtrunc.f32 v36  }
0x51a: {  	v57 =	vcvt.f32.s32 v56;
	vm12 =	vgt.f32 v36, v56  }
0x51b: {  	v36 =	vsel vm12, $0x1, v2  }
0x51c: {  	v36 =	vadd.s32 v36, v57  }
0x51d: {  	v36 =	vadd.s32 v19, v36;
	_ =	sdelay $0x4  }
0x51e: {  	[tilespmem:v36+s12+$0x0] =	vst.idx.msk $0xffff, v1  }
0x51f: {  	v36 =	vld [tilespmem:$0x110];
	_ =	sdelay $0x4  }
0x520: {  	v36 =	vsub.f32 v35, v36;
	_ =	sdelay $0x1  }
0x521: {  	v36 =	vadd.f32 $1.550000000e+01, v36;
	_ =	sdelay $0x1  }
0x522: {  	v36 =	vmax.f32 v36, $0.0e+00  }
0x523: {  	v36 =	vmin.f32 v36, $3.200000000e+01  }
0x524: {  	v58 =	vtrunc.f32 v36  }
0x525: {  	v59 =	vcvt.f32.s32 v58;
	vm13 =	vgt.f32 v36, v58  }
0x526: {  	v36 =	vsel vm13, $0x1, v2  }
0x527: {  	v36 =	vadd.s32 v36, v59  }
0x528: {  	v36 =	vadd.s32 v20, v36;
	_ =	sdelay $0x4  }
0x529: {  	[tilespmem:v36+s12+$0x0] =	vst.idx.msk $0xffff, v1  }
0x52a: {  	v36 =	vld [tilespmem:$0x120];
	_ =	sdelay $0x4  }
0x52b: {  	v36 =	vsub.f32 v35, v36;
	_ =	sdelay $0x1  }
0x52c: {  	v36 =	vadd.f32 $1.550000000e+01, v36;
	_ =	sdelay $0x1  }
0x52d: {  	v36 =	vmax.f32 v36, $0.0e+00  }
0x52e: {  	v36 =	vmin.f32 v36, $3.200000000e+01  }
0x52f: {  	v60 =	vtrunc.f32 v36  }
0x530: {  	v61 =	vcvt.f32.s32 v60;
	vm14 =	vgt.f32 v36, v60  }
0x531: {  	v36 =	vsel vm14, $0x1, v2  }
0x532: {  	v36 =	vadd.s32 v36, v61  }
0x533: {  	v36 =	vadd.s32 v21, v36;
	_ =	sdelay $0x4  }
0x534: {  	[tilespmem:v36+s12+$0x0] =	vst.idx.msk $0xffff, v1  }
0x535: {  	v36 =	vld [tilespmem:$0x130];
	_ =	sdelay $0x4  }
0x536: {  	v36 =	vsub.f32 v35, v36;
	_ =	sdelay $0x1  }
0x537: {  	v36 =	vadd.f32 $1.550000000e+01, v36;
	_ =	sdelay $0x1  }
0x538: {  	v36 =	vmax.f32 v36, $0.0e+00  }
0x539: {  	v36 =	vmin.f32 v36, $3.200000000e+01  }
0x53a: {  	v62 =	vtrunc.f32 v36  }
0x53b: {  	v63 =	vcvt.f32.s32 v62;
	vm15 =	vgt.f32 v36, v62  }
0x53c: {  	v36 =	vsel vm15, $0x1, v2  }
0x53d: {  	v36 =	vadd.s32 v36, v63  }
0x53e: {  	v36 =	vadd.s32 v22, v36;
	_ =	sdelay $0x4  }
0x53f: {  	[tilespmem:v36+s12+$0x0] =	vst.idx.msk $0xffff, v1  }
0x540: {  	v36 =	vld [tilespmem:$0x140];
	_ =	sdelay $0x4  }
0x541: {  	v36 =	vsub.f32 v35, v36;
	_ =	sdelay $0x1  }
0x542: {  	v36 =	vadd.f32 $1.550000000e+01, v36;
	_ =	sdelay $0x1  }
0x543: {  	v36 =	vmax.f32 v36, $0.0e+00  }
0x544: {  	v36 =	vmin.f32 v36, $3.200000000e+01  }
0x545: {  	v40 =	vtrunc.f32 v36  }
0x546: {  	v41 =	vcvt.f32.s32 v40;
	vm4 =	vgt.f32 v36, v40  }
0x547: {  	v36 =	vsel vm4, $0x1, v2  }
0x548: {  	v36 =	vadd.s32 v36, v41  }
0x549: {  	v36 =	vadd.s32 v23, v36;
	_ =	sdelay $0x4  }
0x54a: {  	[tilespmem:v36+s12+$0x0] =	vst.idx.msk $0xffff, v1  }
0x54b: {  	v36 =	vld [tilespmem:$0x150];
	_ =	sdelay $0x4  }
0x54c: {  	v36 =	vsub.f32 v35, v36;
	_ =	sdelay $0x1  }
0x54d: {  	v36 =	vadd.f32 $1.550000000e+01, v36;
	_ =	sdelay $0x1  }
0x54e: {  	v36 =	vmax.f32 v36, $0.0e+00  }
0x54f: {  	v36 =	vmin.f32 v36, $3.200000000e+01  }
0x550: {  	v42 =	vtrunc.f32 v36  }
0x551: {  	v43 =	vcvt.f32.s32 v42;
	vm5 =	vgt.f32 v36, v42  }
0x552: {  	v36 =	vsel vm5, $0x1, v2  }
0x553: {  	v36 =	vadd.s32 v36, v43  }
0x554: {  	v36 =	vadd.s32 v24, v36;
	_ =	sdelay $0x4  }
0x555: {  	[tilespmem:v36+s12+$0x0] =	vst.idx.msk $0xffff, v1  }
0x556: {  	v36 =	vld [tilespmem:$0x160];
	_ =	sdelay $0x4  }
0x557: {  	v36 =	vsub.f32 v35, v36;
	_ =	sdelay $0x1  }
0x558: {  	v36 =	vadd.f32 $1.550000000e+01, v36;
	_ =	sdelay $0x1  }
0x559: {  	v36 =	vmax.f32 v36, $0.0e+00  }
0x55a: {  	v36 =	vmin.f32 v36, $3.200000000e+01  }
0x55b: {  	v44 =	vtrunc.f32 v36  }
0x55c: {  	v45 =	vcvt.f32.s32 v44;
	vm6 =	vgt.f32 v36, v44  }
0x55d: {  	v36 =	vsel vm6, $0x1, v2  }
0x55e: {  	v36 =	vadd.s32 v36, v45  }
0x55f: {  	v36 =	vadd.s32 v25, v36;
	_ =	sdelay $0x4  }
0x560: {  	[tilespmem:v36+s12+$0x0] =	vst.idx.msk $0xffff, v1  }
0x561: {  	v36 =	vld [tilespmem:$0x170];
	_ =	sdelay $0x4  }
0x562: {  	v36 =	vsub.f32 v35, v36;
	_ =	sdelay $0x1  }
0x563: {  	v36 =	vadd.f32 $1.550000000e+01, v36;
	_ =	sdelay $0x1  }
0x564: {  	v36 =	vmax.f32 v36, $0.0e+00  }
0x565: {  	v36 =	vmin.f32 v36, $3.200000000e+01  }
0x566: {  	v46 =	vtrunc.f32 v36  }
0x567: {  	v47 =	vcvt.f32.s32 v46;
	vm7 =	vgt.f32 v36, v46  }
0x568: {  	v36 =	vsel vm7, $0x1, v2  }
0x569: {  	v36 =	vadd.s32 v36, v47  }
0x56a: {  	v36 =	vadd.s32 v26, v36;
	_ =	sdelay $0x4  }
0x56b: {  	[tilespmem:v36+s12+$0x0] =	vst.idx.msk $0xffff, v1  }
0x56c: {  	v36 =	vld [tilespmem:$0x180];
	_ =	sdelay $0x4  }
0x56d: {  	v36 =	vsub.f32 v35, v36;
	_ =	sdelay $0x1  }
0x56e: {  	v36 =	vadd.f32 $1.550000000e+01, v36;
	_ =	sdelay $0x1  }
0x56f: {  	v36 =	vmax.f32 v36, $0.0e+00  }
0x570: {  	v36 =	vmin.f32 v36, $3.200000000e+01  }
0x571: {  	v48 =	vtrunc.f32 v36  }
0x572: {  	v49 =	vcvt.f32.s32 v48;
	vm8 =	vgt.f32 v36, v48  }
0x573: {  	v36 =	vsel vm8, $0x1, v2  }
0x574: {  	v36 =	vadd.s32 v36, v49  }
0x575: {  	v36 =	vadd.s32 v27, v36;
	_ =	sdelay $0x4  }
0x576: {  	[tilespmem:v36+s12+$0x0] =	vst.idx.msk $0xffff, v1  }
0x577: {  	v36 =	vld [tilespmem:$0x190];
	_ =	sdelay $0x4  }
0x578: {  	v36 =	vsub.f32 v35, v36;
	_ =	sdelay $0x1  }
0x579: {  	v36 =	vadd.f32 $1.550000000e+01, v36;
	_ =	sdelay $0x1  }
0x57a: {  	v36 =	vmax.f32 v36, $0.0e+00  }
0x57b: {  	v36 =	vmin.f32 v36, $3.200000000e+01  }
0x57c: {  	v50 =	vtrunc.f32 v36  }
0x57d: {  	v51 =	vcvt.f32.s32 v50;
	vm9 =	vgt.f32 v36, v50  }
0x57e: {  	v36 =	vsel vm9, $0x1, v2  }
0x57f: {  	v36 =	vadd.s32 v36, v51  }
0x580: {  	v36 =	vadd.s32 v28, v36;
	_ =	sdelay $0x4  }
0x581: {  	[tilespmem:v36+s12+$0x0] =	vst.idx.msk $0xffff, v1  }
0x582: {  	v36 =	vld [tilespmem:$0x1A0];
	_ =	sdelay $0x4  }
0x583: {  	v36 =	vsub.f32 v35, v36;
	_ =	sdelay $0x1  }
0x584: {  	v36 =	vadd.f32 $1.550000000e+01, v36;
	_ =	sdelay $0x1  }
0x585: {  	v36 =	vmax.f32 v36, $0.0e+00  }
0x586: {  	v36 =	vmin.f32 v36, $3.200000000e+01  }
0x587: {  	v52 =	vtrunc.f32 v36  }
0x588: {  	v53 =	vcvt.f32.s32 v52;
	vm10 =	vgt.f32 v36, v52  }
0x589: {  	v36 =	vsel vm10, $0x1, v2  }
0x58a: {  	v36 =	vadd.s32 v36, v53  }
0x58b: {  	v36 =	vadd.s32 v29, v36;
	_ =	sdelay $0x4  }
0x58c: {  	[tilespmem:v36+s12+$0x0] =	vst.idx.msk $0xffff, v1  }
0x58d: {  	v36 =	vld [tilespmem:$0x1B0];
	_ =	sdelay $0x4  }
0x58e: {  	v36 =	vsub.f32 v35, v36;
	_ =	sdelay $0x1  }
0x58f: {  	v36 =	vadd.f32 $1.550000000e+01, v36;
	_ =	sdelay $0x1  }
0x590: {  	v36 =	vmax.f32 v36, $0.0e+00  }
0x591: {  	v36 =	vmin.f32 v36, $3.200000000e+01  }
0x592: {  	v54 =	vtrunc.f32 v36  }
0x593: {  	v55 =	vcvt.f32.s32 v54;
	vm11 =	vgt.f32 v36, v54  }
0x594: {  	v36 =	vsel vm11, $0x1, v2  }
0x595: {  	v36 =	vadd.s32 v36, v55  }
0x596: {  	v36 =	vadd.s32 v30, v36;
	_ =	sdelay $0x4  }
0x597: {  	[tilespmem:v36+s12+$0x0] =	vst.idx.msk $0xffff, v1  }
0x598: {  	v36 =	vld [tilespmem:$0x1C0];
	_ =	sdelay $0x4  }
0x599: {  	v36 =	vsub.f32 v35, v36;
	_ =	sdelay $0x1  }
0x59a: {  	v36 =	vadd.f32 $1.550000000e+01, v36;
	_ =	sdelay $0x1  }
0x59b: {  	v36 =	vmax.f32 v36, $0.0e+00  }
0x59c: {  	v36 =	vmin.f32 v36, $3.200000000e+01  }
0x59d: {  	v56 =	vtrunc.f32 v36  }
0x59e: {  	v57 =	vcvt.f32.s32 v56;
	vm12 =	vgt.f32 v36, v56  }
0x59f: {  	v36 =	vsel vm12, $0x1, v2  }
0x5a0: {  	v36 =	vadd.s32 v36, v57  }
0x5a1: {  	v36 =	vadd.s32 v31, v36;
	_ =	sdelay $0x4  }
0x5a2: {  	[tilespmem:v36+s12+$0x0] =	vst.idx.msk $0xffff, v1  }
0x5a3: {  	v36 =	vld [tilespmem:$0x1D0];
	_ =	sdelay $0x4  }
0x5a4: {  	v36 =	vsub.f32 v35, v36;
	_ =	sdelay $0x1  }
0x5a5: {  	v36 =	vadd.f32 $1.550000000e+01, v36;
	_ =	sdelay $0x1  }
0x5a6: {  	v36 =	vmax.f32 v36, $0.0e+00  }
0x5a7: {  	v36 =	vmin.f32 v36, $3.200000000e+01  }
0x5a8: {  	v58 =	vtrunc.f32 v36  }
0x5a9: {  	v59 =	vcvt.f32.s32 v58;
	vm13 =	vgt.f32 v36, v58  }
0x5aa: {  	v36 =	vsel vm13, $0x1, v2  }
0x5ab: {  	v36 =	vadd.s32 v36, v59  }
0x5ac: {  	v36 =	vadd.s32 v32, v36;
	_ =	sdelay $0x4  }
0x5ad: {  	[tilespmem:v36+s12+$0x0] =	vst.idx.msk $0xffff, v1  }
0x5ae: {  	v36 =	vld [tilespmem:$0x1E0];
	_ =	sdelay $0x4  }
0x5af: {  	v36 =	vsub.f32 v35, v36;
	_ =	sdelay $0x1  }
0x5b0: {  	v36 =	vadd.f32 $1.550000000e+01, v36;
	_ =	sdelay $0x1  }
0x5b1: {  	v36 =	vmax.f32 v36, $0.0e+00  }
0x5b2: {  	v36 =	vmin.f32 v36, $3.200000000e+01  }
0x5b3: {  	v60 =	vtrunc.f32 v36  }
0x5b4: {  	v61 =	vcvt.f32.s32 v60;
	vm14 =	vgt.f32 v36, v60  }
0x5b5: {  	v36 =	vsel vm14, $0x1, v2  }
0x5b6: {  	v36 =	vadd.s32 v36, v61  }
0x5b7: {  	v36 =	vadd.s32 v33, v36;
	_ =	sdelay $0x4  }
0x5b8: {  	[tilespmem:v36+s12+$0x0] =	vst.idx.msk $0xffff, v1  }
0x5b9: {  	v36 =	vld [tilespmem:$0x1F0];
	_ =	sdelay $0x4  }
0x5ba: {  	v35 =	vsub.f32 v35, v36;
	_ =	sdelay $0x1  }
0x5bb: {  	v35 =	vadd.f32 $1.550000000e+01, v35;
	_ =	sdelay $0x1  }
0x5bc: {  	v35 =	vmax.f32 v35, $0.0e+00  }
0x5bd: {  	v35 =	vmin.f32 v35, $3.200000000e+01  }
0x5be: {  	v62 =	vtrunc.f32 v35  }
0x5bf: {  	v63 =	vcvt.f32.s32 v62;
	vm15 =	vgt.f32 v35, v62  }
0x5c0: {  	v35 =	vsel vm15, $0x1, v2  }
0x5c1: {  	v35 =	vadd.s32 v35, v63  }
0x5c2: {  	v35 =	vadd.s32 v34, v35  }
.Ltmp7:
0x5c3: {  	_ = 	snop;
	(pc) =	sbr.rel .LBB2_8-.Ltmp7, $2  }
0x5c4: {  	_ =	sdelay $0x2  }
0x5c5: {  	[tilespmem:v35+s12+$0x0] =	vst.idx.msk $0xffff, v1  }
.LBB2_10:
0x5c6: {  	_ =	sfence.sel $0x180000  }
0x5c7: {  	[bflag:$0x0] =	sbarrier.arrive $0xFFFF  }
0x5c8: {  	p0 =	sne.s32 s2, $0x0;
	_ =	strace $0x90000047  }
0x5c9: {  	s0 =	sadd.s32 @!p0 $0x100000, s0;
	[bflag:$0x2] =	sbarrier.arrive $0xFFFF  }
0x5ca: {  	[sflag:s0] =	ssyncadd.tile.s32 @!p0 $0x1;
	_ =	shalt  }
.Lfunc_end2:
_tile_overlayer_lowered:
.L_overlay_start_2:
0x5cb: {  	(tag) =	ssettag $0x2  }
0x5cc: {  	s0 =	rddreg [dreg:$0x0];
	s2 =	stileid.u32  }
0x5cd: {  	s1 =	rddreg [dreg:$0x1];
	p0 =	sne.s32 s2, $0x0  }
0x5ce: {  	s3 =	rddreg [dreg:$0x2];
	[bflag:$0x3] =	sbarrier.arrive $0xFFFF;
	s2 =	simm.s32 @!p0 $0x1C03  }
0x5cf: {  	[timem:s3], [sflag:s2] =	dma.local @!p0 [hbm:s0], s1  }
0x5d0: {  	s0 =	simm.s32 @!p0 $0x3  }
0x5d1: {  	_ =	swait.ge @!p0 [sflag:s0], s1  }
0x5d2: {  	s1 =	ssub.s32 @!p0 $0x0, s1;
	[sflag:s0] =	ssyncset.done @!p0 $0x0  }
0x5d3: {  	[sflag:s0] =	ssyncadd.s32 @!p0 s1  }
0x5d4: {  	[bflag:$0x3] =	sbarrier.arrive $0xFFFF  }
0x5d5: {  	_ =	shalt  }

// kernel: sparse-core-data-format-call.cloned.1.call-start
scs
called_computation_lowered:
.L_overlay_start_0:
0x0: {  	s2 =	sld [smem:$0x3FD9]  }
0x1: {  	s3 =	sld [smem:$0x3FFE];
	_ =	sdelay $0x1  }
0x2: {  	s1 =	srdreg.scid  }
0x3: {  	s0 =	sand.u32 $0x1, s1  }
0x4: {  	s18 =	sshll.u32 s0, $0xA;
	s2 =	sadd.s32 s3, s2  }
0x5: {  	s2 =	sadd.s32 s2, s18  }
0x6: {  	[smem:$0x3FC7] =	sst s2  }
0x7: {  	_ = 	snop  }
0x8: {  	s2 =	sld [smem:$0x3FD0];
	(tm) =	ssettm $0x1  }
0x9: {  	s19 =	sld [smem:$0x3FFB];
	_ =	sdelay $0x3  }
0xa: {  	_ =	strace s19  }
0xb: {  	s3 =	sld [smem:$0x3FFC];
	_ =	sdelay $0x3  }
0xc: {  	_ =	strace s3  }
0xd: {  	s3 =	sld [smem:$0x3FFD];
	_ =	sdelay $0x3  }
0xe: {  	_ =	strace s3  }
0xf: {  	_ =	strace $0x8FFFFFFF  }
0x10: {  	s20 =	sld [smem:$0x3FDB];
	_ =	sdelay $0x1  }
0x11: {  	s4 =	simm.s32 $_scs_section_size  }
0x12: {  	s5 =	simm.s32 $_size__tile_overlayer_lowered;
	s6 =	simm.s32 $_tile_overlayer_lowered  }
0x13: {  	s23 =	simm.s32 $0x1BFF;
	s22 =	sshll.u32 s6, $0x1;
	s3 =	sadd.s32 s4, s20  }
0x14: {  	s7 =	simm.s32 $0x0;
	s21 =	sshll.u32 s5, $0x1;
	s5 =	sadd.s32 s22, s3  }
0x15: {  	[timem:s7], [sflag:s23] =	dma.local [hbm:s5], s21  }
0x16: {  	_ =	swait.ge [sflag:s23], s21  }
0x17: {  	s4 =	ssub.s32 $0x0, s21;
	[sflag:s23] =	ssyncset.done $0x0  }
0x18: {  	[sflag:s23] =	ssyncadd.s32 s4;
	_ =	sdelay $0x1  }
0x19: {  	s24 =	simm.s32 $0x1B8B  }
0x1a: {  	_ =	swait.ge [sflag:s24], $0x1  }
0x1b: {  	[sflag:s24] =	ssyncset.done $0x0  }
0x1c: {  	s26 =	simm.s32 $0x1B8E;
	s25 =	sld [smem:$0x3FFE];
	[sflag:s24] =	ssyncadd.s32 $0xFFFFFFFF  }
0x1d: {  	s27 =	simm.s32 $execute0_lowered;
	[smem:$0x3FD2] =	sst s26  }
0x1e: {  	s5 =	sshll.u32 s27, $0x1;
	_ =	strace $0x80000049;
	[dreg:$0x1] =	wrdreg $0xFFFFFFFF  }
0x1f: {  	s28 =	simm.s32 $_size_execute0_lowered;
	s3 =	sadd.s32 s3, s5;
	[dreg:$0x0] =	wrdreg $0x0  }
0x20: {  	s5 =	sshll.u32 s28, $0x1;
	[dreg:$0x2] =	wrdreg s3  }
0x21: {  	[dreg:$0x3] =	wrdreg s5  }
0x22: {  	[dreg:$0x4] =	wrdreg $0xC0  }
0x23: {  	_ =	task [dreg:s7], $0x5FFFF  }
0x24: {  	[dreg:$0x1] =	wrdreg $0xFFFFFFFF  }
0x25: {  	[dreg:$0x0] =	wrdreg $0x60  }
0x26: {  	[dreg:$0x2] =	wrdreg s25  }
0x27: {  	[dreg:$0x3] =	wrdreg s2  }
0x28: {  	[dreg:$0x4] =	wrdreg $0x9  }
0x29: {  	_ =	task.clear_ibuf [dreg:s7], $0x5FFFF;
	_ =	strace $0x90000049  }
0x2a: {  	s29 =	simm.s32 $0x9;
	_ =	strace $0x8000004B  }
0x2b: {  	_ =	swait.ge [sflag:s29], $0x1  }
0x2c: {  	[sflag:s29] =	ssyncadd.s32 $0xFFFFFFFF  }
0x2d: {  	_ =	strace $0x9000004B  }
0x2e: {  	_ =	sfence  }
0x2f: {  	s30 =	sld [smem:$0x0];
	_ =	sdelay $0x2  }
0x30: {  	s31 =	sshll.u32 s1, $0xD;
	s1 =	sshrl.u32 s1, $0x2  }
0x31: {  	s3 =	sand.u32 $0x4000, s31;
	s1 =	sadd.s32 s1, s30  }
0x32: {  	s0 =	sor.u32 s3, s0;
	s1 =	sshll.u32 s1, $0x11  }
0x33: {  	s0 =	sor.u32 s1, s0  }
0x34: {  	s0 =	sadd.s32 $0x8F2B, s0  }
0x35: {  	[sflag:s0] =	ssyncadd.remote.s32 $0x1  }
0x36: {  	_ =	sfence.sel $0xFFFF  }
0x37: {  	[dreg:$0x0] =	wrdreg $0xFFFFFFFF;
	(pc) =	sbr.abs _section_cstart, $3  }
0x38: {  	[dreg:$0x1] =	wrdreg $0xFFFFFFFF  }
0x39: {  	_ =	task.clear_ibuf [dreg:s7], $0x2FFFF;
	_ =	strace $0x9FFFFFFF  }
0x3a: {  	(tm) =	ssettm $0x7FFFFFFF  }
0x3b: {  	_ =	shalt  }
tec
execute0_lowered:
.L_overlay_start_1:
0x0: {  	(tag) =	ssettag $0x1  }
0x1: {  	s0 =	stileid.u32  }
0x2: {  	s2 =	srdreg.scid;
	s7 =	rddreg [dreg:$0x0];
	s9 =	simm.s32 $0x2  }
0x3: {  	s19 =	simm.s32 $0x0;
	s10 =	simm.s32 $0x1000;
	s1 =	sshll.u32 s0, $0x7  }
0x4: {  	s17 =	simm.s32 $0x0;
	s2 =	sshll.u32 s2, $0x7;
	s1 =	sand.u32 $0x180, s1  }
0x5: {  	s18 =	simm.s32 $0x0;
	s2 =	sand.u32 $0x80, s2;
	s3 =	ssub.s32 $0x200, s1  }
0x6: {  	s4 =	ssub.s32 $0x200, s2;
	s5 =	sshrl.u32 s3, $0x9;
	s3 =	sand.u32 $0x180, s3  }
0x7: {  	s6 =	sshrl.u32 s4, $0x7;
	p0 =	sne.s32 s3, $0x0;
	s3 =	simm.s32 $0x1  }
0x8: {  	s8 =	sshrl.u32 s4, $0x8;
	s6 =	sand.u32 $0x1, s6;
	s3 =	simm.s32 @!p0 $0x0  }
0x9: {  	s16 =	simm.s32 $0x0;
	s6 =	sadd.s32 s8, s6;
	s5 =	sadd.s32 s3, s5  }
0xa: {  	s13 =	simm.s32 $0x0;
	s15 =	simm.s32 $0x0;
	s6 =	smul.u32 s6, s5  }
.Ltmp0:
0xb: {  	s7 =	sadd.s32 $0x800, s7;
	s4 =	rddreg [dreg:$0x1];
	(pc) =	sbr.rel .LBB1_1-.Ltmp0, $4  }
0xc: {  	s11 =	smov.u32 s2;
	s14 =	smov.u32 s1;
	s3 =	rddreg [dreg:$0x2]  }
0xd: {  	_ =	strace $0x8000004A;
	s5 =	simm.s32 $0x1;
	s6 =	smul.u32 $0x21, s6  }
0xe: {  	s8 =	sshrl.u32 s0, $0x2;
	p0 =	por $0x0, $0x0;
	[sflag:s5] =	ssyncpa.u1 $0x0  }
0xf: {  	s12 =	smov.u32 s8;
	[sflag:s9] =	ssyncpa.u1 $0x0;
	s9 =	sadd.s32 $0x1, s6  }
.LBB1_4:
0x10: {  	v5 =	vld [tilespmem:s21+$0xFFFFFFD0];
	[tilespmem:s23+$0x2040 ss:$0x81] =	vst.msk $0xffff, v2  }
0x11: {  	v58 =	vld [tilespmem:s21+$0xFFFFFFE0];
	[tilespmem:s23+$0x2850 ss:$0x81] =	vst.msk $0xffff, v3  }
0x12: {  	s24 =	sshra.s32 s24, $0x2;
	v59 =	vld [tilespmem:s21+$0xFFFFFFF0];
	[tilespmem:s23+$0x3060 ss:$0x81] =	vst.msk $0xffff, v4  }
0x13: {  	v60 =	vld [tilespmem:s21+$0x0];
	[tilespmem:s23+$0x0 ss:$0x81] =	vst.msk $0xffff, v0;
	s22 =	sadd.s32 s24, s22  }
0x14: {  	s25 =	sshll.u32 s16, $0x3;
	v61 =	vld [tilespmem:s21+$0x10];
	s26 =	sshll.u32 s19, $0x7;
	s28 =	sand.u32 $0x78, s16;
	[tilespmem:s22+$0x3870 ss:$0x81] =	vst.msk $0xffff, v1  }
0x15: {  	v62 =	vld [tilespmem:s21+$0x20];
	s17 =	smul.u32 $0x108000, s17;
	s18 =	sshll.u32 s18, $0xF;
	s24 =	sshll.u32 s19, $0x9;
	[tilespmem:s22+$0x810 ss:$0x81] =	vst.msk $0xffff, v5  }
0x16: {  	v63 =	vld [tilespmem:s21+$0xFFFFFFC0];
	s30 =	sand.u32 $0x7, s16;
	s23 =	sand.u32 $0x3F000, s24;
	s24 =	sand.u32 $0x3FC00, s25;
	[tilespmem:s22+$0x1020 ss:$0x81] =	vst.msk $0xffff, v58  }
0x17: {  	s27 =	sand.u32 $0x200, s26;
	s19 =	sand.u32 $0x180, s26;
	s23 =	sadd.s32 s24, s23;
	[tilespmem:s22+$0x1830 ss:$0x81] =	vst.msk $0xffff, v59  }
0x18: {  	s18 =	sadd.s32 s4, s18;
	s19 =	sor.u32 s28, s19;
	s23 =	sor.u32 s27, s23;
	[tilespmem:s22+$0x2040 ss:$0x81] =	vst.msk $0xffff, v60  }
0x19: {  	s17 =	sadd.s32 s17, s18;
	s19 =	sshrl.u32 s19, $0x3;
	s29 =	sshrl.u32 s23, $0x3;
	[tilespmem:s22+$0x2850 ss:$0x81] =	vst.msk $0xffff, v61  }
0x1a: {  	s16 =	sshll.u32 s30, $0x12;
	s17 =	sadd.s32 s19, s17;
	[tilespmem:s22+$0x3060 ss:$0x81] =	vst.msk $0xffff, v62;
	s31 =	sand.u32 $0x7FC0, s29  }
0x1b: {  	s16 =	sor.u32 $0x400, s16;
	[tilespmem:s22+$0x0 ss:$0x81] =	vst.msk $0xffff, v63;
	s17 =	sadd.s32 s31, s17  }
0x1c: {  	[hbm4b:s17+s16] =	stream.strided.scatter [tilespmem:s20], [sflag:$0x2], $0x4000, s10, s16, $0x20;
	[tilespmem:$0x10100] =	vst v63  }
.LBB1_5:
0x1d: {  	s20 =	sadd.s32 $0x100, s11  }
0x1e: {  	s16 =	sadd.s32 $0x4, s12;
	s21 =	smov.u32 s12;
	p2 =	sgt.s32 s20, $0x1FF  }
0x1f: {  	s21 =	smov.u32 @p2 s16  }
0x20: {  	s16 =	simm.s32 $0x1;
	p3 =	sgt.s32 s21, $0x3  }
0x21: {  	s16 =	simm.s32 @!p3 $0x0  }
0x22: {  	s22 =	sadd.s32 s16, s13  }
0x23: {  	s23 =	smov.u32 s14;
	s16 =	sadd.s32 $0x200, s14;
	p4 =	sgt.s32 s22, $0x20  }
0x24: {  	p1 =	slt.u32 s15, $0x2;
	s23 =	smov.u32 @p4 s16  }
0x25: {  	s19 =	smov.u32 s11;
	s20 =	smov.u32 @p2 s2;
	p2 =	sgt.s32 s23, $0x1FF  }
0x26: {  	s24 =	simm.s32 @!p1 $0x2;
	s23 =	smov.u32 @p2 s1;
	p2 =	sne.s32 s15, s9  }
.Ltmp1:
0x27: {  	s17 =	smov.u32 s12;
	_ =	swait.ge @!p1 [sflag:s24], $0x4000;
	(pc) =	sbr.rel @!p2 .LBB1_6-.Ltmp1, $4  }
0x28: {  	s18 =	smov.u32 s13;
	p0 =	por !p0, !p0;
	[sflag:s24] =	ssyncset.done @!p1 $0x0  }
0x29: {  	s11 =	smov.u32 s20;
	s21 =	smov.u32 @p3 s8;
	[sflag:s24] =	ssyncadd.s32 @!p1 $0xFFFFC000  }
0x2a: {  	s12 =	smov.u32 s21;
	s22 =	simm.s32 @p4 $0x0;
	s16 =	smov.u32 s14  }
0x2b: {  	s13 =	smov.u32 s22;
	s15 =	sadd.s32 $0x1, s15;
	s14 =	smov.u32 s23  }
.LBB1_1:
0x2c: {  	p1 =	sge.u32 s15, s6  }
0x2d: {  	s31 =	sadd.s32 $0xFFFFFFFF, s15;
	s20 =	sxor.u32 @!p1 $0xFFFFFFFF, s15;
	s21 =	sshll.u32 @!p1 s12, $0x7  }
0x2e: {  	s22 =	sand.u32 @!p1 $0x78, s11;
	s23 =	smul.u32 @!p1 $0x2100, s14;
	s24 =	sshrl.u32 @!p1 s11, $0x1  }
0x2f: {  	s20 =	sshll.u32 @!p1 s20, $0xE;
	s21 =	sand.u32 @!p1 $0x180, s21;
	s24 =	sand.u32 @!p1 $0xC0, s24  }
0x30: {  	s21 =	sor.u32 @!p1 s22, s21;
	s22 =	sshll.u32 @!p1 s13, $0x8;
	s23 =	sadd.s32 @!p1 s7, s23  }
0x31: {  	s20 =	sand.u32 @!p1 $0x4000, s20;
	s22 =	sadd.s32 @!p1 s22, s23;
	s23 =	sand.u32 @!p1 $0x7, s11  }
0x32: {  	s21 =	sshrl.u32 @!p1 s21, $0x3;
	s22 =	sadd.s32 @!p1 s24, s22;
	s23 =	sshll.u32 @!p1 s23, $0x12  }
0x33: {  	s21 =	sadd.s32 @!p1 s21, s22;
	s22 =	sor.u32 @!p1 $0x80, s23;
	s23 =	simm.s32 @!p1 $0x10800  }
0x34: {  	[tilespmem:s20], [sflag:$0x1] =	stream.strided.gather @!p1 [hbm4b:s21+s22], $0x4000, s23, s22, $0x38;
	[tilespmem:$0x10100] =	vst v63  }
0x35: {  	p1 =	sge.u32 s31, s6  }
.Ltmp2:
0x36: {  	_ = 	snop;
	(pc) =	sbr.rel @p1 .LBB1_5-.Ltmp2, $1  }
0x37: {  	_ =	sdelay $0x3  }
0x38: {  	s20 =	simm.s32 $0x1  }
0x39: {  	_ =	swait.ge [sflag:s5], $0x4000;
	s20 =	simm.s32 @!p0 $0x0  }
0x3a: {  	[sflag:s5] =	ssyncset.done $0x0;
	s21 =	sshll.u32 s20, $0xE  }
0x3b: {  	[sflag:s5] =	ssyncadd.s32 $0xFFFFC000;
	s21 =	sor.u32 $0x40, s21  }
0x3c: {  	s20 =	smul.u32 $0x10200, s20;
	v0 =	vld [tilespmem:s21+$0x30]  }
0x3d: {  	v1 =	vld [tilespmem:s21+$0xFFFFFFD0]  }
0x3e: {  	s20 =	sshrl.u32 s20, $0x2;
	v5 =	vld [tilespmem:s21+$0xFFFFFFE0]  }
0x3f: {  	v6 =	vld [tilespmem:s21+$0xFFFFFFF0];
	s22 =	sor.u32 $0x8000, s20  }
0x40: {  	s31 =	sand.u32 $0x1, s15;
	v2 =	vld [tilespmem:s21+$0x0];
	s23 =	sadd.s32 $0x0, s22  }
0x41: {  	v3 =	vld [tilespmem:s21+$0x10];
	s20 =	smul.u32 $0x10200, s31;
	[tilespmem:s23+$0x3870 ss:$0x81] =	vst.msk $0xffff, v0  }
0x42: {  	v4 =	vld [tilespmem:s21+$0x20];
	[tilespmem:s23+$0x810 ss:$0x81] =	vst.msk $0xffff, v1  }
0x43: {  	s20 =	sshrl.u32 s20, $0x2;
	v0 =	vld [tilespmem:s21+$0xFFFFFFC0];
	[tilespmem:s23+$0x1020 ss:$0x81] =	vst.msk $0xffff, v5;
	s21 =	sadd.s32 $0x80, s21  }
0x44: {  	s24 =	simm.s32 $0x4;
	s25 =	simm.s32 $0x8;
	s20 =	sor.u32 $0x8000, s20;
	[tilespmem:s23+$0x1830 ss:$0x81] =	vst.msk $0xffff, v6;
	v1 =	vld [tilespmem:s21+$0x30]  }
.LBB1_3:
0x45: {  	p1 =	sne.s32 s25, $0x1FC;
	v5 =	vld [tilespmem:s21+$0xFFFFFFD0];
	[tilespmem:s23+$0x2040 ss:$0x81] =	vst.msk $0xffff, v2  }
0x46: {  	v6 =	vld [tilespmem:s21+$0xFFFFFFE0];
	[tilespmem:s23+$0x2850 ss:$0x81] =	vst.msk $0xffff, v3  }
0x47: {  	s26 =	sshra.s32 s24, $0x2;
	s24 =	smov.u32 s25;
	v7 =	vld [tilespmem:s21+$0xFFFFFFF0];
	[tilespmem:s23+$0x3060 ss:$0x81] =	vst.msk $0xffff, v4  }
.Ltmp3:
0x48: {  	v2 =	vld [tilespmem:s21+$0x0];
	[tilespmem:s23+$0x0 ss:$0x81] =	vst.msk $0xffff, v0;
	s23 =	sadd.s32 s26, s22;
	(pc) =	sbr.rel @p1 .LBB1_3-.Ltmp3, $4  }
0x49: {  	v3 =	vld [tilespmem:s21+$0x10];
	[tilespmem:s23+$0x3870 ss:$0x81] =	vst.msk $0xffff, v1  }
0x4a: {  	[tilespmem:s23+$0x810 ss:$0x81] =	vst.msk $0xffff, v5;
	v4 =	vld [tilespmem:s21+$0x20]  }
0x4b: {  	v0 =	vld [tilespmem:s21+$0xFFFFFFC0];
	[tilespmem:s23+$0x1020 ss:$0x81] =	vst.msk $0xffff, v6;
	s21 =	sadd.s32 $0x80, s21  }
0x4c: {  	s25 =	sadd.s32 $0x4, s25;
	v1 =	vld [tilespmem:s21+$0x30];
	[tilespmem:s23+$0x1830 ss:$0x81] =	vst.msk $0xffff, v7  }
.Ltmp4:
0x4d: {  	_ = 	snop;
	(pc) =	sbr.rel .LBB1_4-.Ltmp4, $1  }
0x4e: {  	_ =	sdelay $0x3  }
.LBB1_6:
0x4f: {  	_ =	sfence.sel $0x180000  }
0x50: {  	s1 =	simm.s32 $0x1;
	[bflag:$0x0] =	sbarrier.arrive $0xFFFF  }
0x51: {  	s31 =	simm.s32 $0x2;
	[sflag:s1] =	ssyncpa.u1 $0x1  }
0x52: {  	[sflag:s31] =	ssyncpa.u1 $0x1  }
0x53: {  	p0 =	sne.s32 s0, $0x0;
	_ =	strace $0x9000004A  }
0x54: {  	s0 =	sadd.s32 @!p0 $0x100000, s3;
	[bflag:$0x2] =	sbarrier.arrive $0xFFFF  }
0x55: {  	[sflag:s0] =	ssyncadd.tile.s32 @!p0 $0x1;
	_ =	shalt  }
.Lfunc_end1:
_tile_overlayer_lowered:
.L_overlay_start_2:
0x56: {  	(tag) =	ssettag $0x2  }
0x57: {  	s0 =	rddreg [dreg:$0x0];
	s2 =	stileid.u32  }
0x58: {  	s1 =	rddreg [dreg:$0x1];
	p0 =	sne.s32 s2, $0x0  }
0x59: {  	s3 =	rddreg [dreg:$0x2];
	[bflag:$0x3] =	sbarrier.arrive $0xFFFF;
	s2 =	simm.s32 @!p0 $0x1C01  }
0x5a: {  	[timem:s3], [sflag:s2] =	dma.local @!p0 [hbm:s0], s1  }
0x5b: {  	s0 =	simm.s32 @!p0 $0x1  }
0x5c: {  	_ =	swait.ge @!p0 [sflag:s0], s1  }
0x5d: {  	s1 =	ssub.s32 @!p0 $0x0, s1;
	[sflag:s0] =	ssyncset.done @!p0 $0x0  }
0x5e: {  	[sflag:s0] =	ssyncadd.s32 @!p0 s1  }
0x5f: {  	[bflag:$0x3] =	sbarrier.arrive $0xFFFF  }
0x60: {  	_ =	shalt  }

</sc_bundles>
